<compile_context>
chip_gen: v7x
topology: tpu7x:2x2x1
jax: 0.10.2.dev20260603
libtpu: 0.0.44.dev20260713+nightly
codegen_flags: <defaults>
</compile_context>

<pallas_src>
import functools

import jax
import jax.numpy as jnp
from jax import lax
from jax.experimental import pallas as pl
from jax.experimental.pallas import tpu as pltpu
from jax.experimental.pallas import tpu_sc as plsc

LAMBDA = 0.0001
B = 16384
D = 32
WIDE = 128
NC, NS, L = 2, 16, 16
NW = NC * NS
BPW = B // NW
CHUNK = 128
NCHUNK = BPW // CHUNK
GPC = CHUNK // L


def _sc_body(user_hbm, itemi_hbm, itemj_hbm, eu_hbm, ei_hbm,
             x_hbm, sums_hbm,
             ui, ii, ji, uq, iq, jq, uo, io, jo,
             gu0, gu1, gi0, gi1, gj0, gj1,
             xbuf, sbuf, sem):
    wid = lax.axis_index("s") * NC + lax.axis_index("c")
    base = wid * BPW

    pltpu.sync_copy(user_hbm.at[pl.ds(base, BPW)], ui)
    pltpu.sync_copy(itemi_hbm.at[pl.ds(base, BPW)], ii)
    pltpu.sync_copy(itemj_hbm.at[pl.ds(base, BPW)], ji)

    def prep(k, _):
        sl = pl.ds(k * L, L)
        vu = ui[sl]
        vi = ii[sl]
        vj = ji[sl]
        uq[sl] = lax.shift_right_logical(vu, 2)
        iq[sl] = lax.shift_right_logical(vi, 2)
        jq[sl] = lax.shift_right_logical(vj, 2)
        uo[sl] = lax.shift_left(vu & 3, 5)
        io[sl] = lax.shift_left(vi & 3, 5)
        jo[sl] = lax.shift_left(vj & 3, 5)
        return 0
    lax.fori_loop(0, BPW // L, prep, 0)

    gus = (gu0, gu1)
    gis = (gi0, gi1)
    gjs = (gj0, gj1)

    def fire(c):
        p = c & 1
        sl = pl.ds(c * CHUNK, CHUNK)
        return [pltpu.async_copy(eu_hbm.at[uq.at[sl]], gus[p], sem),
                pltpu.async_copy(ei_hbm.at[iq.at[sl]], gis[p], sem),
                pltpu.async_copy(ei_hbm.at[jq.at[sl]], gjs[p], sem)]

    lanes = lax.iota(jnp.int32, L)
    zeros = jnp.zeros((L,), jnp.float32)

    pend = fire(0)
    su = si = sj = zeros
    for c in range(NCHUNK):
        p = c & 1
        for cp in pend:
            cp.wait()
        if c + 1 < NCHUNK:
            pend = fire(c + 1)
        gu, gi, gj = gus[p], gis[p], gjs[p]

        def group(g, carry):
            su, si, sj = carry
            rvec = g * L + lanes
            co_u = uo[pl.ds(c * CHUNK + g * L, L)]
            co_i = io[pl.ds(c * CHUNK + g * L, L)]
            co_j = jo[pl.ds(c * CHUNK + g * L, L)]
            acc_i = zeros
            acc_j = zeros
            for d in range(D):
                uu = plsc.load_gather(gu, [rvec, co_u + d])
                vi = plsc.load_gather(gi, [rvec, co_i + d])
                vj = plsc.load_gather(gj, [rvec, co_j + d])
                acc_i = acc_i + uu * vi
                acc_j = acc_j + uu * vj
                su = su + uu * uu
                si = si + vi * vi
                sj = sj + vj * vj
            xbuf[pl.ds(c * CHUNK + g * L, L)] = acc_i - acc_j
            return su, si, sj

        su, si, sj = lax.fori_loop(0, GPC, group, (su, si, sj))

    sbuf[pl.ds(0, L)] = su
    sbuf[pl.ds(L, L)] = si
    sbuf[pl.ds(2 * L, L)] = sj
    pltpu.sync_copy(xbuf, x_hbm.at[pl.ds(base, BPW)])
    pltpu.sync_copy(sbuf, sums_hbm.at[pl.ds(wid * 3 * L, 3 * L)])


_sc_gather_dots = functools.partial(
    pl.kernel,
    out_type=[jax.ShapeDtypeStruct((B,), jnp.float32),
              jax.ShapeDtypeStruct((NW * 3 * L,), jnp.float32)],
    mesh=plsc.VectorSubcoreMesh(core_axis_name="c", subcore_axis_name="s"),
    compiler_params=pltpu.CompilerParams(
        needs_layout_passes=False, use_tc_tiling_on_sc=True),
    scratch_types=[
        pltpu.VMEM((BPW,), jnp.int32),
        pltpu.VMEM((BPW,), jnp.int32),
        pltpu.VMEM((BPW,), jnp.int32),
        pltpu.VMEM((BPW,), jnp.int32),
        pltpu.VMEM((BPW,), jnp.int32),
        pltpu.VMEM((BPW,), jnp.int32),
        pltpu.VMEM((BPW,), jnp.int32),
        pltpu.VMEM((BPW,), jnp.int32),
        pltpu.VMEM((BPW,), jnp.int32),
        pltpu.VMEM((CHUNK, WIDE), jnp.float32),
        pltpu.VMEM((CHUNK, WIDE), jnp.float32),
        pltpu.VMEM((CHUNK, WIDE), jnp.float32),
        pltpu.VMEM((CHUNK, WIDE), jnp.float32),
        pltpu.VMEM((CHUNK, WIDE), jnp.float32),
        pltpu.VMEM((CHUNK, WIDE), jnp.float32),
        pltpu.VMEM((BPW,), jnp.float32),
        pltpu.VMEM((3 * L,), jnp.float32),
        pltpu.SemaphoreType.DMA,
    ],
)(_sc_body)


def _tc_body(x_ref, s_ref, o_ref):
    x = x_ref[...]
    sp = jnp.maximum(-x, 0.0) + jnp.log1p(jnp.exp(-jnp.abs(x)))
    l2 = LAMBDA * jnp.sum(s_ref[...]) / (B * D)
    o_ref[0, 0] = jnp.sum(sp) / B + l2


_tc_loss = pl.pallas_call(
    _tc_body,
    out_shape=jax.ShapeDtypeStruct((1, 1), jnp.float32),
    in_specs=[pl.BlockSpec((128, 128), lambda: (0, 0)),
              pl.BlockSpec((NW * 3 * L,), lambda: (0,))],
    out_specs=pl.BlockSpec(memory_space=pltpu.SMEM),
)


def kernel(user, item_i, item_j, embed_user, embed_item):
    eu_wide = embed_user.reshape(-1, WIDE)
    ei_wide = embed_item.reshape(-1, WIDE)
    x, sums = _sc_gather_dots(user, item_i, item_j, eu_wide, ei_wide)
    out = _tc_loss(x.reshape(128, 128), sums)
    return out[0, 0]

# --- scband reference (transcript-rebuilt; emitter-appended) ---
"""Pipeline reference for scband-bpr-73237782331837 (READ-ONLY COPY).

The authoritative reference and input builder live on the scoring server;
editing this copy changes nothing except your own understanding.
"""

import jax, jax.numpy as jnp
import numpy as np

LAMADA = 0.0001
USER_NUM = 1000000
ITEM_NUM = 1000000
FACTOR_NUM = 32
BATCH = 16384


def setup_inputs(seed: int = 0) -> dict:
    key = jax.random.key(seed)
    k1, k2, k3, k4, k5 = jax.random.split(key, 5)
    user = jax.random.randint(k1, (BATCH,), 0, USER_NUM, dtype=jnp.int64 if jax.config.jax_enable_x64 else jnp.int32)
    item_i = jax.random.randint(k2, (BATCH,), 0, ITEM_NUM, dtype=jnp.int64 if jax.config.jax_enable_x64 else jnp.int32)
    item_j = jax.random.randint(k3, (BATCH,), 0, ITEM_NUM, dtype=jnp.int64 if jax.config.jax_enable_x64 else jnp.int32)
    embed_user = jax.random.normal(k4, (USER_NUM, FACTOR_NUM), dtype=jnp.float32) * 0.01
    embed_item = jax.random.normal(k5, (ITEM_NUM, FACTOR_NUM), dtype=jnp.float32) * 0.01
    return {"user": user, "item_i": item_i, "item_j": item_j, "embed_user": embed_user, "embed_item": embed_item}


def reference(user, item_i, item_j, embed_user, embed_item):
    u = jnp.take(embed_user, user, axis=0)
    vi = jnp.take(embed_item, item_i, axis=0)
    vj = jnp.take(embed_item, item_j, axis=0)
    prediction_i = (u * vi).sum(axis=-1)
    prediction_j = (u * vj).sum(axis=-1)
    l2_regulization = LAMADA * (u ** 2).mean() + LAMADA * (vi ** 2 + vj ** 2).mean()
    bpr_loss = -jnp.log(jax.nn.sigmoid(prediction_i - prediction_j))
    bpr_loss = bpr_loss.mean()
    loss = bpr_loss + l2_regulization
    return loss

if __name__ == "__main__":
    import jax
    _d = setup_inputs()
    print(jax.jit(kernel)(*tuple(_d.values())))

</pallas_src>

<mosaic_0001>
#map = affine_map<(d0, d1) -> (0)>
#map1 = affine_map<(d0, d1) -> (0, 0)>
module attributes {stable_mosaic.version = 14 : i64} {
  func.func @_sc_body(%arg0: i32, %arg1: i32, %arg2: memref<16384xi32, #tpu.memory_space<hbm>>, %arg3: memref<16384xi32, #tpu.memory_space<hbm>>, %arg4: memref<16384xi32, #tpu.memory_space<hbm>>, %arg5: memref<250000x128xf32, #tpu.memory_space<hbm>>, %arg6: memref<250000x128xf32, #tpu.memory_space<hbm>>, %arg7: memref<16384xf32, #tpu.memory_space<hbm>>, %arg8: memref<1536xf32, #tpu.memory_space<hbm>>, %arg9: memref<512xi32, #tpu.memory_space<vmem>>, %arg10: memref<512xi32, #tpu.memory_space<vmem>>, %arg11: memref<512xi32, #tpu.memory_space<vmem>>, %arg12: memref<512xi32, #tpu.memory_space<vmem>>, %arg13: memref<512xi32, #tpu.memory_space<vmem>>, %arg14: memref<512xi32, #tpu.memory_space<vmem>>, %arg15: memref<512xi32, #tpu.memory_space<vmem>>, %arg16: memref<512xi32, #tpu.memory_space<vmem>>, %arg17: memref<512xi32, #tpu.memory_space<vmem>>, %arg18: memref<128x128xf32, #tpu.memory_space<vmem>>, %arg19: memref<128x128xf32, #tpu.memory_space<vmem>>, %arg20: memref<128x128xf32, #tpu.memory_space<vmem>>, %arg21: memref<128x128xf32, #tpu.memory_space<vmem>>, %arg22: memref<128x128xf32, #tpu.memory_space<vmem>>, %arg23: memref<128x128xf32, #tpu.memory_space<vmem>>, %arg24: memref<512xf32, #tpu.memory_space<vmem>>, %arg25: memref<48xf32, #tpu.memory_space<vmem>>, %arg26: memref<!tpu.dma_semaphore, #tpu.memory_space<semaphore_mem>>) attributes {dimension_semantics = [#tpu.dimension_semantics<core_parallel>, #tpu.dimension_semantics<subcore_parallel>], iteration_bounds = array<i64: 2, 16>, scalar_prefetch = 0 : i64, scratch_operands = 18 : i64, tpu.core_type = #tpu.core_type<sc_vector_subcore>, window_params = [{transform_indices = #map}, {transform_indices = #map}, {transform_indices = #map}, {transform_indices = #map1}, {transform_indices = #map1}, {transform_indices = #map}, {transform_indices = #map}]} {
    %mul3A = arith.constant 2 : i32
    %mul3A_0 = arith.muli %arg1, %mul3A : i32
    %add3A = arith.addi %mul3A_0, %arg0 : i32
    %mul3A_1 = arith.constant 512 : i32
    %mul3A_2 = arith.muli %add3A, %mul3A_1 : i32
    "tpu.region"() ({
      %run_scoped3A = tpu.sem_alloc : memref<!tpu.dma_semaphore, #tpu.memory_space<semaphore_mem>>
      %dma_start3A_161 = tpu.memref_slice %arg2[%mul3A_2] : memref<16384xi32, #tpu.memory_space<hbm>> -> memref<512xi32, #tpu.memory_space<hbm>>
      %dma_start3A_162 = tpu.memref_slice %arg2[%mul3A_2] : memref<16384xi32, #tpu.memory_space<hbm>> -> memref<512xi32, #tpu.memory_space<hbm>>
      tpu.enqueue_dma source(%dma_start3A_162 : memref<512xi32, #tpu.memory_space<hbm>>) target(%arg9 : memref<512xi32, #tpu.memory_space<vmem>>) target_semaphore(%run_scoped3A : memref<!tpu.dma_semaphore, #tpu.memory_space<semaphore_mem>>)
      %dma_wait3A_163 = tpu.memref_slice %arg2[%mul3A_2] : memref<16384xi32, #tpu.memory_space<hbm>> -> memref<512xi32, #tpu.memory_space<hbm>>
      %dma_wait3A_164 = tpu.memref_slice %arg2[%mul3A_2] : memref<16384xi32, #tpu.memory_space<hbm>> -> memref<512xi32, #tpu.memory_space<hbm>>
      tpu.wait_dma2 semaphore(%run_scoped3A : memref<!tpu.dma_semaphore, #tpu.memory_space<semaphore_mem>>) src(%dma_wait3A_164 : memref<512xi32, #tpu.memory_space<hbm>>) dst(%arg9 : memref<512xi32, #tpu.memory_space<vmem>>)
      tpu.yield
    }) : () -> ()
    "tpu.region"() ({
      %run_scoped3A = tpu.sem_alloc : memref<!tpu.dma_semaphore, #tpu.memory_space<semaphore_mem>>
      %dma_start3A_161 = tpu.memref_slice %arg3[%mul3A_2] : memref<16384xi32, #tpu.memory_space<hbm>> -> memref<512xi32, #tpu.memory_space<hbm>>
      %dma_start3A_162 = tpu.memref_slice %arg3[%mul3A_2] : memref<16384xi32, #tpu.memory_space<hbm>> -> memref<512xi32, #tpu.memory_space<hbm>>
      tpu.enqueue_dma source(%dma_start3A_162 : memref<512xi32, #tpu.memory_space<hbm>>) target(%arg10 : memref<512xi32, #tpu.memory_space<vmem>>) target_semaphore(%run_scoped3A : memref<!tpu.dma_semaphore, #tpu.memory_space<semaphore_mem>>)
      %dma_wait3A_163 = tpu.memref_slice %arg3[%mul3A_2] : memref<16384xi32, #tpu.memory_space<hbm>> -> memref<512xi32, #tpu.memory_space<hbm>>
      %dma_wait3A_164 = tpu.memref_slice %arg3[%mul3A_2] : memref<16384xi32, #tpu.memory_space<hbm>> -> memref<512xi32, #tpu.memory_space<hbm>>
      tpu.wait_dma2 semaphore(%run_scoped3A : memref<!tpu.dma_semaphore, #tpu.memory_space<semaphore_mem>>) src(%dma_wait3A_164 : memref<512xi32, #tpu.memory_space<hbm>>) dst(%arg10 : memref<512xi32, #tpu.memory_space<vmem>>)
      tpu.yield
    }) : () -> ()
    "tpu.region"() ({
      %run_scoped3A = tpu.sem_alloc : memref<!tpu.dma_semaphore, #tpu.memory_space<semaphore_mem>>
      %dma_start3A_161 = tpu.memref_slice %arg4[%mul3A_2] : memref<16384xi32, #tpu.memory_space<hbm>> -> memref<512xi32, #tpu.memory_space<hbm>>
      %dma_start3A_162 = tpu.memref_slice %arg4[%mul3A_2] : memref<16384xi32, #tpu.memory_space<hbm>> -> memref<512xi32, #tpu.memory_space<hbm>>
      tpu.enqueue_dma source(%dma_start3A_162 : memref<512xi32, #tpu.memory_space<hbm>>) target(%arg11 : memref<512xi32, #tpu.memory_space<vmem>>) target_semaphore(%run_scoped3A : memref<!tpu.dma_semaphore, #tpu.memory_space<semaphore_mem>>)
      %dma_wait3A_163 = tpu.memref_slice %arg4[%mul3A_2] : memref<16384xi32, #tpu.memory_space<hbm>> -> memref<512xi32, #tpu.memory_space<hbm>>
      %dma_wait3A_164 = tpu.memref_slice %arg4[%mul3A_2] : memref<16384xi32, #tpu.memory_space<hbm>> -> memref<512xi32, #tpu.memory_space<hbm>>
      tpu.wait_dma2 semaphore(%run_scoped3A : memref<!tpu.dma_semaphore, #tpu.memory_space<semaphore_mem>>) src(%dma_wait3A_164 : memref<512xi32, #tpu.memory_space<hbm>>) dst(%arg11 : memref<512xi32, #tpu.memory_space<vmem>>)
      tpu.yield
    }) : () -> ()
    %scan3A = arith.constant 0 : i32
    %scan3A_3 = arith.constant 0 : i32
    %scan3A_4 = arith.constant 32 : i32
    %scan3A_5 = arith.addi %scan3A_3, %scan3A_4 : i32
    %scan3A_6 = arith.constant 1 : i32
    %scan3A_7 = scf.for %scan3A_161 = %scan3A_3 to %scan3A_5 step %scan3A_6 iter_args(%scan3A_162 = %scan3A) -> (i32)  : i32 {
      %mul3A_163 = arith.constant 16 : i32
      %mul3A_164 = arith.muli %scan3A_161, %mul3A_163 : i32
      %get3A = arith.index_cast %mul3A_164 : i32 to index
      %get3A_165 = tpu.vector_load %arg9[%get3A] {strides = array<i32>} : memref<512xi32, #tpu.memory_space<vmem>>, vector<16xi32>,
      %get3A_166 = arith.index_cast %mul3A_164 : i32 to index
      %get3A_167 = tpu.vector_load %arg10[%get3A_166] {strides = array<i32>} : memref<512xi32, #tpu.memory_space<vmem>>, vector<16xi32>,
      %get3A_168 = arith.index_cast %mul3A_164 : i32 to index
      %get3A_169 = tpu.vector_load %arg11[%get3A_168] {strides = array<i32>} : memref<512xi32, #tpu.memory_space<vmem>>, vector<16xi32>,
      %shift_right_logical3A = arith.constant 2 : i32
      %shift_right_logical3A_170 = vector.broadcast %shift_right_logical3A : i32 to vector<16xi32>
      %shift_right_logical3A_171 = arith.shrui %get3A_165, %shift_right_logical3A_170 : vector<16xi32>
      %swap3A_172 = arith.index_cast %mul3A_164 : i32 to index
      %swap3A_173 = tpu.vector_load %arg12[%swap3A_172] {strides = array<i32>} : memref<512xi32, #tpu.memory_space<vmem>>, vector<16xi32>,
      tpu.vector_store %arg12[%swap3A_172], %shift_right_logical3A_171 {strides = array<i32>} : memref<512xi32, #tpu.memory_space<vmem>>, vector<16xi32>,
      %shift_right_logical3A_174 = arith.constant 2 : i32
      %shift_right_logical3A_175 = vector.broadcast %shift_right_logical3A_174 : i32 to vector<16xi32>
      %shift_right_logical3A_176 = arith.shrui %get3A_167, %shift_right_logical3A_175 : vector<16xi32>
      %swap3A_177 = arith.index_cast %mul3A_164 : i32 to index
      %swap3A_178 = tpu.vector_load %arg13[%swap3A_177] {strides = array<i32>} : memref<512xi32, #tpu.memory_space<vmem>>, vector<16xi32>,
      tpu.vector_store %arg13[%swap3A_177], %shift_right_logical3A_176 {strides = array<i32>} : memref<512xi32, #tpu.memory_space<vmem>>, vector<16xi32>,
      %shift_right_logical3A_179 = arith.constant 2 : i32
      %shift_right_logical3A_180 = vector.broadcast %shift_right_logical3A_179 : i32 to vector<16xi32>
      %shift_right_logical3A_181 = arith.shrui %get3A_169, %shift_right_logical3A_180 : vector<16xi32>
      %swap3A_182 = arith.index_cast %mul3A_164 : i32 to index
      %swap3A_183 = tpu.vector_load %arg14[%swap3A_182] {strides = array<i32>} : memref<512xi32, #tpu.memory_space<vmem>>, vector<16xi32>,
      tpu.vector_store %arg14[%swap3A_182], %shift_right_logical3A_181 {strides = array<i32>} : memref<512xi32, #tpu.memory_space<vmem>>, vector<16xi32>,
      %and3A = arith.constant 3 : i32
      %and3A_184 = vector.broadcast %and3A : i32 to vector<16xi32>
      %and3A_185 = arith.andi %get3A_165, %and3A_184 : vector<16xi32>
      %shift_left3A = arith.constant 5 : i32
      %shift_left3A_186 = vector.broadcast %shift_left3A : i32 to vector<16xi32>
      %shift_left3A_187 = arith.shli %and3A_185, %shift_left3A_186 : vector<16xi32>
      %swap3A_188 = arith.index_cast %mul3A_164 : i32 to index
      %swap3A_189 = tpu.vector_load %arg15[%swap3A_188] {strides = array<i32>} : memref<512xi32, #tpu.memory_space<vmem>>, vector<16xi32>,
      tpu.vector_store %arg15[%swap3A_188], %shift_left3A_187 {strides = array<i32>} : memref<512xi32, #tpu.memory_space<vmem>>, vector<16xi32>,
      %and3A_190 = arith.constant 3 : i32
      %and3A_191 = vector.broadcast %and3A_190 : i32 to vector<16xi32>
      %and3A_192 = arith.andi %get3A_167, %and3A_191 : vector<16xi32>
      %shift_left3A_193 = arith.constant 5 : i32
      %shift_left3A_194 = vector.broadcast %shift_left3A_193 : i32 to vector<16xi32>
      %shift_left3A_195 = arith.shli %and3A_192, %shift_left3A_194 : vector<16xi32>
      %swap3A_196 = arith.index_cast %mul3A_164 : i32 to index
      %swap3A_197 = tpu.vector_load %arg16[%swap3A_196] {strides = array<i32>} : memref<512xi32, #tpu.memory_space<vmem>>, vector<16xi32>,
      tpu.vector_store %arg16[%swap3A_196], %shift_left3A_195 {strides = array<i32>} : memref<512xi32, #tpu.memory_space<vmem>>, vector<16xi32>,
      %and3A_198 = arith.constant 3 : i32
      %and3A_199 = vector.broadcast %and3A_198 : i32 to vector<16xi32>
      %and3A_200 = arith.andi %get3A_169, %and3A_199 : vector<16xi32>
      %shift_left3A_201 = arith.constant 5 : i32
      %shift_left3A_202 = vector.broadcast %shift_left3A_201 : i32 to vector<16xi32>
      %shift_left3A_203 = arith.shli %and3A_200, %shift_left3A_202 : vector<16xi32>
      %swap3A_204 = arith.index_cast %mul3A_164 : i32 to index
      %swap3A_205 = tpu.vector_load %arg17[%swap3A_204] {strides = array<i32>} : memref<512xi32, #tpu.memory_space<vmem>>, vector<16xi32>,
      tpu.vector_store %arg17[%swap3A_204], %shift_left3A_203 {strides = array<i32>} : memref<512xi32, #tpu.memory_space<vmem>>, vector<16xi32>,
      %scan3A_206 = arith.constant 0 : i32
      scf.yield %scan3A_206 : i32
    }
    %scan3A_8 = arith.constant 32 : i32
    %iota3A = tpu.iota {dimensions = array<i32: 0>} : vector<16xi32>
    %broadcast_in_dim3A = arith.constant 0.000000e+00 : f32
    %broadcast_in_dim3A_9 = vector.broadcast %broadcast_in_dim3A : f32 to vector<16xf32>
    %dma_start3A = arith.constant 0 : i32
    %dma_start3A_10 = tpu.memref_slice %arg12[%dma_start3A] : memref<512xi32, #tpu.memory_space<vmem>> -> memref<128xi32, #tpu.memory_space<vmem>>
    %dma_start3A_11 = arith.constant 0 : i32
    %dma_start3A_12 = arith.constant 0 : i32
    %dma_start3A_13 = tpu.memref_slice %arg5[%dma_start3A_11, %dma_start3A_12] : memref<250000x128xf32, #tpu.memory_space<hbm>> -> memref<250000x128xf32, #tpu.memory_space<hbm>>
    tpu.enqueue_indirect_dma source(%dma_start3A_13 : memref<250000x128xf32, #tpu.memory_space<hbm>>) target(%arg18 : memref<128x128xf32, #tpu.memory_space<vmem>>) offsets(%dma_start3A_10 : memref<128xi32, #tpu.memory_space<vmem>>) semaphore(%arg26 : memref<!tpu.dma_semaphore, #tpu.memory_space<semaphore_mem>>)
    %dma_start3A_14 = arith.constant 0 : i32
    %dma_start3A_15 = tpu.memref_slice %arg13[%dma_start3A_14] : memref<512xi32, #tpu.memory_space<vmem>> -> memref<128xi32, #tpu.memory_space<vmem>>
    %dma_start3A_16 = arith.constant 0 : i32
    %dma_start3A_17 = arith.constant 0 : i32
    %dma_start3A_18 = tpu.memref_slice %arg6[%dma_start3A_16, %dma_start3A_17] : memref<250000x128xf32, #tpu.memory_space<hbm>> -> memref<250000x128xf32, #tpu.memory_space<hbm>>
    tpu.enqueue_indirect_dma source(%dma_start3A_18 : memref<250000x128xf32, #tpu.memory_space<hbm>>) target(%arg20 : memref<128x128xf32, #tpu.memory_space<vmem>>) offsets(%dma_start3A_15 : memref<128xi32, #tpu.memory_space<vmem>>) semaphore(%arg26 : memref<!tpu.dma_semaphore, #tpu.memory_space<semaphore_mem>>)
    %dma_start3A_19 = arith.constant 0 : i32
    %dma_start3A_20 = tpu.memref_slice %arg14[%dma_start3A_19] : memref<512xi32, #tpu.memory_space<vmem>> -> memref<128xi32, #tpu.memory_space<vmem>>
    %dma_start3A_21 = arith.constant 0 : i32
    %dma_start3A_22 = arith.constant 0 : i32
    %dma_start3A_23 = tpu.memref_slice %arg6[%dma_start3A_21, %dma_start3A_22] : memref<250000x128xf32, #tpu.memory_space<hbm>> -> memref<250000x128xf32, #tpu.memory_space<hbm>>
    tpu.enqueue_indirect_dma source(%dma_start3A_23 : memref<250000x128xf32, #tpu.memory_space<hbm>>) target(%arg22 : memref<128x128xf32, #tpu.memory_space<vmem>>) offsets(%dma_start3A_20 : memref<128xi32, #tpu.memory_space<vmem>>) semaphore(%arg26 : memref<!tpu.dma_semaphore, #tpu.memory_space<semaphore_mem>>)
    %dma_wait3A = arith.constant 0 : i32
    %dma_wait3A_24 = tpu.memref_slice %arg12[%dma_wait3A] : memref<512xi32, #tpu.memory_space<vmem>> -> memref<128xi32, #tpu.memory_space<vmem>>
    %dma_wait3A_25 = arith.constant 0 : i32
    %dma_wait3A_26 = arith.constant 0 : i32
    %dma_wait3A_27 = tpu.memref_slice %arg5[%dma_wait3A_25, %dma_wait3A_26] : memref<250000x128xf32, #tpu.memory_space<hbm>> -> memref<250000x128xf32, #tpu.memory_space<hbm>>
    tpu.wait_indirect_dma semaphore(%arg26 : memref<!tpu.dma_semaphore, #tpu.memory_space<semaphore_mem>>) src(%dma_wait3A_27 : memref<250000x128xf32, #tpu.memory_space<hbm>>) dst(%arg18 : memref<128x128xf32, #tpu.memory_space<vmem>>)
    %dma_wait3A_28 = arith.constant 0 : i32
    %dma_wait3A_29 = tpu.memref_slice %arg13[%dma_wait3A_28] : memref<512xi32, #tpu.memory_space<vmem>> -> memref<128xi32, #tpu.memory_space<vmem>>
    %dma_wait3A_30 = arith.constant 0 : i32
    %dma_wait3A_31 = arith.constant 0 : i32
    %dma_wait3A_32 = tpu.memref_slice %arg6[%dma_wait3A_30, %dma_wait3A_31] : memref<250000x128xf32, #tpu.memory_space<hbm>> -> memref<250000x128xf32, #tpu.memory_space<hbm>>
    tpu.wait_indirect_dma semaphore(%arg26 : memref<!tpu.dma_semaphore, #tpu.memory_space<semaphore_mem>>) src(%dma_wait3A_32 : memref<250000x128xf32, #tpu.memory_space<hbm>>) dst(%arg20 : memref<128x128xf32, #tpu.memory_space<vmem>>)
    %dma_wait3A_33 = arith.constant 0 : i32
    %dma_wait3A_34 = tpu.memref_slice %arg14[%dma_wait3A_33] : memref<512xi32, #tpu.memory_space<vmem>> -> memref<128xi32, #tpu.memory_space<vmem>>
    %dma_wait3A_35 = arith.constant 0 : i32
    %dma_wait3A_36 = arith.constant 0 : i32
    %dma_wait3A_37 = tpu.memref_slice %arg6[%dma_wait3A_35, %dma_wait3A_36] : memref<250000x128xf32, #tpu.memory_space<hbm>> -> memref<250000x128xf32, #tpu.memory_space<hbm>>
    tpu.wait_indirect_dma semaphore(%arg26 : memref<!tpu.dma_semaphore, #tpu.memory_space<semaphore_mem>>) src(%dma_wait3A_37 : memref<250000x128xf32, #tpu.memory_space<hbm>>) dst(%arg22 : memref<128x128xf32, #tpu.memory_space<vmem>>)
    %dma_start3A_38 = arith.constant 128 : i32
    %dma_start3A_39 = tpu.memref_slice %arg12[%dma_start3A_38] : memref<512xi32, #tpu.memory_space<vmem>> -> memref<128xi32, #tpu.memory_space<vmem>>
    %dma_start3A_40 = arith.constant 0 : i32
    %dma_start3A_41 = arith.constant 0 : i32
    %dma_start3A_42 = tpu.memref_slice %arg5[%dma_start3A_40, %dma_start3A_41] : memref<250000x128xf32, #tpu.memory_space<hbm>> -> memref<250000x128xf32, #tpu.memory_space<hbm>>
    tpu.enqueue_indirect_dma source(%dma_start3A_42 : memref<250000x128xf32, #tpu.memory_space<hbm>>) target(%arg19 : memref<128x128xf32, #tpu.memory_space<vmem>>) offsets(%dma_start3A_39 : memref<128xi32, #tpu.memory_space<vmem>>) semaphore(%arg26 : memref<!tpu.dma_semaphore, #tpu.memory_space<semaphore_mem>>)
    %dma_start3A_43 = arith.constant 128 : i32
    %dma_start3A_44 = tpu.memref_slice %arg13[%dma_start3A_43] : memref<512xi32, #tpu.memory_space<vmem>> -> memref<128xi32, #tpu.memory_space<vmem>>
    %dma_start3A_45 = arith.constant 0 : i32
    %dma_start3A_46 = arith.constant 0 : i32
    %dma_start3A_47 = tpu.memref_slice %arg6[%dma_start3A_45, %dma_start3A_46] : memref<250000x128xf32, #tpu.memory_space<hbm>> -> memref<250000x128xf32, #tpu.memory_space<hbm>>
    tpu.enqueue_indirect_dma source(%dma_start3A_47 : memref<250000x128xf32, #tpu.memory_space<hbm>>) target(%arg21 : memref<128x128xf32, #tpu.memory_space<vmem>>) offsets(%dma_start3A_44 : memref<128xi32, #tpu.memory_space<vmem>>) semaphore(%arg26 : memref<!tpu.dma_semaphore, #tpu.memory_space<semaphore_mem>>)
    %dma_start3A_48 = arith.constant 128 : i32
    %dma_start3A_49 = tpu.memref_slice %arg14[%dma_start3A_48] : memref<512xi32, #tpu.memory_space<vmem>> -> memref<128xi32, #tpu.memory_space<vmem>>
    %dma_start3A_50 = arith.constant 0 : i32
    %dma_start3A_51 = arith.constant 0 : i32
    %dma_start3A_52 = tpu.memref_slice %arg6[%dma_start3A_50, %dma_start3A_51] : memref<250000x128xf32, #tpu.memory_space<hbm>> -> memref<250000x128xf32, #tpu.memory_space<hbm>>
    tpu.enqueue_indirect_dma source(%dma_start3A_52 : memref<250000x128xf32, #tpu.memory_space<hbm>>) target(%arg23 : memref<128x128xf32, #tpu.memory_space<vmem>>) offsets(%dma_start3A_49 : memref<128xi32, #tpu.memory_space<vmem>>) semaphore(%arg26 : memref<!tpu.dma_semaphore, #tpu.memory_space<semaphore_mem>>)
    %scan3A_53 = arith.constant 0 : i32
    %scan3A_54 = arith.constant 8 : i32
    %scan3A_55 = arith.addi %scan3A_53, %scan3A_54 : i32
    %scan3A_56 = arith.constant 1 : i32
    %scan3A_57:3 = scf.for %scan3A_161 = %scan3A_53 to %scan3A_55 step %scan3A_56 iter_args(%scan3A_162 = %broadcast_in_dim3A_9, %scan3A_163 = %broadcast_in_dim3A_9, %scan3A_164 = %broadcast_in_dim3A_9) -> (vector<16xf32>, vector<16xf32>, vector<16xf32>)  : i32 {
      %mul3A_165 = arith.constant 16 : i32
      %mul3A_166 = arith.muli %scan3A_161, %mul3A_165 : i32
      %add3A_167 = vector.broadcast %mul3A_166 : i32 to vector<16xi32>
      %add3A_168 = arith.addi %add3A_167, %iota3A : vector<16xi32>
      %mul3A_169 = arith.constant 16 : i32
      %mul3A_170 = arith.muli %scan3A_161, %mul3A_169 : i32
      %add3A_171 = arith.constant 0 : i32
      %add3A_172 = arith.addi %add3A_171, %mul3A_170 : i32
      %get3A = arith.index_cast %add3A_172 : i32 to index
      %get3A_173 = tpu.vector_load %arg15[%get3A] {strides = array<i32>} : memref<512xi32, #tpu.memory_space<vmem>>, vector<16xi32>,
      %mul3A_174 = arith.constant 16 : i32
      %mul3A_175 = arith.muli %scan3A_161, %mul3A_174 : i32
      %add3A_176 = arith.constant 0 : i32
      %add3A_177 = arith.addi %add3A_176, %mul3A_175 : i32
      %get3A_178 = arith.index_cast %add3A_177 : i32 to index
      %get3A_179 = tpu.vector_load %arg16[%get3A_178] {strides = array<i32>} : memref<512xi32, #tpu.memory_space<vmem>>, vector<16xi32>,
      %mul3A_180 = arith.constant 16 : i32
      %mul3A_181 = arith.muli %scan3A_161, %mul3A_180 : i32
      %add3A_182 = arith.constant 0 : i32
      %add3A_183 = arith.addi %add3A_182, %mul3A_181 : i32
      %get3A_184 = arith.index_cast %add3A_183 : i32 to index
      %get3A_185 = tpu.vector_load %arg17[%get3A_184] {strides = array<i32>} : memref<512xi32, #tpu.memory_space<vmem>>, vector<16xi32>,
      %add3A_186 = arith.constant 0 : i32
      %add3A_187 = vector.broadcast %add3A_186 : i32 to vector<16xi32>
      %add3A_188 = arith.addi %get3A_173, %add3A_187 : vector<16xi32>
      %gather3A = tpu.vector_load_idx %arg18[%add3A_168, %add3A_188] : memref<128x128xf32, #tpu.memory_space<vmem>>[vector<16xi32>, vector<16xi32>], vector<16xf32>,
      %add3A_189 = arith.constant 0 : i32
      %add3A_190 = vector.broadcast %add3A_189 : i32 to vector<16xi32>
      %add3A_191 = arith.addi %get3A_179, %add3A_190 : vector<16xi32>
      %gather3A_192 = tpu.vector_load_idx %arg20[%add3A_168, %add3A_191] : memref<128x128xf32, #tpu.memory_space<vmem>>[vector<16xi32>, vector<16xi32>], vector<16xf32>,
      %add3A_193 = arith.constant 0 : i32
      %add3A_194 = vector.broadcast %add3A_193 : i32 to vector<16xi32>
      %add3A_195 = arith.addi %get3A_185, %add3A_194 : vector<16xi32>
      %gather3A_196 = tpu.vector_load_idx %arg22[%add3A_168, %add3A_195] : memref<128x128xf32, #tpu.memory_space<vmem>>[vector<16xi32>, vector<16xi32>], vector<16xf32>,
      %mul3A_197 = arith.mulf %gather3A, %gather3A_192 : vector<16xf32>
      %add3A_198 = arith.addf %broadcast_in_dim3A_9, %mul3A_197 : vector<16xf32>
      %mul3A_199 = arith.mulf %gather3A, %gather3A_196 : vector<16xf32>
      %add3A_200 = arith.addf %broadcast_in_dim3A_9, %mul3A_199 : vector<16xf32>
      %mul3A_201 = arith.mulf %gather3A, %gather3A : vector<16xf32>
      %add3A_202 = arith.addf %scan3A_162, %mul3A_201 : vector<16xf32>
      %mul3A_203 = arith.mulf %gather3A_192, %gather3A_192 : vector<16xf32>
      %add3A_204 = arith.addf %scan3A_163, %mul3A_203 : vector<16xf32>
      %mul3A_205 = arith.mulf %gather3A_196, %gather3A_196 : vector<16xf32>
      %add3A_206 = arith.addf %scan3A_164, %mul3A_205 : vector<16xf32>
      %add3A_207 = arith.constant 1 : i32
      %add3A_208 = vector.broadcast %add3A_207 : i32 to vector<16xi32>
      %add3A_209 = arith.addi %get3A_173, %add3A_208 : vector<16xi32>
      %gather3A_210 = tpu.vector_load_idx %arg18[%add3A_168, %add3A_209] : memref<128x128xf32, #tpu.memory_space<vmem>>[vector<16xi32>, vector<16xi32>], vector<16xf32>,
      %add3A_211 = arith.constant 1 : i32
      %add3A_212 = vector.broadcast %add3A_211 : i32 to vector<16xi32>
      %add3A_213 = arith.addi %get3A_179, %add3A_212 : vector<16xi32>
      %gather3A_214 = tpu.vector_load_idx %arg20[%add3A_168, %add3A_213] : memref<128x128xf32, #tpu.memory_space<vmem>>[vector<16xi32>, vector<16xi32>], vector<16xf32>,
      %add3A_215 = arith.constant 1 : i32
      %add3A_216 = vector.broadcast %add3A_215 : i32 to vector<16xi32>
      %add3A_217 = arith.addi %get3A_185, %add3A_216 : vector<16xi32>
      %gather3A_218 = tpu.vector_load_idx %arg22[%add3A_168, %add3A_217] : memref<128x128xf32, #tpu.memory_space<vmem>>[vector<16xi32>, vector<16xi32>], vector<16xf32>,
      %mul3A_219 = arith.mulf %gather3A_210, %gather3A_214 : vector<16xf32>
      %add3A_220 = arith.addf %add3A_198, %mul3A_219 : vector<16xf32>
      %mul3A_221 = arith.mulf %gather3A_210, %gather3A_218 : vector<16xf32>
      %add3A_222 = arith.addf %add3A_200, %mul3A_221 : vector<16xf32>
      %mul3A_223 = arith.mulf %gather3A_210, %gather3A_210 : vector<16xf32>
      %add3A_224 = arith.addf %add3A_202, %mul3A_223 : vector<16xf32>
      %mul3A_225 = arith.mulf %gather3A_214, %gather3A_214 : vector<16xf32>
      %add3A_226 = arith.addf %add3A_204, %mul3A_225 : vector<16xf32>
      %mul3A_227 = arith.mulf %gather3A_218, %gather3A_218 : vector<16xf32>
      %add3A_228 = arith.addf %add3A_206, %mul3A_227 : vector<16xf32>
      %add3A_229 = arith.constant 2 : i32
      %add3A_230 = vector.broadcast %add3A_229 : i32 to vector<16xi32>
      %add3A_231 = arith.addi %get3A_173, %add3A_230 : vector<16xi32>
      %gather3A_232 = tpu.vector_load_idx %arg18[%add3A_168, %add3A_231] : memref<128x128xf32, #tpu.memory_space<vmem>>[vector<16xi32>, vector<16xi32>], vector<16xf32>,
      %add3A_233 = arith.constant 2 : i32
      %add3A_234 = vector.broadcast %add3A_233 : i32 to vector<16xi32>
      %add3A_235 = arith.addi %get3A_179, %add3A_234 : vector<16xi32>
      %gather3A_236 = tpu.vector_load_idx %arg20[%add3A_168, %add3A_235] : memref<128x128xf32, #tpu.memory_space<vmem>>[vector<16xi32>, vector<16xi32>], vector<16xf32>,
      %add3A_237 = arith.constant 2 : i32
      %add3A_238 = vector.broadcast %add3A_237 : i32 to vector<16xi32>
      %add3A_239 = arith.addi %get3A_185, %add3A_238 : vector<16xi32>
      %gather3A_240 = tpu.vector_load_idx %arg22[%add3A_168, %add3A_239] : memref<128x128xf32, #tpu.memory_space<vmem>>[vector<16xi32>, vector<16xi32>], vector<16xf32>,
      %mul3A_241 = arith.mulf %gather3A_232, %gather3A_236 : vector<16xf32>
      %add3A_242 = arith.addf %add3A_220, %mul3A_241 : vector<16xf32>
      %mul3A_243 = arith.mulf %gather3A_232, %gather3A_240 : vector<16xf32>
      %add3A_244 = arith.addf %add3A_222, %mul3A_243 : vector<16xf32>
      %mul3A_245 = arith.mulf %gather3A_232, %gather3A_232 : vector<16xf32>
      %add3A_246 = arith.addf %add3A_224, %mul3A_245 : vector<16xf32>
      %mul3A_247 = arith.mulf %gather3A_236, %gather3A_236 : vector<16xf32>
      %add3A_248 = arith.addf %add3A_226, %mul3A_247 : vector<16xf32>
      %mul3A_249 = arith.mulf %gather3A_240, %gather3A_240 : vector<16xf32>
      %add3A_250 = arith.addf %add3A_228, %mul3A_249 : vector<16xf32>
      %add3A_251 = arith.constant 3 : i32
      %add3A_252 = vector.broadcast %add3A_251 : i32 to vector<16xi32>
      %add3A_253 = arith.addi %get3A_173, %add3A_252 : vector<16xi32>
      %gather3A_254 = tpu.vector_load_idx %arg18[%add3A_168, %add3A_253] : memref<128x128xf32, #tpu.memory_space<vmem>>[vector<16xi32>, vector<16xi32>], vector<16xf32>,
      %add3A_255 = arith.constant 3 : i32
      %add3A_256 = vector.broadcast %add3A_255 : i32 to vector<16xi32>
      %add3A_257 = arith.addi %get3A_179, %add3A_256 : vector<16xi32>
      %gather3A_258 = tpu.vector_load_idx %arg20[%add3A_168, %add3A_257] : memref<128x128xf32, #tpu.memory_space<vmem>>[vector<16xi32>, vector<16xi32>], vector<16xf32>,
      %add3A_259 = arith.constant 3 : i32
      %add3A_260 = vector.broadcast %add3A_259 : i32 to vector<16xi32>
      %add3A_261 = arith.addi %get3A_185, %add3A_260 : vector<16xi32>
      %gather3A_262 = tpu.vector_load_idx %arg22[%add3A_168, %add3A_261] : memref<128x128xf32, #tpu.memory_space<vmem>>[vector<16xi32>, vector<16xi32>], vector<16xf32>,
      %mul3A_263 = arith.mulf %gather3A_254, %gather3A_258 : vector<16xf32>
      %add3A_264 = arith.addf %add3A_242, %mul3A_263 : vector<16xf32>
      %mul3A_265 = arith.mulf %gather3A_254, %gather3A_262 : vector<16xf32>
      %add3A_266 = arith.addf %add3A_244, %mul3A_265 : vector<16xf32>
      %mul3A_267 = arith.mulf %gather3A_254, %gather3A_254 : vector<16xf32>
      %add3A_268 = arith.addf %add3A_246, %mul3A_267 : vector<16xf32>
      %mul3A_269 = arith.mulf %gather3A_258, %gather3A_258 : vector<16xf32>
      %add3A_270 = arith.addf %add3A_248, %mul3A_269 : vector<16xf32>
      %mul3A_271 = arith.mulf %gather3A_262, %gather3A_262 : vector<16xf32>
      %add3A_272 = arith.addf %add3A_250, %mul3A_271 : vector<16xf32>
      %add3A_273 = arith.constant 4 : i32
      %add3A_274 = vector.broadcast %add3A_273 : i32 to vector<16xi32>
      %add3A_275 = arith.addi %get3A_173, %add3A_274 : vector<16xi32>
      %gather3A_276 = tpu.vector_load_idx %arg18[%add3A_168, %add3A_275] : memref<128x128xf32, #tpu.memory_space<vmem>>[vector<16xi32>, vector<16xi32>], vector<16xf32>,
      %add3A_277 = arith.constant 4 : i32
      %add3A_278 = vector.broadcast %add3A_277 : i32 to vector<16xi32>
      %add3A_279 = arith.addi %get3A_179, %add3A_278 : vector<16xi32>
      %gather3A_280 = tpu.vector_load_idx %arg20[%add3A_168, %add3A_279] : memref<128x128xf32, #tpu.memory_space<vmem>>[vector<16xi32>, vector<16xi32>], vector<16xf32>,
      %add3A_281 = arith.constant 4 : i32
      %add3A_282 = vector.broadcast %add3A_281 : i32 to vector<16xi32>
      %add3A_283 = arith.addi %get3A_185, %add3A_282 : vector<16xi32>
      %gather3A_284 = tpu.vector_load_idx %arg22[%add3A_168, %add3A_283] : memref<128x128xf32, #tpu.memory_space<vmem>>[vector<16xi32>, vector<16xi32>], vector<16xf32>,
      %mul3A_285 = arith.mulf %gather3A_276, %gather3A_280 : vector<16xf32>
      %add3A_286 = arith.addf %add3A_264, %mul3A_285 : vector<16xf32>
      %mul3A_287 = arith.mulf %gather3A_276, %gather3A_284 : vector<16xf32>
      %add3A_288 = arith.addf %add3A_266, %mul3A_287 : vector<16xf32>
      %mul3A_289 = arith.mulf %gather3A_276, %gather3A_276 : vector<16xf32>
      %add3A_290 = arith.addf %add3A_268, %mul3A_289 : vector<16xf32>
      %mul3A_291 = arith.mulf %gather3A_280, %gather3A_280 : vector<16xf32>
      %add3A_292 = arith.addf %add3A_270, %mul3A_291 : vector<16xf32>
      %mul3A_293 = arith.mulf %gather3A_284, %gather3A_284 : vector<16xf32>
      %add3A_294 = arith.addf %add3A_272, %mul3A_293 : vector<16xf32>
      %add3A_295 = arith.constant 5 : i32
      %add3A_296 = vector.broadcast %add3A_295 : i32 to vector<16xi32>
      %add3A_297 = arith.addi %get3A_173, %add3A_296 : vector<16xi32>
      %gather3A_298 = tpu.vector_load_idx %arg18[%add3A_168, %add3A_297] : memref<128x128xf32, #tpu.memory_space<vmem>>[vector<16xi32>, vector<16xi32>], vector<16xf32>,
      %add3A_299 = arith.constant 5 : i32
      %add3A_300 = vector.broadcast %add3A_299 : i32 to vector<16xi32>
      %add3A_301 = arith.addi %get3A_179, %add3A_300 : vector<16xi32>
      %gather3A_302 = tpu.vector_load_idx %arg20[%add3A_168, %add3A_301] : memref<128x128xf32, #tpu.memory_space<vmem>>[vector<16xi32>, vector<16xi32>], vector<16xf32>,
      %add3A_303 = arith.constant 5 : i32
      %add3A_304 = vector.broadcast %add3A_303 : i32 to vector<16xi32>
      %add3A_305 = arith.addi %get3A_185, %add3A_304 : vector<16xi32>
      %gather3A_306 = tpu.vector_load_idx %arg22[%add3A_168, %add3A_305] : memref<128x128xf32, #tpu.memory_space<vmem>>[vector<16xi32>, vector<16xi32>], vector<16xf32>,
      %mul3A_307 = arith.mulf %gather3A_298, %gather3A_302 : vector<16xf32>
      %add3A_308 = arith.addf %add3A_286, %mul3A_307 : vector<16xf32>
      %mul3A_309 = arith.mulf %gather3A_298, %gather3A_306 : vector<16xf32>
      %add3A_310 = arith.addf %add3A_288, %mul3A_309 : vector<16xf32>
      %mul3A_311 = arith.mulf %gather3A_298, %gather3A_298 : vector<16xf32>
      %add3A_312 = arith.addf %add3A_290, %mul3A_311 : vector<16xf32>
      %mul3A_313 = arith.mulf %gather3A_302, %gather3A_302 : vector<16xf32>
      %add3A_314 = arith.addf %add3A_292, %mul3A_313 : vector<16xf32>
      %mul3A_315 = arith.mulf %gather3A_306, %gather3A_306 : vector<16xf32>
      %add3A_316 = arith.addf %add3A_294, %mul3A_315 : vector<16xf32>
      %add3A_317 = arith.constant 6 : i32
      %add3A_318 = vector.broadcast %add3A_317 : i32 to vector<16xi32>
      %add3A_319 = arith.addi %get3A_173, %add3A_318 : vector<16xi32>
      %gather3A_320 = tpu.vector_load_idx %arg18[%add3A_168, %add3A_319] : memref<128x128xf32, #tpu.memory_space<vmem>>[vector<16xi32>, vector<16xi32>], vector<16xf32>,
      %add3A_321 = arith.constant 6 : i32
      %add3A_322 = vector.broadcast %add3A_321 : i32 to vector<16xi32>
      %add3A_323 = arith.addi %get3A_179, %add3A_322 : vector<16xi32>
      %gather3A_324 = tpu.vector_load_idx %arg20[%add3A_168, %add3A_323] : memref<128x128xf32, #tpu.memory_space<vmem>>[vector<16xi32>, vector<16xi32>], vector<16xf32>,
      %add3A_325 = arith.constant 6 : i32
      %add3A_326 = vector.broadcast %add3A_325 : i32 to vector<16xi32>
      %add3A_327 = arith.addi %get3A_185, %add3A_326 : vector<16xi32>
      %gather3A_328 = tpu.vector_load_idx %arg22[%add3A_168, %add3A_327] : memref<128x128xf32, #tpu.memory_space<vmem>>[vector<16xi32>, vector<16xi32>], vector<16xf32>,
      %mul3A_329 = arith.mulf %gather3A_320, %gather3A_324 : vector<16xf32>
      %add3A_330 = arith.addf %add3A_308, %mul3A_329 : vector<16xf32>
      %mul3A_331 = arith.mulf %gather3A_320, %gather3A_328 : vector<16xf32>
      %add3A_332 = arith.addf %add3A_310, %mul3A_331 : vector<16xf32>
      %mul3A_333 = arith.mulf %gather3A_320, %gather3A_320 : vector<16xf32>
      %add3A_334 = arith.addf %add3A_312, %mul3A_333 : vector<16xf32>
      %mul3A_335 = arith.mulf %gather3A_324, %gather3A_324 : vector<16xf32>
      %add3A_336 = arith.addf %add3A_314, %mul3A_335 : vector<16xf32>
      %mul3A_337 = arith.mulf %gather3A_328, %gather3A_328 : vector<16xf32>
      %add3A_338 = arith.addf %add3A_316, %mul3A_337 : vector<16xf32>
      %add3A_339 = arith.constant 7 : i32
      %add3A_340 = vector.broadcast %add3A_339 : i32 to vector<16xi32>
      %add3A_341 = arith.addi %get3A_173, %add3A_340 : vector<16xi32>
      %gather3A_342 = tpu.vector_load_idx %arg18[%add3A_168, %add3A_341] : memref<128x128xf32, #tpu.memory_space<vmem>>[vector<16xi32>, vector<16xi32>], vector<16xf32>,
      %add3A_343 = arith.constant 7 : i32
      %add3A_344 = vector.broadcast %add3A_343 : i32 to vector<16xi32>
      %add3A_345 = arith.addi %get3A_179, %add3A_344 : vector<16xi32>
      %gather3A_346 = tpu.vector_load_idx %arg20[%add3A_168, %add3A_345] : memref<128x128xf32, #tpu.memory_space<vmem>>[vector<16xi32>, vector<16xi32>], vector<16xf32>,
      %add3A_347 = arith.constant 7 : i32
      %add3A_348 = vector.broadcast %add3A_347 : i32 to vector<16xi32>
      %add3A_349 = arith.addi %get3A_185, %add3A_348 : vector<16xi32>
      %gather3A_350 = tpu.vector_load_idx %arg22[%add3A_168, %add3A_349] : memref<128x128xf32, #tpu.memory_space<vmem>>[vector<16xi32>, vector<16xi32>], vector<16xf32>,
      %mul3A_351 = arith.mulf %gather3A_342, %gather3A_346 : vector<16xf32>
      %add3A_352 = arith.addf %add3A_330, %mul3A_351 : vector<16xf32>
      %mul3A_353 = arith.mulf %gather3A_342, %gather3A_350 : vector<16xf32>
      %add3A_354 = arith.addf %add3A_332, %mul3A_353 : vector<16xf32>
      %mul3A_355 = arith.mulf %gather3A_342, %gather3A_342 : vector<16xf32>
      %add3A_356 = arith.addf %add3A_334, %mul3A_355 : vector<16xf32>
      %mul3A_357 = arith.mulf %gather3A_346, %gather3A_346 : vector<16xf32>
      %add3A_358 = arith.addf %add3A_336, %mul3A_357 : vector<16xf32>
      %mul3A_359 = arith.mulf %gather3A_350, %gather3A_350 : vector<16xf32>
      %add3A_360 = arith.addf %add3A_338, %mul3A_359 : vector<16xf32>
      %add3A_361 = arith.constant 8 : i32
      %add3A_362 = vector.broadcast %add3A_361 : i32 to vector<16xi32>
      %add3A_363 = arith.addi %get3A_173, %add3A_362 : vector<16xi32>
      %gather3A_364 = tpu.vector_load_idx %arg18[%add3A_168, %add3A_363] : memref<128x128xf32, #tpu.memory_space<vmem>>[vector<16xi32>, vector<16xi32>], vector<16xf32>,
      %add3A_365 = arith.constant 8 : i32
      %add3A_366 = vector.broadcast %add3A_365 : i32 to vector<16xi32>
      %add3A_367 = arith.addi %get3A_179, %add3A_366 : vector<16xi32>
      %gather3A_368 = tpu.vector_load_idx %arg20[%add3A_168, %add3A_367] : memref<128x128xf32, #tpu.memory_space<vmem>>[vector<16xi32>, vector<16xi32>], vector<16xf32>,
      %add3A_369 = arith.constant 8 : i32
      %add3A_370 = vector.broadcast %add3A_369 : i32 to vector<16xi32>
      %add3A_371 = arith.addi %get3A_185, %add3A_370 : vector<16xi32>
      %gather3A_372 = tpu.vector_load_idx %arg22[%add3A_168, %add3A_371] : memref<128x128xf32, #tpu.memory_space<vmem>>[vector<16xi32>, vector<16xi32>], vector<16xf32>,
      %mul3A_373 = arith.mulf %gather3A_364, %gather3A_368 : vector<16xf32>
      %add3A_374 = arith.addf %add3A_352, %mul3A_373 : vector<16xf32>
      %mul3A_375 = arith.mulf %gather3A_364, %gather3A_372 : vector<16xf32>
      %add3A_376 = arith.addf %add3A_354, %mul3A_375 : vector<16xf32>
      %mul3A_377 = arith.mulf %gather3A_364, %gather3A_364 : vector<16xf32>
      %add3A_378 = arith.addf %add3A_356, %mul3A_377 : vector<16xf32>
      %mul3A_379 = arith.mulf %gather3A_368, %gather3A_368 : vector<16xf32>
      %add3A_380 = arith.addf %add3A_358, %mul3A_379 : vector<16xf32>
      %mul3A_381 = arith.mulf %gather3A_372, %gather3A_372 : vector<16xf32>
      %add3A_382 = arith.addf %add3A_360, %mul3A_381 : vector<16xf32>
      %add3A_383 = arith.constant 9 : i32
      %add3A_384 = vector.broadcast %add3A_383 : i32 to vector<16xi32>
      %add3A_385 = arith.addi %get3A_173, %add3A_384 : vector<16xi32>
      %gather3A_386 = tpu.vector_load_idx %arg18[%add3A_168, %add3A_385] : memref<128x128xf32, #tpu.memory_space<vmem>>[vector<16xi32>, vector<16xi32>], vector<16xf32>,
      %add3A_387 = arith.constant 9 : i32
      %add3A_388 = vector.broadcast %add3A_387 : i32 to vector<16xi32>
      %add3A_389 = arith.addi %get3A_179, %add3A_388 : vector<16xi32>
      %gather3A_390 = tpu.vector_load_idx %arg20[%add3A_168, %add3A_389] : memref<128x128xf32, #tpu.memory_space<vmem>>[vector<16xi32>, vector<16xi32>], vector<16xf32>,
      %add3A_391 = arith.constant 9 : i32
      %add3A_392 = vector.broadcast %add3A_391 : i32 to vector<16xi32>
      %add3A_393 = arith.addi %get3A_185, %add3A_392 : vector<16xi32>
      %gather3A_394 = tpu.vector_load_idx %arg22[%add3A_168, %add3A_393] : memref<128x128xf32, #tpu.memory_space<vmem>>[vector<16xi32>, vector<16xi32>], vector<16xf32>,
      %mul3A_395 = arith.mulf %gather3A_386, %gather3A_390 : vector<16xf32>
      %add3A_396 = arith.addf %add3A_374, %mul3A_395 : vector<16xf32>
      %mul3A_397 = arith.mulf %gather3A_386, %gather3A_394 : vector<16xf32>
      %add3A_398 = arith.addf %add3A_376, %mul3A_397 : vector<16xf32>
      %mul3A_399 = arith.mulf %gather3A_386, %gather3A_386 : vector<16xf32>
      %add3A_400 = arith.addf %add3A_378, %mul3A_399 : vector<16xf32>
      %mul3A_401 = arith.mulf %gather3A_390, %gather3A_390 : vector<16xf32>
      %add3A_402 = arith.addf %add3A_380, %mul3A_401 : vector<16xf32>
      %mul3A_403 = arith.mulf %gather3A_394, %gather3A_394 : vector<16xf32>
      %add3A_404 = arith.addf %add3A_382, %mul3A_403 : vector<16xf32>
      %add3A_405 = arith.constant 10 : i32
      %add3A_406 = vector.broadcast %add3A_405 : i32 to vector<16xi32>
      %add3A_407 = arith.addi %get3A_173, %add3A_406 : vector<16xi32>
      %gather3A_408 = tpu.vector_load_idx %arg18[%add3A_168, %add3A_407] : memref<128x128xf32, #tpu.memory_space<vmem>>[vector<16xi32>, vector<16xi32>], vector<16xf32>,
      %add3A_409 = arith.constant 10 : i32
      %add3A_410 = vector.broadcast %add3A_409 : i32 to vector<16xi32>
      %add3A_411 = arith.addi %get3A_179, %add3A_410 : vector<16xi32>
      %gather3A_412 = tpu.vector_load_idx %arg20[%add3A_168, %add3A_411] : memref<128x128xf32, #tpu.memory_space<vmem>>[vector<16xi32>, vector<16xi32>], vector<16xf32>,
      %add3A_413 = arith.constant 10 : i32
      %add3A_414 = vector.broadcast %add3A_413 : i32 to vector<16xi32>
      %add3A_415 = arith.addi %get3A_185, %add3A_414 : vector<16xi32>
      %gather3A_416 = tpu.vector_load_idx %arg22[%add3A_168, %add3A_415] : memref<128x128xf32, #tpu.memory_space<vmem>>[vector<16xi32>, vector<16xi32>], vector<16xf32>,
      %mul3A_417 = arith.mulf %gather3A_408, %gather3A_412 : vector<16xf32>
      %add3A_418 = arith.addf %add3A_396, %mul3A_417 : vector<16xf32>
      %mul3A_419 = arith.mulf %gather3A_408, %gather3A_416 : vector<16xf32>
      %add3A_420 = arith.addf %add3A_398, %mul3A_419 : vector<16xf32>
      %mul3A_421 = arith.mulf %gather3A_408, %gather3A_408 : vector<16xf32>
      %add3A_422 = arith.addf %add3A_400, %mul3A_421 : vector<16xf32>
      %mul3A_423 = arith.mulf %gather3A_412, %gather3A_412 : vector<16xf32>
      %add3A_424 = arith.addf %add3A_402, %mul3A_423 : vector<16xf32>
      %mul3A_425 = arith.mulf %gather3A_416, %gather3A_416 : vector<16xf32>
      %add3A_426 = arith.addf %add3A_404, %mul3A_425 : vector<16xf32>
      %add3A_427 = arith.constant 11 : i32
      %add3A_428 = vector.broadcast %add3A_427 : i32 to vector<16xi32>
      %add3A_429 = arith.addi %get3A_173, %add3A_428 : vector<16xi32>
      %gather3A_430 = tpu.vector_load_idx %arg18[%add3A_168, %add3A_429] : memref<128x128xf32, #tpu.memory_space<vmem>>[vector<16xi32>, vector<16xi32>], vector<16xf32>,
      %add3A_431 = arith.constant 11 : i32
      %add3A_432 = vector.broadcast %add3A_431 : i32 to vector<16xi32>
      %add3A_433 = arith.addi %get3A_179, %add3A_432 : vector<16xi32>
      %gather3A_434 = tpu.vector_load_idx %arg20[%add3A_168, %add3A_433] : memref<128x128xf32, #tpu.memory_space<vmem>>[vector<16xi32>, vector<16xi32>], vector<16xf32>,
      %add3A_435 = arith.constant 11 : i32
      %add3A_436 = vector.broadcast %add3A_435 : i32 to vector<16xi32>
      %add3A_437 = arith.addi %get3A_185, %add3A_436 : vector<16xi32>
      %gather3A_438 = tpu.vector_load_idx %arg22[%add3A_168, %add3A_437] : memref<128x128xf32, #tpu.memory_space<vmem>>[vector<16xi32>, vector<16xi32>], vector<16xf32>,
      %mul3A_439 = arith.mulf %gather3A_430, %gather3A_434 : vector<16xf32>
      %add3A_440 = arith.addf %add3A_418, %mul3A_439 : vector<16xf32>
      %mul3A_441 = arith.mulf %gather3A_430, %gather3A_438 : vector<16xf32>
      %add3A_442 = arith.addf %add3A_420, %mul3A_441 : vector<16xf32>
      %mul3A_443 = arith.mulf %gather3A_430, %gather3A_430 : vector<16xf32>
      %add3A_444 = arith.addf %add3A_422, %mul3A_443 : vector<16xf32>
      %mul3A_445 = arith.mulf %gather3A_434, %gather3A_434 : vector<16xf32>
      %add3A_446 = arith.addf %add3A_424, %mul3A_445 : vector<16xf32>
      %mul3A_447 = arith.mulf %gather3A_438, %gather3A_438 : vector<16xf32>
      %add3A_448 = arith.addf %add3A_426, %mul3A_447 : vector<16xf32>
      %add3A_449 = arith.constant 12 : i32
      %add3A_450 = vector.broadcast %add3A_449 : i32 to vector<16xi32>
      %add3A_451 = arith.addi %get3A_173, %add3A_450 : vector<16xi32>
      %gather3A_452 = tpu.vector_load_idx %arg18[%add3A_168, %add3A_451] : memref<128x128xf32, #tpu.memory_space<vmem>>[vector<16xi32>, vector<16xi32>], vector<16xf32>,
      %add3A_453 = arith.constant 12 : i32
      %add3A_454 = vector.broadcast %add3A_453 : i32 to vector<16xi32>
      %add3A_455 = arith.addi %get3A_179, %add3A_454 : vector<16xi32>
      %gather3A_456 = tpu.vector_load_idx %arg20[%add3A_168, %add3A_455] : memref<128x128xf32, #tpu.memory_space<vmem>>[vector<16xi32>, vector<16xi32>], vector<16xf32>,
      %add3A_457 = arith.constant 12 : i32
      %add3A_458 = vector.broadcast %add3A_457 : i32 to vector<16xi32>
      %add3A_459 = arith.addi %get3A_185, %add3A_458 : vector<16xi32>
      %gather3A_460 = tpu.vector_load_idx %arg22[%add3A_168, %add3A_459] : memref<128x128xf32, #tpu.memory_space<vmem>>[vector<16xi32>, vector<16xi32>], vector<16xf32>,
      %mul3A_461 = arith.mulf %gather3A_452, %gather3A_456 : vector<16xf32>
      %add3A_462 = arith.addf %add3A_440, %mul3A_461 : vector<16xf32>
      %mul3A_463 = arith.mulf %gather3A_452, %gather3A_460 : vector<16xf32>
      %add3A_464 = arith.addf %add3A_442, %mul3A_463 : vector<16xf32>
      %mul3A_465 = arith.mulf %gather3A_452, %gather3A_452 : vector<16xf32>
      %add3A_466 = arith.addf %add3A_444, %mul3A_465 : vector<16xf32>
      %mul3A_467 = arith.mulf %gather3A_456, %gather3A_456 : vector<16xf32>
      %add3A_468 = arith.addf %add3A_446, %mul3A_467 : vector<16xf32>
      %mul3A_469 = arith.mulf %gather3A_460, %gather3A_460 : vector<16xf32>
      %add3A_470 = arith.addf %add3A_448, %mul3A_469 : vector<16xf32>
      %add3A_471 = arith.constant 13 : i32
      %add3A_472 = vector.broadcast %add3A_471 : i32 to vector<16xi32>
      %add3A_473 = arith.addi %get3A_173, %add3A_472 : vector<16xi32>
      %gather3A_474 = tpu.vector_load_idx %arg18[%add3A_168, %add3A_473] : memref<128x128xf32, #tpu.memory_space<vmem>>[vector<16xi32>, vector<16xi32>], vector<16xf32>,
      %add3A_475 = arith.constant 13 : i32
      %add3A_476 = vector.broadcast %add3A_475 : i32 to vector<16xi32>
      %add3A_477 = arith.addi %get3A_179, %add3A_476 : vector<16xi32>
      %gather3A_478 = tpu.vector_load_idx %arg20[%add3A_168, %add3A_477] : memref<128x128xf32, #tpu.memory_space<vmem>>[vector<16xi32>, vector<16xi32>], vector<16xf32>,
      %add3A_479 = arith.constant 13 : i32
      %add3A_480 = vector.broadcast %add3A_479 : i32 to vector<16xi32>
      %add3A_481 = arith.addi %get3A_185, %add3A_480 : vector<16xi32>
      %gather3A_482 = tpu.vector_load_idx %arg22[%add3A_168, %add3A_481] : memref<128x128xf32, #tpu.memory_space<vmem>>[vector<16xi32>, vector<16xi32>], vector<16xf32>,
      %mul3A_483 = arith.mulf %gather3A_474, %gather3A_478 : vector<16xf32>
      %add3A_484 = arith.addf %add3A_462, %mul3A_483 : vector<16xf32>
      %mul3A_485 = arith.mulf %gather3A_474, %gather3A_482 : vector<16xf32>
      %add3A_486 = arith.addf %add3A_464, %mul3A_485 : vector<16xf32>
      %mul3A_487 = arith.mulf %gather3A_474, %gather3A_474 : vector<16xf32>
      %add3A_488 = arith.addf %add3A_466, %mul3A_487 : vector<16xf32>
      %mul3A_489 = arith.mulf %gather3A_478, %gather3A_478 : vector<16xf32>
      %add3A_490 = arith.addf %add3A_468, %mul3A_489 : vector<16xf32>
      %mul3A_491 = arith.mulf %gather3A_482, %gather3A_482 : vector<16xf32>
      %add3A_492 = arith.addf %add3A_470, %mul3A_491 : vector<16xf32>
      %add3A_493 = arith.constant 14 : i32
      %add3A_494 = vector.broadcast %add3A_493 : i32 to vector<16xi32>
      %add3A_495 = arith.addi %get3A_173, %add3A_494 : vector<16xi32>
      %gather3A_496 = tpu.vector_load_idx %arg18[%add3A_168, %add3A_495] : memref<128x128xf32, #tpu.memory_space<vmem>>[vector<16xi32>, vector<16xi32>], vector<16xf32>,
      %add3A_497 = arith.constant 14 : i32
      %add3A_498 = vector.broadcast %add3A_497 : i32 to vector<16xi32>
      %add3A_499 = arith.addi %get3A_179, %add3A_498 : vector<16xi32>
      %gather3A_500 = tpu.vector_load_idx %arg20[%add3A_168, %add3A_499] : memref<128x128xf32, #tpu.memory_space<vmem>>[vector<16xi32>, vector<16xi32>], vector<16xf32>,
      %add3A_501 = arith.constant 14 : i32
      %add3A_502 = vector.broadcast %add3A_501 : i32 to vector<16xi32>
      %add3A_503 = arith.addi %get3A_185, %add3A_502 : vector<16xi32>
      %gather3A_504 = tpu.vector_load_idx %arg22[%add3A_168, %add3A_503] : memref<128x128xf32, #tpu.memory_space<vmem>>[vector<16xi32>, vector<16xi32>], vector<16xf32>,
      %mul3A_505 = arith.mulf %gather3A_496, %gather3A_500 : vector<16xf32>
      %add3A_506 = arith.addf %add3A_484, %mul3A_505 : vector<16xf32>
      %mul3A_507 = arith.mulf %gather3A_496, %gather3A_504 : vector<16xf32>
      %add3A_508 = arith.addf %add3A_486, %mul3A_507 : vector<16xf32>
      %mul3A_509 = arith.mulf %gather3A_496, %gather3A_496 : vector<16xf32>
      %add3A_510 = arith.addf %add3A_488, %mul3A_509 : vector<16xf32>
      %mul3A_511 = arith.mulf %gather3A_500, %gather3A_500 : vector<16xf32>
      %add3A_512 = arith.addf %add3A_490, %mul3A_511 : vector<16xf32>
      %mul3A_513 = arith.mulf %gather3A_504, %gather3A_504 : vector<16xf32>
      %add3A_514 = arith.addf %add3A_492, %mul3A_513 : vector<16xf32>
      %add3A_515 = arith.constant 15 : i32
      %add3A_516 = vector.broadcast %add3A_515 : i32 to vector<16xi32>
      %add3A_517 = arith.addi %get3A_173, %add3A_516 : vector<16xi32>
      %gather3A_518 = tpu.vector_load_idx %arg18[%add3A_168, %add3A_517] : memref<128x128xf32, #tpu.memory_space<vmem>>[vector<16xi32>, vector<16xi32>], vector<16xf32>,
      %add3A_519 = arith.constant 15 : i32
      %add3A_520 = vector.broadcast %add3A_519 : i32 to vector<16xi32>
      %add3A_521 = arith.addi %get3A_179, %add3A_520 : vector<16xi32>
      %gather3A_522 = tpu.vector_load_idx %arg20[%add3A_168, %add3A_521] : memref<128x128xf32, #tpu.memory_space<vmem>>[vector<16xi32>, vector<16xi32>], vector<16xf32>,
      %add3A_523 = arith.constant 15 : i32
      %add3A_524 = vector.broadcast %add3A_523 : i32 to vector<16xi32>
      %add3A_525 = arith.addi %get3A_185, %add3A_524 : vector<16xi32>
      %gather3A_526 = tpu.vector_load_idx %arg22[%add3A_168, %add3A_525] : memref<128x128xf32, #tpu.memory_space<vmem>>[vector<16xi32>, vector<16xi32>], vector<16xf32>,
      %mul3A_527 = arith.mulf %gather3A_518, %gather3A_522 : vector<16xf32>
      %add3A_528 = arith.addf %add3A_506, %mul3A_527 : vector<16xf32>
      %mul3A_529 = arith.mulf %gather3A_518, %gather3A_526 : vector<16xf32>
      %add3A_530 = arith.addf %add3A_508, %mul3A_529 : vector<16xf32>
      %mul3A_531 = arith.mulf %gather3A_518, %gather3A_518 : vector<16xf32>
      %add3A_532 = arith.addf %add3A_510, %mul3A_531 : vector<16xf32>
      %mul3A_533 = arith.mulf %gather3A_522, %gather3A_522 : vector<16xf32>
      %add3A_534 = arith.addf %add3A_512, %mul3A_533 : vector<16xf32>
      %mul3A_535 = arith.mulf %gather3A_526, %gather3A_526 : vector<16xf32>
      %add3A_536 = arith.addf %add3A_514, %mul3A_535 : vector<16xf32>
      %add3A_537 = arith.constant 16 : i32
      %add3A_538 = vector.broadcast %add3A_537 : i32 to vector<16xi32>
      %add3A_539 = arith.addi %get3A_173, %add3A_538 : vector<16xi32>
      %gather3A_540 = tpu.vector_load_idx %arg18[%add3A_168, %add3A_539] : memref<128x128xf32, #tpu.memory_space<vmem>>[vector<16xi32>, vector<16xi32>], vector<16xf32>,
      %add3A_541 = arith.constant 16 : i32
      %add3A_542 = vector.broadcast %add3A_541 : i32 to vector<16xi32>
      %add3A_543 = arith.addi %get3A_179, %add3A_542 : vector<16xi32>
      %gather3A_544 = tpu.vector_load_idx %arg20[%add3A_168, %add3A_543] : memref<128x128xf32, #tpu.memory_space<vmem>>[vector<16xi32>, vector<16xi32>], vector<16xf32>,
      %add3A_545 = arith.constant 16 : i32
      %add3A_546 = vector.broadcast %add3A_545 : i32 to vector<16xi32>
      %add3A_547 = arith.addi %get3A_185, %add3A_546 : vector<16xi32>
      %gather3A_548 = tpu.vector_load_idx %arg22[%add3A_168, %add3A_547] : memref<128x128xf32, #tpu.memory_space<vmem>>[vector<16xi32>, vector<16xi32>], vector<16xf32>,
      %mul3A_549 = arith.mulf %gather3A_540, %gather3A_544 : vector<16xf32>
      %add3A_550 = arith.addf %add3A_528, %mul3A_549 : vector<16xf32>
      %mul3A_551 = arith.mulf %gather3A_540, %gather3A_548 : vector<16xf32>
      %add3A_552 = arith.addf %add3A_530, %mul3A_551 : vector<16xf32>
      %mul3A_553 = arith.mulf %gather3A_540, %gather3A_540 : vector<16xf32>
      %add3A_554 = arith.addf %add3A_532, %mul3A_553 : vector<16xf32>
      %mul3A_555 = arith.mulf %gather3A_544, %gather3A_544 : vector<16xf32>
      %add3A_556 = arith.addf %add3A_534, %mul3A_555 : vector<16xf32>
      %mul3A_557 = arith.mulf %gather3A_548, %gather3A_548 : vector<16xf32>
      %add3A_558 = arith.addf %add3A_536, %mul3A_557 : vector<16xf32>
      %add3A_559 = arith.constant 17 : i32
      %add3A_560 = vector.broadcast %add3A_559 : i32 to vector<16xi32>
      %add3A_561 = arith.addi %get3A_173, %add3A_560 : vector<16xi32>
      %gather3A_562 = tpu.vector_load_idx %arg18[%add3A_168, %add3A_561] : memref<128x128xf32, #tpu.memory_space<vmem>>[vector<16xi32>, vector<16xi32>], vector<16xf32>,
      %add3A_563 = arith.constant 17 : i32
      %add3A_564 = vector.broadcast %add3A_563 : i32 to vector<16xi32>
      %add3A_565 = arith.addi %get3A_179, %add3A_564 : vector<16xi32>
      %gather3A_566 = tpu.vector_load_idx %arg20[%add3A_168, %add3A_565] : memref<128x128xf32, #tpu.memory_space<vmem>>[vector<16xi32>, vector<16xi32>], vector<16xf32>,
      %add3A_567 = arith.constant 17 : i32
      %add3A_568 = vector.broadcast %add3A_567 : i32 to vector<16xi32>
      %add3A_569 = arith.addi %get3A_185, %add3A_568 : vector<16xi32>
      %gather3A_570 = tpu.vector_load_idx %arg22[%add3A_168, %add3A_569] : memref<128x128xf32, #tpu.memory_space<vmem>>[vector<16xi32>, vector<16xi32>], vector<16xf32>,
      %mul3A_571 = arith.mulf %gather3A_562, %gather3A_566 : vector<16xf32>
      %add3A_572 = arith.addf %add3A_550, %mul3A_571 : vector<16xf32>
      %mul3A_573 = arith.mulf %gather3A_562, %gather3A_570 : vector<16xf32>
      %add3A_574 = arith.addf %add3A_552, %mul3A_573 : vector<16xf32>
      %mul3A_575 = arith.mulf %gather3A_562, %gather3A_562 : vector<16xf32>
      %add3A_576 = arith.addf %add3A_554, %mul3A_575 : vector<16xf32>
      %mul3A_577 = arith.mulf %gather3A_566, %gather3A_566 : vector<16xf32>
      %add3A_578 = arith.addf %add3A_556, %mul3A_577 : vector<16xf32>
      %mul3A_579 = arith.mulf %gather3A_570, %gather3A_570 : vector<16xf32>
      %add3A_580 = arith.addf %add3A_558, %mul3A_579 : vector<16xf32>
      %add3A_581 = arith.constant 18 : i32
      %add3A_582 = vector.broadcast %add3A_581 : i32 to vector<16xi32>
      %add3A_583 = arith.addi %get3A_173, %add3A_582 : vector<16xi32>
      %gather3A_584 = tpu.vector_load_idx %arg18[%add3A_168, %add3A_583] : memref<128x128xf32, #tpu.memory_space<vmem>>[vector<16xi32>, vector<16xi32>], vector<16xf32>,
      %add3A_585 = arith.constant 18 : i32
      %add3A_586 = vector.broadcast %add3A_585 : i32 to vector<16xi32>
      %add3A_587 = arith.addi %get3A_179, %add3A_586 : vector<16xi32>
      %gather3A_588 = tpu.vector_load_idx %arg20[%add3A_168, %add3A_587] : memref<128x128xf32, #tpu.memory_space<vmem>>[vector<16xi32>, vector<16xi32>], vector<16xf32>,
      %add3A_589 = arith.constant 18 : i32
      %add3A_590 = vector.broadcast %add3A_589 : i32 to vector<16xi32>
      %add3A_591 = arith.addi %get3A_185, %add3A_590 : vector<16xi32>
      %gather3A_592 = tpu.vector_load_idx %arg22[%add3A_168, %add3A_591] : memref<128x128xf32, #tpu.memory_space<vmem>>[vector<16xi32>, vector<16xi32>], vector<16xf32>,
      %mul3A_593 = arith.mulf %gather3A_584, %gather3A_588 : vector<16xf32>
      %add3A_594 = arith.addf %add3A_572, %mul3A_593 : vector<16xf32>
      %mul3A_595 = arith.mulf %gather3A_584, %gather3A_592 : vector<16xf32>
      %add3A_596 = arith.addf %add3A_574, %mul3A_595 : vector<16xf32>
      %mul3A_597 = arith.mulf %gather3A_584, %gather3A_584 : vector<16xf32>
      %add3A_598 = arith.addf %add3A_576, %mul3A_597 : vector<16xf32>
      %mul3A_599 = arith.mulf %gather3A_588, %gather3A_588 : vector<16xf32>
      %add3A_600 = arith.addf %add3A_578, %mul3A_599 : vector<16xf32>
      %mul3A_601 = arith.mulf %gather3A_592, %gather3A_592 : vector<16xf32>
      %add3A_602 = arith.addf %add3A_580, %mul3A_601 : vector<16xf32>
      %add3A_603 = arith.constant 19 : i32
      %add3A_604 = vector.broadcast %add3A_603 : i32 to vector<16xi32>
      %add3A_605 = arith.addi %get3A_173, %add3A_604 : vector<16xi32>
      %gather3A_606 = tpu.vector_load_idx %arg18[%add3A_168, %add3A_605] : memref<128x128xf32, #tpu.memory_space<vmem>>[vector<16xi32>, vector<16xi32>], vector<16xf32>,
      %add3A_607 = arith.constant 19 : i32
      %add3A_608 = vector.broadcast %add3A_607 : i32 to vector<16xi32>
      %add3A_609 = arith.addi %get3A_179, %add3A_608 : vector<16xi32>
      %gather3A_610 = tpu.vector_load_idx %arg20[%add3A_168, %add3A_609] : memref<128x128xf32, #tpu.memory_space<vmem>>[vector<16xi32>, vector<16xi32>], vector<16xf32>,
      %add3A_611 = arith.constant 19 : i32
      %add3A_612 = vector.broadcast %add3A_611 : i32 to vector<16xi32>
      %add3A_613 = arith.addi %get3A_185, %add3A_612 : vector<16xi32>
      %gather3A_614 = tpu.vector_load_idx %arg22[%add3A_168, %add3A_613] : memref<128x128xf32, #tpu.memory_space<vmem>>[vector<16xi32>, vector<16xi32>], vector<16xf32>,
      %mul3A_615 = arith.mulf %gather3A_606, %gather3A_610 : vector<16xf32>
      %add3A_616 = arith.addf %add3A_594, %mul3A_615 : vector<16xf32>
      %mul3A_617 = arith.mulf %gather3A_606, %gather3A_614 : vector<16xf32>
      %add3A_618 = arith.addf %add3A_596, %mul3A_617 : vector<16xf32>
      %mul3A_619 = arith.mulf %gather3A_606, %gather3A_606 : vector<16xf32>
      %add3A_620 = arith.addf %add3A_598, %mul3A_619 : vector<16xf32>
      %mul3A_621 = arith.mulf %gather3A_610, %gather3A_610 : vector<16xf32>
      %add3A_622 = arith.addf %add3A_600, %mul3A_621 : vector<16xf32>
      %mul3A_623 = arith.mulf %gather3A_614, %gather3A_614 : vector<16xf32>
      %add3A_624 = arith.addf %add3A_602, %mul3A_623 : vector<16xf32>
      %add3A_625 = arith.constant 20 : i32
      %add3A_626 = vector.broadcast %add3A_625 : i32 to vector<16xi32>
      %add3A_627 = arith.addi %get3A_173, %add3A_626 : vector<16xi32>
      %gather3A_628 = tpu.vector_load_idx %arg18[%add3A_168, %add3A_627] : memref<128x128xf32, #tpu.memory_space<vmem>>[vector<16xi32>, vector<16xi32>], vector<16xf32>,
      %add3A_629 = arith.constant 20 : i32
      %add3A_630 = vector.broadcast %add3A_629 : i32 to vector<16xi32>
      %add3A_631 = arith.addi %get3A_179, %add3A_630 : vector<16xi32>
      %gather3A_632 = tpu.vector_load_idx %arg20[%add3A_168, %add3A_631] : memref<128x128xf32, #tpu.memory_space<vmem>>[vector<16xi32>, vector<16xi32>], vector<16xf32>,
      %add3A_633 = arith.constant 20 : i32
      %add3A_634 = vector.broadcast %add3A_633 : i32 to vector<16xi32>
      %add3A_635 = arith.addi %get3A_185, %add3A_634 : vector<16xi32>
      %gather3A_636 = tpu.vector_load_idx %arg22[%add3A_168, %add3A_635] : memref<128x128xf32, #tpu.memory_space<vmem>>[vector<16xi32>, vector<16xi32>], vector<16xf32>,
      %mul3A_637 = arith.mulf %gather3A_628, %gather3A_632 : vector<16xf32>
      %add3A_638 = arith.addf %add3A_616, %mul3A_637 : vector<16xf32>
      %mul3A_639 = arith.mulf %gather3A_628, %gather3A_636 : vector<16xf32>
      %add3A_640 = arith.addf %add3A_618, %mul3A_639 : vector<16xf32>
      %mul3A_641 = arith.mulf %gather3A_628, %gather3A_628 : vector<16xf32>
      %add3A_642 = arith.addf %add3A_620, %mul3A_641 : vector<16xf32>
      %mul3A_643 = arith.mulf %gather3A_632, %gather3A_632 : vector<16xf32>
      %add3A_644 = arith.addf %add3A_622, %mul3A_643 : vector<16xf32>
      %mul3A_645 = arith.mulf %gather3A_636, %gather3A_636 : vector<16xf32>
      %add3A_646 = arith.addf %add3A_624, %mul3A_645 : vector<16xf32>
      %add3A_647 = arith.constant 21 : i32
      %add3A_648 = vector.broadcast %add3A_647 : i32 to vector<16xi32>
      %add3A_649 = arith.addi %get3A_173, %add3A_648 : vector<16xi32>
      %gather3A_650 = tpu.vector_load_idx %arg18[%add3A_168, %add3A_649] : memref<128x128xf32, #tpu.memory_space<vmem>>[vector<16xi32>, vector<16xi32>], vector<16xf32>,
      %add3A_651 = arith.constant 21 : i32
      %add3A_652 = vector.broadcast %add3A_651 : i32 to vector<16xi32>
      %add3A_653 = arith.addi %get3A_179, %add3A_652 : vector<16xi32>
      %gather3A_654 = tpu.vector_load_idx %arg20[%add3A_168, %add3A_653] : memref<128x128xf32, #tpu.memory_space<vmem>>[vector<16xi32>, vector<16xi32>], vector<16xf32>,
      %add3A_655 = arith.constant 21 : i32
      %add3A_656 = vector.broadcast %add3A_655 : i32 to vector<16xi32>
      %add3A_657 = arith.addi %get3A_185, %add3A_656 : vector<16xi32>
      %gather3A_658 = tpu.vector_load_idx %arg22[%add3A_168, %add3A_657] : memref<128x128xf32, #tpu.memory_space<vmem>>[vector<16xi32>, vector<16xi32>], vector<16xf32>,
      %mul3A_659 = arith.mulf %gather3A_650, %gather3A_654 : vector<16xf32>
      %add3A_660 = arith.addf %add3A_638, %mul3A_659 : vector<16xf32>
      %mul3A_661 = arith.mulf %gather3A_650, %gather3A_658 : vector<16xf32>
      %add3A_662 = arith.addf %add3A_640, %mul3A_661 : vector<16xf32>
      %mul3A_663 = arith.mulf %gather3A_650, %gather3A_650 : vector<16xf32>
      %add3A_664 = arith.addf %add3A_642, %mul3A_663 : vector<16xf32>
      %mul3A_665 = arith.mulf %gather3A_654, %gather3A_654 : vector<16xf32>
      %add3A_666 = arith.addf %add3A_644, %mul3A_665 : vector<16xf32>
      %mul3A_667 = arith.mulf %gather3A_658, %gather3A_658 : vector<16xf32>
      %add3A_668 = arith.addf %add3A_646, %mul3A_667 : vector<16xf32>
      %add3A_669 = arith.constant 22 : i32
      %add3A_670 = vector.broadcast %add3A_669 : i32 to vector<16xi32>
      %add3A_671 = arith.addi %get3A_173, %add3A_670 : vector<16xi32>
      %gather3A_672 = tpu.vector_load_idx %arg18[%add3A_168, %add3A_671] : memref<128x128xf32, #tpu.memory_space<vmem>>[vector<16xi32>, vector<16xi32>], vector<16xf32>,
      %add3A_673 = arith.constant 22 : i32
      %add3A_674 = vector.broadcast %add3A_673 : i32 to vector<16xi32>
      %add3A_675 = arith.addi %get3A_179, %add3A_674 : vector<16xi32>
      %gather3A_676 = tpu.vector_load_idx %arg20[%add3A_168, %add3A_675] : memref<128x128xf32, #tpu.memory_space<vmem>>[vector<16xi32>, vector<16xi32>], vector<16xf32>,
      %add3A_677 = arith.constant 22 : i32
      %add3A_678 = vector.broadcast %add3A_677 : i32 to vector<16xi32>
      %add3A_679 = arith.addi %get3A_185, %add3A_678 : vector<16xi32>
      %gather3A_680 = tpu.vector_load_idx %arg22[%add3A_168, %add3A_679] : memref<128x128xf32, #tpu.memory_space<vmem>>[vector<16xi32>, vector<16xi32>], vector<16xf32>,
      %mul3A_681 = arith.mulf %gather3A_672, %gather3A_676 : vector<16xf32>
      %add3A_682 = arith.addf %add3A_660, %mul3A_681 : vector<16xf32>
      %mul3A_683 = arith.mulf %gather3A_672, %gather3A_680 : vector<16xf32>
      %add3A_684 = arith.addf %add3A_662, %mul3A_683 : vector<16xf32>
      %mul3A_685 = arith.mulf %gather3A_672, %gather3A_672 : vector<16xf32>
      %add3A_686 = arith.addf %add3A_664, %mul3A_685 : vector<16xf32>
      %mul3A_687 = arith.mulf %gather3A_676, %gather3A_676 : vector<16xf32>
      %add3A_688 = arith.addf %add3A_666, %mul3A_687 : vector<16xf32>
      %mul3A_689 = arith.mulf %gather3A_680, %gather3A_680 : vector<16xf32>
      %add3A_690 = arith.addf %add3A_668, %mul3A_689 : vector<16xf32>
      %add3A_691 = arith.constant 23 : i32
      %add3A_692 = vector.broadcast %add3A_691 : i32 to vector<16xi32>
      %add3A_693 = arith.addi %get3A_173, %add3A_692 : vector<16xi32>
      %gather3A_694 = tpu.vector_load_idx %arg18[%add3A_168, %add3A_693] : memref<128x128xf32, #tpu.memory_space<vmem>>[vector<16xi32>, vector<16xi32>], vector<16xf32>,
      %add3A_695 = arith.constant 23 : i32
      %add3A_696 = vector.broadcast %add3A_695 : i32 to vector<16xi32>
      %add3A_697 = arith.addi %get3A_179, %add3A_696 : vector<16xi32>
      %gather3A_698 = tpu.vector_load_idx %arg20[%add3A_168, %add3A_697] : memref<128x128xf32, #tpu.memory_space<vmem>>[vector<16xi32>, vector<16xi32>], vector<16xf32>,
      %add3A_699 = arith.constant 23 : i32
      %add3A_700 = vector.broadcast %add3A_699 : i32 to vector<16xi32>
      %add3A_701 = arith.addi %get3A_185, %add3A_700 : vector<16xi32>
      %gather3A_702 = tpu.vector_load_idx %arg22[%add3A_168, %add3A_701] : memref<128x128xf32, #tpu.memory_space<vmem>>[vector<16xi32>, vector<16xi32>], vector<16xf32>,
      %mul3A_703 = arith.mulf %gather3A_694, %gather3A_698 : vector<16xf32>
      %add3A_704 = arith.addf %add3A_682, %mul3A_703 : vector<16xf32>
      %mul3A_705 = arith.mulf %gather3A_694, %gather3A_702 : vector<16xf32>
      %add3A_706 = arith.addf %add3A_684, %mul3A_705 : vector<16xf32>
      %mul3A_707 = arith.mulf %gather3A_694, %gather3A_694 : vector<16xf32>
      %add3A_708 = arith.addf %add3A_686, %mul3A_707 : vector<16xf32>
      %mul3A_709 = arith.mulf %gather3A_698, %gather3A_698 : vector<16xf32>
      %add3A_710 = arith.addf %add3A_688, %mul3A_709 : vector<16xf32>
      %mul3A_711 = arith.mulf %gather3A_702, %gather3A_702 : vector<16xf32>
      %add3A_712 = arith.addf %add3A_690, %mul3A_711 : vector<16xf32>
      %add3A_713 = arith.constant 24 : i32
      %add3A_714 = vector.broadcast %add3A_713 : i32 to vector<16xi32>
      %add3A_715 = arith.addi %get3A_173, %add3A_714 : vector<16xi32>
      %gather3A_716 = tpu.vector_load_idx %arg18[%add3A_168, %add3A_715] : memref<128x128xf32, #tpu.memory_space<vmem>>[vector<16xi32>, vector<16xi32>], vector<16xf32>,
      %add3A_717 = arith.constant 24 : i32
      %add3A_718 = vector.broadcast %add3A_717 : i32 to vector<16xi32>
      %add3A_719 = arith.addi %get3A_179, %add3A_718 : vector<16xi32>
      %gather3A_720 = tpu.vector_load_idx %arg20[%add3A_168, %add3A_719] : memref<128x128xf32, #tpu.memory_space<vmem>>[vector<16xi32>, vector<16xi32>], vector<16xf32>,
      %add3A_721 = arith.constant 24 : i32
      %add3A_722 = vector.broadcast %add3A_721 : i32 to vector<16xi32>
      %add3A_723 = arith.addi %get3A_185, %add3A_722 : vector<16xi32>
      %gather3A_724 = tpu.vector_load_idx %arg22[%add3A_168, %add3A_723] : memref<128x128xf32, #tpu.memory_space<vmem>>[vector<16xi32>, vector<16xi32>], vector<16xf32>,
      %mul3A_725 = arith.mulf %gather3A_716, %gather3A_720 : vector<16xf32>
      %add3A_726 = arith.addf %add3A_704, %mul3A_725 : vector<16xf32>
      %mul3A_727 = arith.mulf %gather3A_716, %gather3A_724 : vector<16xf32>
      %add3A_728 = arith.addf %add3A_706, %mul3A_727 : vector<16xf32>
      %mul3A_729 = arith.mulf %gather3A_716, %gather3A_716 : vector<16xf32>
      %add3A_730 = arith.addf %add3A_708, %mul3A_729 : vector<16xf32>
      %mul3A_731 = arith.mulf %gather3A_720, %gather3A_720 : vector<16xf32>
      %add3A_732 = arith.addf %add3A_710, %mul3A_731 : vector<16xf32>
      %mul3A_733 = arith.mulf %gather3A_724, %gather3A_724 : vector<16xf32>
      %add3A_734 = arith.addf %add3A_712, %mul3A_733 : vector<16xf32>
      %add3A_735 = arith.constant 25 : i32
      %add3A_736 = vector.broadcast %add3A_735 : i32 to vector<16xi32>
      %add3A_737 = arith.addi %get3A_173, %add3A_736 : vector<16xi32>
      %gather3A_738 = tpu.vector_load_idx %arg18[%add3A_168, %add3A_737] : memref<128x128xf32, #tpu.memory_space<vmem>>[vector<16xi32>, vector<16xi32>], vector<16xf32>,
      %add3A_739 = arith.constant 25 : i32
      %add3A_740 = vector.broadcast %add3A_739 : i32 to vector<16xi32>
      %add3A_741 = arith.addi %get3A_179, %add3A_740 : vector<16xi32>
      %gather3A_742 = tpu.vector_load_idx %arg20[%add3A_168, %add3A_741] : memref<128x128xf32, #tpu.memory_space<vmem>>[vector<16xi32>, vector<16xi32>], vector<16xf32>,
      %add3A_743 = arith.constant 25 : i32
      %add3A_744 = vector.broadcast %add3A_743 : i32 to vector<16xi32>
      %add3A_745 = arith.addi %get3A_185, %add3A_744 : vector<16xi32>
      %gather3A_746 = tpu.vector_load_idx %arg22[%add3A_168, %add3A_745] : memref<128x128xf32, #tpu.memory_space<vmem>>[vector<16xi32>, vector<16xi32>], vector<16xf32>,
      %mul3A_747 = arith.mulf %gather3A_738, %gather3A_742 : vector<16xf32>
      %add3A_748 = arith.addf %add3A_726, %mul3A_747 : vector<16xf32>
      %mul3A_749 = arith.mulf %gather3A_738, %gather3A_746 : vector<16xf32>
      %add3A_750 = arith.addf %add3A_728, %mul3A_749 : vector<16xf32>
      %mul3A_751 = arith.mulf %gather3A_738, %gather3A_738 : vector<16xf32>
      %add3A_752 = arith.addf %add3A_730, %mul3A_751 : vector<16xf32>
      %mul3A_753 = arith.mulf %gather3A_742, %gather3A_742 : vector<16xf32>
      %add3A_754 = arith.addf %add3A_732, %mul3A_753 : vector<16xf32>
      %mul3A_755 = arith.mulf %gather3A_746, %gather3A_746 : vector<16xf32>
      %add3A_756 = arith.addf %add3A_734, %mul3A_755 : vector<16xf32>
      %add3A_757 = arith.constant 26 : i32
      %add3A_758 = vector.broadcast %add3A_757 : i32 to vector<16xi32>
      %add3A_759 = arith.addi %get3A_173, %add3A_758 : vector<16xi32>
      %gather3A_760 = tpu.vector_load_idx %arg18[%add3A_168, %add3A_759] : memref<128x128xf32, #tpu.memory_space<vmem>>[vector<16xi32>, vector<16xi32>], vector<16xf32>,
      %add3A_761 = arith.constant 26 : i32
      %add3A_762 = vector.broadcast %add3A_761 : i32 to vector<16xi32>
      %add3A_763 = arith.addi %get3A_179, %add3A_762 : vector<16xi32>
      %gather3A_764 = tpu.vector_load_idx %arg20[%add3A_168, %add3A_763] : memref<128x128xf32, #tpu.memory_space<vmem>>[vector<16xi32>, vector<16xi32>], vector<16xf32>,
      %add3A_765 = arith.constant 26 : i32
      %add3A_766 = vector.broadcast %add3A_765 : i32 to vector<16xi32>
      %add3A_767 = arith.addi %get3A_185, %add3A_766 : vector<16xi32>
      %gather3A_768 = tpu.vector_load_idx %arg22[%add3A_168, %add3A_767] : memref<128x128xf32, #tpu.memory_space<vmem>>[vector<16xi32>, vector<16xi32>], vector<16xf32>,
      %mul3A_769 = arith.mulf %gather3A_760, %gather3A_764 : vector<16xf32>
      %add3A_770 = arith.addf %add3A_748, %mul3A_769 : vector<16xf32>
      %mul3A_771 = arith.mulf %gather3A_760, %gather3A_768 : vector<16xf32>
      %add3A_772 = arith.addf %add3A_750, %mul3A_771 : vector<16xf32>
      %mul3A_773 = arith.mulf %gather3A_760, %gather3A_760 : vector<16xf32>
      %add3A_774 = arith.addf %add3A_752, %mul3A_773 : vector<16xf32>
      %mul3A_775 = arith.mulf %gather3A_764, %gather3A_764 : vector<16xf32>
      %add3A_776 = arith.addf %add3A_754, %mul3A_775 : vector<16xf32>
      %mul3A_777 = arith.mulf %gather3A_768, %gather3A_768 : vector<16xf32>
      %add3A_778 = arith.addf %add3A_756, %mul3A_777 : vector<16xf32>
      %add3A_779 = arith.constant 27 : i32
      %add3A_780 = vector.broadcast %add3A_779 : i32 to vector<16xi32>
      %add3A_781 = arith.addi %get3A_173, %add3A_780 : vector<16xi32>
      %gather3A_782 = tpu.vector_load_idx %arg18[%add3A_168, %add3A_781] : memref<128x128xf32, #tpu.memory_space<vmem>>[vector<16xi32>, vector<16xi32>], vector<16xf32>,
      %add3A_783 = arith.constant 27 : i32
      %add3A_784 = vector.broadcast %add3A_783 : i32 to vector<16xi32>
      %add3A_785 = arith.addi %get3A_179, %add3A_784 : vector<16xi32>
      %gather3A_786 = tpu.vector_load_idx %arg20[%add3A_168, %add3A_785] : memref<128x128xf32, #tpu.memory_space<vmem>>[vector<16xi32>, vector<16xi32>], vector<16xf32>,
      %add3A_787 = arith.constant 27 : i32
      %add3A_788 = vector.broadcast %add3A_787 : i32 to vector<16xi32>
      %add3A_789 = arith.addi %get3A_185, %add3A_788 : vector<16xi32>
      %gather3A_790 = tpu.vector_load_idx %arg22[%add3A_168, %add3A_789] : memref<128x128xf32, #tpu.memory_space<vmem>>[vector<16xi32>, vector<16xi32>], vector<16xf32>,
      %mul3A_791 = arith.mulf %gather3A_782, %gather3A_786 : vector<16xf32>
      %add3A_792 = arith.addf %add3A_770, %mul3A_791 : vector<16xf32>
      %mul3A_793 = arith.mulf %gather3A_782, %gather3A_790 : vector<16xf32>
      %add3A_794 = arith.addf %add3A_772, %mul3A_793 : vector<16xf32>
      %mul3A_795 = arith.mulf %gather3A_782, %gather3A_782 : vector<16xf32>
      %add3A_796 = arith.addf %add3A_774, %mul3A_795 : vector<16xf32>
      %mul3A_797 = arith.mulf %gather3A_786, %gather3A_786 : vector<16xf32>
      %add3A_798 = arith.addf %add3A_776, %mul3A_797 : vector<16xf32>
      %mul3A_799 = arith.mulf %gather3A_790, %gather3A_790 : vector<16xf32>
      %add3A_800 = arith.addf %add3A_778, %mul3A_799 : vector<16xf32>
      %add3A_801 = arith.constant 28 : i32
      %add3A_802 = vector.broadcast %add3A_801 : i32 to vector<16xi32>
      %add3A_803 = arith.addi %get3A_173, %add3A_802 : vector<16xi32>
      %gather3A_804 = tpu.vector_load_idx %arg18[%add3A_168, %add3A_803] : memref<128x128xf32, #tpu.memory_space<vmem>>[vector<16xi32>, vector<16xi32>], vector<16xf32>,
      %add3A_805 = arith.constant 28 : i32
      %add3A_806 = vector.broadcast %add3A_805 : i32 to vector<16xi32>
      %add3A_807 = arith.addi %get3A_179, %add3A_806 : vector<16xi32>
      %gather3A_808 = tpu.vector_load_idx %arg20[%add3A_168, %add3A_807] : memref<128x128xf32, #tpu.memory_space<vmem>>[vector<16xi32>, vector<16xi32>], vector<16xf32>,
      %add3A_809 = arith.constant 28 : i32
      %add3A_810 = vector.broadcast %add3A_809 : i32 to vector<16xi32>
      %add3A_811 = arith.addi %get3A_185, %add3A_810 : vector<16xi32>
      %gather3A_812 = tpu.vector_load_idx %arg22[%add3A_168, %add3A_811] : memref<128x128xf32, #tpu.memory_space<vmem>>[vector<16xi32>, vector<16xi32>], vector<16xf32>,
      %mul3A_813 = arith.mulf %gather3A_804, %gather3A_808 : vector<16xf32>
      %add3A_814 = arith.addf %add3A_792, %mul3A_813 : vector<16xf32>
      %mul3A_815 = arith.mulf %gather3A_804, %gather3A_812 : vector<16xf32>
      %add3A_816 = arith.addf %add3A_794, %mul3A_815 : vector<16xf32>
      %mul3A_817 = arith.mulf %gather3A_804, %gather3A_804 : vector<16xf32>
      %add3A_818 = arith.addf %add3A_796, %mul3A_817 : vector<16xf32>
      %mul3A_819 = arith.mulf %gather3A_808, %gather3A_808 : vector<16xf32>
      %add3A_820 = arith.addf %add3A_798, %mul3A_819 : vector<16xf32>
      %mul3A_821 = arith.mulf %gather3A_812, %gather3A_812 : vector<16xf32>
      %add3A_822 = arith.addf %add3A_800, %mul3A_821 : vector<16xf32>
      %add3A_823 = arith.constant 29 : i32
      %add3A_824 = vector.broadcast %add3A_823 : i32 to vector<16xi32>
      %add3A_825 = arith.addi %get3A_173, %add3A_824 : vector<16xi32>
      %gather3A_826 = tpu.vector_load_idx %arg18[%add3A_168, %add3A_825] : memref<128x128xf32, #tpu.memory_space<vmem>>[vector<16xi32>, vector<16xi32>], vector<16xf32>,
      %add3A_827 = arith.constant 29 : i32
      %add3A_828 = vector.broadcast %add3A_827 : i32 to vector<16xi32>
      %add3A_829 = arith.addi %get3A_179, %add3A_828 : vector<16xi32>
      %gather3A_830 = tpu.vector_load_idx %arg20[%add3A_168, %add3A_829] : memref<128x128xf32, #tpu.memory_space<vmem>>[vector<16xi32>, vector<16xi32>], vector<16xf32>,
      %add3A_831 = arith.constant 29 : i32
      %add3A_832 = vector.broadcast %add3A_831 : i32 to vector<16xi32>
      %add3A_833 = arith.addi %get3A_185, %add3A_832 : vector<16xi32>
      %gather3A_834 = tpu.vector_load_idx %arg22[%add3A_168, %add3A_833] : memref<128x128xf32, #tpu.memory_space<vmem>>[vector<16xi32>, vector<16xi32>], vector<16xf32>,
      %mul3A_835 = arith.mulf %gather3A_826, %gather3A_830 : vector<16xf32>
      %add3A_836 = arith.addf %add3A_814, %mul3A_835 : vector<16xf32>
      %mul3A_837 = arith.mulf %gather3A_826, %gather3A_834 : vector<16xf32>
      %add3A_838 = arith.addf %add3A_816, %mul3A_837 : vector<16xf32>
      %mul3A_839 = arith.mulf %gather3A_826, %gather3A_826 : vector<16xf32>
      %add3A_840 = arith.addf %add3A_818, %mul3A_839 : vector<16xf32>
      %mul3A_841 = arith.mulf %gather3A_830, %gather3A_830 : vector<16xf32>
      %add3A_842 = arith.addf %add3A_820, %mul3A_841 : vector<16xf32>
      %mul3A_843 = arith.mulf %gather3A_834, %gather3A_834 : vector<16xf32>
      %add3A_844 = arith.addf %add3A_822, %mul3A_843 : vector<16xf32>
      %add3A_845 = arith.constant 30 : i32
      %add3A_846 = vector.broadcast %add3A_845 : i32 to vector<16xi32>
      %add3A_847 = arith.addi %get3A_173, %add3A_846 : vector<16xi32>
      %gather3A_848 = tpu.vector_load_idx %arg18[%add3A_168, %add3A_847] : memref<128x128xf32, #tpu.memory_space<vmem>>[vector<16xi32>, vector<16xi32>], vector<16xf32>,
      %add3A_849 = arith.constant 30 : i32
      %add3A_850 = vector.broadcast %add3A_849 : i32 to vector<16xi32>
      %add3A_851 = arith.addi %get3A_179, %add3A_850 : vector<16xi32>
      %gather3A_852 = tpu.vector_load_idx %arg20[%add3A_168, %add3A_851] : memref<128x128xf32, #tpu.memory_space<vmem>>[vector<16xi32>, vector<16xi32>], vector<16xf32>,
      %add3A_853 = arith.constant 30 : i32
      %add3A_854 = vector.broadcast %add3A_853 : i32 to vector<16xi32>
      %add3A_855 = arith.addi %get3A_185, %add3A_854 : vector<16xi32>
      %gather3A_856 = tpu.vector_load_idx %arg22[%add3A_168, %add3A_855] : memref<128x128xf32, #tpu.memory_space<vmem>>[vector<16xi32>, vector<16xi32>], vector<16xf32>,
      %mul3A_857 = arith.mulf %gather3A_848, %gather3A_852 : vector<16xf32>
      %add3A_858 = arith.addf %add3A_836, %mul3A_857 : vector<16xf32>
      %mul3A_859 = arith.mulf %gather3A_848, %gather3A_856 : vector<16xf32>
      %add3A_860 = arith.addf %add3A_838, %mul3A_859 : vector<16xf32>
      %mul3A_861 = arith.mulf %gather3A_848, %gather3A_848 : vector<16xf32>
      %add3A_862 = arith.addf %add3A_840, %mul3A_861 : vector<16xf32>
      %mul3A_863 = arith.mulf %gather3A_852, %gather3A_852 : vector<16xf32>
      %add3A_864 = arith.addf %add3A_842, %mul3A_863 : vector<16xf32>
      %mul3A_865 = arith.mulf %gather3A_856, %gather3A_856 : vector<16xf32>
      %add3A_866 = arith.addf %add3A_844, %mul3A_865 : vector<16xf32>
      %add3A_867 = arith.constant 31 : i32
      %add3A_868 = vector.broadcast %add3A_867 : i32 to vector<16xi32>
      %add3A_869 = arith.addi %get3A_173, %add3A_868 : vector<16xi32>
      %gather3A_870 = tpu.vector_load_idx %arg18[%add3A_168, %add3A_869] : memref<128x128xf32, #tpu.memory_space<vmem>>[vector<16xi32>, vector<16xi32>], vector<16xf32>,
      %add3A_871 = arith.constant 31 : i32
      %add3A_872 = vector.broadcast %add3A_871 : i32 to vector<16xi32>
      %add3A_873 = arith.addi %get3A_179, %add3A_872 : vector<16xi32>
      %gather3A_874 = tpu.vector_load_idx %arg20[%add3A_168, %add3A_873] : memref<128x128xf32, #tpu.memory_space<vmem>>[vector<16xi32>, vector<16xi32>], vector<16xf32>,
      %add3A_875 = arith.constant 31 : i32
      %add3A_876 = vector.broadcast %add3A_875 : i32 to vector<16xi32>
      %add3A_877 = arith.addi %get3A_185, %add3A_876 : vector<16xi32>
      %gather3A_878 = tpu.vector_load_idx %arg22[%add3A_168, %add3A_877] : memref<128x128xf32, #tpu.memory_space<vmem>>[vector<16xi32>, vector<16xi32>], vector<16xf32>,
      %mul3A_879 = arith.mulf %gather3A_870, %gather3A_874 : vector<16xf32>
      %add3A_880 = arith.addf %add3A_858, %mul3A_879 : vector<16xf32>
      %mul3A_881 = arith.mulf %gather3A_870, %gather3A_878 : vector<16xf32>
      %add3A_882 = arith.addf %add3A_860, %mul3A_881 : vector<16xf32>
      %mul3A_883 = arith.mulf %gather3A_870, %gather3A_870 : vector<16xf32>
      %add3A_884 = arith.addf %add3A_862, %mul3A_883 : vector<16xf32>
      %mul3A_885 = arith.mulf %gather3A_874, %gather3A_874 : vector<16xf32>
      %add3A_886 = arith.addf %add3A_864, %mul3A_885 : vector<16xf32>
      %mul3A_887 = arith.mulf %gather3A_878, %gather3A_878 : vector<16xf32>
      %add3A_888 = arith.addf %add3A_866, %mul3A_887 : vector<16xf32>
      %sub3A = arith.subf %add3A_880, %add3A_882 : vector<16xf32>
      %mul3A_889 = arith.constant 16 : i32
      %mul3A_890 = arith.muli %scan3A_161, %mul3A_889 : i32
      %add3A_891 = arith.constant 0 : i32
      %add3A_892 = arith.addi %add3A_891, %mul3A_890 : i32
      %swap3A_893 = arith.index_cast %add3A_892 : i32 to index
      %swap3A_894 = tpu.vector_load %arg24[%swap3A_893] {strides = array<i32>} : memref<512xf32, #tpu.memory_space<vmem>>, vector<16xf32>,
      tpu.vector_store %arg24[%swap3A_893], %sub3A {strides = array<i32>} : memref<512xf32, #tpu.memory_space<vmem>>, vector<16xf32>,
      scf.yield %add3A_884, %add3A_886, %add3A_888 : vector<16xf32>, vector<16xf32>, vector<16xf32>
    }
    %scan3A_58 = arith.constant 8 : i32
    %dma_wait3A_59 = arith.constant 128 : i32
    %dma_wait3A_60 = tpu.memref_slice %arg12[%dma_wait3A_59] : memref<512xi32, #tpu.memory_space<vmem>> -> memref<128xi32, #tpu.memory_space<vmem>>
    %dma_wait3A_61 = arith.constant 0 : i32
    %dma_wait3A_62 = arith.constant 0 : i32
    %dma_wait3A_63 = tpu.memref_slice %arg5[%dma_wait3A_61, %dma_wait3A_62] : memref<250000x128xf32, #tpu.memory_space<hbm>> -> memref<250000x128xf32, #tpu.memory_space<hbm>>
    tpu.wait_indirect_dma semaphore(%arg26 : memref<!tpu.dma_semaphore, #tpu.memory_space<semaphore_mem>>) src(%dma_wait3A_63 : memref<250000x128xf32, #tpu.memory_space<hbm>>) dst(%arg19 : memref<128x128xf32, #tpu.memory_space<vmem>>)
    %dma_wait3A_64 = arith.constant 128 : i32
    %dma_wait3A_65 = tpu.memref_slice %arg13[%dma_wait3A_64] : memref<512xi32, #tpu.memory_space<vmem>> -> memref<128xi32, #tpu.memory_space<vmem>>
    %dma_wait3A_66 = arith.constant 0 : i32
    %dma_wait3A_67 = arith.constant 0 : i32
    %dma_wait3A_68 = tpu.memref_slice %arg6[%dma_wait3A_66, %dma_wait3A_67] : memref<250000x128xf32, #tpu.memory_space<hbm>> -> memref<250000x128xf32, #tpu.memory_space<hbm>>
    tpu.wait_indirect_dma semaphore(%arg26 : memref<!tpu.dma_semaphore, #tpu.memory_space<semaphore_mem>>) src(%dma_wait3A_68 : memref<250000x128xf32, #tpu.memory_space<hbm>>) dst(%arg21 : memref<128x128xf32, #tpu.memory_space<vmem>>)
    %dma_wait3A_69 = arith.constant 128 : i32
    %dma_wait3A_70 = tpu.memref_slice %arg14[%dma_wait3A_69] : memref<512xi32, #tpu.memory_space<vmem>> -> memref<128xi32, #tpu.memory_space<vmem>>
    %dma_wait3A_71 = arith.constant 0 : i32
    %dma_wait3A_72 = arith.constant 0 : i32
    %dma_wait3A_73 = tpu.memref_slice %arg6[%dma_wait3A_71, %dma_wait3A_72] : memref<250000x128xf32, #tpu.memory_space<hbm>> -> memref<250000x128xf32, #tpu.memory_space<hbm>>
    tpu.wait_indirect_dma semaphore(%arg26 : memref<!tpu.dma_semaphore, #tpu.memory_space<semaphore_mem>>) src(%dma_wait3A_73 : memref<250000x128xf32, #tpu.memory_space<hbm>>) dst(%arg23 : memref<128x128xf32, #tpu.memory_space<vmem>>)
    %dma_start3A_74 = arith.constant 256 : i32
    %dma_start3A_75 = tpu.memref_slice %arg12[%dma_start3A_74] : memref<512xi32, #tpu.memory_space<vmem>> -> memref<128xi32, #tpu.memory_space<vmem>>
    %dma_start3A_76 = arith.constant 0 : i32
    %dma_start3A_77 = arith.constant 0 : i32
    %dma_start3A_78 = tpu.memref_slice %arg5[%dma_start3A_76, %dma_start3A_77] : memref<250000x128xf32, #tpu.memory_space<hbm>> -> memref<250000x128xf32, #tpu.memory_space<hbm>>
    tpu.enqueue_indirect_dma source(%dma_start3A_78 : memref<250000x128xf32, #tpu.memory_space<hbm>>) target(%arg18 : memref<128x128xf32, #tpu.memory_space<vmem>>) offsets(%dma_start3A_75 : memref<128xi32, #tpu.memory_space<vmem>>) semaphore(%arg26 : memref<!tpu.dma_semaphore, #tpu.memory_space<semaphore_mem>>)
    %dma_start3A_79 = arith.constant 256 : i32
    %dma_start3A_80 = tpu.memref_slice %arg13[%dma_start3A_79] : memref<512xi32, #tpu.memory_space<vmem>> -> memref<128xi32, #tpu.memory_space<vmem>>
    %dma_start3A_81 = arith.constant 0 : i32
    %dma_start3A_82 = arith.constant 0 : i32
    %dma_start3A_83 = tpu.memref_slice %arg6[%dma_start3A_81, %dma_start3A_82] : memref<250000x128xf32, #tpu.memory_space<hbm>> -> memref<250000x128xf32, #tpu.memory_space<hbm>>
    tpu.enqueue_indirect_dma source(%dma_start3A_83 : memref<250000x128xf32, #tpu.memory_space<hbm>>) target(%arg20 : memref<128x128xf32, #tpu.memory_space<vmem>>) offsets(%dma_start3A_80 : memref<128xi32, #tpu.memory_space<vmem>>) semaphore(%arg26 : memref<!tpu.dma_semaphore, #tpu.memory_space<semaphore_mem>>)
    %dma_start3A_84 = arith.constant 256 : i32
    %dma_start3A_85 = tpu.memref_slice %arg14[%dma_start3A_84] : memref<512xi32, #tpu.memory_space<vmem>> -> memref<128xi32, #tpu.memory_space<vmem>>
    %dma_start3A_86 = arith.constant 0 : i32
    %dma_start3A_87 = arith.constant 0 : i32
    %dma_start3A_88 = tpu.memref_slice %arg6[%dma_start3A_86, %dma_start3A_87] : memref<250000x128xf32, #tpu.memory_space<hbm>> -> memref<250000x128xf32, #tpu.memory_space<hbm>>
    tpu.enqueue_indirect_dma source(%dma_start3A_88 : memref<250000x128xf32, #tpu.memory_space<hbm>>) target(%arg22 : memref<128x128xf32, #tpu.memory_space<vmem>>) offsets(%dma_start3A_85 : memref<128xi32, #tpu.memory_space<vmem>>) semaphore(%arg26 : memref<!tpu.dma_semaphore, #tpu.memory_space<semaphore_mem>>)
    %scan3A_89 = arith.constant 0 : i32
    %scan3A_90 = arith.constant 8 : i32
    %scan3A_91 = arith.addi %scan3A_89, %scan3A_90 : i32
    %scan3A_92 = arith.constant 1 : i32
    %scan3A_93:3 = scf.for %scan3A_161 = %scan3A_89 to %scan3A_91 step %scan3A_92 iter_args(%scan3A_162 = %scan3A_57#0, %scan3A_163 = %scan3A_57#1, %scan3A_164 = %scan3A_57#2) -> (vector<16xf32>, vector<16xf32>, vector<16xf32>)  : i32 {
      %mul3A_165 = arith.constant 16 : i32
      %mul3A_166 = arith.muli %scan3A_161, %mul3A_165 : i32
      %add3A_167 = vector.broadcast %mul3A_166 : i32 to vector<16xi32>
      %add3A_168 = arith.addi %add3A_167, %iota3A : vector<16xi32>
      %mul3A_169 = arith.constant 16 : i32
      %mul3A_170 = arith.muli %scan3A_161, %mul3A_169 : i32
      %add3A_171 = arith.constant 128 : i32
      %add3A_172 = arith.addi %add3A_171, %mul3A_170 : i32
      %get3A = arith.index_cast %add3A_172 : i32 to index
      %get3A_173 = tpu.vector_load %arg15[%get3A] {strides = array<i32>} : memref<512xi32, #tpu.memory_space<vmem>>, vector<16xi32>,
      %mul3A_174 = arith.constant 16 : i32
      %mul3A_175 = arith.muli %scan3A_161, %mul3A_174 : i32
      %add3A_176 = arith.constant 128 : i32
      %add3A_177 = arith.addi %add3A_176, %mul3A_175 : i32
      %get3A_178 = arith.index_cast %add3A_177 : i32 to index
      %get3A_179 = tpu.vector_load %arg16[%get3A_178] {strides = array<i32>} : memref<512xi32, #tpu.memory_space<vmem>>, vector<16xi32>,
      %mul3A_180 = arith.constant 16 : i32
      %mul3A_181 = arith.muli %scan3A_161, %mul3A_180 : i32
      %add3A_182 = arith.constant 128 : i32
      %add3A_183 = arith.addi %add3A_182, %mul3A_181 : i32
      %get3A_184 = arith.index_cast %add3A_183 : i32 to index
      %get3A_185 = tpu.vector_load %arg17[%get3A_184] {strides = array<i32>} : memref<512xi32, #tpu.memory_space<vmem>>, vector<16xi32>,
      %add3A_186 = arith.constant 0 : i32
      %add3A_187 = vector.broadcast %add3A_186 : i32 to vector<16xi32>
      %add3A_188 = arith.addi %get3A_173, %add3A_187 : vector<16xi32>
      %gather3A = tpu.vector_load_idx %arg19[%add3A_168, %add3A_188] : memref<128x128xf32, #tpu.memory_space<vmem>>[vector<16xi32>, vector<16xi32>], vector<16xf32>,
      %add3A_189 = arith.constant 0 : i32
      %add3A_190 = vector.broadcast %add3A_189 : i32 to vector<16xi32>
      %add3A_191 = arith.addi %get3A_179, %add3A_190 : vector<16xi32>
      %gather3A_192 = tpu.vector_load_idx %arg21[%add3A_168, %add3A_191] : memref<128x128xf32, #tpu.memory_space<vmem>>[vector<16xi32>, vector<16xi32>], vector<16xf32>,
      %add3A_193 = arith.constant 0 : i32
      %add3A_194 = vector.broadcast %add3A_193 : i32 to vector<16xi32>
      %add3A_195 = arith.addi %get3A_185, %add3A_194 : vector<16xi32>
      %gather3A_196 = tpu.vector_load_idx %arg23[%add3A_168, %add3A_195] : memref<128x128xf32, #tpu.memory_space<vmem>>[vector<16xi32>, vector<16xi32>], vector<16xf32>,
      %mul3A_197 = arith.mulf %gather3A, %gather3A_192 : vector<16xf32>
      %add3A_198 = arith.addf %broadcast_in_dim3A_9, %mul3A_197 : vector<16xf32>
      %mul3A_199 = arith.mulf %gather3A, %gather3A_196 : vector<16xf32>
      %add3A_200 = arith.addf %broadcast_in_dim3A_9, %mul3A_199 : vector<16xf32>
      %mul3A_201 = arith.mulf %gather3A, %gather3A : vector<16xf32>
      %add3A_202 = arith.addf %scan3A_162, %mul3A_201 : vector<16xf32>
      %mul3A_203 = arith.mulf %gather3A_192, %gather3A_192 : vector<16xf32>
      %add3A_204 = arith.addf %scan3A_163, %mul3A_203 : vector<16xf32>
      %mul3A_205 = arith.mulf %gather3A_196, %gather3A_196 : vector<16xf32>
      %add3A_206 = arith.addf %scan3A_164, %mul3A_205 : vector<16xf32>
      %add3A_207 = arith.constant 1 : i32
      %add3A_208 = vector.broadcast %add3A_207 : i32 to vector<16xi32>
      %add3A_209 = arith.addi %get3A_173, %add3A_208 : vector<16xi32>
      %gather3A_210 = tpu.vector_load_idx %arg19[%add3A_168, %add3A_209] : memref<128x128xf32, #tpu.memory_space<vmem>>[vector<16xi32>, vector<16xi32>], vector<16xf32>,
      %add3A_211 = arith.constant 1 : i32
      %add3A_212 = vector.broadcast %add3A_211 : i32 to vector<16xi32>
      %add3A_213 = arith.addi %get3A_179, %add3A_212 : vector<16xi32>
      %gather3A_214 = tpu.vector_load_idx %arg21[%add3A_168, %add3A_213] : memref<128x128xf32, #tpu.memory_space<vmem>>[vector<16xi32>, vector<16xi32>], vector<16xf32>,
      %add3A_215 = arith.constant 1 : i32
      %add3A_216 = vector.broadcast %add3A_215 : i32 to vector<16xi32>
      %add3A_217 = arith.addi %get3A_185, %add3A_216 : vector<16xi32>
      %gather3A_218 = tpu.vector_load_idx %arg23[%add3A_168, %add3A_217] : memref<128x128xf32, #tpu.memory_space<vmem>>[vector<16xi32>, vector<16xi32>], vector<16xf32>,
      %mul3A_219 = arith.mulf %gather3A_210, %gather3A_214 : vector<16xf32>
      %add3A_220 = arith.addf %add3A_198, %mul3A_219 : vector<16xf32>
      %mul3A_221 = arith.mulf %gather3A_210, %gather3A_218 : vector<16xf32>
      %add3A_222 = arith.addf %add3A_200, %mul3A_221 : vector<16xf32>
      %mul3A_223 = arith.mulf %gather3A_210, %gather3A_210 : vector<16xf32>
      %add3A_224 = arith.addf %add3A_202, %mul3A_223 : vector<16xf32>
      %mul3A_225 = arith.mulf %gather3A_214, %gather3A_214 : vector<16xf32>
      %add3A_226 = arith.addf %add3A_204, %mul3A_225 : vector<16xf32>
      %mul3A_227 = arith.mulf %gather3A_218, %gather3A_218 : vector<16xf32>
      %add3A_228 = arith.addf %add3A_206, %mul3A_227 : vector<16xf32>
      %add3A_229 = arith.constant 2 : i32
      %add3A_230 = vector.broadcast %add3A_229 : i32 to vector<16xi32>
      %add3A_231 = arith.addi %get3A_173, %add3A_230 : vector<16xi32>
      %gather3A_232 = tpu.vector_load_idx %arg19[%add3A_168, %add3A_231] : memref<128x128xf32, #tpu.memory_space<vmem>>[vector<16xi32>, vector<16xi32>], vector<16xf32>,
      %add3A_233 = arith.constant 2 : i32
      %add3A_234 = vector.broadcast %add3A_233 : i32 to vector<16xi32>
      %add3A_235 = arith.addi %get3A_179, %add3A_234 : vector<16xi32>
      %gather3A_236 = tpu.vector_load_idx %arg21[%add3A_168, %add3A_235] : memref<128x128xf32, #tpu.memory_space<vmem>>[vector<16xi32>, vector<16xi32>], vector<16xf32>,
      %add3A_237 = arith.constant 2 : i32
      %add3A_238 = vector.broadcast %add3A_237 : i32 to vector<16xi32>
      %add3A_239 = arith.addi %get3A_185, %add3A_238 : vector<16xi32>
      %gather3A_240 = tpu.vector_load_idx %arg23[%add3A_168, %add3A_239] : memref<128x128xf32, #tpu.memory_space<vmem>>[vector<16xi32>, vector<16xi32>], vector<16xf32>,
      %mul3A_241 = arith.mulf %gather3A_232, %gather3A_236 : vector<16xf32>
      %add3A_242 = arith.addf %add3A_220, %mul3A_241 : vector<16xf32>
      %mul3A_243 = arith.mulf %gather3A_232, %gather3A_240 : vector<16xf32>
      %add3A_244 = arith.addf %add3A_222, %mul3A_243 : vector<16xf32>
      %mul3A_245 = arith.mulf %gather3A_232, %gather3A_232 : vector<16xf32>
      %add3A_246 = arith.addf %add3A_224, %mul3A_245 : vector<16xf32>
      %mul3A_247 = arith.mulf %gather3A_236, %gather3A_236 : vector<16xf32>
      %add3A_248 = arith.addf %add3A_226, %mul3A_247 : vector<16xf32>
      %mul3A_249 = arith.mulf %gather3A_240, %gather3A_240 : vector<16xf32>
      %add3A_250 = arith.addf %add3A_228, %mul3A_249 : vector<16xf32>
      %add3A_251 = arith.constant 3 : i32
      %add3A_252 = vector.broadcast %add3A_251 : i32 to vector<16xi32>
      %add3A_253 = arith.addi %get3A_173, %add3A_252 : vector<16xi32>
      %gather3A_254 = tpu.vector_load_idx %arg19[%add3A_168, %add3A_253] : memref<128x128xf32, #tpu.memory_space<vmem>>[vector<16xi32>, vector<16xi32>], vector<16xf32>,
      %add3A_255 = arith.constant 3 : i32
      %add3A_256 = vector.broadcast %add3A_255 : i32 to vector<16xi32>
      %add3A_257 = arith.addi %get3A_179, %add3A_256 : vector<16xi32>
      %gather3A_258 = tpu.vector_load_idx %arg21[%add3A_168, %add3A_257] : memref<128x128xf32, #tpu.memory_space<vmem>>[vector<16xi32>, vector<16xi32>], vector<16xf32>,
      %add3A_259 = arith.constant 3 : i32
      %add3A_260 = vector.broadcast %add3A_259 : i32 to vector<16xi32>
      %add3A_261 = arith.addi %get3A_185, %add3A_260 : vector<16xi32>
      %gather3A_262 = tpu.vector_load_idx %arg23[%add3A_168, %add3A_261] : memref<128x128xf32, #tpu.memory_space<vmem>>[vector<16xi32>, vector<16xi32>], vector<16xf32>,
      %mul3A_263 = arith.mulf %gather3A_254, %gather3A_258 : vector<16xf32>
      %add3A_264 = arith.addf %add3A_242, %mul3A_263 : vector<16xf32>
      %mul3A_265 = arith.mulf %gather3A_254, %gather3A_262 : vector<16xf32>
      %add3A_266 = arith.addf %add3A_244, %mul3A_265 : vector<16xf32>
      %mul3A_267 = arith.mulf %gather3A_254, %gather3A_254 : vector<16xf32>
      %add3A_268 = arith.addf %add3A_246, %mul3A_267 : vector<16xf32>
      %mul3A_269 = arith.mulf %gather3A_258, %gather3A_258 : vector<16xf32>
      %add3A_270 = arith.addf %add3A_248, %mul3A_269 : vector<16xf32>
      %mul3A_271 = arith.mulf %gather3A_262, %gather3A_262 : vector<16xf32>
      %add3A_272 = arith.addf %add3A_250, %mul3A_271 : vector<16xf32>
      %add3A_273 = arith.constant 4 : i32
      %add3A_274 = vector.broadcast %add3A_273 : i32 to vector<16xi32>
      %add3A_275 = arith.addi %get3A_173, %add3A_274 : vector<16xi32>
      %gather3A_276 = tpu.vector_load_idx %arg19[%add3A_168, %add3A_275] : memref<128x128xf32, #tpu.memory_space<vmem>>[vector<16xi32>, vector<16xi32>], vector<16xf32>,
      %add3A_277 = arith.constant 4 : i32
      %add3A_278 = vector.broadcast %add3A_277 : i32 to vector<16xi32>
      %add3A_279 = arith.addi %get3A_179, %add3A_278 : vector<16xi32>
      %gather3A_280 = tpu.vector_load_idx %arg21[%add3A_168, %add3A_279] : memref<128x128xf32, #tpu.memory_space<vmem>>[vector<16xi32>, vector<16xi32>], vector<16xf32>,
      %add3A_281 = arith.constant 4 : i32
      %add3A_282 = vector.broadcast %add3A_281 : i32 to vector<16xi32>
      %add3A_283 = arith.addi %get3A_185, %add3A_282 : vector<16xi32>
      %gather3A_284 = tpu.vector_load_idx %arg23[%add3A_168, %add3A_283] : memref<128x128xf32, #tpu.memory_space<vmem>>[vector<16xi32>, vector<16xi32>], vector<16xf32>,
      %mul3A_285 = arith.mulf %gather3A_276, %gather3A_280 : vector<16xf32>
      %add3A_286 = arith.addf %add3A_264, %mul3A_285 : vector<16xf32>
      %mul3A_287 = arith.mulf %gather3A_276, %gather3A_284 : vector<16xf32>
      %add3A_288 = arith.addf %add3A_266, %mul3A_287 : vector<16xf32>
      %mul3A_289 = arith.mulf %gather3A_276, %gather3A_276 : vector<16xf32>
      %add3A_290 = arith.addf %add3A_268, %mul3A_289 : vector<16xf32>
      %mul3A_291 = arith.mulf %gather3A_280, %gather3A_280 : vector<16xf32>
      %add3A_292 = arith.addf %add3A_270, %mul3A_291 : vector<16xf32>
      %mul3A_293 = arith.mulf %gather3A_284, %gather3A_284 : vector<16xf32>
      %add3A_294 = arith.addf %add3A_272, %mul3A_293 : vector<16xf32>
      %add3A_295 = arith.constant 5 : i32
      %add3A_296 = vector.broadcast %add3A_295 : i32 to vector<16xi32>
      %add3A_297 = arith.addi %get3A_173, %add3A_296 : vector<16xi32>
      %gather3A_298 = tpu.vector_load_idx %arg19[%add3A_168, %add3A_297] : memref<128x128xf32, #tpu.memory_space<vmem>>[vector<16xi32>, vector<16xi32>], vector<16xf32>,
      %add3A_299 = arith.constant 5 : i32
      %add3A_300 = vector.broadcast %add3A_299 : i32 to vector<16xi32>
      %add3A_301 = arith.addi %get3A_179, %add3A_300 : vector<16xi32>
      %gather3A_302 = tpu.vector_load_idx %arg21[%add3A_168, %add3A_301] : memref<128x128xf32, #tpu.memory_space<vmem>>[vector<16xi32>, vector<16xi32>], vector<16xf32>,
      %add3A_303 = arith.constant 5 : i32
      %add3A_304 = vector.broadcast %add3A_303 : i32 to vector<16xi32>
      %add3A_305 = arith.addi %get3A_185, %add3A_304 : vector<16xi32>
      %gather3A_306 = tpu.vector_load_idx %arg23[%add3A_168, %add3A_305] : memref<128x128xf32, #tpu.memory_space<vmem>>[vector<16xi32>, vector<16xi32>], vector<16xf32>,
      %mul3A_307 = arith.mulf %gather3A_298, %gather3A_302 : vector<16xf32>
      %add3A_308 = arith.addf %add3A_286, %mul3A_307 : vector<16xf32>
      %mul3A_309 = arith.mulf %gather3A_298, %gather3A_306 : vector<16xf32>
      %add3A_310 = arith.addf %add3A_288, %mul3A_309 : vector<16xf32>
      %mul3A_311 = arith.mulf %gather3A_298, %gather3A_298 : vector<16xf32>
      %add3A_312 = arith.addf %add3A_290, %mul3A_311 : vector<16xf32>
      %mul3A_313 = arith.mulf %gather3A_302, %gather3A_302 : vector<16xf32>
      %add3A_314 = arith.addf %add3A_292, %mul3A_313 : vector<16xf32>
      %mul3A_315 = arith.mulf %gather3A_306, %gather3A_306 : vector<16xf32>
      %add3A_316 = arith.addf %add3A_294, %mul3A_315 : vector<16xf32>
      %add3A_317 = arith.constant 6 : i32
      %add3A_318 = vector.broadcast %add3A_317 : i32 to vector<16xi32>
      %add3A_319 = arith.addi %get3A_173, %add3A_318 : vector<16xi32>
      %gather3A_320 = tpu.vector_load_idx %arg19[%add3A_168, %add3A_319] : memref<128x128xf32, #tpu.memory_space<vmem>>[vector<16xi32>, vector<16xi32>], vector<16xf32>,
      %add3A_321 = arith.constant 6 : i32
      %add3A_322 = vector.broadcast %add3A_321 : i32 to vector<16xi32>
      %add3A_323 = arith.addi %get3A_179, %add3A_322 : vector<16xi32>
      %gather3A_324 = tpu.vector_load_idx %arg21[%add3A_168, %add3A_323] : memref<128x128xf32, #tpu.memory_space<vmem>>[vector<16xi32>, vector<16xi32>], vector<16xf32>,
      %add3A_325 = arith.constant 6 : i32
      %add3A_326 = vector.broadcast %add3A_325 : i32 to vector<16xi32>
      %add3A_327 = arith.addi %get3A_185, %add3A_326 : vector<16xi32>
      %gather3A_328 = tpu.vector_load_idx %arg23[%add3A_168, %add3A_327] : memref<128x128xf32, #tpu.memory_space<vmem>>[vector<16xi32>, vector<16xi32>], vector<16xf32>,
      %mul3A_329 = arith.mulf %gather3A_320, %gather3A_324 : vector<16xf32>
      %add3A_330 = arith.addf %add3A_308, %mul3A_329 : vector<16xf32>
      %mul3A_331 = arith.mulf %gather3A_320, %gather3A_328 : vector<16xf32>
      %add3A_332 = arith.addf %add3A_310, %mul3A_331 : vector<16xf32>
      %mul3A_333 = arith.mulf %gather3A_320, %gather3A_320 : vector<16xf32>
      %add3A_334 = arith.addf %add3A_312, %mul3A_333 : vector<16xf32>
      %mul3A_335 = arith.mulf %gather3A_324, %gather3A_324 : vector<16xf32>
      %add3A_336 = arith.addf %add3A_314, %mul3A_335 : vector<16xf32>
      %mul3A_337 = arith.mulf %gather3A_328, %gather3A_328 : vector<16xf32>
      %add3A_338 = arith.addf %add3A_316, %mul3A_337 : vector<16xf32>
      %add3A_339 = arith.constant 7 : i32
      %add3A_340 = vector.broadcast %add3A_339 : i32 to vector<16xi32>
      %add3A_341 = arith.addi %get3A_173, %add3A_340 : vector<16xi32>
      %gather3A_342 = tpu.vector_load_idx %arg19[%add3A_168, %add3A_341] : memref<128x128xf32, #tpu.memory_space<vmem>>[vector<16xi32>, vector<16xi32>], vector<16xf32>,
      %add3A_343 = arith.constant 7 : i32
      %add3A_344 = vector.broadcast %add3A_343 : i32 to vector<16xi32>
      %add3A_345 = arith.addi %get3A_179, %add3A_344 : vector<16xi32>
      %gather3A_346 = tpu.vector_load_idx %arg21[%add3A_168, %add3A_345] : memref<128x128xf32, #tpu.memory_space<vmem>>[vector<16xi32>, vector<16xi32>], vector<16xf32>,
      %add3A_347 = arith.constant 7 : i32
      %add3A_348 = vector.broadcast %add3A_347 : i32 to vector<16xi32>
      %add3A_349 = arith.addi %get3A_185, %add3A_348 : vector<16xi32>
      %gather3A_350 = tpu.vector_load_idx %arg23[%add3A_168, %add3A_349] : memref<128x128xf32, #tpu.memory_space<vmem>>[vector<16xi32>, vector<16xi32>], vector<16xf32>,
      %mul3A_351 = arith.mulf %gather3A_342, %gather3A_346 : vector<16xf32>
      %add3A_352 = arith.addf %add3A_330, %mul3A_351 : vector<16xf32>
      %mul3A_353 = arith.mulf %gather3A_342, %gather3A_350 : vector<16xf32>
      %add3A_354 = arith.addf %add3A_332, %mul3A_353 : vector<16xf32>
      %mul3A_355 = arith.mulf %gather3A_342, %gather3A_342 : vector<16xf32>
      %add3A_356 = arith.addf %add3A_334, %mul3A_355 : vector<16xf32>
      %mul3A_357 = arith.mulf %gather3A_346, %gather3A_346 : vector<16xf32>
      %add3A_358 = arith.addf %add3A_336, %mul3A_357 : vector<16xf32>
      %mul3A_359 = arith.mulf %gather3A_350, %gather3A_350 : vector<16xf32>
      %add3A_360 = arith.addf %add3A_338, %mul3A_359 : vector<16xf32>
      %add3A_361 = arith.constant 8 : i32
      %add3A_362 = vector.broadcast %add3A_361 : i32 to vector<16xi32>
      %add3A_363 = arith.addi %get3A_173, %add3A_362 : vector<16xi32>
      %gather3A_364 = tpu.vector_load_idx %arg19[%add3A_168, %add3A_363] : memref<128x128xf32, #tpu.memory_space<vmem>>[vector<16xi32>, vector<16xi32>], vector<16xf32>,
      %add3A_365 = arith.constant 8 : i32
      %add3A_366 = vector.broadcast %add3A_365 : i32 to vector<16xi32>
      %add3A_367 = arith.addi %get3A_179, %add3A_366 : vector<16xi32>
      %gather3A_368 = tpu.vector_load_idx %arg21[%add3A_168, %add3A_367] : memref<128x128xf32, #tpu.memory_space<vmem>>[vector<16xi32>, vector<16xi32>], vector<16xf32>,
      %add3A_369 = arith.constant 8 : i32
      %add3A_370 = vector.broadcast %add3A_369 : i32 to vector<16xi32>
      %add3A_371 = arith.addi %get3A_185, %add3A_370 : vector<16xi32>
      %gather3A_372 = tpu.vector_load_idx %arg23[%add3A_168, %add3A_371] : memref<128x128xf32, #tpu.memory_space<vmem>>[vector<16xi32>, vector<16xi32>], vector<16xf32>,
      %mul3A_373 = arith.mulf %gather3A_364, %gather3A_368 : vector<16xf32>
      %add3A_374 = arith.addf %add3A_352, %mul3A_373 : vector<16xf32>
      %mul3A_375 = arith.mulf %gather3A_364, %gather3A_372 : vector<16xf32>
      %add3A_376 = arith.addf %add3A_354, %mul3A_375 : vector<16xf32>
      %mul3A_377 = arith.mulf %gather3A_364, %gather3A_364 : vector<16xf32>
      %add3A_378 = arith.addf %add3A_356, %mul3A_377 : vector<16xf32>
      %mul3A_379 = arith.mulf %gather3A_368, %gather3A_368 : vector<16xf32>
      %add3A_380 = arith.addf %add3A_358, %mul3A_379 : vector<16xf32>
      %mul3A_381 = arith.mulf %gather3A_372, %gather3A_372 : vector<16xf32>
      %add3A_382 = arith.addf %add3A_360, %mul3A_381 : vector<16xf32>
      %add3A_383 = arith.constant 9 : i32
      %add3A_384 = vector.broadcast %add3A_383 : i32 to vector<16xi32>
      %add3A_385 = arith.addi %get3A_173, %add3A_384 : vector<16xi32>
      %gather3A_386 = tpu.vector_load_idx %arg19[%add3A_168, %add3A_385] : memref<128x128xf32, #tpu.memory_space<vmem>>[vector<16xi32>, vector<16xi32>], vector<16xf32>,
      %add3A_387 = arith.constant 9 : i32
      %add3A_388 = vector.broadcast %add3A_387 : i32 to vector<16xi32>
      %add3A_389 = arith.addi %get3A_179, %add3A_388 : vector<16xi32>
      %gather3A_390 = tpu.vector_load_idx %arg21[%add3A_168, %add3A_389] : memref<128x128xf32, #tpu.memory_space<vmem>>[vector<16xi32>, vector<16xi32>], vector<16xf32>,
      %add3A_391 = arith.constant 9 : i32
      %add3A_392 = vector.broadcast %add3A_391 : i32 to vector<16xi32>
      %add3A_393 = arith.addi %get3A_185, %add3A_392 : vector<16xi32>
      %gather3A_394 = tpu.vector_load_idx %arg23[%add3A_168, %add3A_393] : memref<128x128xf32, #tpu.memory_space<vmem>>[vector<16xi32>, vector<16xi32>], vector<16xf32>,
      %mul3A_395 = arith.mulf %gather3A_386, %gather3A_390 : vector<16xf32>
      %add3A_396 = arith.addf %add3A_374, %mul3A_395 : vector<16xf32>
      %mul3A_397 = arith.mulf %gather3A_386, %gather3A_394 : vector<16xf32>
      %add3A_398 = arith.addf %add3A_376, %mul3A_397 : vector<16xf32>
      %mul3A_399 = arith.mulf %gather3A_386, %gather3A_386 : vector<16xf32>
      %add3A_400 = arith.addf %add3A_378, %mul3A_399 : vector<16xf32>
      %mul3A_401 = arith.mulf %gather3A_390, %gather3A_390 : vector<16xf32>
      %add3A_402 = arith.addf %add3A_380, %mul3A_401 : vector<16xf32>
      %mul3A_403 = arith.mulf %gather3A_394, %gather3A_394 : vector<16xf32>
      %add3A_404 = arith.addf %add3A_382, %mul3A_403 : vector<16xf32>
      %add3A_405 = arith.constant 10 : i32
      %add3A_406 = vector.broadcast %add3A_405 : i32 to vector<16xi32>
      %add3A_407 = arith.addi %get3A_173, %add3A_406 : vector<16xi32>
      %gather3A_408 = tpu.vector_load_idx %arg19[%add3A_168, %add3A_407] : memref<128x128xf32, #tpu.memory_space<vmem>>[vector<16xi32>, vector<16xi32>], vector<16xf32>,
      %add3A_409 = arith.constant 10 : i32
      %add3A_410 = vector.broadcast %add3A_409 : i32 to vector<16xi32>
      %add3A_411 = arith.addi %get3A_179, %add3A_410 : vector<16xi32>
      %gather3A_412 = tpu.vector_load_idx %arg21[%add3A_168, %add3A_411] : memref<128x128xf32, #tpu.memory_space<vmem>>[vector<16xi32>, vector<16xi32>], vector<16xf32>,
      %add3A_413 = arith.constant 10 : i32
      %add3A_414 = vector.broadcast %add3A_413 : i32 to vector<16xi32>
      %add3A_415 = arith.addi %get3A_185, %add3A_414 : vector<16xi32>
      %gather3A_416 = tpu.vector_load_idx %arg23[%add3A_168, %add3A_415] : memref<128x128xf32, #tpu.memory_space<vmem>>[vector<16xi32>, vector<16xi32>], vector<16xf32>,
      %mul3A_417 = arith.mulf %gather3A_408, %gather3A_412 : vector<16xf32>
      %add3A_418 = arith.addf %add3A_396, %mul3A_417 : vector<16xf32>
      %mul3A_419 = arith.mulf %gather3A_408, %gather3A_416 : vector<16xf32>
      %add3A_420 = arith.addf %add3A_398, %mul3A_419 : vector<16xf32>
      %mul3A_421 = arith.mulf %gather3A_408, %gather3A_408 : vector<16xf32>
      %add3A_422 = arith.addf %add3A_400, %mul3A_421 : vector<16xf32>
      %mul3A_423 = arith.mulf %gather3A_412, %gather3A_412 : vector<16xf32>
      %add3A_424 = arith.addf %add3A_402, %mul3A_423 : vector<16xf32>
      %mul3A_425 = arith.mulf %gather3A_416, %gather3A_416 : vector<16xf32>
      %add3A_426 = arith.addf %add3A_404, %mul3A_425 : vector<16xf32>
      %add3A_427 = arith.constant 11 : i32
      %add3A_428 = vector.broadcast %add3A_427 : i32 to vector<16xi32>
      %add3A_429 = arith.addi %get3A_173, %add3A_428 : vector<16xi32>
      %gather3A_430 = tpu.vector_load_idx %arg19[%add3A_168, %add3A_429] : memref<128x128xf32, #tpu.memory_space<vmem>>[vector<16xi32>, vector<16xi32>], vector<16xf32>,
      %add3A_431 = arith.constant 11 : i32
      %add3A_432 = vector.broadcast %add3A_431 : i32 to vector<16xi32>
      %add3A_433 = arith.addi %get3A_179, %add3A_432 : vector<16xi32>
      %gather3A_434 = tpu.vector_load_idx %arg21[%add3A_168, %add3A_433] : memref<128x128xf32, #tpu.memory_space<vmem>>[vector<16xi32>, vector<16xi32>], vector<16xf32>,
      %add3A_435 = arith.constant 11 : i32
      %add3A_436 = vector.broadcast %add3A_435 : i32 to vector<16xi32>
      %add3A_437 = arith.addi %get3A_185, %add3A_436 : vector<16xi32>
      %gather3A_438 = tpu.vector_load_idx %arg23[%add3A_168, %add3A_437] : memref<128x128xf32, #tpu.memory_space<vmem>>[vector<16xi32>, vector<16xi32>], vector<16xf32>,
      %mul3A_439 = arith.mulf %gather3A_430, %gather3A_434 : vector<16xf32>
      %add3A_440 = arith.addf %add3A_418, %mul3A_439 : vector<16xf32>
      %mul3A_441 = arith.mulf %gather3A_430, %gather3A_438 : vector<16xf32>
      %add3A_442 = arith.addf %add3A_420, %mul3A_441 : vector<16xf32>
      %mul3A_443 = arith.mulf %gather3A_430, %gather3A_430 : vector<16xf32>
      %add3A_444 = arith.addf %add3A_422, %mul3A_443 : vector<16xf32>
      %mul3A_445 = arith.mulf %gather3A_434, %gather3A_434 : vector<16xf32>
      %add3A_446 = arith.addf %add3A_424, %mul3A_445 : vector<16xf32>
      %mul3A_447 = arith.mulf %gather3A_438, %gather3A_438 : vector<16xf32>
      %add3A_448 = arith.addf %add3A_426, %mul3A_447 : vector<16xf32>
      %add3A_449 = arith.constant 12 : i32
      %add3A_450 = vector.broadcast %add3A_449 : i32 to vector<16xi32>
      %add3A_451 = arith.addi %get3A_173, %add3A_450 : vector<16xi32>
      %gather3A_452 = tpu.vector_load_idx %arg19[%add3A_168, %add3A_451] : memref<128x128xf32, #tpu.memory_space<vmem>>[vector<16xi32>, vector<16xi32>], vector<16xf32>,
      %add3A_453 = arith.constant 12 : i32
      %add3A_454 = vector.broadcast %add3A_453 : i32 to vector<16xi32>
      %add3A_455 = arith.addi %get3A_179, %add3A_454 : vector<16xi32>
      %gather3A_456 = tpu.vector_load_idx %arg21[%add3A_168, %add3A_455] : memref<128x128xf32, #tpu.memory_space<vmem>>[vector<16xi32>, vector<16xi32>], vector<16xf32>,
      %add3A_457 = arith.constant 12 : i32
      %add3A_458 = vector.broadcast %add3A_457 : i32 to vector<16xi32>
      %add3A_459 = arith.addi %get3A_185, %add3A_458 : vector<16xi32>
      %gather3A_460 = tpu.vector_load_idx %arg23[%add3A_168, %add3A_459] : memref<128x128xf32, #tpu.memory_space<vmem>>[vector<16xi32>, vector<16xi32>], vector<16xf32>,
      %mul3A_461 = arith.mulf %gather3A_452, %gather3A_456 : vector<16xf32>
      %add3A_462 = arith.addf %add3A_440, %mul3A_461 : vector<16xf32>
      %mul3A_463 = arith.mulf %gather3A_452, %gather3A_460 : vector<16xf32>
      %add3A_464 = arith.addf %add3A_442, %mul3A_463 : vector<16xf32>
      %mul3A_465 = arith.mulf %gather3A_452, %gather3A_452 : vector<16xf32>
      %add3A_466 = arith.addf %add3A_444, %mul3A_465 : vector<16xf32>
      %mul3A_467 = arith.mulf %gather3A_456, %gather3A_456 : vector<16xf32>
      %add3A_468 = arith.addf %add3A_446, %mul3A_467 : vector<16xf32>
      %mul3A_469 = arith.mulf %gather3A_460, %gather3A_460 : vector<16xf32>
      %add3A_470 = arith.addf %add3A_448, %mul3A_469 : vector<16xf32>
      %add3A_471 = arith.constant 13 : i32
      %add3A_472 = vector.broadcast %add3A_471 : i32 to vector<16xi32>
      %add3A_473 = arith.addi %get3A_173, %add3A_472 : vector<16xi32>
      %gather3A_474 = tpu.vector_load_idx %arg19[%add3A_168, %add3A_473] : memref<128x128xf32, #tpu.memory_space<vmem>>[vector<16xi32>, vector<16xi32>], vector<16xf32>,
      %add3A_475 = arith.constant 13 : i32
      %add3A_476 = vector.broadcast %add3A_475 : i32 to vector<16xi32>
      %add3A_477 = arith.addi %get3A_179, %add3A_476 : vector<16xi32>
      %gather3A_478 = tpu.vector_load_idx %arg21[%add3A_168, %add3A_477] : memref<128x128xf32, #tpu.memory_space<vmem>>[vector<16xi32>, vector<16xi32>], vector<16xf32>,
      %add3A_479 = arith.constant 13 : i32
      %add3A_480 = vector.broadcast %add3A_479 : i32 to vector<16xi32>
      %add3A_481 = arith.addi %get3A_185, %add3A_480 : vector<16xi32>
      %gather3A_482 = tpu.vector_load_idx %arg23[%add3A_168, %add3A_481] : memref<128x128xf32, #tpu.memory_space<vmem>>[vector<16xi32>, vector<16xi32>], vector<16xf32>,
      %mul3A_483 = arith.mulf %gather3A_474, %gather3A_478 : vector<16xf32>
      %add3A_484 = arith.addf %add3A_462, %mul3A_483 : vector<16xf32>
      %mul3A_485 = arith.mulf %gather3A_474, %gather3A_482 : vector<16xf32>
      %add3A_486 = arith.addf %add3A_464, %mul3A_485 : vector<16xf32>
      %mul3A_487 = arith.mulf %gather3A_474, %gather3A_474 : vector<16xf32>
      %add3A_488 = arith.addf %add3A_466, %mul3A_487 : vector<16xf32>
      %mul3A_489 = arith.mulf %gather3A_478, %gather3A_478 : vector<16xf32>
      %add3A_490 = arith.addf %add3A_468, %mul3A_489 : vector<16xf32>
      %mul3A_491 = arith.mulf %gather3A_482, %gather3A_482 : vector<16xf32>
      %add3A_492 = arith.addf %add3A_470, %mul3A_491 : vector<16xf32>
      %add3A_493 = arith.constant 14 : i32
      %add3A_494 = vector.broadcast %add3A_493 : i32 to vector<16xi32>
      %add3A_495 = arith.addi %get3A_173, %add3A_494 : vector<16xi32>
      %gather3A_496 = tpu.vector_load_idx %arg19[%add3A_168, %add3A_495] : memref<128x128xf32, #tpu.memory_space<vmem>>[vector<16xi32>, vector<16xi32>], vector<16xf32>,
      %add3A_497 = arith.constant 14 : i32
      %add3A_498 = vector.broadcast %add3A_497 : i32 to vector<16xi32>
      %add3A_499 = arith.addi %get3A_179, %add3A_498 : vector<16xi32>
      %gather3A_500 = tpu.vector_load_idx %arg21[%add3A_168, %add3A_499] : memref<128x128xf32, #tpu.memory_space<vmem>>[vector<16xi32>, vector<16xi32>], vector<16xf32>,
      %add3A_501 = arith.constant 14 : i32
      %add3A_502 = vector.broadcast %add3A_501 : i32 to vector<16xi32>
      %add3A_503 = arith.addi %get3A_185, %add3A_502 : vector<16xi32>
      %gather3A_504 = tpu.vector_load_idx %arg23[%add3A_168, %add3A_503] : memref<128x128xf32, #tpu.memory_space<vmem>>[vector<16xi32>, vector<16xi32>], vector<16xf32>,
      %mul3A_505 = arith.mulf %gather3A_496, %gather3A_500 : vector<16xf32>
      %add3A_506 = arith.addf %add3A_484, %mul3A_505 : vector<16xf32>
      %mul3A_507 = arith.mulf %gather3A_496, %gather3A_504 : vector<16xf32>
      %add3A_508 = arith.addf %add3A_486, %mul3A_507 : vector<16xf32>
      %mul3A_509 = arith.mulf %gather3A_496, %gather3A_496 : vector<16xf32>
      %add3A_510 = arith.addf %add3A_488, %mul3A_509 : vector<16xf32>
      %mul3A_511 = arith.mulf %gather3A_500, %gather3A_500 : vector<16xf32>
      %add3A_512 = arith.addf %add3A_490, %mul3A_511 : vector<16xf32>
      %mul3A_513 = arith.mulf %gather3A_504, %gather3A_504 : vector<16xf32>
      %add3A_514 = arith.addf %add3A_492, %mul3A_513 : vector<16xf32>
      %add3A_515 = arith.constant 15 : i32
      %add3A_516 = vector.broadcast %add3A_515 : i32 to vector<16xi32>
      %add3A_517 = arith.addi %get3A_173, %add3A_516 : vector<16xi32>
      %gather3A_518 = tpu.vector_load_idx %arg19[%add3A_168, %add3A_517] : memref<128x128xf32, #tpu.memory_space<vmem>>[vector<16xi32>, vector<16xi32>], vector<16xf32>,
      %add3A_519 = arith.constant 15 : i32
      %add3A_520 = vector.broadcast %add3A_519 : i32 to vector<16xi32>
      %add3A_521 = arith.addi %get3A_179, %add3A_520 : vector<16xi32>
      %gather3A_522 = tpu.vector_load_idx %arg21[%add3A_168, %add3A_521] : memref<128x128xf32, #tpu.memory_space<vmem>>[vector<16xi32>, vector<16xi32>], vector<16xf32>,
      %add3A_523 = arith.constant 15 : i32
      %add3A_524 = vector.broadcast %add3A_523 : i32 to vector<16xi32>
      %add3A_525 = arith.addi %get3A_185, %add3A_524 : vector<16xi32>
      %gather3A_526 = tpu.vector_load_idx %arg23[%add3A_168, %add3A_525] : memref<128x128xf32, #tpu.memory_space<vmem>>[vector<16xi32>, vector<16xi32>], vector<16xf32>,
      %mul3A_527 = arith.mulf %gather3A_518, %gather3A_522 : vector<16xf32>
      %add3A_528 = arith.addf %add3A_506, %mul3A_527 : vector<16xf32>
      %mul3A_529 = arith.mulf %gather3A_518, %gather3A_526 : vector<16xf32>
      %add3A_530 = arith.addf %add3A_508, %mul3A_529 : vector<16xf32>
      %mul3A_531 = arith.mulf %gather3A_518, %gather3A_518 : vector<16xf32>
      %add3A_532 = arith.addf %add3A_510, %mul3A_531 : vector<16xf32>
      %mul3A_533 = arith.mulf %gather3A_522, %gather3A_522 : vector<16xf32>
      %add3A_534 = arith.addf %add3A_512, %mul3A_533 : vector<16xf32>
      %mul3A_535 = arith.mulf %gather3A_526, %gather3A_526 : vector<16xf32>
      %add3A_536 = arith.addf %add3A_514, %mul3A_535 : vector<16xf32>
      %add3A_537 = arith.constant 16 : i32
      %add3A_538 = vector.broadcast %add3A_537 : i32 to vector<16xi32>
      %add3A_539 = arith.addi %get3A_173, %add3A_538 : vector<16xi32>
      %gather3A_540 = tpu.vector_load_idx %arg19[%add3A_168, %add3A_539] : memref<128x128xf32, #tpu.memory_space<vmem>>[vector<16xi32>, vector<16xi32>], vector<16xf32>,
      %add3A_541 = arith.constant 16 : i32
      %add3A_542 = vector.broadcast %add3A_541 : i32 to vector<16xi32>
      %add3A_543 = arith.addi %get3A_179, %add3A_542 : vector<16xi32>
      %gather3A_544 = tpu.vector_load_idx %arg21[%add3A_168, %add3A_543] : memref<128x128xf32, #tpu.memory_space<vmem>>[vector<16xi32>, vector<16xi32>], vector<16xf32>,
      %add3A_545 = arith.constant 16 : i32
      %add3A_546 = vector.broadcast %add3A_545 : i32 to vector<16xi32>
      %add3A_547 = arith.addi %get3A_185, %add3A_546 : vector<16xi32>
      %gather3A_548 = tpu.vector_load_idx %arg23[%add3A_168, %add3A_547] : memref<128x128xf32, #tpu.memory_space<vmem>>[vector<16xi32>, vector<16xi32>], vector<16xf32>,
      %mul3A_549 = arith.mulf %gather3A_540, %gather3A_544 : vector<16xf32>
      %add3A_550 = arith.addf %add3A_528, %mul3A_549 : vector<16xf32>
      %mul3A_551 = arith.mulf %gather3A_540, %gather3A_548 : vector<16xf32>
      %add3A_552 = arith.addf %add3A_530, %mul3A_551 : vector<16xf32>
      %mul3A_553 = arith.mulf %gather3A_540, %gather3A_540 : vector<16xf32>
      %add3A_554 = arith.addf %add3A_532, %mul3A_553 : vector<16xf32>
      %mul3A_555 = arith.mulf %gather3A_544, %gather3A_544 : vector<16xf32>
      %add3A_556 = arith.addf %add3A_534, %mul3A_555 : vector<16xf32>
      %mul3A_557 = arith.mulf %gather3A_548, %gather3A_548 : vector<16xf32>
      %add3A_558 = arith.addf %add3A_536, %mul3A_557 : vector<16xf32>
      %add3A_559 = arith.constant 17 : i32
      %add3A_560 = vector.broadcast %add3A_559 : i32 to vector<16xi32>
      %add3A_561 = arith.addi %get3A_173, %add3A_560 : vector<16xi32>
      %gather3A_562 = tpu.vector_load_idx %arg19[%add3A_168, %add3A_561] : memref<128x128xf32, #tpu.memory_space<vmem>>[vector<16xi32>, vector<16xi32>], vector<16xf32>,
      %add3A_563 = arith.constant 17 : i32
      %add3A_564 = vector.broadcast %add3A_563 : i32 to vector<16xi32>
      %add3A_565 = arith.addi %get3A_179, %add3A_564 : vector<16xi32>
      %gather3A_566 = tpu.vector_load_idx %arg21[%add3A_168, %add3A_565] : memref<128x128xf32, #tpu.memory_space<vmem>>[vector<16xi32>, vector<16xi32>], vector<16xf32>,
      %add3A_567 = arith.constant 17 : i32
      %add3A_568 = vector.broadcast %add3A_567 : i32 to vector<16xi32>
      %add3A_569 = arith.addi %get3A_185, %add3A_568 : vector<16xi32>
      %gather3A_570 = tpu.vector_load_idx %arg23[%add3A_168, %add3A_569] : memref<128x128xf32, #tpu.memory_space<vmem>>[vector<16xi32>, vector<16xi32>], vector<16xf32>,
      %mul3A_571 = arith.mulf %gather3A_562, %gather3A_566 : vector<16xf32>
      %add3A_572 = arith.addf %add3A_550, %mul3A_571 : vector<16xf32>
      %mul3A_573 = arith.mulf %gather3A_562, %gather3A_570 : vector<16xf32>
      %add3A_574 = arith.addf %add3A_552, %mul3A_573 : vector<16xf32>
      %mul3A_575 = arith.mulf %gather3A_562, %gather3A_562 : vector<16xf32>
      %add3A_576 = arith.addf %add3A_554, %mul3A_575 : vector<16xf32>
      %mul3A_577 = arith.mulf %gather3A_566, %gather3A_566 : vector<16xf32>
      %add3A_578 = arith.addf %add3A_556, %mul3A_577 : vector<16xf32>
      %mul3A_579 = arith.mulf %gather3A_570, %gather3A_570 : vector<16xf32>
      %add3A_580 = arith.addf %add3A_558, %mul3A_579 : vector<16xf32>
      %add3A_581 = arith.constant 18 : i32
      %add3A_582 = vector.broadcast %add3A_581 : i32 to vector<16xi32>
      %add3A_583 = arith.addi %get3A_173, %add3A_582 : vector<16xi32>
      %gather3A_584 = tpu.vector_load_idx %arg19[%add3A_168, %add3A_583] : memref<128x128xf32, #tpu.memory_space<vmem>>[vector<16xi32>, vector<16xi32>], vector<16xf32>,
      %add3A_585 = arith.constant 18 : i32
      %add3A_586 = vector.broadcast %add3A_585 : i32 to vector<16xi32>
      %add3A_587 = arith.addi %get3A_179, %add3A_586 : vector<16xi32>
      %gather3A_588 = tpu.vector_load_idx %arg21[%add3A_168, %add3A_587] : memref<128x128xf32, #tpu.memory_space<vmem>>[vector<16xi32>, vector<16xi32>], vector<16xf32>,
      %add3A_589 = arith.constant 18 : i32
      %add3A_590 = vector.broadcast %add3A_589 : i32 to vector<16xi32>
      %add3A_591 = arith.addi %get3A_185, %add3A_590 : vector<16xi32>
      %gather3A_592 = tpu.vector_load_idx %arg23[%add3A_168, %add3A_591] : memref<128x128xf32, #tpu.memory_space<vmem>>[vector<16xi32>, vector<16xi32>], vector<16xf32>,
      %mul3A_593 = arith.mulf %gather3A_584, %gather3A_588 : vector<16xf32>
      %add3A_594 = arith.addf %add3A_572, %mul3A_593 : vector<16xf32>
      %mul3A_595 = arith.mulf %gather3A_584, %gather3A_592 : vector<16xf32>
      %add3A_596 = arith.addf %add3A_574, %mul3A_595 : vector<16xf32>
      %mul3A_597 = arith.mulf %gather3A_584, %gather3A_584 : vector<16xf32>
      %add3A_598 = arith.addf %add3A_576, %mul3A_597 : vector<16xf32>
      %mul3A_599 = arith.mulf %gather3A_588, %gather3A_588 : vector<16xf32>
      %add3A_600 = arith.addf %add3A_578, %mul3A_599 : vector<16xf32>
      %mul3A_601 = arith.mulf %gather3A_592, %gather3A_592 : vector<16xf32>
      %add3A_602 = arith.addf %add3A_580, %mul3A_601 : vector<16xf32>
      %add3A_603 = arith.constant 19 : i32
      %add3A_604 = vector.broadcast %add3A_603 : i32 to vector<16xi32>
      %add3A_605 = arith.addi %get3A_173, %add3A_604 : vector<16xi32>
      %gather3A_606 = tpu.vector_load_idx %arg19[%add3A_168, %add3A_605] : memref<128x128xf32, #tpu.memory_space<vmem>>[vector<16xi32>, vector<16xi32>], vector<16xf32>,
      %add3A_607 = arith.constant 19 : i32
      %add3A_608 = vector.broadcast %add3A_607 : i32 to vector<16xi32>
      %add3A_609 = arith.addi %get3A_179, %add3A_608 : vector<16xi32>
      %gather3A_610 = tpu.vector_load_idx %arg21[%add3A_168, %add3A_609] : memref<128x128xf32, #tpu.memory_space<vmem>>[vector<16xi32>, vector<16xi32>], vector<16xf32>,
      %add3A_611 = arith.constant 19 : i32
      %add3A_612 = vector.broadcast %add3A_611 : i32 to vector<16xi32>
      %add3A_613 = arith.addi %get3A_185, %add3A_612 : vector<16xi32>
      %gather3A_614 = tpu.vector_load_idx %arg23[%add3A_168, %add3A_613] : memref<128x128xf32, #tpu.memory_space<vmem>>[vector<16xi32>, vector<16xi32>], vector<16xf32>,
      %mul3A_615 = arith.mulf %gather3A_606, %gather3A_610 : vector<16xf32>
      %add3A_616 = arith.addf %add3A_594, %mul3A_615 : vector<16xf32>
      %mul3A_617 = arith.mulf %gather3A_606, %gather3A_614 : vector<16xf32>
      %add3A_618 = arith.addf %add3A_596, %mul3A_617 : vector<16xf32>
      %mul3A_619 = arith.mulf %gather3A_606, %gather3A_606 : vector<16xf32>
      %add3A_620 = arith.addf %add3A_598, %mul3A_619 : vector<16xf32>
      %mul3A_621 = arith.mulf %gather3A_610, %gather3A_610 : vector<16xf32>
      %add3A_622 = arith.addf %add3A_600, %mul3A_621 : vector<16xf32>
      %mul3A_623 = arith.mulf %gather3A_614, %gather3A_614 : vector<16xf32>
      %add3A_624 = arith.addf %add3A_602, %mul3A_623 : vector<16xf32>
      %add3A_625 = arith.constant 20 : i32
      %add3A_626 = vector.broadcast %add3A_625 : i32 to vector<16xi32>
      %add3A_627 = arith.addi %get3A_173, %add3A_626 : vector<16xi32>
      %gather3A_628 = tpu.vector_load_idx %arg19[%add3A_168, %add3A_627] : memref<128x128xf32, #tpu.memory_space<vmem>>[vector<16xi32>, vector<16xi32>], vector<16xf32>,
      %add3A_629 = arith.constant 20 : i32
      %add3A_630 = vector.broadcast %add3A_629 : i32 to vector<16xi32>
      %add3A_631 = arith.addi %get3A_179, %add3A_630 : vector<16xi32>
      %gather3A_632 = tpu.vector_load_idx %arg21[%add3A_168, %add3A_631] : memref<128x128xf32, #tpu.memory_space<vmem>>[vector<16xi32>, vector<16xi32>], vector<16xf32>,
      %add3A_633 = arith.constant 20 : i32
      %add3A_634 = vector.broadcast %add3A_633 : i32 to vector<16xi32>
      %add3A_635 = arith.addi %get3A_185, %add3A_634 : vector<16xi32>
      %gather3A_636 = tpu.vector_load_idx %arg23[%add3A_168, %add3A_635] : memref<128x128xf32, #tpu.memory_space<vmem>>[vector<16xi32>, vector<16xi32>], vector<16xf32>,
      %mul3A_637 = arith.mulf %gather3A_628, %gather3A_632 : vector<16xf32>
      %add3A_638 = arith.addf %add3A_616, %mul3A_637 : vector<16xf32>
      %mul3A_639 = arith.mulf %gather3A_628, %gather3A_636 : vector<16xf32>
      %add3A_640 = arith.addf %add3A_618, %mul3A_639 : vector<16xf32>
      %mul3A_641 = arith.mulf %gather3A_628, %gather3A_628 : vector<16xf32>
      %add3A_642 = arith.addf %add3A_620, %mul3A_641 : vector<16xf32>
      %mul3A_643 = arith.mulf %gather3A_632, %gather3A_632 : vector<16xf32>
      %add3A_644 = arith.addf %add3A_622, %mul3A_643 : vector<16xf32>
      %mul3A_645 = arith.mulf %gather3A_636, %gather3A_636 : vector<16xf32>
      %add3A_646 = arith.addf %add3A_624, %mul3A_645 : vector<16xf32>
      %add3A_647 = arith.constant 21 : i32
      %add3A_648 = vector.broadcast %add3A_647 : i32 to vector<16xi32>
      %add3A_649 = arith.addi %get3A_173, %add3A_648 : vector<16xi32>
      %gather3A_650 = tpu.vector_load_idx %arg19[%add3A_168, %add3A_649] : memref<128x128xf32, #tpu.memory_space<vmem>>[vector<16xi32>, vector<16xi32>], vector<16xf32>,
      %add3A_651 = arith.constant 21 : i32
      %add3A_652 = vector.broadcast %add3A_651 : i32 to vector<16xi32>
      %add3A_653 = arith.addi %get3A_179, %add3A_652 : vector<16xi32>
      %gather3A_654 = tpu.vector_load_idx %arg21[%add3A_168, %add3A_653] : memref<128x128xf32, #tpu.memory_space<vmem>>[vector<16xi32>, vector<16xi32>], vector<16xf32>,
      %add3A_655 = arith.constant 21 : i32
      %add3A_656 = vector.broadcast %add3A_655 : i32 to vector<16xi32>
      %add3A_657 = arith.addi %get3A_185, %add3A_656 : vector<16xi32>
      %gather3A_658 = tpu.vector_load_idx %arg23[%add3A_168, %add3A_657] : memref<128x128xf32, #tpu.memory_space<vmem>>[vector<16xi32>, vector<16xi32>], vector<16xf32>,
      %mul3A_659 = arith.mulf %gather3A_650, %gather3A_654 : vector<16xf32>
      %add3A_660 = arith.addf %add3A_638, %mul3A_659 : vector<16xf32>
      %mul3A_661 = arith.mulf %gather3A_650, %gather3A_658 : vector<16xf32>
      %add3A_662 = arith.addf %add3A_640, %mul3A_661 : vector<16xf32>
      %mul3A_663 = arith.mulf %gather3A_650, %gather3A_650 : vector<16xf32>
      %add3A_664 = arith.addf %add3A_642, %mul3A_663 : vector<16xf32>
      %mul3A_665 = arith.mulf %gather3A_654, %gather3A_654 : vector<16xf32>
      %add3A_666 = arith.addf %add3A_644, %mul3A_665 : vector<16xf32>
      %mul3A_667 = arith.mulf %gather3A_658, %gather3A_658 : vector<16xf32>
      %add3A_668 = arith.addf %add3A_646, %mul3A_667 : vector<16xf32>
      %add3A_669 = arith.constant 22 : i32
      %add3A_670 = vector.broadcast %add3A_669 : i32 to vector<16xi32>
      %add3A_671 = arith.addi %get3A_173, %add3A_670 : vector<16xi32>
      %gather3A_672 = tpu.vector_load_idx %arg19[%add3A_168, %add3A_671] : memref<128x128xf32, #tpu.memory_space<vmem>>[vector<16xi32>, vector<16xi32>], vector<16xf32>,
      %add3A_673 = arith.constant 22 : i32
      %add3A_674 = vector.broadcast %add3A_673 : i32 to vector<16xi32>
      %add3A_675 = arith.addi %get3A_179, %add3A_674 : vector<16xi32>
      %gather3A_676 = tpu.vector_load_idx %arg21[%add3A_168, %add3A_675] : memref<128x128xf32, #tpu.memory_space<vmem>>[vector<16xi32>, vector<16xi32>], vector<16xf32>,
      %add3A_677 = arith.constant 22 : i32
      %add3A_678 = vector.broadcast %add3A_677 : i32 to vector<16xi32>
      %add3A_679 = arith.addi %get3A_185, %add3A_678 : vector<16xi32>
      %gather3A_680 = tpu.vector_load_idx %arg23[%add3A_168, %add3A_679] : memref<128x128xf32, #tpu.memory_space<vmem>>[vector<16xi32>, vector<16xi32>], vector<16xf32>,
      %mul3A_681 = arith.mulf %gather3A_672, %gather3A_676 : vector<16xf32>
      %add3A_682 = arith.addf %add3A_660, %mul3A_681 : vector<16xf32>
      %mul3A_683 = arith.mulf %gather3A_672, %gather3A_680 : vector<16xf32>
      %add3A_684 = arith.addf %add3A_662, %mul3A_683 : vector<16xf32>
      %mul3A_685 = arith.mulf %gather3A_672, %gather3A_672 : vector<16xf32>
      %add3A_686 = arith.addf %add3A_664, %mul3A_685 : vector<16xf32>
      %mul3A_687 = arith.mulf %gather3A_676, %gather3A_676 : vector<16xf32>
      %add3A_688 = arith.addf %add3A_666, %mul3A_687 : vector<16xf32>
      %mul3A_689 = arith.mulf %gather3A_680, %gather3A_680 : vector<16xf32>
      %add3A_690 = arith.addf %add3A_668, %mul3A_689 : vector<16xf32>
      %add3A_691 = arith.constant 23 : i32
      %add3A_692 = vector.broadcast %add3A_691 : i32 to vector<16xi32>
      %add3A_693 = arith.addi %get3A_173, %add3A_692 : vector<16xi32>
      %gather3A_694 = tpu.vector_load_idx %arg19[%add3A_168, %add3A_693] : memref<128x128xf32, #tpu.memory_space<vmem>>[vector<16xi32>, vector<16xi32>], vector<16xf32>,
      %add3A_695 = arith.constant 23 : i32
      %add3A_696 = vector.broadcast %add3A_695 : i32 to vector<16xi32>
      %add3A_697 = arith.addi %get3A_179, %add3A_696 : vector<16xi32>
      %gather3A_698 = tpu.vector_load_idx %arg21[%add3A_168, %add3A_697] : memref<128x128xf32, #tpu.memory_space<vmem>>[vector<16xi32>, vector<16xi32>], vector<16xf32>,
      %add3A_699 = arith.constant 23 : i32
      %add3A_700 = vector.broadcast %add3A_699 : i32 to vector<16xi32>
      %add3A_701 = arith.addi %get3A_185, %add3A_700 : vector<16xi32>
      %gather3A_702 = tpu.vector_load_idx %arg23[%add3A_168, %add3A_701] : memref<128x128xf32, #tpu.memory_space<vmem>>[vector<16xi32>, vector<16xi32>], vector<16xf32>,
      %mul3A_703 = arith.mulf %gather3A_694, %gather3A_698 : vector<16xf32>
      %add3A_704 = arith.addf %add3A_682, %mul3A_703 : vector<16xf32>
      %mul3A_705 = arith.mulf %gather3A_694, %gather3A_702 : vector<16xf32>
      %add3A_706 = arith.addf %add3A_684, %mul3A_705 : vector<16xf32>
      %mul3A_707 = arith.mulf %gather3A_694, %gather3A_694 : vector<16xf32>
      %add3A_708 = arith.addf %add3A_686, %mul3A_707 : vector<16xf32>
      %mul3A_709 = arith.mulf %gather3A_698, %gather3A_698 : vector<16xf32>
      %add3A_710 = arith.addf %add3A_688, %mul3A_709 : vector<16xf32>
      %mul3A_711 = arith.mulf %gather3A_702, %gather3A_702 : vector<16xf32>
      %add3A_712 = arith.addf %add3A_690, %mul3A_711 : vector<16xf32>
      %add3A_713 = arith.constant 24 : i32
      %add3A_714 = vector.broadcast %add3A_713 : i32 to vector<16xi32>
      %add3A_715 = arith.addi %get3A_173, %add3A_714 : vector<16xi32>
      %gather3A_716 = tpu.vector_load_idx %arg19[%add3A_168, %add3A_715] : memref<128x128xf32, #tpu.memory_space<vmem>>[vector<16xi32>, vector<16xi32>], vector<16xf32>,
      %add3A_717 = arith.constant 24 : i32
      %add3A_718 = vector.broadcast %add3A_717 : i32 to vector<16xi32>
      %add3A_719 = arith.addi %get3A_179, %add3A_718 : vector<16xi32>
      %gather3A_720 = tpu.vector_load_idx %arg21[%add3A_168, %add3A_719] : memref<128x128xf32, #tpu.memory_space<vmem>>[vector<16xi32>, vector<16xi32>], vector<16xf32>,
      %add3A_721 = arith.constant 24 : i32
      %add3A_722 = vector.broadcast %add3A_721 : i32 to vector<16xi32>
      %add3A_723 = arith.addi %get3A_185, %add3A_722 : vector<16xi32>
      %gather3A_724 = tpu.vector_load_idx %arg23[%add3A_168, %add3A_723] : memref<128x128xf32, #tpu.memory_space<vmem>>[vector<16xi32>, vector<16xi32>], vector<16xf32>,
      %mul3A_725 = arith.mulf %gather3A_716, %gather3A_720 : vector<16xf32>
      %add3A_726 = arith.addf %add3A_704, %mul3A_725 : vector<16xf32>
      %mul3A_727 = arith.mulf %gather3A_716, %gather3A_724 : vector<16xf32>
      %add3A_728 = arith.addf %add3A_706, %mul3A_727 : vector<16xf32>
      %mul3A_729 = arith.mulf %gather3A_716, %gather3A_716 : vector<16xf32>
      %add3A_730 = arith.addf %add3A_708, %mul3A_729 : vector<16xf32>
      %mul3A_731 = arith.mulf %gather3A_720, %gather3A_720 : vector<16xf32>
      %add3A_732 = arith.addf %add3A_710, %mul3A_731 : vector<16xf32>
      %mul3A_733 = arith.mulf %gather3A_724, %gather3A_724 : vector<16xf32>
      %add3A_734 = arith.addf %add3A_712, %mul3A_733 : vector<16xf32>
      %add3A_735 = arith.constant 25 : i32
      %add3A_736 = vector.broadcast %add3A_735 : i32 to vector<16xi32>
      %add3A_737 = arith.addi %get3A_173, %add3A_736 : vector<16xi32>
      %gather3A_738 = tpu.vector_load_idx %arg19[%add3A_168, %add3A_737] : memref<128x128xf32, #tpu.memory_space<vmem>>[vector<16xi32>, vector<16xi32>], vector<16xf32>,
      %add3A_739 = arith.constant 25 : i32
      %add3A_740 = vector.broadcast %add3A_739 : i32 to vector<16xi32>
      %add3A_741 = arith.addi %get3A_179, %add3A_740 : vector<16xi32>
      %gather3A_742 = tpu.vector_load_idx %arg21[%add3A_168, %add3A_741] : memref<128x128xf32, #tpu.memory_space<vmem>>[vector<16xi32>, vector<16xi32>], vector<16xf32>,
      %add3A_743 = arith.constant 25 : i32
      %add3A_744 = vector.broadcast %add3A_743 : i32 to vector<16xi32>
      %add3A_745 = arith.addi %get3A_185, %add3A_744 : vector<16xi32>
      %gather3A_746 = tpu.vector_load_idx %arg23[%add3A_168, %add3A_745] : memref<128x128xf32, #tpu.memory_space<vmem>>[vector<16xi32>, vector<16xi32>], vector<16xf32>,
      %mul3A_747 = arith.mulf %gather3A_738, %gather3A_742 : vector<16xf32>
      %add3A_748 = arith.addf %add3A_726, %mul3A_747 : vector<16xf32>
      %mul3A_749 = arith.mulf %gather3A_738, %gather3A_746 : vector<16xf32>
      %add3A_750 = arith.addf %add3A_728, %mul3A_749 : vector<16xf32>
      %mul3A_751 = arith.mulf %gather3A_738, %gather3A_738 : vector<16xf32>
      %add3A_752 = arith.addf %add3A_730, %mul3A_751 : vector<16xf32>
      %mul3A_753 = arith.mulf %gather3A_742, %gather3A_742 : vector<16xf32>
      %add3A_754 = arith.addf %add3A_732, %mul3A_753 : vector<16xf32>
      %mul3A_755 = arith.mulf %gather3A_746, %gather3A_746 : vector<16xf32>
      %add3A_756 = arith.addf %add3A_734, %mul3A_755 : vector<16xf32>
      %add3A_757 = arith.constant 26 : i32
      %add3A_758 = vector.broadcast %add3A_757 : i32 to vector<16xi32>
      %add3A_759 = arith.addi %get3A_173, %add3A_758 : vector<16xi32>
      %gather3A_760 = tpu.vector_load_idx %arg19[%add3A_168, %add3A_759] : memref<128x128xf32, #tpu.memory_space<vmem>>[vector<16xi32>, vector<16xi32>], vector<16xf32>,
      %add3A_761 = arith.constant 26 : i32
      %add3A_762 = vector.broadcast %add3A_761 : i32 to vector<16xi32>
      %add3A_763 = arith.addi %get3A_179, %add3A_762 : vector<16xi32>
      %gather3A_764 = tpu.vector_load_idx %arg21[%add3A_168, %add3A_763] : memref<128x128xf32, #tpu.memory_space<vmem>>[vector<16xi32>, vector<16xi32>], vector<16xf32>,
      %add3A_765 = arith.constant 26 : i32
      %add3A_766 = vector.broadcast %add3A_765 : i32 to vector<16xi32>
      %add3A_767 = arith.addi %get3A_185, %add3A_766 : vector<16xi32>
      %gather3A_768 = tpu.vector_load_idx %arg23[%add3A_168, %add3A_767] : memref<128x128xf32, #tpu.memory_space<vmem>>[vector<16xi32>, vector<16xi32>], vector<16xf32>,
      %mul3A_769 = arith.mulf %gather3A_760, %gather3A_764 : vector<16xf32>
      %add3A_770 = arith.addf %add3A_748, %mul3A_769 : vector<16xf32>
      %mul3A_771 = arith.mulf %gather3A_760, %gather3A_768 : vector<16xf32>
      %add3A_772 = arith.addf %add3A_750, %mul3A_771 : vector<16xf32>
      %mul3A_773 = arith.mulf %gather3A_760, %gather3A_760 : vector<16xf32>
      %add3A_774 = arith.addf %add3A_752, %mul3A_773 : vector<16xf32>
      %mul3A_775 = arith.mulf %gather3A_764, %gather3A_764 : vector<16xf32>
      %add3A_776 = arith.addf %add3A_754, %mul3A_775 : vector<16xf32>
      %mul3A_777 = arith.mulf %gather3A_768, %gather3A_768 : vector<16xf32>
      %add3A_778 = arith.addf %add3A_756, %mul3A_777 : vector<16xf32>
      %add3A_779 = arith.constant 27 : i32
      %add3A_780 = vector.broadcast %add3A_779 : i32 to vector<16xi32>
      %add3A_781 = arith.addi %get3A_173, %add3A_780 : vector<16xi32>
      %gather3A_782 = tpu.vector_load_idx %arg19[%add3A_168, %add3A_781] : memref<128x128xf32, #tpu.memory_space<vmem>>[vector<16xi32>, vector<16xi32>], vector<16xf32>,
      %add3A_783 = arith.constant 27 : i32
      %add3A_784 = vector.broadcast %add3A_783 : i32 to vector<16xi32>
      %add3A_785 = arith.addi %get3A_179, %add3A_784 : vector<16xi32>
      %gather3A_786 = tpu.vector_load_idx %arg21[%add3A_168, %add3A_785] : memref<128x128xf32, #tpu.memory_space<vmem>>[vector<16xi32>, vector<16xi32>], vector<16xf32>,
      %add3A_787 = arith.constant 27 : i32
      %add3A_788 = vector.broadcast %add3A_787 : i32 to vector<16xi32>
      %add3A_789 = arith.addi %get3A_185, %add3A_788 : vector<16xi32>
      %gather3A_790 = tpu.vector_load_idx %arg23[%add3A_168, %add3A_789] : memref<128x128xf32, #tpu.memory_space<vmem>>[vector<16xi32>, vector<16xi32>], vector<16xf32>,
      %mul3A_791 = arith.mulf %gather3A_782, %gather3A_786 : vector<16xf32>
      %add3A_792 = arith.addf %add3A_770, %mul3A_791 : vector<16xf32>
      %mul3A_793 = arith.mulf %gather3A_782, %gather3A_790 : vector<16xf32>
      %add3A_794 = arith.addf %add3A_772, %mul3A_793 : vector<16xf32>
      %mul3A_795 = arith.mulf %gather3A_782, %gather3A_782 : vector<16xf32>
      %add3A_796 = arith.addf %add3A_774, %mul3A_795 : vector<16xf32>
      %mul3A_797 = arith.mulf %gather3A_786, %gather3A_786 : vector<16xf32>
      %add3A_798 = arith.addf %add3A_776, %mul3A_797 : vector<16xf32>
      %mul3A_799 = arith.mulf %gather3A_790, %gather3A_790 : vector<16xf32>
      %add3A_800 = arith.addf %add3A_778, %mul3A_799 : vector<16xf32>
      %add3A_801 = arith.constant 28 : i32
      %add3A_802 = vector.broadcast %add3A_801 : i32 to vector<16xi32>
      %add3A_803 = arith.addi %get3A_173, %add3A_802 : vector<16xi32>
      %gather3A_804 = tpu.vector_load_idx %arg19[%add3A_168, %add3A_803] : memref<128x128xf32, #tpu.memory_space<vmem>>[vector<16xi32>, vector<16xi32>], vector<16xf32>,
      %add3A_805 = arith.constant 28 : i32
      %add3A_806 = vector.broadcast %add3A_805 : i32 to vector<16xi32>
      %add3A_807 = arith.addi %get3A_179, %add3A_806 : vector<16xi32>
      %gather3A_808 = tpu.vector_load_idx %arg21[%add3A_168, %add3A_807] : memref<128x128xf32, #tpu.memory_space<vmem>>[vector<16xi32>, vector<16xi32>], vector<16xf32>,
      %add3A_809 = arith.constant 28 : i32
      %add3A_810 = vector.broadcast %add3A_809 : i32 to vector<16xi32>
      %add3A_811 = arith.addi %get3A_185, %add3A_810 : vector<16xi32>
      %gather3A_812 = tpu.vector_load_idx %arg23[%add3A_168, %add3A_811] : memref<128x128xf32, #tpu.memory_space<vmem>>[vector<16xi32>, vector<16xi32>], vector<16xf32>,
      %mul3A_813 = arith.mulf %gather3A_804, %gather3A_808 : vector<16xf32>
      %add3A_814 = arith.addf %add3A_792, %mul3A_813 : vector<16xf32>
      %mul3A_815 = arith.mulf %gather3A_804, %gather3A_812 : vector<16xf32>
      %add3A_816 = arith.addf %add3A_794, %mul3A_815 : vector<16xf32>
      %mul3A_817 = arith.mulf %gather3A_804, %gather3A_804 : vector<16xf32>
      %add3A_818 = arith.addf %add3A_796, %mul3A_817 : vector<16xf32>
      %mul3A_819 = arith.mulf %gather3A_808, %gather3A_808 : vector<16xf32>
      %add3A_820 = arith.addf %add3A_798, %mul3A_819 : vector<16xf32>
      %mul3A_821 = arith.mulf %gather3A_812, %gather3A_812 : vector<16xf32>
      %add3A_822 = arith.addf %add3A_800, %mul3A_821 : vector<16xf32>
      %add3A_823 = arith.constant 29 : i32
      %add3A_824 = vector.broadcast %add3A_823 : i32 to vector<16xi32>
      %add3A_825 = arith.addi %get3A_173, %add3A_824 : vector<16xi32>
      %gather3A_826 = tpu.vector_load_idx %arg19[%add3A_168, %add3A_825] : memref<128x128xf32, #tpu.memory_space<vmem>>[vector<16xi32>, vector<16xi32>], vector<16xf32>,
      %add3A_827 = arith.constant 29 : i32
      %add3A_828 = vector.broadcast %add3A_827 : i32 to vector<16xi32>
      %add3A_829 = arith.addi %get3A_179, %add3A_828 : vector<16xi32>
      %gather3A_830 = tpu.vector_load_idx %arg21[%add3A_168, %add3A_829] : memref<128x128xf32, #tpu.memory_space<vmem>>[vector<16xi32>, vector<16xi32>], vector<16xf32>,
      %add3A_831 = arith.constant 29 : i32
      %add3A_832 = vector.broadcast %add3A_831 : i32 to vector<16xi32>
      %add3A_833 = arith.addi %get3A_185, %add3A_832 : vector<16xi32>
      %gather3A_834 = tpu.vector_load_idx %arg23[%add3A_168, %add3A_833] : memref<128x128xf32, #tpu.memory_space<vmem>>[vector<16xi32>, vector<16xi32>], vector<16xf32>,
      %mul3A_835 = arith.mulf %gather3A_826, %gather3A_830 : vector<16xf32>
      %add3A_836 = arith.addf %add3A_814, %mul3A_835 : vector<16xf32>
      %mul3A_837 = arith.mulf %gather3A_826, %gather3A_834 : vector<16xf32>
      %add3A_838 = arith.addf %add3A_816, %mul3A_837 : vector<16xf32>
      %mul3A_839 = arith.mulf %gather3A_826, %gather3A_826 : vector<16xf32>
      %add3A_840 = arith.addf %add3A_818, %mul3A_839 : vector<16xf32>
      %mul3A_841 = arith.mulf %gather3A_830, %gather3A_830 : vector<16xf32>
      %add3A_842 = arith.addf %add3A_820, %mul3A_841 : vector<16xf32>
      %mul3A_843 = arith.mulf %gather3A_834, %gather3A_834 : vector<16xf32>
      %add3A_844 = arith.addf %add3A_822, %mul3A_843 : vector<16xf32>
      %add3A_845 = arith.constant 30 : i32
      %add3A_846 = vector.broadcast %add3A_845 : i32 to vector<16xi32>
      %add3A_847 = arith.addi %get3A_173, %add3A_846 : vector<16xi32>
      %gather3A_848 = tpu.vector_load_idx %arg19[%add3A_168, %add3A_847] : memref<128x128xf32, #tpu.memory_space<vmem>>[vector<16xi32>, vector<16xi32>], vector<16xf32>,
      %add3A_849 = arith.constant 30 : i32
      %add3A_850 = vector.broadcast %add3A_849 : i32 to vector<16xi32>
      %add3A_851 = arith.addi %get3A_179, %add3A_850 : vector<16xi32>
      %gather3A_852 = tpu.vector_load_idx %arg21[%add3A_168, %add3A_851] : memref<128x128xf32, #tpu.memory_space<vmem>>[vector<16xi32>, vector<16xi32>], vector<16xf32>,
      %add3A_853 = arith.constant 30 : i32
      %add3A_854 = vector.broadcast %add3A_853 : i32 to vector<16xi32>
      %add3A_855 = arith.addi %get3A_185, %add3A_854 : vector<16xi32>
      %gather3A_856 = tpu.vector_load_idx %arg23[%add3A_168, %add3A_855] : memref<128x128xf32, #tpu.memory_space<vmem>>[vector<16xi32>, vector<16xi32>], vector<16xf32>,
      %mul3A_857 = arith.mulf %gather3A_848, %gather3A_852 : vector<16xf32>
      %add3A_858 = arith.addf %add3A_836, %mul3A_857 : vector<16xf32>
      %mul3A_859 = arith.mulf %gather3A_848, %gather3A_856 : vector<16xf32>
      %add3A_860 = arith.addf %add3A_838, %mul3A_859 : vector<16xf32>
      %mul3A_861 = arith.mulf %gather3A_848, %gather3A_848 : vector<16xf32>
      %add3A_862 = arith.addf %add3A_840, %mul3A_861 : vector<16xf32>
      %mul3A_863 = arith.mulf %gather3A_852, %gather3A_852 : vector<16xf32>
      %add3A_864 = arith.addf %add3A_842, %mul3A_863 : vector<16xf32>
      %mul3A_865 = arith.mulf %gather3A_856, %gather3A_856 : vector<16xf32>
      %add3A_866 = arith.addf %add3A_844, %mul3A_865 : vector<16xf32>
      %add3A_867 = arith.constant 31 : i32
      %add3A_868 = vector.broadcast %add3A_867 : i32 to vector<16xi32>
      %add3A_869 = arith.addi %get3A_173, %add3A_868 : vector<16xi32>
      %gather3A_870 = tpu.vector_load_idx %arg19[%add3A_168, %add3A_869] : memref<128x128xf32, #tpu.memory_space<vmem>>[vector<16xi32>, vector<16xi32>], vector<16xf32>,
      %add3A_871 = arith.constant 31 : i32
      %add3A_872 = vector.broadcast %add3A_871 : i32 to vector<16xi32>
      %add3A_873 = arith.addi %get3A_179, %add3A_872 : vector<16xi32>
      %gather3A_874 = tpu.vector_load_idx %arg21[%add3A_168, %add3A_873] : memref<128x128xf32, #tpu.memory_space<vmem>>[vector<16xi32>, vector<16xi32>], vector<16xf32>,
      %add3A_875 = arith.constant 31 : i32
      %add3A_876 = vector.broadcast %add3A_875 : i32 to vector<16xi32>
      %add3A_877 = arith.addi %get3A_185, %add3A_876 : vector<16xi32>
      %gather3A_878 = tpu.vector_load_idx %arg23[%add3A_168, %add3A_877] : memref<128x128xf32, #tpu.memory_space<vmem>>[vector<16xi32>, vector<16xi32>], vector<16xf32>,
      %mul3A_879 = arith.mulf %gather3A_870, %gather3A_874 : vector<16xf32>
      %add3A_880 = arith.addf %add3A_858, %mul3A_879 : vector<16xf32>
      %mul3A_881 = arith.mulf %gather3A_870, %gather3A_878 : vector<16xf32>
      %add3A_882 = arith.addf %add3A_860, %mul3A_881 : vector<16xf32>
      %mul3A_883 = arith.mulf %gather3A_870, %gather3A_870 : vector<16xf32>
      %add3A_884 = arith.addf %add3A_862, %mul3A_883 : vector<16xf32>
      %mul3A_885 = arith.mulf %gather3A_874, %gather3A_874 : vector<16xf32>
      %add3A_886 = arith.addf %add3A_864, %mul3A_885 : vector<16xf32>
      %mul3A_887 = arith.mulf %gather3A_878, %gather3A_878 : vector<16xf32>
      %add3A_888 = arith.addf %add3A_866, %mul3A_887 : vector<16xf32>
      %sub3A = arith.subf %add3A_880, %add3A_882 : vector<16xf32>
      %mul3A_889 = arith.constant 16 : i32
      %mul3A_890 = arith.muli %scan3A_161, %mul3A_889 : i32
      %add3A_891 = arith.constant 128 : i32
      %add3A_892 = arith.addi %add3A_891, %mul3A_890 : i32
      %swap3A_893 = arith.index_cast %add3A_892 : i32 to index
      %swap3A_894 = tpu.vector_load %arg24[%swap3A_893] {strides = array<i32>} : memref<512xf32, #tpu.memory_space<vmem>>, vector<16xf32>,
      tpu.vector_store %arg24[%swap3A_893], %sub3A {strides = array<i32>} : memref<512xf32, #tpu.memory_space<vmem>>, vector<16xf32>,
      scf.yield %add3A_884, %add3A_886, %add3A_888 : vector<16xf32>, vector<16xf32>, vector<16xf32>
    }
    %scan3A_94 = arith.constant 8 : i32
    %dma_wait3A_95 = arith.constant 256 : i32
    %dma_wait3A_96 = tpu.memref_slice %arg12[%dma_wait3A_95] : memref<512xi32, #tpu.memory_space<vmem>> -> memref<128xi32, #tpu.memory_space<vmem>>
    %dma_wait3A_97 = arith.constant 0 : i32
    %dma_wait3A_98 = arith.constant 0 : i32
    %dma_wait3A_99 = tpu.memref_slice %arg5[%dma_wait3A_97, %dma_wait3A_98] : memref<250000x128xf32, #tpu.memory_space<hbm>> -> memref<250000x128xf32, #tpu.memory_space<hbm>>
    tpu.wait_indirect_dma semaphore(%arg26 : memref<!tpu.dma_semaphore, #tpu.memory_space<semaphore_mem>>) src(%dma_wait3A_99 : memref<250000x128xf32, #tpu.memory_space<hbm>>) dst(%arg18 : memref<128x128xf32, #tpu.memory_space<vmem>>)
    %dma_wait3A_100 = arith.constant 256 : i32
    %dma_wait3A_101 = tpu.memref_slice %arg13[%dma_wait3A_100] : memref<512xi32, #tpu.memory_space<vmem>> -> memref<128xi32, #tpu.memory_space<vmem>>
    %dma_wait3A_102 = arith.constant 0 : i32
    %dma_wait3A_103 = arith.constant 0 : i32
    %dma_wait3A_104 = tpu.memref_slice %arg6[%dma_wait3A_102, %dma_wait3A_103] : memref<250000x128xf32, #tpu.memory_space<hbm>> -> memref<250000x128xf32, #tpu.memory_space<hbm>>
    tpu.wait_indirect_dma semaphore(%arg26 : memref<!tpu.dma_semaphore, #tpu.memory_space<semaphore_mem>>) src(%dma_wait3A_104 : memref<250000x128xf32, #tpu.memory_space<hbm>>) dst(%arg20 : memref<128x128xf32, #tpu.memory_space<vmem>>)
    %dma_wait3A_105 = arith.constant 256 : i32
    %dma_wait3A_106 = tpu.memref_slice %arg14[%dma_wait3A_105] : memref<512xi32, #tpu.memory_space<vmem>> -> memref<128xi32, #tpu.memory_space<vmem>>
    %dma_wait3A_107 = arith.constant 0 : i32
    %dma_wait3A_108 = arith.constant 0 : i32
    %dma_wait3A_109 = tpu.memref_slice %arg6[%dma_wait3A_107, %dma_wait3A_108] : memref<250000x128xf32, #tpu.memory_space<hbm>> -> memref<250000x128xf32, #tpu.memory_space<hbm>>
    tpu.wait_indirect_dma semaphore(%arg26 : memref<!tpu.dma_semaphore, #tpu.memory_space<semaphore_mem>>) src(%dma_wait3A_109 : memref<250000x128xf32, #tpu.memory_space<hbm>>) dst(%arg22 : memref<128x128xf32, #tpu.memory_space<vmem>>)
    %dma_start3A_110 = arith.constant 384 : i32
    %dma_start3A_111 = tpu.memref_slice %arg12[%dma_start3A_110] : memref<512xi32, #tpu.memory_space<vmem>> -> memref<128xi32, #tpu.memory_space<vmem>>
    %dma_start3A_112 = arith.constant 0 : i32
    %dma_start3A_113 = arith.constant 0 : i32
    %dma_start3A_114 = tpu.memref_slice %arg5[%dma_start3A_112, %dma_start3A_113] : memref<250000x128xf32, #tpu.memory_space<hbm>> -> memref<250000x128xf32, #tpu.memory_space<hbm>>
    tpu.enqueue_indirect_dma source(%dma_start3A_114 : memref<250000x128xf32, #tpu.memory_space<hbm>>) target(%arg19 : memref<128x128xf32, #tpu.memory_space<vmem>>) offsets(%dma_start3A_111 : memref<128xi32, #tpu.memory_space<vmem>>) semaphore(%arg26 : memref<!tpu.dma_semaphore, #tpu.memory_space<semaphore_mem>>)
    %dma_start3A_115 = arith.constant 384 : i32
    %dma_start3A_116 = tpu.memref_slice %arg13[%dma_start3A_115] : memref<512xi32, #tpu.memory_space<vmem>> -> memref<128xi32, #tpu.memory_space<vmem>>
    %dma_start3A_117 = arith.constant 0 : i32
    %dma_start3A_118 = arith.constant 0 : i32
    %dma_start3A_119 = tpu.memref_slice %arg6[%dma_start3A_117, %dma_start3A_118] : memref<250000x128xf32, #tpu.memory_space<hbm>> -> memref<250000x128xf32, #tpu.memory_space<hbm>>
    tpu.enqueue_indirect_dma source(%dma_start3A_119 : memref<250000x128xf32, #tpu.memory_space<hbm>>) target(%arg21 : memref<128x128xf32, #tpu.memory_space<vmem>>) offsets(%dma_start3A_116 : memref<128xi32, #tpu.memory_space<vmem>>) semaphore(%arg26 : memref<!tpu.dma_semaphore, #tpu.memory_space<semaphore_mem>>)
    %dma_start3A_120 = arith.constant 384 : i32
    %dma_start3A_121 = tpu.memref_slice %arg14[%dma_start3A_120] : memref<512xi32, #tpu.memory_space<vmem>> -> memref<128xi32, #tpu.memory_space<vmem>>
    %dma_start3A_122 = arith.constant 0 : i32
    %dma_start3A_123 = arith.constant 0 : i32
    %dma_start3A_124 = tpu.memref_slice %arg6[%dma_start3A_122, %dma_start3A_123] : memref<250000x128xf32, #tpu.memory_space<hbm>> -> memref<250000x128xf32, #tpu.memory_space<hbm>>
    tpu.enqueue_indirect_dma source(%dma_start3A_124 : memref<250000x128xf32, #tpu.memory_space<hbm>>) target(%arg23 : memref<128x128xf32, #tpu.memory_space<vmem>>) offsets(%dma_start3A_121 : memref<128xi32, #tpu.memory_space<vmem>>) semaphore(%arg26 : memref<!tpu.dma_semaphore, #tpu.memory_space<semaphore_mem>>)
    %scan3A_125 = arith.constant 0 : i32
    %scan3A_126 = arith.constant 8 : i32
    %scan3A_127 = arith.addi %scan3A_125, %scan3A_126 : i32
    %scan3A_128 = arith.constant 1 : i32
    %scan3A_129:3 = scf.for %scan3A_161 = %scan3A_125 to %scan3A_127 step %scan3A_128 iter_args(%scan3A_162 = %scan3A_93#0, %scan3A_163 = %scan3A_93#1, %scan3A_164 = %scan3A_93#2) -> (vector<16xf32>, vector<16xf32>, vector<16xf32>)  : i32 {
      %mul3A_165 = arith.constant 16 : i32
      %mul3A_166 = arith.muli %scan3A_161, %mul3A_165 : i32
      %add3A_167 = vector.broadcast %mul3A_166 : i32 to vector<16xi32>
      %add3A_168 = arith.addi %add3A_167, %iota3A : vector<16xi32>
      %mul3A_169 = arith.constant 16 : i32
      %mul3A_170 = arith.muli %scan3A_161, %mul3A_169 : i32
      %add3A_171 = arith.constant 256 : i32
      %add3A_172 = arith.addi %add3A_171, %mul3A_170 : i32
      %get3A = arith.index_cast %add3A_172 : i32 to index
      %get3A_173 = tpu.vector_load %arg15[%get3A] {strides = array<i32>} : memref<512xi32, #tpu.memory_space<vmem>>, vector<16xi32>,
      %mul3A_174 = arith.constant 16 : i32
      %mul3A_175 = arith.muli %scan3A_161, %mul3A_174 : i32
      %add3A_176 = arith.constant 256 : i32
      %add3A_177 = arith.addi %add3A_176, %mul3A_175 : i32
      %get3A_178 = arith.index_cast %add3A_177 : i32 to index
      %get3A_179 = tpu.vector_load %arg16[%get3A_178] {strides = array<i32>} : memref<512xi32, #tpu.memory_space<vmem>>, vector<16xi32>,
      %mul3A_180 = arith.constant 16 : i32
      %mul3A_181 = arith.muli %scan3A_161, %mul3A_180 : i32
      %add3A_182 = arith.constant 256 : i32
      %add3A_183 = arith.addi %add3A_182, %mul3A_181 : i32
      %get3A_184 = arith.index_cast %add3A_183 : i32 to index
      %get3A_185 = tpu.vector_load %arg17[%get3A_184] {strides = array<i32>} : memref<512xi32, #tpu.memory_space<vmem>>, vector<16xi32>,
      %add3A_186 = arith.constant 0 : i32
      %add3A_187 = vector.broadcast %add3A_186 : i32 to vector<16xi32>
      %add3A_188 = arith.addi %get3A_173, %add3A_187 : vector<16xi32>
      %gather3A = tpu.vector_load_idx %arg18[%add3A_168, %add3A_188] : memref<128x128xf32, #tpu.memory_space<vmem>>[vector<16xi32>, vector<16xi32>], vector<16xf32>,
      %add3A_189 = arith.constant 0 : i32
      %add3A_190 = vector.broadcast %add3A_189 : i32 to vector<16xi32>
      %add3A_191 = arith.addi %get3A_179, %add3A_190 : vector<16xi32>
      %gather3A_192 = tpu.vector_load_idx %arg20[%add3A_168, %add3A_191] : memref<128x128xf32, #tpu.memory_space<vmem>>[vector<16xi32>, vector<16xi32>], vector<16xf32>,
      %add3A_193 = arith.constant 0 : i32
      %add3A_194 = vector.broadcast %add3A_193 : i32 to vector<16xi32>
      %add3A_195 = arith.addi %get3A_185, %add3A_194 : vector<16xi32>
      %gather3A_196 = tpu.vector_load_idx %arg22[%add3A_168, %add3A_195] : memref<128x128xf32, #tpu.memory_space<vmem>>[vector<16xi32>, vector<16xi32>], vector<16xf32>,
      %mul3A_197 = arith.mulf %gather3A, %gather3A_192 : vector<16xf32>
      %add3A_198 = arith.addf %broadcast_in_dim3A_9, %mul3A_197 : vector<16xf32>
      %mul3A_199 = arith.mulf %gather3A, %gather3A_196 : vector<16xf32>
      %add3A_200 = arith.addf %broadcast_in_dim3A_9, %mul3A_199 : vector<16xf32>
      %mul3A_201 = arith.mulf %gather3A, %gather3A : vector<16xf32>
      %add3A_202 = arith.addf %scan3A_162, %mul3A_201 : vector<16xf32>
      %mul3A_203 = arith.mulf %gather3A_192, %gather3A_192 : vector<16xf32>
      %add3A_204 = arith.addf %scan3A_163, %mul3A_203 : vector<16xf32>
      %mul3A_205 = arith.mulf %gather3A_196, %gather3A_196 : vector<16xf32>
      %add3A_206 = arith.addf %scan3A_164, %mul3A_205 : vector<16xf32>
      %add3A_207 = arith.constant 1 : i32
      %add3A_208 = vector.broadcast %add3A_207 : i32 to vector<16xi32>
      %add3A_209 = arith.addi %get3A_173, %add3A_208 : vector<16xi32>
      %gather3A_210 = tpu.vector_load_idx %arg18[%add3A_168, %add3A_209] : memref<128x128xf32, #tpu.memory_space<vmem>>[vector<16xi32>, vector<16xi32>], vector<16xf32>,
      %add3A_211 = arith.constant 1 : i32
      %add3A_212 = vector.broadcast %add3A_211 : i32 to vector<16xi32>
      %add3A_213 = arith.addi %get3A_179, %add3A_212 : vector<16xi32>
      %gather3A_214 = tpu.vector_load_idx %arg20[%add3A_168, %add3A_213] : memref<128x128xf32, #tpu.memory_space<vmem>>[vector<16xi32>, vector<16xi32>], vector<16xf32>,
      %add3A_215 = arith.constant 1 : i32
      %add3A_216 = vector.broadcast %add3A_215 : i32 to vector<16xi32>
      %add3A_217 = arith.addi %get3A_185, %add3A_216 : vector<16xi32>
      %gather3A_218 = tpu.vector_load_idx %arg22[%add3A_168, %add3A_217] : memref<128x128xf32, #tpu.memory_space<vmem>>[vector<16xi32>, vector<16xi32>], vector<16xf32>,
      %mul3A_219 = arith.mulf %gather3A_210, %gather3A_214 : vector<16xf32>
      %add3A_220 = arith.addf %add3A_198, %mul3A_219 : vector<16xf32>
      %mul3A_221 = arith.mulf %gather3A_210, %gather3A_218 : vector<16xf32>
      %add3A_222 = arith.addf %add3A_200, %mul3A_221 : vector<16xf32>
      %mul3A_223 = arith.mulf %gather3A_210, %gather3A_210 : vector<16xf32>
      %add3A_224 = arith.addf %add3A_202, %mul3A_223 : vector<16xf32>
      %mul3A_225 = arith.mulf %gather3A_214, %gather3A_214 : vector<16xf32>
      %add3A_226 = arith.addf %add3A_204, %mul3A_225 : vector<16xf32>
      %mul3A_227 = arith.mulf %gather3A_218, %gather3A_218 : vector<16xf32>
      %add3A_228 = arith.addf %add3A_206, %mul3A_227 : vector<16xf32>
      %add3A_229 = arith.constant 2 : i32
      %add3A_230 = vector.broadcast %add3A_229 : i32 to vector<16xi32>
      %add3A_231 = arith.addi %get3A_173, %add3A_230 : vector<16xi32>
      %gather3A_232 = tpu.vector_load_idx %arg18[%add3A_168, %add3A_231] : memref<128x128xf32, #tpu.memory_space<vmem>>[vector<16xi32>, vector<16xi32>], vector<16xf32>,
      %add3A_233 = arith.constant 2 : i32
      %add3A_234 = vector.broadcast %add3A_233 : i32 to vector<16xi32>
      %add3A_235 = arith.addi %get3A_179, %add3A_234 : vector<16xi32>
      %gather3A_236 = tpu.vector_load_idx %arg20[%add3A_168, %add3A_235] : memref<128x128xf32, #tpu.memory_space<vmem>>[vector<16xi32>, vector<16xi32>], vector<16xf32>,
      %add3A_237 = arith.constant 2 : i32
      %add3A_238 = vector.broadcast %add3A_237 : i32 to vector<16xi32>
      %add3A_239 = arith.addi %get3A_185, %add3A_238 : vector<16xi32>
      %gather3A_240 = tpu.vector_load_idx %arg22[%add3A_168, %add3A_239] : memref<128x128xf32, #tpu.memory_space<vmem>>[vector<16xi32>, vector<16xi32>], vector<16xf32>,
      %mul3A_241 = arith.mulf %gather3A_232, %gather3A_236 : vector<16xf32>
      %add3A_242 = arith.addf %add3A_220, %mul3A_241 : vector<16xf32>
      %mul3A_243 = arith.mulf %gather3A_232, %gather3A_240 : vector<16xf32>
      %add3A_244 = arith.addf %add3A_222, %mul3A_243 : vector<16xf32>
      %mul3A_245 = arith.mulf %gather3A_232, %gather3A_232 : vector<16xf32>
      %add3A_246 = arith.addf %add3A_224, %mul3A_245 : vector<16xf32>
      %mul3A_247 = arith.mulf %gather3A_236, %gather3A_236 : vector<16xf32>
      %add3A_248 = arith.addf %add3A_226, %mul3A_247 : vector<16xf32>
      %mul3A_249 = arith.mulf %gather3A_240, %gather3A_240 : vector<16xf32>
      %add3A_250 = arith.addf %add3A_228, %mul3A_249 : vector<16xf32>
      %add3A_251 = arith.constant 3 : i32
      %add3A_252 = vector.broadcast %add3A_251 : i32 to vector<16xi32>
      %add3A_253 = arith.addi %get3A_173, %add3A_252 : vector<16xi32>
      %gather3A_254 = tpu.vector_load_idx %arg18[%add3A_168, %add3A_253] : memref<128x128xf32, #tpu.memory_space<vmem>>[vector<16xi32>, vector<16xi32>], vector<16xf32>,
      %add3A_255 = arith.constant 3 : i32
      %add3A_256 = vector.broadcast %add3A_255 : i32 to vector<16xi32>
      %add3A_257 = arith.addi %get3A_179, %add3A_256 : vector<16xi32>
      %gather3A_258 = tpu.vector_load_idx %arg20[%add3A_168, %add3A_257] : memref<128x128xf32, #tpu.memory_space<vmem>>[vector<16xi32>, vector<16xi32>], vector<16xf32>,
      %add3A_259 = arith.constant 3 : i32
      %add3A_260 = vector.broadcast %add3A_259 : i32 to vector<16xi32>
      %add3A_261 = arith.addi %get3A_185, %add3A_260 : vector<16xi32>
      %gather3A_262 = tpu.vector_load_idx %arg22[%add3A_168, %add3A_261] : memref<128x128xf32, #tpu.memory_space<vmem>>[vector<16xi32>, vector<16xi32>], vector<16xf32>,
      %mul3A_263 = arith.mulf %gather3A_254, %gather3A_258 : vector<16xf32>
      %add3A_264 = arith.addf %add3A_242, %mul3A_263 : vector<16xf32>
      %mul3A_265 = arith.mulf %gather3A_254, %gather3A_262 : vector<16xf32>
      %add3A_266 = arith.addf %add3A_244, %mul3A_265 : vector<16xf32>
      %mul3A_267 = arith.mulf %gather3A_254, %gather3A_254 : vector<16xf32>
      %add3A_268 = arith.addf %add3A_246, %mul3A_267 : vector<16xf32>
      %mul3A_269 = arith.mulf %gather3A_258, %gather3A_258 : vector<16xf32>
      %add3A_270 = arith.addf %add3A_248, %mul3A_269 : vector<16xf32>
      %mul3A_271 = arith.mulf %gather3A_262, %gather3A_262 : vector<16xf32>
      %add3A_272 = arith.addf %add3A_250, %mul3A_271 : vector<16xf32>
      %add3A_273 = arith.constant 4 : i32
      %add3A_274 = vector.broadcast %add3A_273 : i32 to vector<16xi32>
      %add3A_275 = arith.addi %get3A_173, %add3A_274 : vector<16xi32>
      %gather3A_276 = tpu.vector_load_idx %arg18[%add3A_168, %add3A_275] : memref<128x128xf32, #tpu.memory_space<vmem>>[vector<16xi32>, vector<16xi32>], vector<16xf32>,
      %add3A_277 = arith.constant 4 : i32
      %add3A_278 = vector.broadcast %add3A_277 : i32 to vector<16xi32>
      %add3A_279 = arith.addi %get3A_179, %add3A_278 : vector<16xi32>
      %gather3A_280 = tpu.vector_load_idx %arg20[%add3A_168, %add3A_279] : memref<128x128xf32, #tpu.memory_space<vmem>>[vector<16xi32>, vector<16xi32>], vector<16xf32>,
      %add3A_281 = arith.constant 4 : i32
      %add3A_282 = vector.broadcast %add3A_281 : i32 to vector<16xi32>
      %add3A_283 = arith.addi %get3A_185, %add3A_282 : vector<16xi32>
      %gather3A_284 = tpu.vector_load_idx %arg22[%add3A_168, %add3A_283] : memref<128x128xf32, #tpu.memory_space<vmem>>[vector<16xi32>, vector<16xi32>], vector<16xf32>,
      %mul3A_285 = arith.mulf %gather3A_276, %gather3A_280 : vector<16xf32>
      %add3A_286 = arith.addf %add3A_264, %mul3A_285 : vector<16xf32>
      %mul3A_287 = arith.mulf %gather3A_276, %gather3A_284 : vector<16xf32>
      %add3A_288 = arith.addf %add3A_266, %mul3A_287 : vector<16xf32>
      %mul3A_289 = arith.mulf %gather3A_276, %gather3A_276 : vector<16xf32>
      %add3A_290 = arith.addf %add3A_268, %mul3A_289 : vector<16xf32>
      %mul3A_291 = arith.mulf %gather3A_280, %gather3A_280 : vector<16xf32>
      %add3A_292 = arith.addf %add3A_270, %mul3A_291 : vector<16xf32>
      %mul3A_293 = arith.mulf %gather3A_284, %gather3A_284 : vector<16xf32>
      %add3A_294 = arith.addf %add3A_272, %mul3A_293 : vector<16xf32>
      %add3A_295 = arith.constant 5 : i32
      %add3A_296 = vector.broadcast %add3A_295 : i32 to vector<16xi32>
      %add3A_297 = arith.addi %get3A_173, %add3A_296 : vector<16xi32>
      %gather3A_298 = tpu.vector_load_idx %arg18[%add3A_168, %add3A_297] : memref<128x128xf32, #tpu.memory_space<vmem>>[vector<16xi32>, vector<16xi32>], vector<16xf32>,
      %add3A_299 = arith.constant 5 : i32
      %add3A_300 = vector.broadcast %add3A_299 : i32 to vector<16xi32>
      %add3A_301 = arith.addi %get3A_179, %add3A_300 : vector<16xi32>
      %gather3A_302 = tpu.vector_load_idx %arg20[%add3A_168, %add3A_301] : memref<128x128xf32, #tpu.memory_space<vmem>>[vector<16xi32>, vector<16xi32>], vector<16xf32>,
      %add3A_303 = arith.constant 5 : i32
      %add3A_304 = vector.broadcast %add3A_303 : i32 to vector<16xi32>
      %add3A_305 = arith.addi %get3A_185, %add3A_304 : vector<16xi32>
      %gather3A_306 = tpu.vector_load_idx %arg22[%add3A_168, %add3A_305] : memref<128x128xf32, #tpu.memory_space<vmem>>[vector<16xi32>, vector<16xi32>], vector<16xf32>,
      %mul3A_307 = arith.mulf %gather3A_298, %gather3A_302 : vector<16xf32>
      %add3A_308 = arith.addf %add3A_286, %mul3A_307 : vector<16xf32>
      %mul3A_309 = arith.mulf %gather3A_298, %gather3A_306 : vector<16xf32>
      %add3A_310 = arith.addf %add3A_288, %mul3A_309 : vector<16xf32>
      %mul3A_311 = arith.mulf %gather3A_298, %gather3A_298 : vector<16xf32>
      %add3A_312 = arith.addf %add3A_290, %mul3A_311 : vector<16xf32>
      %mul3A_313 = arith.mulf %gather3A_302, %gather3A_302 : vector<16xf32>
      %add3A_314 = arith.addf %add3A_292, %mul3A_313 : vector<16xf32>
      %mul3A_315 = arith.mulf %gather3A_306, %gather3A_306 : vector<16xf32>
      %add3A_316 = arith.addf %add3A_294, %mul3A_315 : vector<16xf32>
      %add3A_317 = arith.constant 6 : i32
      %add3A_318 = vector.broadcast %add3A_317 : i32 to vector<16xi32>
      %add3A_319 = arith.addi %get3A_173, %add3A_318 : vector<16xi32>
      %gather3A_320 = tpu.vector_load_idx %arg18[%add3A_168, %add3A_319] : memref<128x128xf32, #tpu.memory_space<vmem>>[vector<16xi32>, vector<16xi32>], vector<16xf32>,
      %add3A_321 = arith.constant 6 : i32
      %add3A_322 = vector.broadcast %add3A_321 : i32 to vector<16xi32>
      %add3A_323 = arith.addi %get3A_179, %add3A_322 : vector<16xi32>
      %gather3A_324 = tpu.vector_load_idx %arg20[%add3A_168, %add3A_323] : memref<128x128xf32, #tpu.memory_space<vmem>>[vector<16xi32>, vector<16xi32>], vector<16xf32>,
      %add3A_325 = arith.constant 6 : i32
      %add3A_326 = vector.broadcast %add3A_325 : i32 to vector<16xi32>
      %add3A_327 = arith.addi %get3A_185, %add3A_326 : vector<16xi32>
      %gather3A_328 = tpu.vector_load_idx %arg22[%add3A_168, %add3A_327] : memref<128x128xf32, #tpu.memory_space<vmem>>[vector<16xi32>, vector<16xi32>], vector<16xf32>,
      %mul3A_329 = arith.mulf %gather3A_320, %gather3A_324 : vector<16xf32>
      %add3A_330 = arith.addf %add3A_308, %mul3A_329 : vector<16xf32>
      %mul3A_331 = arith.mulf %gather3A_320, %gather3A_328 : vector<16xf32>
      %add3A_332 = arith.addf %add3A_310, %mul3A_331 : vector<16xf32>
      %mul3A_333 = arith.mulf %gather3A_320, %gather3A_320 : vector<16xf32>
      %add3A_334 = arith.addf %add3A_312, %mul3A_333 : vector<16xf32>
      %mul3A_335 = arith.mulf %gather3A_324, %gather3A_324 : vector<16xf32>
      %add3A_336 = arith.addf %add3A_314, %mul3A_335 : vector<16xf32>
      %mul3A_337 = arith.mulf %gather3A_328, %gather3A_328 : vector<16xf32>
      %add3A_338 = arith.addf %add3A_316, %mul3A_337 : vector<16xf32>
      %add3A_339 = arith.constant 7 : i32
      %add3A_340 = vector.broadcast %add3A_339 : i32 to vector<16xi32>
      %add3A_341 = arith.addi %get3A_173, %add3A_340 : vector<16xi32>
      %gather3A_342 = tpu.vector_load_idx %arg18[%add3A_168, %add3A_341] : memref<128x128xf32, #tpu.memory_space<vmem>>[vector<16xi32>, vector<16xi32>], vector<16xf32>,
      %add3A_343 = arith.constant 7 : i32
      %add3A_344 = vector.broadcast %add3A_343 : i32 to vector<16xi32>
      %add3A_345 = arith.addi %get3A_179, %add3A_344 : vector<16xi32>
      %gather3A_346 = tpu.vector_load_idx %arg20[%add3A_168, %add3A_345] : memref<128x128xf32, #tpu.memory_space<vmem>>[vector<16xi32>, vector<16xi32>], vector<16xf32>,
      %add3A_347 = arith.constant 7 : i32
      %add3A_348 = vector.broadcast %add3A_347 : i32 to vector<16xi32>
      %add3A_349 = arith.addi %get3A_185, %add3A_348 : vector<16xi32>
      %gather3A_350 = tpu.vector_load_idx %arg22[%add3A_168, %add3A_349] : memref<128x128xf32, #tpu.memory_space<vmem>>[vector<16xi32>, vector<16xi32>], vector<16xf32>,
      %mul3A_351 = arith.mulf %gather3A_342, %gather3A_346 : vector<16xf32>
      %add3A_352 = arith.addf %add3A_330, %mul3A_351 : vector<16xf32>
      %mul3A_353 = arith.mulf %gather3A_342, %gather3A_350 : vector<16xf32>
      %add3A_354 = arith.addf %add3A_332, %mul3A_353 : vector<16xf32>
      %mul3A_355 = arith.mulf %gather3A_342, %gather3A_342 : vector<16xf32>
      %add3A_356 = arith.addf %add3A_334, %mul3A_355 : vector<16xf32>
      %mul3A_357 = arith.mulf %gather3A_346, %gather3A_346 : vector<16xf32>
      %add3A_358 = arith.addf %add3A_336, %mul3A_357 : vector<16xf32>
      %mul3A_359 = arith.mulf %gather3A_350, %gather3A_350 : vector<16xf32>
      %add3A_360 = arith.addf %add3A_338, %mul3A_359 : vector<16xf32>
      %add3A_361 = arith.constant 8 : i32
      %add3A_362 = vector.broadcast %add3A_361 : i32 to vector<16xi32>
      %add3A_363 = arith.addi %get3A_173, %add3A_362 : vector<16xi32>
      %gather3A_364 = tpu.vector_load_idx %arg18[%add3A_168, %add3A_363] : memref<128x128xf32, #tpu.memory_space<vmem>>[vector<16xi32>, vector<16xi32>], vector<16xf32>,
      %add3A_365 = arith.constant 8 : i32
      %add3A_366 = vector.broadcast %add3A_365 : i32 to vector<16xi32>
      %add3A_367 = arith.addi %get3A_179, %add3A_366 : vector<16xi32>
      %gather3A_368 = tpu.vector_load_idx %arg20[%add3A_168, %add3A_367] : memref<128x128xf32, #tpu.memory_space<vmem>>[vector<16xi32>, vector<16xi32>], vector<16xf32>,
      %add3A_369 = arith.constant 8 : i32
      %add3A_370 = vector.broadcast %add3A_369 : i32 to vector<16xi32>
      %add3A_371 = arith.addi %get3A_185, %add3A_370 : vector<16xi32>
      %gather3A_372 = tpu.vector_load_idx %arg22[%add3A_168, %add3A_371] : memref<128x128xf32, #tpu.memory_space<vmem>>[vector<16xi32>, vector<16xi32>], vector<16xf32>,
      %mul3A_373 = arith.mulf %gather3A_364, %gather3A_368 : vector<16xf32>
      %add3A_374 = arith.addf %add3A_352, %mul3A_373 : vector<16xf32>
      %mul3A_375 = arith.mulf %gather3A_364, %gather3A_372 : vector<16xf32>
      %add3A_376 = arith.addf %add3A_354, %mul3A_375 : vector<16xf32>
      %mul3A_377 = arith.mulf %gather3A_364, %gather3A_364 : vector<16xf32>
      %add3A_378 = arith.addf %add3A_356, %mul3A_377 : vector<16xf32>
      %mul3A_379 = arith.mulf %gather3A_368, %gather3A_368 : vector<16xf32>
      %add3A_380 = arith.addf %add3A_358, %mul3A_379 : vector<16xf32>
      %mul3A_381 = arith.mulf %gather3A_372, %gather3A_372 : vector<16xf32>
      %add3A_382 = arith.addf %add3A_360, %mul3A_381 : vector<16xf32>
      %add3A_383 = arith.constant 9 : i32
      %add3A_384 = vector.broadcast %add3A_383 : i32 to vector<16xi32>
      %add3A_385 = arith.addi %get3A_173, %add3A_384 : vector<16xi32>
      %gather3A_386 = tpu.vector_load_idx %arg18[%add3A_168, %add3A_385] : memref<128x128xf32, #tpu.memory_space<vmem>>[vector<16xi32>, vector<16xi32>], vector<16xf32>,
      %add3A_387 = arith.constant 9 : i32
      %add3A_388 = vector.broadcast %add3A_387 : i32 to vector<16xi32>
      %add3A_389 = arith.addi %get3A_179, %add3A_388 : vector<16xi32>
      %gather3A_390 = tpu.vector_load_idx %arg20[%add3A_168, %add3A_389] : memref<128x128xf32, #tpu.memory_space<vmem>>[vector<16xi32>, vector<16xi32>], vector<16xf32>,
      %add3A_391 = arith.constant 9 : i32
      %add3A_392 = vector.broadcast %add3A_391 : i32 to vector<16xi32>
      %add3A_393 = arith.addi %get3A_185, %add3A_392 : vector<16xi32>
      %gather3A_394 = tpu.vector_load_idx %arg22[%add3A_168, %add3A_393] : memref<128x128xf32, #tpu.memory_space<vmem>>[vector<16xi32>, vector<16xi32>], vector<16xf32>,
      %mul3A_395 = arith.mulf %gather3A_386, %gather3A_390 : vector<16xf32>
      %add3A_396 = arith.addf %add3A_374, %mul3A_395 : vector<16xf32>
      %mul3A_397 = arith.mulf %gather3A_386, %gather3A_394 : vector<16xf32>
      %add3A_398 = arith.addf %add3A_376, %mul3A_397 : vector<16xf32>
      %mul3A_399 = arith.mulf %gather3A_386, %gather3A_386 : vector<16xf32>
      %add3A_400 = arith.addf %add3A_378, %mul3A_399 : vector<16xf32>
      %mul3A_401 = arith.mulf %gather3A_390, %gather3A_390 : vector<16xf32>
      %add3A_402 = arith.addf %add3A_380, %mul3A_401 : vector<16xf32>
      %mul3A_403 = arith.mulf %gather3A_394, %gather3A_394 : vector<16xf32>
      %add3A_404 = arith.addf %add3A_382, %mul3A_403 : vector<16xf32>
      %add3A_405 = arith.constant 10 : i32
      %add3A_406 = vector.broadcast %add3A_405 : i32 to vector<16xi32>
      %add3A_407 = arith.addi %get3A_173, %add3A_406 : vector<16xi32>
      %gather3A_408 = tpu.vector_load_idx %arg18[%add3A_168, %add3A_407] : memref<128x128xf32, #tpu.memory_space<vmem>>[vector<16xi32>, vector<16xi32>], vector<16xf32>,
      %add3A_409 = arith.constant 10 : i32
      %add3A_410 = vector.broadcast %add3A_409 : i32 to vector<16xi32>
      %add3A_411 = arith.addi %get3A_179, %add3A_410 : vector<16xi32>
      %gather3A_412 = tpu.vector_load_idx %arg20[%add3A_168, %add3A_411] : memref<128x128xf32, #tpu.memory_space<vmem>>[vector<16xi32>, vector<16xi32>], vector<16xf32>,
      %add3A_413 = arith.constant 10 : i32
      %add3A_414 = vector.broadcast %add3A_413 : i32 to vector<16xi32>
      %add3A_415 = arith.addi %get3A_185, %add3A_414 : vector<16xi32>
      %gather3A_416 = tpu.vector_load_idx %arg22[%add3A_168, %add3A_415] : memref<128x128xf32, #tpu.memory_space<vmem>>[vector<16xi32>, vector<16xi32>], vector<16xf32>,
      %mul3A_417 = arith.mulf %gather3A_408, %gather3A_412 : vector<16xf32>
      %add3A_418 = arith.addf %add3A_396, %mul3A_417 : vector<16xf32>
      %mul3A_419 = arith.mulf %gather3A_408, %gather3A_416 : vector<16xf32>
      %add3A_420 = arith.addf %add3A_398, %mul3A_419 : vector<16xf32>
      %mul3A_421 = arith.mulf %gather3A_408, %gather3A_408 : vector<16xf32>
      %add3A_422 = arith.addf %add3A_400, %mul3A_421 : vector<16xf32>
      %mul3A_423 = arith.mulf %gather3A_412, %gather3A_412 : vector<16xf32>
      %add3A_424 = arith.addf %add3A_402, %mul3A_423 : vector<16xf32>
      %mul3A_425 = arith.mulf %gather3A_416, %gather3A_416 : vector<16xf32>
      %add3A_426 = arith.addf %add3A_404, %mul3A_425 : vector<16xf32>
      %add3A_427 = arith.constant 11 : i32
      %add3A_428 = vector.broadcast %add3A_427 : i32 to vector<16xi32>
      %add3A_429 = arith.addi %get3A_173, %add3A_428 : vector<16xi32>
      %gather3A_430 = tpu.vector_load_idx %arg18[%add3A_168, %add3A_429] : memref<128x128xf32, #tpu.memory_space<vmem>>[vector<16xi32>, vector<16xi32>], vector<16xf32>,
      %add3A_431 = arith.constant 11 : i32
      %add3A_432 = vector.broadcast %add3A_431 : i32 to vector<16xi32>
      %add3A_433 = arith.addi %get3A_179, %add3A_432 : vector<16xi32>
      %gather3A_434 = tpu.vector_load_idx %arg20[%add3A_168, %add3A_433] : memref<128x128xf32, #tpu.memory_space<vmem>>[vector<16xi32>, vector<16xi32>], vector<16xf32>,
      %add3A_435 = arith.constant 11 : i32
      %add3A_436 = vector.broadcast %add3A_435 : i32 to vector<16xi32>
      %add3A_437 = arith.addi %get3A_185, %add3A_436 : vector<16xi32>
      %gather3A_438 = tpu.vector_load_idx %arg22[%add3A_168, %add3A_437] : memref<128x128xf32, #tpu.memory_space<vmem>>[vector<16xi32>, vector<16xi32>], vector<16xf32>,
      %mul3A_439 = arith.mulf %gather3A_430, %gather3A_434 : vector<16xf32>
      %add3A_440 = arith.addf %add3A_418, %mul3A_439 : vector<16xf32>
      %mul3A_441 = arith.mulf %gather3A_430, %gather3A_438 : vector<16xf32>
      %add3A_442 = arith.addf %add3A_420, %mul3A_441 : vector<16xf32>
      %mul3A_443 = arith.mulf %gather3A_430, %gather3A_430 : vector<16xf32>
      %add3A_444 = arith.addf %add3A_422, %mul3A_443 : vector<16xf32>
      %mul3A_445 = arith.mulf %gather3A_434, %gather3A_434 : vector<16xf32>
      %add3A_446 = arith.addf %add3A_424, %mul3A_445 : vector<16xf32>
      %mul3A_447 = arith.mulf %gather3A_438, %gather3A_438 : vector<16xf32>
      %add3A_448 = arith.addf %add3A_426, %mul3A_447 : vector<16xf32>
      %add3A_449 = arith.constant 12 : i32
      %add3A_450 = vector.broadcast %add3A_449 : i32 to vector<16xi32>
      %add3A_451 = arith.addi %get3A_173, %add3A_450 : vector<16xi32>
      %gather3A_452 = tpu.vector_load_idx %arg18[%add3A_168, %add3A_451] : memref<128x128xf32, #tpu.memory_space<vmem>>[vector<16xi32>, vector<16xi32>], vector<16xf32>,
      %add3A_453 = arith.constant 12 : i32
      %add3A_454 = vector.broadcast %add3A_453 : i32 to vector<16xi32>
      %add3A_455 = arith.addi %get3A_179, %add3A_454 : vector<16xi32>
      %gather3A_456 = tpu.vector_load_idx %arg20[%add3A_168, %add3A_455] : memref<128x128xf32, #tpu.memory_space<vmem>>[vector<16xi32>, vector<16xi32>], vector<16xf32>,
      %add3A_457 = arith.constant 12 : i32
      %add3A_458 = vector.broadcast %add3A_457 : i32 to vector<16xi32>
      %add3A_459 = arith.addi %get3A_185, %add3A_458 : vector<16xi32>
      %gather3A_460 = tpu.vector_load_idx %arg22[%add3A_168, %add3A_459] : memref<128x128xf32, #tpu.memory_space<vmem>>[vector<16xi32>, vector<16xi32>], vector<16xf32>,
      %mul3A_461 = arith.mulf %gather3A_452, %gather3A_456 : vector<16xf32>
      %add3A_462 = arith.addf %add3A_440, %mul3A_461 : vector<16xf32>
      %mul3A_463 = arith.mulf %gather3A_452, %gather3A_460 : vector<16xf32>
      %add3A_464 = arith.addf %add3A_442, %mul3A_463 : vector<16xf32>
      %mul3A_465 = arith.mulf %gather3A_452, %gather3A_452 : vector<16xf32>
      %add3A_466 = arith.addf %add3A_444, %mul3A_465 : vector<16xf32>
      %mul3A_467 = arith.mulf %gather3A_456, %gather3A_456 : vector<16xf32>
      %add3A_468 = arith.addf %add3A_446, %mul3A_467 : vector<16xf32>
      %mul3A_469 = arith.mulf %gather3A_460, %gather3A_460 : vector<16xf32>
      %add3A_470 = arith.addf %add3A_448, %mul3A_469 : vector<16xf32>
      %add3A_471 = arith.constant 13 : i32
      %add3A_472 = vector.broadcast %add3A_471 : i32 to vector<16xi32>
      %add3A_473 = arith.addi %get3A_173, %add3A_472 : vector<16xi32>
      %gather3A_474 = tpu.vector_load_idx %arg18[%add3A_168, %add3A_473] : memref<128x128xf32, #tpu.memory_space<vmem>>[vector<16xi32>, vector<16xi32>], vector<16xf32>,
      %add3A_475 = arith.constant 13 : i32
      %add3A_476 = vector.broadcast %add3A_475 : i32 to vector<16xi32>
      %add3A_477 = arith.addi %get3A_179, %add3A_476 : vector<16xi32>
      %gather3A_478 = tpu.vector_load_idx %arg20[%add3A_168, %add3A_477] : memref<128x128xf32, #tpu.memory_space<vmem>>[vector<16xi32>, vector<16xi32>], vector<16xf32>,
      %add3A_479 = arith.constant 13 : i32
      %add3A_480 = vector.broadcast %add3A_479 : i32 to vector<16xi32>
      %add3A_481 = arith.addi %get3A_185, %add3A_480 : vector<16xi32>
      %gather3A_482 = tpu.vector_load_idx %arg22[%add3A_168, %add3A_481] : memref<128x128xf32, #tpu.memory_space<vmem>>[vector<16xi32>, vector<16xi32>], vector<16xf32>,
      %mul3A_483 = arith.mulf %gather3A_474, %gather3A_478 : vector<16xf32>
      %add3A_484 = arith.addf %add3A_462, %mul3A_483 : vector<16xf32>
      %mul3A_485 = arith.mulf %gather3A_474, %gather3A_482 : vector<16xf32>
      %add3A_486 = arith.addf %add3A_464, %mul3A_485 : vector<16xf32>
      %mul3A_487 = arith.mulf %gather3A_474, %gather3A_474 : vector<16xf32>
      %add3A_488 = arith.addf %add3A_466, %mul3A_487 : vector<16xf32>
      %mul3A_489 = arith.mulf %gather3A_478, %gather3A_478 : vector<16xf32>
      %add3A_490 = arith.addf %add3A_468, %mul3A_489 : vector<16xf32>
      %mul3A_491 = arith.mulf %gather3A_482, %gather3A_482 : vector<16xf32>
      %add3A_492 = arith.addf %add3A_470, %mul3A_491 : vector<16xf32>
      %add3A_493 = arith.constant 14 : i32
      %add3A_494 = vector.broadcast %add3A_493 : i32 to vector<16xi32>
      %add3A_495 = arith.addi %get3A_173, %add3A_494 : vector<16xi32>
      %gather3A_496 = tpu.vector_load_idx %arg18[%add3A_168, %add3A_495] : memref<128x128xf32, #tpu.memory_space<vmem>>[vector<16xi32>, vector<16xi32>], vector<16xf32>,
      %add3A_497 = arith.constant 14 : i32
      %add3A_498 = vector.broadcast %add3A_497 : i32 to vector<16xi32>
      %add3A_499 = arith.addi %get3A_179, %add3A_498 : vector<16xi32>
      %gather3A_500 = tpu.vector_load_idx %arg20[%add3A_168, %add3A_499] : memref<128x128xf32, #tpu.memory_space<vmem>>[vector<16xi32>, vector<16xi32>], vector<16xf32>,
      %add3A_501 = arith.constant 14 : i32
      %add3A_502 = vector.broadcast %add3A_501 : i32 to vector<16xi32>
      %add3A_503 = arith.addi %get3A_185, %add3A_502 : vector<16xi32>
      %gather3A_504 = tpu.vector_load_idx %arg22[%add3A_168, %add3A_503] : memref<128x128xf32, #tpu.memory_space<vmem>>[vector<16xi32>, vector<16xi32>], vector<16xf32>,
      %mul3A_505 = arith.mulf %gather3A_496, %gather3A_500 : vector<16xf32>
      %add3A_506 = arith.addf %add3A_484, %mul3A_505 : vector<16xf32>
      %mul3A_507 = arith.mulf %gather3A_496, %gather3A_504 : vector<16xf32>
      %add3A_508 = arith.addf %add3A_486, %mul3A_507 : vector<16xf32>
      %mul3A_509 = arith.mulf %gather3A_496, %gather3A_496 : vector<16xf32>
      %add3A_510 = arith.addf %add3A_488, %mul3A_509 : vector<16xf32>
      %mul3A_511 = arith.mulf %gather3A_500, %gather3A_500 : vector<16xf32>
      %add3A_512 = arith.addf %add3A_490, %mul3A_511 : vector<16xf32>
      %mul3A_513 = arith.mulf %gather3A_504, %gather3A_504 : vector<16xf32>
      %add3A_514 = arith.addf %add3A_492, %mul3A_513 : vector<16xf32>
      %add3A_515 = arith.constant 15 : i32
      %add3A_516 = vector.broadcast %add3A_515 : i32 to vector<16xi32>
      %add3A_517 = arith.addi %get3A_173, %add3A_516 : vector<16xi32>
      %gather3A_518 = tpu.vector_load_idx %arg18[%add3A_168, %add3A_517] : memref<128x128xf32, #tpu.memory_space<vmem>>[vector<16xi32>, vector<16xi32>], vector<16xf32>,
      %add3A_519 = arith.constant 15 : i32
      %add3A_520 = vector.broadcast %add3A_519 : i32 to vector<16xi32>
      %add3A_521 = arith.addi %get3A_179, %add3A_520 : vector<16xi32>
      %gather3A_522 = tpu.vector_load_idx %arg20[%add3A_168, %add3A_521] : memref<128x128xf32, #tpu.memory_space<vmem>>[vector<16xi32>, vector<16xi32>], vector<16xf32>,
      %add3A_523 = arith.constant 15 : i32
      %add3A_524 = vector.broadcast %add3A_523 : i32 to vector<16xi32>
      %add3A_525 = arith.addi %get3A_185, %add3A_524 : vector<16xi32>
      %gather3A_526 = tpu.vector_load_idx %arg22[%add3A_168, %add3A_525] : memref<128x128xf32, #tpu.memory_space<vmem>>[vector<16xi32>, vector<16xi32>], vector<16xf32>,
      %mul3A_527 = arith.mulf %gather3A_518, %gather3A_522 : vector<16xf32>
      %add3A_528 = arith.addf %add3A_506, %mul3A_527 : vector<16xf32>
      %mul3A_529 = arith.mulf %gather3A_518, %gather3A_526 : vector<16xf32>
      %add3A_530 = arith.addf %add3A_508, %mul3A_529 : vector<16xf32>
      %mul3A_531 = arith.mulf %gather3A_518, %gather3A_518 : vector<16xf32>
      %add3A_532 = arith.addf %add3A_510, %mul3A_531 : vector<16xf32>
      %mul3A_533 = arith.mulf %gather3A_522, %gather3A_522 : vector<16xf32>
      %add3A_534 = arith.addf %add3A_512, %mul3A_533 : vector<16xf32>
      %mul3A_535 = arith.mulf %gather3A_526, %gather3A_526 : vector<16xf32>
      %add3A_536 = arith.addf %add3A_514, %mul3A_535 : vector<16xf32>
      %add3A_537 = arith.constant 16 : i32
      %add3A_538 = vector.broadcast %add3A_537 : i32 to vector<16xi32>
      %add3A_539 = arith.addi %get3A_173, %add3A_538 : vector<16xi32>
      %gather3A_540 = tpu.vector_load_idx %arg18[%add3A_168, %add3A_539] : memref<128x128xf32, #tpu.memory_space<vmem>>[vector<16xi32>, vector<16xi32>], vector<16xf32>,
      %add3A_541 = arith.constant 16 : i32
      %add3A_542 = vector.broadcast %add3A_541 : i32 to vector<16xi32>
      %add3A_543 = arith.addi %get3A_179, %add3A_542 : vector<16xi32>
      %gather3A_544 = tpu.vector_load_idx %arg20[%add3A_168, %add3A_543] : memref<128x128xf32, #tpu.memory_space<vmem>>[vector<16xi32>, vector<16xi32>], vector<16xf32>,
      %add3A_545 = arith.constant 16 : i32
      %add3A_546 = vector.broadcast %add3A_545 : i32 to vector<16xi32>
      %add3A_547 = arith.addi %get3A_185, %add3A_546 : vector<16xi32>
      %gather3A_548 = tpu.vector_load_idx %arg22[%add3A_168, %add3A_547] : memref<128x128xf32, #tpu.memory_space<vmem>>[vector<16xi32>, vector<16xi32>], vector<16xf32>,
      %mul3A_549 = arith.mulf %gather3A_540, %gather3A_544 : vector<16xf32>
      %add3A_550 = arith.addf %add3A_528, %mul3A_549 : vector<16xf32>
      %mul3A_551 = arith.mulf %gather3A_540, %gather3A_548 : vector<16xf32>
      %add3A_552 = arith.addf %add3A_530, %mul3A_551 : vector<16xf32>
      %mul3A_553 = arith.mulf %gather3A_540, %gather3A_540 : vector<16xf32>
      %add3A_554 = arith.addf %add3A_532, %mul3A_553 : vector<16xf32>
      %mul3A_555 = arith.mulf %gather3A_544, %gather3A_544 : vector<16xf32>
      %add3A_556 = arith.addf %add3A_534, %mul3A_555 : vector<16xf32>
      %mul3A_557 = arith.mulf %gather3A_548, %gather3A_548 : vector<16xf32>
      %add3A_558 = arith.addf %add3A_536, %mul3A_557 : vector<16xf32>
      %add3A_559 = arith.constant 17 : i32
      %add3A_560 = vector.broadcast %add3A_559 : i32 to vector<16xi32>
      %add3A_561 = arith.addi %get3A_173, %add3A_560 : vector<16xi32>
      %gather3A_562 = tpu.vector_load_idx %arg18[%add3A_168, %add3A_561] : memref<128x128xf32, #tpu.memory_space<vmem>>[vector<16xi32>, vector<16xi32>], vector<16xf32>,
      %add3A_563 = arith.constant 17 : i32
      %add3A_564 = vector.broadcast %add3A_563 : i32 to vector<16xi32>
      %add3A_565 = arith.addi %get3A_179, %add3A_564 : vector<16xi32>
      %gather3A_566 = tpu.vector_load_idx %arg20[%add3A_168, %add3A_565] : memref<128x128xf32, #tpu.memory_space<vmem>>[vector<16xi32>, vector<16xi32>], vector<16xf32>,
      %add3A_567 = arith.constant 17 : i32
      %add3A_568 = vector.broadcast %add3A_567 : i32 to vector<16xi32>
      %add3A_569 = arith.addi %get3A_185, %add3A_568 : vector<16xi32>
      %gather3A_570 = tpu.vector_load_idx %arg22[%add3A_168, %add3A_569] : memref<128x128xf32, #tpu.memory_space<vmem>>[vector<16xi32>, vector<16xi32>], vector<16xf32>,
      %mul3A_571 = arith.mulf %gather3A_562, %gather3A_566 : vector<16xf32>
      %add3A_572 = arith.addf %add3A_550, %mul3A_571 : vector<16xf32>
      %mul3A_573 = arith.mulf %gather3A_562, %gather3A_570 : vector<16xf32>
      %add3A_574 = arith.addf %add3A_552, %mul3A_573 : vector<16xf32>
      %mul3A_575 = arith.mulf %gather3A_562, %gather3A_562 : vector<16xf32>
      %add3A_576 = arith.addf %add3A_554, %mul3A_575 : vector<16xf32>
      %mul3A_577 = arith.mulf %gather3A_566, %gather3A_566 : vector<16xf32>
      %add3A_578 = arith.addf %add3A_556, %mul3A_577 : vector<16xf32>
      %mul3A_579 = arith.mulf %gather3A_570, %gather3A_570 : vector<16xf32>
      %add3A_580 = arith.addf %add3A_558, %mul3A_579 : vector<16xf32>
      %add3A_581 = arith.constant 18 : i32
      %add3A_582 = vector.broadcast %add3A_581 : i32 to vector<16xi32>
      %add3A_583 = arith.addi %get3A_173, %add3A_582 : vector<16xi32>
      %gather3A_584 = tpu.vector_load_idx %arg18[%add3A_168, %add3A_583] : memref<128x128xf32, #tpu.memory_space<vmem>>[vector<16xi32>, vector<16xi32>], vector<16xf32>,
      %add3A_585 = arith.constant 18 : i32
      %add3A_586 = vector.broadcast %add3A_585 : i32 to vector<16xi32>
      %add3A_587 = arith.addi %get3A_179, %add3A_586 : vector<16xi32>
      %gather3A_588 = tpu.vector_load_idx %arg20[%add3A_168, %add3A_587] : memref<128x128xf32, #tpu.memory_space<vmem>>[vector<16xi32>, vector<16xi32>], vector<16xf32>,
      %add3A_589 = arith.constant 18 : i32
      %add3A_590 = vector.broadcast %add3A_589 : i32 to vector<16xi32>
      %add3A_591 = arith.addi %get3A_185, %add3A_590 : vector<16xi32>
      %gather3A_592 = tpu.vector_load_idx %arg22[%add3A_168, %add3A_591] : memref<128x128xf32, #tpu.memory_space<vmem>>[vector<16xi32>, vector<16xi32>], vector<16xf32>,
      %mul3A_593 = arith.mulf %gather3A_584, %gather3A_588 : vector<16xf32>
      %add3A_594 = arith.addf %add3A_572, %mul3A_593 : vector<16xf32>
      %mul3A_595 = arith.mulf %gather3A_584, %gather3A_592 : vector<16xf32>
      %add3A_596 = arith.addf %add3A_574, %mul3A_595 : vector<16xf32>
      %mul3A_597 = arith.mulf %gather3A_584, %gather3A_584 : vector<16xf32>
      %add3A_598 = arith.addf %add3A_576, %mul3A_597 : vector<16xf32>
      %mul3A_599 = arith.mulf %gather3A_588, %gather3A_588 : vector<16xf32>
      %add3A_600 = arith.addf %add3A_578, %mul3A_599 : vector<16xf32>
      %mul3A_601 = arith.mulf %gather3A_592, %gather3A_592 : vector<16xf32>
      %add3A_602 = arith.addf %add3A_580, %mul3A_601 : vector<16xf32>
      %add3A_603 = arith.constant 19 : i32
      %add3A_604 = vector.broadcast %add3A_603 : i32 to vector<16xi32>
      %add3A_605 = arith.addi %get3A_173, %add3A_604 : vector<16xi32>
      %gather3A_606 = tpu.vector_load_idx %arg18[%add3A_168, %add3A_605] : memref<128x128xf32, #tpu.memory_space<vmem>>[vector<16xi32>, vector<16xi32>], vector<16xf32>,
      %add3A_607 = arith.constant 19 : i32
      %add3A_608 = vector.broadcast %add3A_607 : i32 to vector<16xi32>
      %add3A_609 = arith.addi %get3A_179, %add3A_608 : vector<16xi32>
      %gather3A_610 = tpu.vector_load_idx %arg20[%add3A_168, %add3A_609] : memref<128x128xf32, #tpu.memory_space<vmem>>[vector<16xi32>, vector<16xi32>], vector<16xf32>,
      %add3A_611 = arith.constant 19 : i32
      %add3A_612 = vector.broadcast %add3A_611 : i32 to vector<16xi32>
      %add3A_613 = arith.addi %get3A_185, %add3A_612 : vector<16xi32>
      %gather3A_614 = tpu.vector_load_idx %arg22[%add3A_168, %add3A_613] : memref<128x128xf32, #tpu.memory_space<vmem>>[vector<16xi32>, vector<16xi32>], vector<16xf32>,
      %mul3A_615 = arith.mulf %gather3A_606, %gather3A_610 : vector<16xf32>
      %add3A_616 = arith.addf %add3A_594, %mul3A_615 : vector<16xf32>
      %mul3A_617 = arith.mulf %gather3A_606, %gather3A_614 : vector<16xf32>
      %add3A_618 = arith.addf %add3A_596, %mul3A_617 : vector<16xf32>
      %mul3A_619 = arith.mulf %gather3A_606, %gather3A_606 : vector<16xf32>
      %add3A_620 = arith.addf %add3A_598, %mul3A_619 : vector<16xf32>
      %mul3A_621 = arith.mulf %gather3A_610, %gather3A_610 : vector<16xf32>
      %add3A_622 = arith.addf %add3A_600, %mul3A_621 : vector<16xf32>
      %mul3A_623 = arith.mulf %gather3A_614, %gather3A_614 : vector<16xf32>
      %add3A_624 = arith.addf %add3A_602, %mul3A_623 : vector<16xf32>
      %add3A_625 = arith.constant 20 : i32
      %add3A_626 = vector.broadcast %add3A_625 : i32 to vector<16xi32>
      %add3A_627 = arith.addi %get3A_173, %add3A_626 : vector<16xi32>
      %gather3A_628 = tpu.vector_load_idx %arg18[%add3A_168, %add3A_627] : memref<128x128xf32, #tpu.memory_space<vmem>>[vector<16xi32>, vector<16xi32>], vector<16xf32>,
      %add3A_629 = arith.constant 20 : i32
      %add3A_630 = vector.broadcast %add3A_629 : i32 to vector<16xi32>
      %add3A_631 = arith.addi %get3A_179, %add3A_630 : vector<16xi32>
      %gather3A_632 = tpu.vector_load_idx %arg20[%add3A_168, %add3A_631] : memref<128x128xf32, #tpu.memory_space<vmem>>[vector<16xi32>, vector<16xi32>], vector<16xf32>,
      %add3A_633 = arith.constant 20 : i32
      %add3A_634 = vector.broadcast %add3A_633 : i32 to vector<16xi32>
      %add3A_635 = arith.addi %get3A_185, %add3A_634 : vector<16xi32>
      %gather3A_636 = tpu.vector_load_idx %arg22[%add3A_168, %add3A_635] : memref<128x128xf32, #tpu.memory_space<vmem>>[vector<16xi32>, vector<16xi32>], vector<16xf32>,
      %mul3A_637 = arith.mulf %gather3A_628, %gather3A_632 : vector<16xf32>
      %add3A_638 = arith.addf %add3A_616, %mul3A_637 : vector<16xf32>
      %mul3A_639 = arith.mulf %gather3A_628, %gather3A_636 : vector<16xf32>
      %add3A_640 = arith.addf %add3A_618, %mul3A_639 : vector<16xf32>
      %mul3A_641 = arith.mulf %gather3A_628, %gather3A_628 : vector<16xf32>
      %add3A_642 = arith.addf %add3A_620, %mul3A_641 : vector<16xf32>
      %mul3A_643 = arith.mulf %gather3A_632, %gather3A_632 : vector<16xf32>
      %add3A_644 = arith.addf %add3A_622, %mul3A_643 : vector<16xf32>
      %mul3A_645 = arith.mulf %gather3A_636, %gather3A_636 : vector<16xf32>
      %add3A_646 = arith.addf %add3A_624, %mul3A_645 : vector<16xf32>
      %add3A_647 = arith.constant 21 : i32
      %add3A_648 = vector.broadcast %add3A_647 : i32 to vector<16xi32>
      %add3A_649 = arith.addi %get3A_173, %add3A_648 : vector<16xi32>
      %gather3A_650 = tpu.vector_load_idx %arg18[%add3A_168, %add3A_649] : memref<128x128xf32, #tpu.memory_space<vmem>>[vector<16xi32>, vector<16xi32>], vector<16xf32>,
      %add3A_651 = arith.constant 21 : i32
      %add3A_652 = vector.broadcast %add3A_651 : i32 to vector<16xi32>
      %add3A_653 = arith.addi %get3A_179, %add3A_652 : vector<16xi32>
      %gather3A_654 = tpu.vector_load_idx %arg20[%add3A_168, %add3A_653] : memref<128x128xf32, #tpu.memory_space<vmem>>[vector<16xi32>, vector<16xi32>], vector<16xf32>,
      %add3A_655 = arith.constant 21 : i32
      %add3A_656 = vector.broadcast %add3A_655 : i32 to vector<16xi32>
      %add3A_657 = arith.addi %get3A_185, %add3A_656 : vector<16xi32>
      %gather3A_658 = tpu.vector_load_idx %arg22[%add3A_168, %add3A_657] : memref<128x128xf32, #tpu.memory_space<vmem>>[vector<16xi32>, vector<16xi32>], vector<16xf32>,
      %mul3A_659 = arith.mulf %gather3A_650, %gather3A_654 : vector<16xf32>
      %add3A_660 = arith.addf %add3A_638, %mul3A_659 : vector<16xf32>
      %mul3A_661 = arith.mulf %gather3A_650, %gather3A_658 : vector<16xf32>
      %add3A_662 = arith.addf %add3A_640, %mul3A_661 : vector<16xf32>
      %mul3A_663 = arith.mulf %gather3A_650, %gather3A_650 : vector<16xf32>
      %add3A_664 = arith.addf %add3A_642, %mul3A_663 : vector<16xf32>
      %mul3A_665 = arith.mulf %gather3A_654, %gather3A_654 : vector<16xf32>
      %add3A_666 = arith.addf %add3A_644, %mul3A_665 : vector<16xf32>
      %mul3A_667 = arith.mulf %gather3A_658, %gather3A_658 : vector<16xf32>
      %add3A_668 = arith.addf %add3A_646, %mul3A_667 : vector<16xf32>
      %add3A_669 = arith.constant 22 : i32
      %add3A_670 = vector.broadcast %add3A_669 : i32 to vector<16xi32>
      %add3A_671 = arith.addi %get3A_173, %add3A_670 : vector<16xi32>
      %gather3A_672 = tpu.vector_load_idx %arg18[%add3A_168, %add3A_671] : memref<128x128xf32, #tpu.memory_space<vmem>>[vector<16xi32>, vector<16xi32>], vector<16xf32>,
      %add3A_673 = arith.constant 22 : i32
      %add3A_674 = vector.broadcast %add3A_673 : i32 to vector<16xi32>
      %add3A_675 = arith.addi %get3A_179, %add3A_674 : vector<16xi32>
      %gather3A_676 = tpu.vector_load_idx %arg20[%add3A_168, %add3A_675] : memref<128x128xf32, #tpu.memory_space<vmem>>[vector<16xi32>, vector<16xi32>], vector<16xf32>,
      %add3A_677 = arith.constant 22 : i32
      %add3A_678 = vector.broadcast %add3A_677 : i32 to vector<16xi32>
      %add3A_679 = arith.addi %get3A_185, %add3A_678 : vector<16xi32>
      %gather3A_680 = tpu.vector_load_idx %arg22[%add3A_168, %add3A_679] : memref<128x128xf32, #tpu.memory_space<vmem>>[vector<16xi32>, vector<16xi32>], vector<16xf32>,
      %mul3A_681 = arith.mulf %gather3A_672, %gather3A_676 : vector<16xf32>
      %add3A_682 = arith.addf %add3A_660, %mul3A_681 : vector<16xf32>
      %mul3A_683 = arith.mulf %gather3A_672, %gather3A_680 : vector<16xf32>
      %add3A_684 = arith.addf %add3A_662, %mul3A_683 : vector<16xf32>
      %mul3A_685 = arith.mulf %gather3A_672, %gather3A_672 : vector<16xf32>
      %add3A_686 = arith.addf %add3A_664, %mul3A_685 : vector<16xf32>
      %mul3A_687 = arith.mulf %gather3A_676, %gather3A_676 : vector<16xf32>
      %add3A_688 = arith.addf %add3A_666, %mul3A_687 : vector<16xf32>
      %mul3A_689 = arith.mulf %gather3A_680, %gather3A_680 : vector<16xf32>
      %add3A_690 = arith.addf %add3A_668, %mul3A_689 : vector<16xf32>
      %add3A_691 = arith.constant 23 : i32
      %add3A_692 = vector.broadcast %add3A_691 : i32 to vector<16xi32>
      %add3A_693 = arith.addi %get3A_173, %add3A_692 : vector<16xi32>
      %gather3A_694 = tpu.vector_load_idx %arg18[%add3A_168, %add3A_693] : memref<128x128xf32, #tpu.memory_space<vmem>>[vector<16xi32>, vector<16xi32>], vector<16xf32>,
      %add3A_695 = arith.constant 23 : i32
      %add3A_696 = vector.broadcast %add3A_695 : i32 to vector<16xi32>
      %add3A_697 = arith.addi %get3A_179, %add3A_696 : vector<16xi32>
      %gather3A_698 = tpu.vector_load_idx %arg20[%add3A_168, %add3A_697] : memref<128x128xf32, #tpu.memory_space<vmem>>[vector<16xi32>, vector<16xi32>], vector<16xf32>,
      %add3A_699 = arith.constant 23 : i32
      %add3A_700 = vector.broadcast %add3A_699 : i32 to vector<16xi32>
      %add3A_701 = arith.addi %get3A_185, %add3A_700 : vector<16xi32>
      %gather3A_702 = tpu.vector_load_idx %arg22[%add3A_168, %add3A_701] : memref<128x128xf32, #tpu.memory_space<vmem>>[vector<16xi32>, vector<16xi32>], vector<16xf32>,
      %mul3A_703 = arith.mulf %gather3A_694, %gather3A_698 : vector<16xf32>
      %add3A_704 = arith.addf %add3A_682, %mul3A_703 : vector<16xf32>
      %mul3A_705 = arith.mulf %gather3A_694, %gather3A_702 : vector<16xf32>
      %add3A_706 = arith.addf %add3A_684, %mul3A_705 : vector<16xf32>
      %mul3A_707 = arith.mulf %gather3A_694, %gather3A_694 : vector<16xf32>
      %add3A_708 = arith.addf %add3A_686, %mul3A_707 : vector<16xf32>
      %mul3A_709 = arith.mulf %gather3A_698, %gather3A_698 : vector<16xf32>
      %add3A_710 = arith.addf %add3A_688, %mul3A_709 : vector<16xf32>
      %mul3A_711 = arith.mulf %gather3A_702, %gather3A_702 : vector<16xf32>
      %add3A_712 = arith.addf %add3A_690, %mul3A_711 : vector<16xf32>
      %add3A_713 = arith.constant 24 : i32
      %add3A_714 = vector.broadcast %add3A_713 : i32 to vector<16xi32>
      %add3A_715 = arith.addi %get3A_173, %add3A_714 : vector<16xi32>
      %gather3A_716 = tpu.vector_load_idx %arg18[%add3A_168, %add3A_715] : memref<128x128xf32, #tpu.memory_space<vmem>>[vector<16xi32>, vector<16xi32>], vector<16xf32>,
      %add3A_717 = arith.constant 24 : i32
      %add3A_718 = vector.broadcast %add3A_717 : i32 to vector<16xi32>
      %add3A_719 = arith.addi %get3A_179, %add3A_718 : vector<16xi32>
      %gather3A_720 = tpu.vector_load_idx %arg20[%add3A_168, %add3A_719] : memref<128x128xf32, #tpu.memory_space<vmem>>[vector<16xi32>, vector<16xi32>], vector<16xf32>,
      %add3A_721 = arith.constant 24 : i32
      %add3A_722 = vector.broadcast %add3A_721 : i32 to vector<16xi32>
      %add3A_723 = arith.addi %get3A_185, %add3A_722 : vector<16xi32>
      %gather3A_724 = tpu.vector_load_idx %arg22[%add3A_168, %add3A_723] : memref<128x128xf32, #tpu.memory_space<vmem>>[vector<16xi32>, vector<16xi32>], vector<16xf32>,
      %mul3A_725 = arith.mulf %gather3A_716, %gather3A_720 : vector<16xf32>
      %add3A_726 = arith.addf %add3A_704, %mul3A_725 : vector<16xf32>
      %mul3A_727 = arith.mulf %gather3A_716, %gather3A_724 : vector<16xf32>
      %add3A_728 = arith.addf %add3A_706, %mul3A_727 : vector<16xf32>
      %mul3A_729 = arith.mulf %gather3A_716, %gather3A_716 : vector<16xf32>
      %add3A_730 = arith.addf %add3A_708, %mul3A_729 : vector<16xf32>
      %mul3A_731 = arith.mulf %gather3A_720, %gather3A_720 : vector<16xf32>
      %add3A_732 = arith.addf %add3A_710, %mul3A_731 : vector<16xf32>
      %mul3A_733 = arith.mulf %gather3A_724, %gather3A_724 : vector<16xf32>
      %add3A_734 = arith.addf %add3A_712, %mul3A_733 : vector<16xf32>
      %add3A_735 = arith.constant 25 : i32
      %add3A_736 = vector.broadcast %add3A_735 : i32 to vector<16xi32>
      %add3A_737 = arith.addi %get3A_173, %add3A_736 : vector<16xi32>
      %gather3A_738 = tpu.vector_load_idx %arg18[%add3A_168, %add3A_737] : memref<128x128xf32, #tpu.memory_space<vmem>>[vector<16xi32>, vector<16xi32>], vector<16xf32>,
      %add3A_739 = arith.constant 25 : i32
      %add3A_740 = vector.broadcast %add3A_739 : i32 to vector<16xi32>
      %add3A_741 = arith.addi %get3A_179, %add3A_740 : vector<16xi32>
      %gather3A_742 = tpu.vector_load_idx %arg20[%add3A_168, %add3A_741] : memref<128x128xf32, #tpu.memory_space<vmem>>[vector<16xi32>, vector<16xi32>], vector<16xf32>,
      %add3A_743 = arith.constant 25 : i32
      %add3A_744 = vector.broadcast %add3A_743 : i32 to vector<16xi32>
      %add3A_745 = arith.addi %get3A_185, %add3A_744 : vector<16xi32>
      %gather3A_746 = tpu.vector_load_idx %arg22[%add3A_168, %add3A_745] : memref<128x128xf32, #tpu.memory_space<vmem>>[vector<16xi32>, vector<16xi32>], vector<16xf32>,
      %mul3A_747 = arith.mulf %gather3A_738, %gather3A_742 : vector<16xf32>
      %add3A_748 = arith.addf %add3A_726, %mul3A_747 : vector<16xf32>
      %mul3A_749 = arith.mulf %gather3A_738, %gather3A_746 : vector<16xf32>
      %add3A_750 = arith.addf %add3A_728, %mul3A_749 : vector<16xf32>
      %mul3A_751 = arith.mulf %gather3A_738, %gather3A_738 : vector<16xf32>
      %add3A_752 = arith.addf %add3A_730, %mul3A_751 : vector<16xf32>
      %mul3A_753 = arith.mulf %gather3A_742, %gather3A_742 : vector<16xf32>
      %add3A_754 = arith.addf %add3A_732, %mul3A_753 : vector<16xf32>
      %mul3A_755 = arith.mulf %gather3A_746, %gather3A_746 : vector<16xf32>
      %add3A_756 = arith.addf %add3A_734, %mul3A_755 : vector<16xf32>
      %add3A_757 = arith.constant 26 : i32
      %add3A_758 = vector.broadcast %add3A_757 : i32 to vector<16xi32>
      %add3A_759 = arith.addi %get3A_173, %add3A_758 : vector<16xi32>
      %gather3A_760 = tpu.vector_load_idx %arg18[%add3A_168, %add3A_759] : memref<128x128xf32, #tpu.memory_space<vmem>>[vector<16xi32>, vector<16xi32>], vector<16xf32>,
      %add3A_761 = arith.constant 26 : i32
      %add3A_762 = vector.broadcast %add3A_761 : i32 to vector<16xi32>
      %add3A_763 = arith.addi %get3A_179, %add3A_762 : vector<16xi32>
      %gather3A_764 = tpu.vector_load_idx %arg20[%add3A_168, %add3A_763] : memref<128x128xf32, #tpu.memory_space<vmem>>[vector<16xi32>, vector<16xi32>], vector<16xf32>,
      %add3A_765 = arith.constant 26 : i32
      %add3A_766 = vector.broadcast %add3A_765 : i32 to vector<16xi32>
      %add3A_767 = arith.addi %get3A_185, %add3A_766 : vector<16xi32>
      %gather3A_768 = tpu.vector_load_idx %arg22[%add3A_168, %add3A_767] : memref<128x128xf32, #tpu.memory_space<vmem>>[vector<16xi32>, vector<16xi32>], vector<16xf32>,
      %mul3A_769 = arith.mulf %gather3A_760, %gather3A_764 : vector<16xf32>
      %add3A_770 = arith.addf %add3A_748, %mul3A_769 : vector<16xf32>
      %mul3A_771 = arith.mulf %gather3A_760, %gather3A_768 : vector<16xf32>
      %add3A_772 = arith.addf %add3A_750, %mul3A_771 : vector<16xf32>
      %mul3A_773 = arith.mulf %gather3A_760, %gather3A_760 : vector<16xf32>
      %add3A_774 = arith.addf %add3A_752, %mul3A_773 : vector<16xf32>
      %mul3A_775 = arith.mulf %gather3A_764, %gather3A_764 : vector<16xf32>
      %add3A_776 = arith.addf %add3A_754, %mul3A_775 : vector<16xf32>
      %mul3A_777 = arith.mulf %gather3A_768, %gather3A_768 : vector<16xf32>
      %add3A_778 = arith.addf %add3A_756, %mul3A_777 : vector<16xf32>
      %add3A_779 = arith.constant 27 : i32
      %add3A_780 = vector.broadcast %add3A_779 : i32 to vector<16xi32>
      %add3A_781 = arith.addi %get3A_173, %add3A_780 : vector<16xi32>
      %gather3A_782 = tpu.vector_load_idx %arg18[%add3A_168, %add3A_781] : memref<128x128xf32, #tpu.memory_space<vmem>>[vector<16xi32>, vector<16xi32>], vector<16xf32>,
      %add3A_783 = arith.constant 27 : i32
      %add3A_784 = vector.broadcast %add3A_783 : i32 to vector<16xi32>
      %add3A_785 = arith.addi %get3A_179, %add3A_784 : vector<16xi32>
      %gather3A_786 = tpu.vector_load_idx %arg20[%add3A_168, %add3A_785] : memref<128x128xf32, #tpu.memory_space<vmem>>[vector<16xi32>, vector<16xi32>], vector<16xf32>,
      %add3A_787 = arith.constant 27 : i32
      %add3A_788 = vector.broadcast %add3A_787 : i32 to vector<16xi32>
      %add3A_789 = arith.addi %get3A_185, %add3A_788 : vector<16xi32>
      %gather3A_790 = tpu.vector_load_idx %arg22[%add3A_168, %add3A_789] : memref<128x128xf32, #tpu.memory_space<vmem>>[vector<16xi32>, vector<16xi32>], vector<16xf32>,
      %mul3A_791 = arith.mulf %gather3A_782, %gather3A_786 : vector<16xf32>
      %add3A_792 = arith.addf %add3A_770, %mul3A_791 : vector<16xf32>
      %mul3A_793 = arith.mulf %gather3A_782, %gather3A_790 : vector<16xf32>
      %add3A_794 = arith.addf %add3A_772, %mul3A_793 : vector<16xf32>
      %mul3A_795 = arith.mulf %gather3A_782, %gather3A_782 : vector<16xf32>
      %add3A_796 = arith.addf %add3A_774, %mul3A_795 : vector<16xf32>
      %mul3A_797 = arith.mulf %gather3A_786, %gather3A_786 : vector<16xf32>
      %add3A_798 = arith.addf %add3A_776, %mul3A_797 : vector<16xf32>
      %mul3A_799 = arith.mulf %gather3A_790, %gather3A_790 : vector<16xf32>
      %add3A_800 = arith.addf %add3A_778, %mul3A_799 : vector<16xf32>
      %add3A_801 = arith.constant 28 : i32
      %add3A_802 = vector.broadcast %add3A_801 : i32 to vector<16xi32>
      %add3A_803 = arith.addi %get3A_173, %add3A_802 : vector<16xi32>
      %gather3A_804 = tpu.vector_load_idx %arg18[%add3A_168, %add3A_803] : memref<128x128xf32, #tpu.memory_space<vmem>>[vector<16xi32>, vector<16xi32>], vector<16xf32>,
      %add3A_805 = arith.constant 28 : i32
      %add3A_806 = vector.broadcast %add3A_805 : i32 to vector<16xi32>
      %add3A_807 = arith.addi %get3A_179, %add3A_806 : vector<16xi32>
      %gather3A_808 = tpu.vector_load_idx %arg20[%add3A_168, %add3A_807] : memref<128x128xf32, #tpu.memory_space<vmem>>[vector<16xi32>, vector<16xi32>], vector<16xf32>,
      %add3A_809 = arith.constant 28 : i32
      %add3A_810 = vector.broadcast %add3A_809 : i32 to vector<16xi32>
      %add3A_811 = arith.addi %get3A_185, %add3A_810 : vector<16xi32>
      %gather3A_812 = tpu.vector_load_idx %arg22[%add3A_168, %add3A_811] : memref<128x128xf32, #tpu.memory_space<vmem>>[vector<16xi32>, vector<16xi32>], vector<16xf32>,
      %mul3A_813 = arith.mulf %gather3A_804, %gather3A_808 : vector<16xf32>
      %add3A_814 = arith.addf %add3A_792, %mul3A_813 : vector<16xf32>
      %mul3A_815 = arith.mulf %gather3A_804, %gather3A_812 : vector<16xf32>
      %add3A_816 = arith.addf %add3A_794, %mul3A_815 : vector<16xf32>
      %mul3A_817 = arith.mulf %gather3A_804, %gather3A_804 : vector<16xf32>
      %add3A_818 = arith.addf %add3A_796, %mul3A_817 : vector<16xf32>
      %mul3A_819 = arith.mulf %gather3A_808, %gather3A_808 : vector<16xf32>
      %add3A_820 = arith.addf %add3A_798, %mul3A_819 : vector<16xf32>
      %mul3A_821 = arith.mulf %gather3A_812, %gather3A_812 : vector<16xf32>
      %add3A_822 = arith.addf %add3A_800, %mul3A_821 : vector<16xf32>
      %add3A_823 = arith.constant 29 : i32
      %add3A_824 = vector.broadcast %add3A_823 : i32 to vector<16xi32>
      %add3A_825 = arith.addi %get3A_173, %add3A_824 : vector<16xi32>
      %gather3A_826 = tpu.vector_load_idx %arg18[%add3A_168, %add3A_825] : memref<128x128xf32, #tpu.memory_space<vmem>>[vector<16xi32>, vector<16xi32>], vector<16xf32>,
      %add3A_827 = arith.constant 29 : i32
      %add3A_828 = vector.broadcast %add3A_827 : i32 to vector<16xi32>
      %add3A_829 = arith.addi %get3A_179, %add3A_828 : vector<16xi32>
      %gather3A_830 = tpu.vector_load_idx %arg20[%add3A_168, %add3A_829] : memref<128x128xf32, #tpu.memory_space<vmem>>[vector<16xi32>, vector<16xi32>], vector<16xf32>,
      %add3A_831 = arith.constant 29 : i32
      %add3A_832 = vector.broadcast %add3A_831 : i32 to vector<16xi32>
      %add3A_833 = arith.addi %get3A_185, %add3A_832 : vector<16xi32>
      %gather3A_834 = tpu.vector_load_idx %arg22[%add3A_168, %add3A_833] : memref<128x128xf32, #tpu.memory_space<vmem>>[vector<16xi32>, vector<16xi32>], vector<16xf32>,
      %mul3A_835 = arith.mulf %gather3A_826, %gather3A_830 : vector<16xf32>
      %add3A_836 = arith.addf %add3A_814, %mul3A_835 : vector<16xf32>
      %mul3A_837 = arith.mulf %gather3A_826, %gather3A_834 : vector<16xf32>
      %add3A_838 = arith.addf %add3A_816, %mul3A_837 : vector<16xf32>
      %mul3A_839 = arith.mulf %gather3A_826, %gather3A_826 : vector<16xf32>
      %add3A_840 = arith.addf %add3A_818, %mul3A_839 : vector<16xf32>
      %mul3A_841 = arith.mulf %gather3A_830, %gather3A_830 : vector<16xf32>
      %add3A_842 = arith.addf %add3A_820, %mul3A_841 : vector<16xf32>
      %mul3A_843 = arith.mulf %gather3A_834, %gather3A_834 : vector<16xf32>
      %add3A_844 = arith.addf %add3A_822, %mul3A_843 : vector<16xf32>
      %add3A_845 = arith.constant 30 : i32
      %add3A_846 = vector.broadcast %add3A_845 : i32 to vector<16xi32>
      %add3A_847 = arith.addi %get3A_173, %add3A_846 : vector<16xi32>
      %gather3A_848 = tpu.vector_load_idx %arg18[%add3A_168, %add3A_847] : memref<128x128xf32, #tpu.memory_space<vmem>>[vector<16xi32>, vector<16xi32>], vector<16xf32>,
      %add3A_849 = arith.constant 30 : i32
      %add3A_850 = vector.broadcast %add3A_849 : i32 to vector<16xi32>
      %add3A_851 = arith.addi %get3A_179, %add3A_850 : vector<16xi32>
      %gather3A_852 = tpu.vector_load_idx %arg20[%add3A_168, %add3A_851] : memref<128x128xf32, #tpu.memory_space<vmem>>[vector<16xi32>, vector<16xi32>], vector<16xf32>,
      %add3A_853 = arith.constant 30 : i32
      %add3A_854 = vector.broadcast %add3A_853 : i32 to vector<16xi32>
      %add3A_855 = arith.addi %get3A_185, %add3A_854 : vector<16xi32>
      %gather3A_856 = tpu.vector_load_idx %arg22[%add3A_168, %add3A_855] : memref<128x128xf32, #tpu.memory_space<vmem>>[vector<16xi32>, vector<16xi32>], vector<16xf32>,
      %mul3A_857 = arith.mulf %gather3A_848, %gather3A_852 : vector<16xf32>
      %add3A_858 = arith.addf %add3A_836, %mul3A_857 : vector<16xf32>
      %mul3A_859 = arith.mulf %gather3A_848, %gather3A_856 : vector<16xf32>
      %add3A_860 = arith.addf %add3A_838, %mul3A_859 : vector<16xf32>
      %mul3A_861 = arith.mulf %gather3A_848, %gather3A_848 : vector<16xf32>
      %add3A_862 = arith.addf %add3A_840, %mul3A_861 : vector<16xf32>
      %mul3A_863 = arith.mulf %gather3A_852, %gather3A_852 : vector<16xf32>
      %add3A_864 = arith.addf %add3A_842, %mul3A_863 : vector<16xf32>
      %mul3A_865 = arith.mulf %gather3A_856, %gather3A_856 : vector<16xf32>
      %add3A_866 = arith.addf %add3A_844, %mul3A_865 : vector<16xf32>
      %add3A_867 = arith.constant 31 : i32
      %add3A_868 = vector.broadcast %add3A_867 : i32 to vector<16xi32>
      %add3A_869 = arith.addi %get3A_173, %add3A_868 : vector<16xi32>
      %gather3A_870 = tpu.vector_load_idx %arg18[%add3A_168, %add3A_869] : memref<128x128xf32, #tpu.memory_space<vmem>>[vector<16xi32>, vector<16xi32>], vector<16xf32>,
      %add3A_871 = arith.constant 31 : i32
      %add3A_872 = vector.broadcast %add3A_871 : i32 to vector<16xi32>
      %add3A_873 = arith.addi %get3A_179, %add3A_872 : vector<16xi32>
      %gather3A_874 = tpu.vector_load_idx %arg20[%add3A_168, %add3A_873] : memref<128x128xf32, #tpu.memory_space<vmem>>[vector<16xi32>, vector<16xi32>], vector<16xf32>,
      %add3A_875 = arith.constant 31 : i32
      %add3A_876 = vector.broadcast %add3A_875 : i32 to vector<16xi32>
      %add3A_877 = arith.addi %get3A_185, %add3A_876 : vector<16xi32>
      %gather3A_878 = tpu.vector_load_idx %arg22[%add3A_168, %add3A_877] : memref<128x128xf32, #tpu.memory_space<vmem>>[vector<16xi32>, vector<16xi32>], vector<16xf32>,
      %mul3A_879 = arith.mulf %gather3A_870, %gather3A_874 : vector<16xf32>
      %add3A_880 = arith.addf %add3A_858, %mul3A_879 : vector<16xf32>
      %mul3A_881 = arith.mulf %gather3A_870, %gather3A_878 : vector<16xf32>
      %add3A_882 = arith.addf %add3A_860, %mul3A_881 : vector<16xf32>
      %mul3A_883 = arith.mulf %gather3A_870, %gather3A_870 : vector<16xf32>
      %add3A_884 = arith.addf %add3A_862, %mul3A_883 : vector<16xf32>
      %mul3A_885 = arith.mulf %gather3A_874, %gather3A_874 : vector<16xf32>
      %add3A_886 = arith.addf %add3A_864, %mul3A_885 : vector<16xf32>
      %mul3A_887 = arith.mulf %gather3A_878, %gather3A_878 : vector<16xf32>
      %add3A_888 = arith.addf %add3A_866, %mul3A_887 : vector<16xf32>
      %sub3A = arith.subf %add3A_880, %add3A_882 : vector<16xf32>
      %mul3A_889 = arith.constant 16 : i32
      %mul3A_890 = arith.muli %scan3A_161, %mul3A_889 : i32
      %add3A_891 = arith.constant 256 : i32
      %add3A_892 = arith.addi %add3A_891, %mul3A_890 : i32
      %swap3A_893 = arith.index_cast %add3A_892 : i32 to index
      %swap3A_894 = tpu.vector_load %arg24[%swap3A_893] {strides = array<i32>} : memref<512xf32, #tpu.memory_space<vmem>>, vector<16xf32>,
      tpu.vector_store %arg24[%swap3A_893], %sub3A {strides = array<i32>} : memref<512xf32, #tpu.memory_space<vmem>>, vector<16xf32>,
      scf.yield %add3A_884, %add3A_886, %add3A_888 : vector<16xf32>, vector<16xf32>, vector<16xf32>
    }
    %scan3A_130 = arith.constant 8 : i32
    %dma_wait3A_131 = arith.constant 384 : i32
    %dma_wait3A_132 = tpu.memref_slice %arg12[%dma_wait3A_131] : memref<512xi32, #tpu.memory_space<vmem>> -> memref<128xi32, #tpu.memory_space<vmem>>
    %dma_wait3A_133 = arith.constant 0 : i32
    %dma_wait3A_134 = arith.constant 0 : i32
    %dma_wait3A_135 = tpu.memref_slice %arg5[%dma_wait3A_133, %dma_wait3A_134] : memref<250000x128xf32, #tpu.memory_space<hbm>> -> memref<250000x128xf32, #tpu.memory_space<hbm>>
    tpu.wait_indirect_dma semaphore(%arg26 : memref<!tpu.dma_semaphore, #tpu.memory_space<semaphore_mem>>) src(%dma_wait3A_135 : memref<250000x128xf32, #tpu.memory_space<hbm>>) dst(%arg19 : memref<128x128xf32, #tpu.memory_space<vmem>>)
    %dma_wait3A_136 = arith.constant 384 : i32
    %dma_wait3A_137 = tpu.memref_slice %arg13[%dma_wait3A_136] : memref<512xi32, #tpu.memory_space<vmem>> -> memref<128xi32, #tpu.memory_space<vmem>>
    %dma_wait3A_138 = arith.constant 0 : i32
    %dma_wait3A_139 = arith.constant 0 : i32
    %dma_wait3A_140 = tpu.memref_slice %arg6[%dma_wait3A_138, %dma_wait3A_139] : memref<250000x128xf32, #tpu.memory_space<hbm>> -> memref<250000x128xf32, #tpu.memory_space<hbm>>
    tpu.wait_indirect_dma semaphore(%arg26 : memref<!tpu.dma_semaphore, #tpu.memory_space<semaphore_mem>>) src(%dma_wait3A_140 : memref<250000x128xf32, #tpu.memory_space<hbm>>) dst(%arg21 : memref<128x128xf32, #tpu.memory_space<vmem>>)
    %dma_wait3A_141 = arith.constant 384 : i32
    %dma_wait3A_142 = tpu.memref_slice %arg14[%dma_wait3A_141] : memref<512xi32, #tpu.memory_space<vmem>> -> memref<128xi32, #tpu.memory_space<vmem>>
    %dma_wait3A_143 = arith.constant 0 : i32
    %dma_wait3A_144 = arith.constant 0 : i32
    %dma_wait3A_145 = tpu.memref_slice %arg6[%dma_wait3A_143, %dma_wait3A_144] : memref<250000x128xf32, #tpu.memory_space<hbm>> -> memref<250000x128xf32, #tpu.memory_space<hbm>>
    tpu.wait_indirect_dma semaphore(%arg26 : memref<!tpu.dma_semaphore, #tpu.memory_space<semaphore_mem>>) src(%dma_wait3A_145 : memref<250000x128xf32, #tpu.memory_space<hbm>>) dst(%arg23 : memref<128x128xf32, #tpu.memory_space<vmem>>)
    %scan3A_146 = arith.constant 0 : i32
    %scan3A_147 = arith.constant 8 : i32
    %scan3A_148 = arith.addi %scan3A_146, %scan3A_147 : i32
    %scan3A_149 = arith.constant 1 : i32
    %scan3A_150:3 = scf.for %scan3A_161 = %scan3A_146 to %scan3A_148 step %scan3A_149 iter_args(%scan3A_162 = %scan3A_129#0, %scan3A_163 = %scan3A_129#1, %scan3A_164 = %scan3A_129#2) -> (vector<16xf32>, vector<16xf32>, vector<16xf32>)  : i32 {
      %mul3A_165 = arith.constant 16 : i32
      %mul3A_166 = arith.muli %scan3A_161, %mul3A_165 : i32
      %add3A_167 = vector.broadcast %mul3A_166 : i32 to vector<16xi32>
      %add3A_168 = arith.addi %add3A_167, %iota3A : vector<16xi32>
      %mul3A_169 = arith.constant 16 : i32
      %mul3A_170 = arith.muli %scan3A_161, %mul3A_169 : i32
      %add3A_171 = arith.constant 384 : i32
      %add3A_172 = arith.addi %add3A_171, %mul3A_170 : i32
      %get3A = arith.index_cast %add3A_172 : i32 to index
      %get3A_173 = tpu.vector_load %arg15[%get3A] {strides = array<i32>} : memref<512xi32, #tpu.memory_space<vmem>>, vector<16xi32>,
      %mul3A_174 = arith.constant 16 : i32
      %mul3A_175 = arith.muli %scan3A_161, %mul3A_174 : i32
      %add3A_176 = arith.constant 384 : i32
      %add3A_177 = arith.addi %add3A_176, %mul3A_175 : i32
      %get3A_178 = arith.index_cast %add3A_177 : i32 to index
      %get3A_179 = tpu.vector_load %arg16[%get3A_178] {strides = array<i32>} : memref<512xi32, #tpu.memory_space<vmem>>, vector<16xi32>,
      %mul3A_180 = arith.constant 16 : i32
      %mul3A_181 = arith.muli %scan3A_161, %mul3A_180 : i32
      %add3A_182 = arith.constant 384 : i32
      %add3A_183 = arith.addi %add3A_182, %mul3A_181 : i32
      %get3A_184 = arith.index_cast %add3A_183 : i32 to index
      %get3A_185 = tpu.vector_load %arg17[%get3A_184] {strides = array<i32>} : memref<512xi32, #tpu.memory_space<vmem>>, vector<16xi32>,
      %add3A_186 = arith.constant 0 : i32
      %add3A_187 = vector.broadcast %add3A_186 : i32 to vector<16xi32>
      %add3A_188 = arith.addi %get3A_173, %add3A_187 : vector<16xi32>
      %gather3A = tpu.vector_load_idx %arg19[%add3A_168, %add3A_188] : memref<128x128xf32, #tpu.memory_space<vmem>>[vector<16xi32>, vector<16xi32>], vector<16xf32>,
      %add3A_189 = arith.constant 0 : i32
      %add3A_190 = vector.broadcast %add3A_189 : i32 to vector<16xi32>
      %add3A_191 = arith.addi %get3A_179, %add3A_190 : vector<16xi32>
      %gather3A_192 = tpu.vector_load_idx %arg21[%add3A_168, %add3A_191] : memref<128x128xf32, #tpu.memory_space<vmem>>[vector<16xi32>, vector<16xi32>], vector<16xf32>,
      %add3A_193 = arith.constant 0 : i32
      %add3A_194 = vector.broadcast %add3A_193 : i32 to vector<16xi32>
      %add3A_195 = arith.addi %get3A_185, %add3A_194 : vector<16xi32>
      %gather3A_196 = tpu.vector_load_idx %arg23[%add3A_168, %add3A_195] : memref<128x128xf32, #tpu.memory_space<vmem>>[vector<16xi32>, vector<16xi32>], vector<16xf32>,
      %mul3A_197 = arith.mulf %gather3A, %gather3A_192 : vector<16xf32>
      %add3A_198 = arith.addf %broadcast_in_dim3A_9, %mul3A_197 : vector<16xf32>
      %mul3A_199 = arith.mulf %gather3A, %gather3A_196 : vector<16xf32>
      %add3A_200 = arith.addf %broadcast_in_dim3A_9, %mul3A_199 : vector<16xf32>
      %mul3A_201 = arith.mulf %gather3A, %gather3A : vector<16xf32>
      %add3A_202 = arith.addf %scan3A_162, %mul3A_201 : vector<16xf32>
      %mul3A_203 = arith.mulf %gather3A_192, %gather3A_192 : vector<16xf32>
      %add3A_204 = arith.addf %scan3A_163, %mul3A_203 : vector<16xf32>
      %mul3A_205 = arith.mulf %gather3A_196, %gather3A_196 : vector<16xf32>
      %add3A_206 = arith.addf %scan3A_164, %mul3A_205 : vector<16xf32>
      %add3A_207 = arith.constant 1 : i32
      %add3A_208 = vector.broadcast %add3A_207 : i32 to vector<16xi32>
      %add3A_209 = arith.addi %get3A_173, %add3A_208 : vector<16xi32>
      %gather3A_210 = tpu.vector_load_idx %arg19[%add3A_168, %add3A_209] : memref<128x128xf32, #tpu.memory_space<vmem>>[vector<16xi32>, vector<16xi32>], vector<16xf32>,
      %add3A_211 = arith.constant 1 : i32
      %add3A_212 = vector.broadcast %add3A_211 : i32 to vector<16xi32>
      %add3A_213 = arith.addi %get3A_179, %add3A_212 : vector<16xi32>
      %gather3A_214 = tpu.vector_load_idx %arg21[%add3A_168, %add3A_213] : memref<128x128xf32, #tpu.memory_space<vmem>>[vector<16xi32>, vector<16xi32>], vector<16xf32>,
      %add3A_215 = arith.constant 1 : i32
      %add3A_216 = vector.broadcast %add3A_215 : i32 to vector<16xi32>
      %add3A_217 = arith.addi %get3A_185, %add3A_216 : vector<16xi32>
      %gather3A_218 = tpu.vector_load_idx %arg23[%add3A_168, %add3A_217] : memref<128x128xf32, #tpu.memory_space<vmem>>[vector<16xi32>, vector<16xi32>], vector<16xf32>,
      %mul3A_219 = arith.mulf %gather3A_210, %gather3A_214 : vector<16xf32>
      %add3A_220 = arith.addf %add3A_198, %mul3A_219 : vector<16xf32>
      %mul3A_221 = arith.mulf %gather3A_210, %gather3A_218 : vector<16xf32>
      %add3A_222 = arith.addf %add3A_200, %mul3A_221 : vector<16xf32>
      %mul3A_223 = arith.mulf %gather3A_210, %gather3A_210 : vector<16xf32>
      %add3A_224 = arith.addf %add3A_202, %mul3A_223 : vector<16xf32>
      %mul3A_225 = arith.mulf %gather3A_214, %gather3A_214 : vector<16xf32>
      %add3A_226 = arith.addf %add3A_204, %mul3A_225 : vector<16xf32>
      %mul3A_227 = arith.mulf %gather3A_218, %gather3A_218 : vector<16xf32>
      %add3A_228 = arith.addf %add3A_206, %mul3A_227 : vector<16xf32>
      %add3A_229 = arith.constant 2 : i32
      %add3A_230 = vector.broadcast %add3A_229 : i32 to vector<16xi32>
      %add3A_231 = arith.addi %get3A_173, %add3A_230 : vector<16xi32>
      %gather3A_232 = tpu.vector_load_idx %arg19[%add3A_168, %add3A_231] : memref<128x128xf32, #tpu.memory_space<vmem>>[vector<16xi32>, vector<16xi32>], vector<16xf32>,
      %add3A_233 = arith.constant 2 : i32
      %add3A_234 = vector.broadcast %add3A_233 : i32 to vector<16xi32>
      %add3A_235 = arith.addi %get3A_179, %add3A_234 : vector<16xi32>
      %gather3A_236 = tpu.vector_load_idx %arg21[%add3A_168, %add3A_235] : memref<128x128xf32, #tpu.memory_space<vmem>>[vector<16xi32>, vector<16xi32>], vector<16xf32>,
      %add3A_237 = arith.constant 2 : i32
      %add3A_238 = vector.broadcast %add3A_237 : i32 to vector<16xi32>
      %add3A_239 = arith.addi %get3A_185, %add3A_238 : vector<16xi32>
      %gather3A_240 = tpu.vector_load_idx %arg23[%add3A_168, %add3A_239] : memref<128x128xf32, #tpu.memory_space<vmem>>[vector<16xi32>, vector<16xi32>], vector<16xf32>,
      %mul3A_241 = arith.mulf %gather3A_232, %gather3A_236 : vector<16xf32>
      %add3A_242 = arith.addf %add3A_220, %mul3A_241 : vector<16xf32>
      %mul3A_243 = arith.mulf %gather3A_232, %gather3A_240 : vector<16xf32>
      %add3A_244 = arith.addf %add3A_222, %mul3A_243 : vector<16xf32>
      %mul3A_245 = arith.mulf %gather3A_232, %gather3A_232 : vector<16xf32>
      %add3A_246 = arith.addf %add3A_224, %mul3A_245 : vector<16xf32>
      %mul3A_247 = arith.mulf %gather3A_236, %gather3A_236 : vector<16xf32>
      %add3A_248 = arith.addf %add3A_226, %mul3A_247 : vector<16xf32>
      %mul3A_249 = arith.mulf %gather3A_240, %gather3A_240 : vector<16xf32>
      %add3A_250 = arith.addf %add3A_228, %mul3A_249 : vector<16xf32>
      %add3A_251 = arith.constant 3 : i32
      %add3A_252 = vector.broadcast %add3A_251 : i32 to vector<16xi32>
      %add3A_253 = arith.addi %get3A_173, %add3A_252 : vector<16xi32>
      %gather3A_254 = tpu.vector_load_idx %arg19[%add3A_168, %add3A_253] : memref<128x128xf32, #tpu.memory_space<vmem>>[vector<16xi32>, vector<16xi32>], vector<16xf32>,
      %add3A_255 = arith.constant 3 : i32
      %add3A_256 = vector.broadcast %add3A_255 : i32 to vector<16xi32>
      %add3A_257 = arith.addi %get3A_179, %add3A_256 : vector<16xi32>
      %gather3A_258 = tpu.vector_load_idx %arg21[%add3A_168, %add3A_257] : memref<128x128xf32, #tpu.memory_space<vmem>>[vector<16xi32>, vector<16xi32>], vector<16xf32>,
      %add3A_259 = arith.constant 3 : i32
      %add3A_260 = vector.broadcast %add3A_259 : i32 to vector<16xi32>
      %add3A_261 = arith.addi %get3A_185, %add3A_260 : vector<16xi32>
      %gather3A_262 = tpu.vector_load_idx %arg23[%add3A_168, %add3A_261] : memref<128x128xf32, #tpu.memory_space<vmem>>[vector<16xi32>, vector<16xi32>], vector<16xf32>,
      %mul3A_263 = arith.mulf %gather3A_254, %gather3A_258 : vector<16xf32>
      %add3A_264 = arith.addf %add3A_242, %mul3A_263 : vector<16xf32>
      %mul3A_265 = arith.mulf %gather3A_254, %gather3A_262 : vector<16xf32>
      %add3A_266 = arith.addf %add3A_244, %mul3A_265 : vector<16xf32>
      %mul3A_267 = arith.mulf %gather3A_254, %gather3A_254 : vector<16xf32>
      %add3A_268 = arith.addf %add3A_246, %mul3A_267 : vector<16xf32>
      %mul3A_269 = arith.mulf %gather3A_258, %gather3A_258 : vector<16xf32>
      %add3A_270 = arith.addf %add3A_248, %mul3A_269 : vector<16xf32>
      %mul3A_271 = arith.mulf %gather3A_262, %gather3A_262 : vector<16xf32>
      %add3A_272 = arith.addf %add3A_250, %mul3A_271 : vector<16xf32>
      %add3A_273 = arith.constant 4 : i32
      %add3A_274 = vector.broadcast %add3A_273 : i32 to vector<16xi32>
      %add3A_275 = arith.addi %get3A_173, %add3A_274 : vector<16xi32>
      %gather3A_276 = tpu.vector_load_idx %arg19[%add3A_168, %add3A_275] : memref<128x128xf32, #tpu.memory_space<vmem>>[vector<16xi32>, vector<16xi32>], vector<16xf32>,
      %add3A_277 = arith.constant 4 : i32
      %add3A_278 = vector.broadcast %add3A_277 : i32 to vector<16xi32>
      %add3A_279 = arith.addi %get3A_179, %add3A_278 : vector<16xi32>
      %gather3A_280 = tpu.vector_load_idx %arg21[%add3A_168, %add3A_279] : memref<128x128xf32, #tpu.memory_space<vmem>>[vector<16xi32>, vector<16xi32>], vector<16xf32>,
      %add3A_281 = arith.constant 4 : i32
      %add3A_282 = vector.broadcast %add3A_281 : i32 to vector<16xi32>
      %add3A_283 = arith.addi %get3A_185, %add3A_282 : vector<16xi32>
      %gather3A_284 = tpu.vector_load_idx %arg23[%add3A_168, %add3A_283] : memref<128x128xf32, #tpu.memory_space<vmem>>[vector<16xi32>, vector<16xi32>], vector<16xf32>,
      %mul3A_285 = arith.mulf %gather3A_276, %gather3A_280 : vector<16xf32>
      %add3A_286 = arith.addf %add3A_264, %mul3A_285 : vector<16xf32>
      %mul3A_287 = arith.mulf %gather3A_276, %gather3A_284 : vector<16xf32>
      %add3A_288 = arith.addf %add3A_266, %mul3A_287 : vector<16xf32>
      %mul3A_289 = arith.mulf %gather3A_276, %gather3A_276 : vector<16xf32>
      %add3A_290 = arith.addf %add3A_268, %mul3A_289 : vector<16xf32>
      %mul3A_291 = arith.mulf %gather3A_280, %gather3A_280 : vector<16xf32>
      %add3A_292 = arith.addf %add3A_270, %mul3A_291 : vector<16xf32>
      %mul3A_293 = arith.mulf %gather3A_284, %gather3A_284 : vector<16xf32>
      %add3A_294 = arith.addf %add3A_272, %mul3A_293 : vector<16xf32>
      %add3A_295 = arith.constant 5 : i32
      %add3A_296 = vector.broadcast %add3A_295 : i32 to vector<16xi32>
      %add3A_297 = arith.addi %get3A_173, %add3A_296 : vector<16xi32>
      %gather3A_298 = tpu.vector_load_idx %arg19[%add3A_168, %add3A_297] : memref<128x128xf32, #tpu.memory_space<vmem>>[vector<16xi32>, vector<16xi32>], vector<16xf32>,
      %add3A_299 = arith.constant 5 : i32
      %add3A_300 = vector.broadcast %add3A_299 : i32 to vector<16xi32>
      %add3A_301 = arith.addi %get3A_179, %add3A_300 : vector<16xi32>
      %gather3A_302 = tpu.vector_load_idx %arg21[%add3A_168, %add3A_301] : memref<128x128xf32, #tpu.memory_space<vmem>>[vector<16xi32>, vector<16xi32>], vector<16xf32>,
      %add3A_303 = arith.constant 5 : i32
      %add3A_304 = vector.broadcast %add3A_303 : i32 to vector<16xi32>
      %add3A_305 = arith.addi %get3A_185, %add3A_304 : vector<16xi32>
      %gather3A_306 = tpu.vector_load_idx %arg23[%add3A_168, %add3A_305] : memref<128x128xf32, #tpu.memory_space<vmem>>[vector<16xi32>, vector<16xi32>], vector<16xf32>,
      %mul3A_307 = arith.mulf %gather3A_298, %gather3A_302 : vector<16xf32>
      %add3A_308 = arith.addf %add3A_286, %mul3A_307 : vector<16xf32>
      %mul3A_309 = arith.mulf %gather3A_298, %gather3A_306 : vector<16xf32>
      %add3A_310 = arith.addf %add3A_288, %mul3A_309 : vector<16xf32>
      %mul3A_311 = arith.mulf %gather3A_298, %gather3A_298 : vector<16xf32>
      %add3A_312 = arith.addf %add3A_290, %mul3A_311 : vector<16xf32>
      %mul3A_313 = arith.mulf %gather3A_302, %gather3A_302 : vector<16xf32>
      %add3A_314 = arith.addf %add3A_292, %mul3A_313 : vector<16xf32>
      %mul3A_315 = arith.mulf %gather3A_306, %gather3A_306 : vector<16xf32>
      %add3A_316 = arith.addf %add3A_294, %mul3A_315 : vector<16xf32>
      %add3A_317 = arith.constant 6 : i32
      %add3A_318 = vector.broadcast %add3A_317 : i32 to vector<16xi32>
      %add3A_319 = arith.addi %get3A_173, %add3A_318 : vector<16xi32>
      %gather3A_320 = tpu.vector_load_idx %arg19[%add3A_168, %add3A_319] : memref<128x128xf32, #tpu.memory_space<vmem>>[vector<16xi32>, vector<16xi32>], vector<16xf32>,
      %add3A_321 = arith.constant 6 : i32
      %add3A_322 = vector.broadcast %add3A_321 : i32 to vector<16xi32>
      %add3A_323 = arith.addi %get3A_179, %add3A_322 : vector<16xi32>
      %gather3A_324 = tpu.vector_load_idx %arg21[%add3A_168, %add3A_323] : memref<128x128xf32, #tpu.memory_space<vmem>>[vector<16xi32>, vector<16xi32>], vector<16xf32>,
      %add3A_325 = arith.constant 6 : i32
      %add3A_326 = vector.broadcast %add3A_325 : i32 to vector<16xi32>
      %add3A_327 = arith.addi %get3A_185, %add3A_326 : vector<16xi32>
      %gather3A_328 = tpu.vector_load_idx %arg23[%add3A_168, %add3A_327] : memref<128x128xf32, #tpu.memory_space<vmem>>[vector<16xi32>, vector<16xi32>], vector<16xf32>,
      %mul3A_329 = arith.mulf %gather3A_320, %gather3A_324 : vector<16xf32>
      %add3A_330 = arith.addf %add3A_308, %mul3A_329 : vector<16xf32>
      %mul3A_331 = arith.mulf %gather3A_320, %gather3A_328 : vector<16xf32>
      %add3A_332 = arith.addf %add3A_310, %mul3A_331 : vector<16xf32>
      %mul3A_333 = arith.mulf %gather3A_320, %gather3A_320 : vector<16xf32>
      %add3A_334 = arith.addf %add3A_312, %mul3A_333 : vector<16xf32>
      %mul3A_335 = arith.mulf %gather3A_324, %gather3A_324 : vector<16xf32>
      %add3A_336 = arith.addf %add3A_314, %mul3A_335 : vector<16xf32>
      %mul3A_337 = arith.mulf %gather3A_328, %gather3A_328 : vector<16xf32>
      %add3A_338 = arith.addf %add3A_316, %mul3A_337 : vector<16xf32>
      %add3A_339 = arith.constant 7 : i32
      %add3A_340 = vector.broadcast %add3A_339 : i32 to vector<16xi32>
      %add3A_341 = arith.addi %get3A_173, %add3A_340 : vector<16xi32>
      %gather3A_342 = tpu.vector_load_idx %arg19[%add3A_168, %add3A_341] : memref<128x128xf32, #tpu.memory_space<vmem>>[vector<16xi32>, vector<16xi32>], vector<16xf32>,
      %add3A_343 = arith.constant 7 : i32
      %add3A_344 = vector.broadcast %add3A_343 : i32 to vector<16xi32>
      %add3A_345 = arith.addi %get3A_179, %add3A_344 : vector<16xi32>
      %gather3A_346 = tpu.vector_load_idx %arg21[%add3A_168, %add3A_345] : memref<128x128xf32, #tpu.memory_space<vmem>>[vector<16xi32>, vector<16xi32>], vector<16xf32>,
      %add3A_347 = arith.constant 7 : i32
      %add3A_348 = vector.broadcast %add3A_347 : i32 to vector<16xi32>
      %add3A_349 = arith.addi %get3A_185, %add3A_348 : vector<16xi32>
      %gather3A_350 = tpu.vector_load_idx %arg23[%add3A_168, %add3A_349] : memref<128x128xf32, #tpu.memory_space<vmem>>[vector<16xi32>, vector<16xi32>], vector<16xf32>,
      %mul3A_351 = arith.mulf %gather3A_342, %gather3A_346 : vector<16xf32>
      %add3A_352 = arith.addf %add3A_330, %mul3A_351 : vector<16xf32>
      %mul3A_353 = arith.mulf %gather3A_342, %gather3A_350 : vector<16xf32>
      %add3A_354 = arith.addf %add3A_332, %mul3A_353 : vector<16xf32>
      %mul3A_355 = arith.mulf %gather3A_342, %gather3A_342 : vector<16xf32>
      %add3A_356 = arith.addf %add3A_334, %mul3A_355 : vector<16xf32>
      %mul3A_357 = arith.mulf %gather3A_346, %gather3A_346 : vector<16xf32>
      %add3A_358 = arith.addf %add3A_336, %mul3A_357 : vector<16xf32>
      %mul3A_359 = arith.mulf %gather3A_350, %gather3A_350 : vector<16xf32>
      %add3A_360 = arith.addf %add3A_338, %mul3A_359 : vector<16xf32>
      %add3A_361 = arith.constant 8 : i32
      %add3A_362 = vector.broadcast %add3A_361 : i32 to vector<16xi32>
      %add3A_363 = arith.addi %get3A_173, %add3A_362 : vector<16xi32>
      %gather3A_364 = tpu.vector_load_idx %arg19[%add3A_168, %add3A_363] : memref<128x128xf32, #tpu.memory_space<vmem>>[vector<16xi32>, vector<16xi32>], vector<16xf32>,
      %add3A_365 = arith.constant 8 : i32
      %add3A_366 = vector.broadcast %add3A_365 : i32 to vector<16xi32>
      %add3A_367 = arith.addi %get3A_179, %add3A_366 : vector<16xi32>
      %gather3A_368 = tpu.vector_load_idx %arg21[%add3A_168, %add3A_367] : memref<128x128xf32, #tpu.memory_space<vmem>>[vector<16xi32>, vector<16xi32>], vector<16xf32>,
      %add3A_369 = arith.constant 8 : i32
      %add3A_370 = vector.broadcast %add3A_369 : i32 to vector<16xi32>
      %add3A_371 = arith.addi %get3A_185, %add3A_370 : vector<16xi32>
      %gather3A_372 = tpu.vector_load_idx %arg23[%add3A_168, %add3A_371] : memref<128x128xf32, #tpu.memory_space<vmem>>[vector<16xi32>, vector<16xi32>], vector<16xf32>,
      %mul3A_373 = arith.mulf %gather3A_364, %gather3A_368 : vector<16xf32>
      %add3A_374 = arith.addf %add3A_352, %mul3A_373 : vector<16xf32>
      %mul3A_375 = arith.mulf %gather3A_364, %gather3A_372 : vector<16xf32>
      %add3A_376 = arith.addf %add3A_354, %mul3A_375 : vector<16xf32>
      %mul3A_377 = arith.mulf %gather3A_364, %gather3A_364 : vector<16xf32>
      %add3A_378 = arith.addf %add3A_356, %mul3A_377 : vector<16xf32>
      %mul3A_379 = arith.mulf %gather3A_368, %gather3A_368 : vector<16xf32>
      %add3A_380 = arith.addf %add3A_358, %mul3A_379 : vector<16xf32>
      %mul3A_381 = arith.mulf %gather3A_372, %gather3A_372 : vector<16xf32>
      %add3A_382 = arith.addf %add3A_360, %mul3A_381 : vector<16xf32>
      %add3A_383 = arith.constant 9 : i32
      %add3A_384 = vector.broadcast %add3A_383 : i32 to vector<16xi32>
      %add3A_385 = arith.addi %get3A_173, %add3A_384 : vector<16xi32>
      %gather3A_386 = tpu.vector_load_idx %arg19[%add3A_168, %add3A_385] : memref<128x128xf32, #tpu.memory_space<vmem>>[vector<16xi32>, vector<16xi32>], vector<16xf32>,
      %add3A_387 = arith.constant 9 : i32
      %add3A_388 = vector.broadcast %add3A_387 : i32 to vector<16xi32>
      %add3A_389 = arith.addi %get3A_179, %add3A_388 : vector<16xi32>
      %gather3A_390 = tpu.vector_load_idx %arg21[%add3A_168, %add3A_389] : memref<128x128xf32, #tpu.memory_space<vmem>>[vector<16xi32>, vector<16xi32>], vector<16xf32>,
      %add3A_391 = arith.constant 9 : i32
      %add3A_392 = vector.broadcast %add3A_391 : i32 to vector<16xi32>
      %add3A_393 = arith.addi %get3A_185, %add3A_392 : vector<16xi32>
      %gather3A_394 = tpu.vector_load_idx %arg23[%add3A_168, %add3A_393] : memref<128x128xf32, #tpu.memory_space<vmem>>[vector<16xi32>, vector<16xi32>], vector<16xf32>,
      %mul3A_395 = arith.mulf %gather3A_386, %gather3A_390 : vector<16xf32>
      %add3A_396 = arith.addf %add3A_374, %mul3A_395 : vector<16xf32>
      %mul3A_397 = arith.mulf %gather3A_386, %gather3A_394 : vector<16xf32>
      %add3A_398 = arith.addf %add3A_376, %mul3A_397 : vector<16xf32>
      %mul3A_399 = arith.mulf %gather3A_386, %gather3A_386 : vector<16xf32>
      %add3A_400 = arith.addf %add3A_378, %mul3A_399 : vector<16xf32>
      %mul3A_401 = arith.mulf %gather3A_390, %gather3A_390 : vector<16xf32>
      %add3A_402 = arith.addf %add3A_380, %mul3A_401 : vector<16xf32>
      %mul3A_403 = arith.mulf %gather3A_394, %gather3A_394 : vector<16xf32>
      %add3A_404 = arith.addf %add3A_382, %mul3A_403 : vector<16xf32>
      %add3A_405 = arith.constant 10 : i32
      %add3A_406 = vector.broadcast %add3A_405 : i32 to vector<16xi32>
      %add3A_407 = arith.addi %get3A_173, %add3A_406 : vector<16xi32>
      %gather3A_408 = tpu.vector_load_idx %arg19[%add3A_168, %add3A_407] : memref<128x128xf32, #tpu.memory_space<vmem>>[vector<16xi32>, vector<16xi32>], vector<16xf32>,
      %add3A_409 = arith.constant 10 : i32
      %add3A_410 = vector.broadcast %add3A_409 : i32 to vector<16xi32>
      %add3A_411 = arith.addi %get3A_179, %add3A_410 : vector<16xi32>
      %gather3A_412 = tpu.vector_load_idx %arg21[%add3A_168, %add3A_411] : memref<128x128xf32, #tpu.memory_space<vmem>>[vector<16xi32>, vector<16xi32>], vector<16xf32>,
      %add3A_413 = arith.constant 10 : i32
      %add3A_414 = vector.broadcast %add3A_413 : i32 to vector<16xi32>
      %add3A_415 = arith.addi %get3A_185, %add3A_414 : vector<16xi32>
      %gather3A_416 = tpu.vector_load_idx %arg23[%add3A_168, %add3A_415] : memref<128x128xf32, #tpu.memory_space<vmem>>[vector<16xi32>, vector<16xi32>], vector<16xf32>,
      %mul3A_417 = arith.mulf %gather3A_408, %gather3A_412 : vector<16xf32>
      %add3A_418 = arith.addf %add3A_396, %mul3A_417 : vector<16xf32>
      %mul3A_419 = arith.mulf %gather3A_408, %gather3A_416 : vector<16xf32>
      %add3A_420 = arith.addf %add3A_398, %mul3A_419 : vector<16xf32>
      %mul3A_421 = arith.mulf %gather3A_408, %gather3A_408 : vector<16xf32>
      %add3A_422 = arith.addf %add3A_400, %mul3A_421 : vector<16xf32>
      %mul3A_423 = arith.mulf %gather3A_412, %gather3A_412 : vector<16xf32>
      %add3A_424 = arith.addf %add3A_402, %mul3A_423 : vector<16xf32>
      %mul3A_425 = arith.mulf %gather3A_416, %gather3A_416 : vector<16xf32>
      %add3A_426 = arith.addf %add3A_404, %mul3A_425 : vector<16xf32>
      %add3A_427 = arith.constant 11 : i32
      %add3A_428 = vector.broadcast %add3A_427 : i32 to vector<16xi32>
      %add3A_429 = arith.addi %get3A_173, %add3A_428 : vector<16xi32>
      %gather3A_430 = tpu.vector_load_idx %arg19[%add3A_168, %add3A_429] : memref<128x128xf32, #tpu.memory_space<vmem>>[vector<16xi32>, vector<16xi32>], vector<16xf32>,
      %add3A_431 = arith.constant 11 : i32
      %add3A_432 = vector.broadcast %add3A_431 : i32 to vector<16xi32>
      %add3A_433 = arith.addi %get3A_179, %add3A_432 : vector<16xi32>
      %gather3A_434 = tpu.vector_load_idx %arg21[%add3A_168, %add3A_433] : memref<128x128xf32, #tpu.memory_space<vmem>>[vector<16xi32>, vector<16xi32>], vector<16xf32>,
      %add3A_435 = arith.constant 11 : i32
      %add3A_436 = vector.broadcast %add3A_435 : i32 to vector<16xi32>
      %add3A_437 = arith.addi %get3A_185, %add3A_436 : vector<16xi32>
      %gather3A_438 = tpu.vector_load_idx %arg23[%add3A_168, %add3A_437] : memref<128x128xf32, #tpu.memory_space<vmem>>[vector<16xi32>, vector<16xi32>], vector<16xf32>,
      %mul3A_439 = arith.mulf %gather3A_430, %gather3A_434 : vector<16xf32>
      %add3A_440 = arith.addf %add3A_418, %mul3A_439 : vector<16xf32>
      %mul3A_441 = arith.mulf %gather3A_430, %gather3A_438 : vector<16xf32>
      %add3A_442 = arith.addf %add3A_420, %mul3A_441 : vector<16xf32>
      %mul3A_443 = arith.mulf %gather3A_430, %gather3A_430 : vector<16xf32>
      %add3A_444 = arith.addf %add3A_422, %mul3A_443 : vector<16xf32>
      %mul3A_445 = arith.mulf %gather3A_434, %gather3A_434 : vector<16xf32>
      %add3A_446 = arith.addf %add3A_424, %mul3A_445 : vector<16xf32>
      %mul3A_447 = arith.mulf %gather3A_438, %gather3A_438 : vector<16xf32>
      %add3A_448 = arith.addf %add3A_426, %mul3A_447 : vector<16xf32>
      %add3A_449 = arith.constant 12 : i32
      %add3A_450 = vector.broadcast %add3A_449 : i32 to vector<16xi32>
      %add3A_451 = arith.addi %get3A_173, %add3A_450 : vector<16xi32>
      %gather3A_452 = tpu.vector_load_idx %arg19[%add3A_168, %add3A_451] : memref<128x128xf32, #tpu.memory_space<vmem>>[vector<16xi32>, vector<16xi32>], vector<16xf32>,
      %add3A_453 = arith.constant 12 : i32
      %add3A_454 = vector.broadcast %add3A_453 : i32 to vector<16xi32>
      %add3A_455 = arith.addi %get3A_179, %add3A_454 : vector<16xi32>
      %gather3A_456 = tpu.vector_load_idx %arg21[%add3A_168, %add3A_455] : memref<128x128xf32, #tpu.memory_space<vmem>>[vector<16xi32>, vector<16xi32>], vector<16xf32>,
      %add3A_457 = arith.constant 12 : i32
      %add3A_458 = vector.broadcast %add3A_457 : i32 to vector<16xi32>
      %add3A_459 = arith.addi %get3A_185, %add3A_458 : vector<16xi32>
      %gather3A_460 = tpu.vector_load_idx %arg23[%add3A_168, %add3A_459] : memref<128x128xf32, #tpu.memory_space<vmem>>[vector<16xi32>, vector<16xi32>], vector<16xf32>,
      %mul3A_461 = arith.mulf %gather3A_452, %gather3A_456 : vector<16xf32>
      %add3A_462 = arith.addf %add3A_440, %mul3A_461 : vector<16xf32>
      %mul3A_463 = arith.mulf %gather3A_452, %gather3A_460 : vector<16xf32>
      %add3A_464 = arith.addf %add3A_442, %mul3A_463 : vector<16xf32>
      %mul3A_465 = arith.mulf %gather3A_452, %gather3A_452 : vector<16xf32>
      %add3A_466 = arith.addf %add3A_444, %mul3A_465 : vector<16xf32>
      %mul3A_467 = arith.mulf %gather3A_456, %gather3A_456 : vector<16xf32>
      %add3A_468 = arith.addf %add3A_446, %mul3A_467 : vector<16xf32>
      %mul3A_469 = arith.mulf %gather3A_460, %gather3A_460 : vector<16xf32>
      %add3A_470 = arith.addf %add3A_448, %mul3A_469 : vector<16xf32>
      %add3A_471 = arith.constant 13 : i32
      %add3A_472 = vector.broadcast %add3A_471 : i32 to vector<16xi32>
      %add3A_473 = arith.addi %get3A_173, %add3A_472 : vector<16xi32>
      %gather3A_474 = tpu.vector_load_idx %arg19[%add3A_168, %add3A_473] : memref<128x128xf32, #tpu.memory_space<vmem>>[vector<16xi32>, vector<16xi32>], vector<16xf32>,
      %add3A_475 = arith.constant 13 : i32
      %add3A_476 = vector.broadcast %add3A_475 : i32 to vector<16xi32>
      %add3A_477 = arith.addi %get3A_179, %add3A_476 : vector<16xi32>
      %gather3A_478 = tpu.vector_load_idx %arg21[%add3A_168, %add3A_477] : memref<128x128xf32, #tpu.memory_space<vmem>>[vector<16xi32>, vector<16xi32>], vector<16xf32>,
      %add3A_479 = arith.constant 13 : i32
      %add3A_480 = vector.broadcast %add3A_479 : i32 to vector<16xi32>
      %add3A_481 = arith.addi %get3A_185, %add3A_480 : vector<16xi32>
      %gather3A_482 = tpu.vector_load_idx %arg23[%add3A_168, %add3A_481] : memref<128x128xf32, #tpu.memory_space<vmem>>[vector<16xi32>, vector<16xi32>], vector<16xf32>,
      %mul3A_483 = arith.mulf %gather3A_474, %gather3A_478 : vector<16xf32>
      %add3A_484 = arith.addf %add3A_462, %mul3A_483 : vector<16xf32>
      %mul3A_485 = arith.mulf %gather3A_474, %gather3A_482 : vector<16xf32>
      %add3A_486 = arith.addf %add3A_464, %mul3A_485 : vector<16xf32>
      %mul3A_487 = arith.mulf %gather3A_474, %gather3A_474 : vector<16xf32>
      %add3A_488 = arith.addf %add3A_466, %mul3A_487 : vector<16xf32>
      %mul3A_489 = arith.mulf %gather3A_478, %gather3A_478 : vector<16xf32>
      %add3A_490 = arith.addf %add3A_468, %mul3A_489 : vector<16xf32>
      %mul3A_491 = arith.mulf %gather3A_482, %gather3A_482 : vector<16xf32>
      %add3A_492 = arith.addf %add3A_470, %mul3A_491 : vector<16xf32>
      %add3A_493 = arith.constant 14 : i32
      %add3A_494 = vector.broadcast %add3A_493 : i32 to vector<16xi32>
      %add3A_495 = arith.addi %get3A_173, %add3A_494 : vector<16xi32>
      %gather3A_496 = tpu.vector_load_idx %arg19[%add3A_168, %add3A_495] : memref<128x128xf32, #tpu.memory_space<vmem>>[vector<16xi32>, vector<16xi32>], vector<16xf32>,
      %add3A_497 = arith.constant 14 : i32
      %add3A_498 = vector.broadcast %add3A_497 : i32 to vector<16xi32>
      %add3A_499 = arith.addi %get3A_179, %add3A_498 : vector<16xi32>
      %gather3A_500 = tpu.vector_load_idx %arg21[%add3A_168, %add3A_499] : memref<128x128xf32, #tpu.memory_space<vmem>>[vector<16xi32>, vector<16xi32>], vector<16xf32>,
      %add3A_501 = arith.constant 14 : i32
      %add3A_502 = vector.broadcast %add3A_501 : i32 to vector<16xi32>
      %add3A_503 = arith.addi %get3A_185, %add3A_502 : vector<16xi32>
      %gather3A_504 = tpu.vector_load_idx %arg23[%add3A_168, %add3A_503] : memref<128x128xf32, #tpu.memory_space<vmem>>[vector<16xi32>, vector<16xi32>], vector<16xf32>,
      %mul3A_505 = arith.mulf %gather3A_496, %gather3A_500 : vector<16xf32>
      %add3A_506 = arith.addf %add3A_484, %mul3A_505 : vector<16xf32>
      %mul3A_507 = arith.mulf %gather3A_496, %gather3A_504 : vector<16xf32>
      %add3A_508 = arith.addf %add3A_486, %mul3A_507 : vector<16xf32>
      %mul3A_509 = arith.mulf %gather3A_496, %gather3A_496 : vector<16xf32>
      %add3A_510 = arith.addf %add3A_488, %mul3A_509 : vector<16xf32>
      %mul3A_511 = arith.mulf %gather3A_500, %gather3A_500 : vector<16xf32>
      %add3A_512 = arith.addf %add3A_490, %mul3A_511 : vector<16xf32>
      %mul3A_513 = arith.mulf %gather3A_504, %gather3A_504 : vector<16xf32>
      %add3A_514 = arith.addf %add3A_492, %mul3A_513 : vector<16xf32>
      %add3A_515 = arith.constant 15 : i32
      %add3A_516 = vector.broadcast %add3A_515 : i32 to vector<16xi32>
      %add3A_517 = arith.addi %get3A_173, %add3A_516 : vector<16xi32>
      %gather3A_518 = tpu.vector_load_idx %arg19[%add3A_168, %add3A_517] : memref<128x128xf32, #tpu.memory_space<vmem>>[vector<16xi32>, vector<16xi32>], vector<16xf32>,
      %add3A_519 = arith.constant 15 : i32
      %add3A_520 = vector.broadcast %add3A_519 : i32 to vector<16xi32>
      %add3A_521 = arith.addi %get3A_179, %add3A_520 : vector<16xi32>
      %gather3A_522 = tpu.vector_load_idx %arg21[%add3A_168, %add3A_521] : memref<128x128xf32, #tpu.memory_space<vmem>>[vector<16xi32>, vector<16xi32>], vector<16xf32>,
      %add3A_523 = arith.constant 15 : i32
      %add3A_524 = vector.broadcast %add3A_523 : i32 to vector<16xi32>
      %add3A_525 = arith.addi %get3A_185, %add3A_524 : vector<16xi32>
      %gather3A_526 = tpu.vector_load_idx %arg23[%add3A_168, %add3A_525] : memref<128x128xf32, #tpu.memory_space<vmem>>[vector<16xi32>, vector<16xi32>], vector<16xf32>,
      %mul3A_527 = arith.mulf %gather3A_518, %gather3A_522 : vector<16xf32>
      %add3A_528 = arith.addf %add3A_506, %mul3A_527 : vector<16xf32>
      %mul3A_529 = arith.mulf %gather3A_518, %gather3A_526 : vector<16xf32>
      %add3A_530 = arith.addf %add3A_508, %mul3A_529 : vector<16xf32>
      %mul3A_531 = arith.mulf %gather3A_518, %gather3A_518 : vector<16xf32>
      %add3A_532 = arith.addf %add3A_510, %mul3A_531 : vector<16xf32>
      %mul3A_533 = arith.mulf %gather3A_522, %gather3A_522 : vector<16xf32>
      %add3A_534 = arith.addf %add3A_512, %mul3A_533 : vector<16xf32>
      %mul3A_535 = arith.mulf %gather3A_526, %gather3A_526 : vector<16xf32>
      %add3A_536 = arith.addf %add3A_514, %mul3A_535 : vector<16xf32>
      %add3A_537 = arith.constant 16 : i32
      %add3A_538 = vector.broadcast %add3A_537 : i32 to vector<16xi32>
      %add3A_539 = arith.addi %get3A_173, %add3A_538 : vector<16xi32>
      %gather3A_540 = tpu.vector_load_idx %arg19[%add3A_168, %add3A_539] : memref<128x128xf32, #tpu.memory_space<vmem>>[vector<16xi32>, vector<16xi32>], vector<16xf32>,
      %add3A_541 = arith.constant 16 : i32
      %add3A_542 = vector.broadcast %add3A_541 : i32 to vector<16xi32>
      %add3A_543 = arith.addi %get3A_179, %add3A_542 : vector<16xi32>
      %gather3A_544 = tpu.vector_load_idx %arg21[%add3A_168, %add3A_543] : memref<128x128xf32, #tpu.memory_space<vmem>>[vector<16xi32>, vector<16xi32>], vector<16xf32>,
      %add3A_545 = arith.constant 16 : i32
      %add3A_546 = vector.broadcast %add3A_545 : i32 to vector<16xi32>
      %add3A_547 = arith.addi %get3A_185, %add3A_546 : vector<16xi32>
      %gather3A_548 = tpu.vector_load_idx %arg23[%add3A_168, %add3A_547] : memref<128x128xf32, #tpu.memory_space<vmem>>[vector<16xi32>, vector<16xi32>], vector<16xf32>,
      %mul3A_549 = arith.mulf %gather3A_540, %gather3A_544 : vector<16xf32>
      %add3A_550 = arith.addf %add3A_528, %mul3A_549 : vector<16xf32>
      %mul3A_551 = arith.mulf %gather3A_540, %gather3A_548 : vector<16xf32>
      %add3A_552 = arith.addf %add3A_530, %mul3A_551 : vector<16xf32>
      %mul3A_553 = arith.mulf %gather3A_540, %gather3A_540 : vector<16xf32>
      %add3A_554 = arith.addf %add3A_532, %mul3A_553 : vector<16xf32>
      %mul3A_555 = arith.mulf %gather3A_544, %gather3A_544 : vector<16xf32>
      %add3A_556 = arith.addf %add3A_534, %mul3A_555 : vector<16xf32>
      %mul3A_557 = arith.mulf %gather3A_548, %gather3A_548 : vector<16xf32>
      %add3A_558 = arith.addf %add3A_536, %mul3A_557 : vector<16xf32>
      %add3A_559 = arith.constant 17 : i32
      %add3A_560 = vector.broadcast %add3A_559 : i32 to vector<16xi32>
      %add3A_561 = arith.addi %get3A_173, %add3A_560 : vector<16xi32>
      %gather3A_562 = tpu.vector_load_idx %arg19[%add3A_168, %add3A_561] : memref<128x128xf32, #tpu.memory_space<vmem>>[vector<16xi32>, vector<16xi32>], vector<16xf32>,
      %add3A_563 = arith.constant 17 : i32
      %add3A_564 = vector.broadcast %add3A_563 : i32 to vector<16xi32>
      %add3A_565 = arith.addi %get3A_179, %add3A_564 : vector<16xi32>
      %gather3A_566 = tpu.vector_load_idx %arg21[%add3A_168, %add3A_565] : memref<128x128xf32, #tpu.memory_space<vmem>>[vector<16xi32>, vector<16xi32>], vector<16xf32>,
      %add3A_567 = arith.constant 17 : i32
      %add3A_568 = vector.broadcast %add3A_567 : i32 to vector<16xi32>
      %add3A_569 = arith.addi %get3A_185, %add3A_568 : vector<16xi32>
      %gather3A_570 = tpu.vector_load_idx %arg23[%add3A_168, %add3A_569] : memref<128x128xf32, #tpu.memory_space<vmem>>[vector<16xi32>, vector<16xi32>], vector<16xf32>,
      %mul3A_571 = arith.mulf %gather3A_562, %gather3A_566 : vector<16xf32>
      %add3A_572 = arith.addf %add3A_550, %mul3A_571 : vector<16xf32>
      %mul3A_573 = arith.mulf %gather3A_562, %gather3A_570 : vector<16xf32>
      %add3A_574 = arith.addf %add3A_552, %mul3A_573 : vector<16xf32>
      %mul3A_575 = arith.mulf %gather3A_562, %gather3A_562 : vector<16xf32>
      %add3A_576 = arith.addf %add3A_554, %mul3A_575 : vector<16xf32>
      %mul3A_577 = arith.mulf %gather3A_566, %gather3A_566 : vector<16xf32>
      %add3A_578 = arith.addf %add3A_556, %mul3A_577 : vector<16xf32>
      %mul3A_579 = arith.mulf %gather3A_570, %gather3A_570 : vector<16xf32>
      %add3A_580 = arith.addf %add3A_558, %mul3A_579 : vector<16xf32>
      %add3A_581 = arith.constant 18 : i32
      %add3A_582 = vector.broadcast %add3A_581 : i32 to vector<16xi32>
      %add3A_583 = arith.addi %get3A_173, %add3A_582 : vector<16xi32>
      %gather3A_584 = tpu.vector_load_idx %arg19[%add3A_168, %add3A_583] : memref<128x128xf32, #tpu.memory_space<vmem>>[vector<16xi32>, vector<16xi32>], vector<16xf32>,
      %add3A_585 = arith.constant 18 : i32
      %add3A_586 = vector.broadcast %add3A_585 : i32 to vector<16xi32>
      %add3A_587 = arith.addi %get3A_179, %add3A_586 : vector<16xi32>
      %gather3A_588 = tpu.vector_load_idx %arg21[%add3A_168, %add3A_587] : memref<128x128xf32, #tpu.memory_space<vmem>>[vector<16xi32>, vector<16xi32>], vector<16xf32>,
      %add3A_589 = arith.constant 18 : i32
      %add3A_590 = vector.broadcast %add3A_589 : i32 to vector<16xi32>
      %add3A_591 = arith.addi %get3A_185, %add3A_590 : vector<16xi32>
      %gather3A_592 = tpu.vector_load_idx %arg23[%add3A_168, %add3A_591] : memref<128x128xf32, #tpu.memory_space<vmem>>[vector<16xi32>, vector<16xi32>], vector<16xf32>,
      %mul3A_593 = arith.mulf %gather3A_584, %gather3A_588 : vector<16xf32>
      %add3A_594 = arith.addf %add3A_572, %mul3A_593 : vector<16xf32>
      %mul3A_595 = arith.mulf %gather3A_584, %gather3A_592 : vector<16xf32>
      %add3A_596 = arith.addf %add3A_574, %mul3A_595 : vector<16xf32>
      %mul3A_597 = arith.mulf %gather3A_584, %gather3A_584 : vector<16xf32>
      %add3A_598 = arith.addf %add3A_576, %mul3A_597 : vector<16xf32>
      %mul3A_599 = arith.mulf %gather3A_588, %gather3A_588 : vector<16xf32>
      %add3A_600 = arith.addf %add3A_578, %mul3A_599 : vector<16xf32>
      %mul3A_601 = arith.mulf %gather3A_592, %gather3A_592 : vector<16xf32>
      %add3A_602 = arith.addf %add3A_580, %mul3A_601 : vector<16xf32>
      %add3A_603 = arith.constant 19 : i32
      %add3A_604 = vector.broadcast %add3A_603 : i32 to vector<16xi32>
      %add3A_605 = arith.addi %get3A_173, %add3A_604 : vector<16xi32>
      %gather3A_606 = tpu.vector_load_idx %arg19[%add3A_168, %add3A_605] : memref<128x128xf32, #tpu.memory_space<vmem>>[vector<16xi32>, vector<16xi32>], vector<16xf32>,
      %add3A_607 = arith.constant 19 : i32
      %add3A_608 = vector.broadcast %add3A_607 : i32 to vector<16xi32>
      %add3A_609 = arith.addi %get3A_179, %add3A_608 : vector<16xi32>
      %gather3A_610 = tpu.vector_load_idx %arg21[%add3A_168, %add3A_609] : memref<128x128xf32, #tpu.memory_space<vmem>>[vector<16xi32>, vector<16xi32>], vector<16xf32>,
      %add3A_611 = arith.constant 19 : i32
      %add3A_612 = vector.broadcast %add3A_611 : i32 to vector<16xi32>
      %add3A_613 = arith.addi %get3A_185, %add3A_612 : vector<16xi32>
      %gather3A_614 = tpu.vector_load_idx %arg23[%add3A_168, %add3A_613] : memref<128x128xf32, #tpu.memory_space<vmem>>[vector<16xi32>, vector<16xi32>], vector<16xf32>,
      %mul3A_615 = arith.mulf %gather3A_606, %gather3A_610 : vector<16xf32>
      %add3A_616 = arith.addf %add3A_594, %mul3A_615 : vector<16xf32>
      %mul3A_617 = arith.mulf %gather3A_606, %gather3A_614 : vector<16xf32>
      %add3A_618 = arith.addf %add3A_596, %mul3A_617 : vector<16xf32>
      %mul3A_619 = arith.mulf %gather3A_606, %gather3A_606 : vector<16xf32>
      %add3A_620 = arith.addf %add3A_598, %mul3A_619 : vector<16xf32>
      %mul3A_621 = arith.mulf %gather3A_610, %gather3A_610 : vector<16xf32>
      %add3A_622 = arith.addf %add3A_600, %mul3A_621 : vector<16xf32>
      %mul3A_623 = arith.mulf %gather3A_614, %gather3A_614 : vector<16xf32>
      %add3A_624 = arith.addf %add3A_602, %mul3A_623 : vector<16xf32>
      %add3A_625 = arith.constant 20 : i32
      %add3A_626 = vector.broadcast %add3A_625 : i32 to vector<16xi32>
      %add3A_627 = arith.addi %get3A_173, %add3A_626 : vector<16xi32>
      %gather3A_628 = tpu.vector_load_idx %arg19[%add3A_168, %add3A_627] : memref<128x128xf32, #tpu.memory_space<vmem>>[vector<16xi32>, vector<16xi32>], vector<16xf32>,
      %add3A_629 = arith.constant 20 : i32
      %add3A_630 = vector.broadcast %add3A_629 : i32 to vector<16xi32>
      %add3A_631 = arith.addi %get3A_179, %add3A_630 : vector<16xi32>
      %gather3A_632 = tpu.vector_load_idx %arg21[%add3A_168, %add3A_631] : memref<128x128xf32, #tpu.memory_space<vmem>>[vector<16xi32>, vector<16xi32>], vector<16xf32>,
      %add3A_633 = arith.constant 20 : i32
      %add3A_634 = vector.broadcast %add3A_633 : i32 to vector<16xi32>
      %add3A_635 = arith.addi %get3A_185, %add3A_634 : vector<16xi32>
      %gather3A_636 = tpu.vector_load_idx %arg23[%add3A_168, %add3A_635] : memref<128x128xf32, #tpu.memory_space<vmem>>[vector<16xi32>, vector<16xi32>], vector<16xf32>,
      %mul3A_637 = arith.mulf %gather3A_628, %gather3A_632 : vector<16xf32>
      %add3A_638 = arith.addf %add3A_616, %mul3A_637 : vector<16xf32>
      %mul3A_639 = arith.mulf %gather3A_628, %gather3A_636 : vector<16xf32>
      %add3A_640 = arith.addf %add3A_618, %mul3A_639 : vector<16xf32>
      %mul3A_641 = arith.mulf %gather3A_628, %gather3A_628 : vector<16xf32>
      %add3A_642 = arith.addf %add3A_620, %mul3A_641 : vector<16xf32>
      %mul3A_643 = arith.mulf %gather3A_632, %gather3A_632 : vector<16xf32>
      %add3A_644 = arith.addf %add3A_622, %mul3A_643 : vector<16xf32>
      %mul3A_645 = arith.mulf %gather3A_636, %gather3A_636 : vector<16xf32>
      %add3A_646 = arith.addf %add3A_624, %mul3A_645 : vector<16xf32>
      %add3A_647 = arith.constant 21 : i32
      %add3A_648 = vector.broadcast %add3A_647 : i32 to vector<16xi32>
      %add3A_649 = arith.addi %get3A_173, %add3A_648 : vector<16xi32>
      %gather3A_650 = tpu.vector_load_idx %arg19[%add3A_168, %add3A_649] : memref<128x128xf32, #tpu.memory_space<vmem>>[vector<16xi32>, vector<16xi32>], vector<16xf32>,
      %add3A_651 = arith.constant 21 : i32
      %add3A_652 = vector.broadcast %add3A_651 : i32 to vector<16xi32>
      %add3A_653 = arith.addi %get3A_179, %add3A_652 : vector<16xi32>
      %gather3A_654 = tpu.vector_load_idx %arg21[%add3A_168, %add3A_653] : memref<128x128xf32, #tpu.memory_space<vmem>>[vector<16xi32>, vector<16xi32>], vector<16xf32>,
      %add3A_655 = arith.constant 21 : i32
      %add3A_656 = vector.broadcast %add3A_655 : i32 to vector<16xi32>
      %add3A_657 = arith.addi %get3A_185, %add3A_656 : vector<16xi32>
      %gather3A_658 = tpu.vector_load_idx %arg23[%add3A_168, %add3A_657] : memref<128x128xf32, #tpu.memory_space<vmem>>[vector<16xi32>, vector<16xi32>], vector<16xf32>,
      %mul3A_659 = arith.mulf %gather3A_650, %gather3A_654 : vector<16xf32>
      %add3A_660 = arith.addf %add3A_638, %mul3A_659 : vector<16xf32>
      %mul3A_661 = arith.mulf %gather3A_650, %gather3A_658 : vector<16xf32>
      %add3A_662 = arith.addf %add3A_640, %mul3A_661 : vector<16xf32>
      %mul3A_663 = arith.mulf %gather3A_650, %gather3A_650 : vector<16xf32>
      %add3A_664 = arith.addf %add3A_642, %mul3A_663 : vector<16xf32>
      %mul3A_665 = arith.mulf %gather3A_654, %gather3A_654 : vector<16xf32>
      %add3A_666 = arith.addf %add3A_644, %mul3A_665 : vector<16xf32>
      %mul3A_667 = arith.mulf %gather3A_658, %gather3A_658 : vector<16xf32>
      %add3A_668 = arith.addf %add3A_646, %mul3A_667 : vector<16xf32>
      %add3A_669 = arith.constant 22 : i32
      %add3A_670 = vector.broadcast %add3A_669 : i32 to vector<16xi32>
      %add3A_671 = arith.addi %get3A_173, %add3A_670 : vector<16xi32>
      %gather3A_672 = tpu.vector_load_idx %arg19[%add3A_168, %add3A_671] : memref<128x128xf32, #tpu.memory_space<vmem>>[vector<16xi32>, vector<16xi32>], vector<16xf32>,
      %add3A_673 = arith.constant 22 : i32
      %add3A_674 = vector.broadcast %add3A_673 : i32 to vector<16xi32>
      %add3A_675 = arith.addi %get3A_179, %add3A_674 : vector<16xi32>
      %gather3A_676 = tpu.vector_load_idx %arg21[%add3A_168, %add3A_675] : memref<128x128xf32, #tpu.memory_space<vmem>>[vector<16xi32>, vector<16xi32>], vector<16xf32>,
      %add3A_677 = arith.constant 22 : i32
      %add3A_678 = vector.broadcast %add3A_677 : i32 to vector<16xi32>
      %add3A_679 = arith.addi %get3A_185, %add3A_678 : vector<16xi32>
      %gather3A_680 = tpu.vector_load_idx %arg23[%add3A_168, %add3A_679] : memref<128x128xf32, #tpu.memory_space<vmem>>[vector<16xi32>, vector<16xi32>], vector<16xf32>,
      %mul3A_681 = arith.mulf %gather3A_672, %gather3A_676 : vector<16xf32>
      %add3A_682 = arith.addf %add3A_660, %mul3A_681 : vector<16xf32>
      %mul3A_683 = arith.mulf %gather3A_672, %gather3A_680 : vector<16xf32>
      %add3A_684 = arith.addf %add3A_662, %mul3A_683 : vector<16xf32>
      %mul3A_685 = arith.mulf %gather3A_672, %gather3A_672 : vector<16xf32>
      %add3A_686 = arith.addf %add3A_664, %mul3A_685 : vector<16xf32>
      %mul3A_687 = arith.mulf %gather3A_676, %gather3A_676 : vector<16xf32>
      %add3A_688 = arith.addf %add3A_666, %mul3A_687 : vector<16xf32>
      %mul3A_689 = arith.mulf %gather3A_680, %gather3A_680 : vector<16xf32>
      %add3A_690 = arith.addf %add3A_668, %mul3A_689 : vector<16xf32>
      %add3A_691 = arith.constant 23 : i32
      %add3A_692 = vector.broadcast %add3A_691 : i32 to vector<16xi32>
      %add3A_693 = arith.addi %get3A_173, %add3A_692 : vector<16xi32>
      %gather3A_694 = tpu.vector_load_idx %arg19[%add3A_168, %add3A_693] : memref<128x128xf32, #tpu.memory_space<vmem>>[vector<16xi32>, vector<16xi32>], vector<16xf32>,
      %add3A_695 = arith.constant 23 : i32
      %add3A_696 = vector.broadcast %add3A_695 : i32 to vector<16xi32>
      %add3A_697 = arith.addi %get3A_179, %add3A_696 : vector<16xi32>
      %gather3A_698 = tpu.vector_load_idx %arg21[%add3A_168, %add3A_697] : memref<128x128xf32, #tpu.memory_space<vmem>>[vector<16xi32>, vector<16xi32>], vector<16xf32>,
      %add3A_699 = arith.constant 23 : i32
      %add3A_700 = vector.broadcast %add3A_699 : i32 to vector<16xi32>
      %add3A_701 = arith.addi %get3A_185, %add3A_700 : vector<16xi32>
      %gather3A_702 = tpu.vector_load_idx %arg23[%add3A_168, %add3A_701] : memref<128x128xf32, #tpu.memory_space<vmem>>[vector<16xi32>, vector<16xi32>], vector<16xf32>,
      %mul3A_703 = arith.mulf %gather3A_694, %gather3A_698 : vector<16xf32>
      %add3A_704 = arith.addf %add3A_682, %mul3A_703 : vector<16xf32>
      %mul3A_705 = arith.mulf %gather3A_694, %gather3A_702 : vector<16xf32>
      %add3A_706 = arith.addf %add3A_684, %mul3A_705 : vector<16xf32>
      %mul3A_707 = arith.mulf %gather3A_694, %gather3A_694 : vector<16xf32>
      %add3A_708 = arith.addf %add3A_686, %mul3A_707 : vector<16xf32>
      %mul3A_709 = arith.mulf %gather3A_698, %gather3A_698 : vector<16xf32>
      %add3A_710 = arith.addf %add3A_688, %mul3A_709 : vector<16xf32>
      %mul3A_711 = arith.mulf %gather3A_702, %gather3A_702 : vector<16xf32>
      %add3A_712 = arith.addf %add3A_690, %mul3A_711 : vector<16xf32>
      %add3A_713 = arith.constant 24 : i32
      %add3A_714 = vector.broadcast %add3A_713 : i32 to vector<16xi32>
      %add3A_715 = arith.addi %get3A_173, %add3A_714 : vector<16xi32>
      %gather3A_716 = tpu.vector_load_idx %arg19[%add3A_168, %add3A_715] : memref<128x128xf32, #tpu.memory_space<vmem>>[vector<16xi32>, vector<16xi32>], vector<16xf32>,
      %add3A_717 = arith.constant 24 : i32
      %add3A_718 = vector.broadcast %add3A_717 : i32 to vector<16xi32>
      %add3A_719 = arith.addi %get3A_179, %add3A_718 : vector<16xi32>
      %gather3A_720 = tpu.vector_load_idx %arg21[%add3A_168, %add3A_719] : memref<128x128xf32, #tpu.memory_space<vmem>>[vector<16xi32>, vector<16xi32>], vector<16xf32>,
      %add3A_721 = arith.constant 24 : i32
      %add3A_722 = vector.broadcast %add3A_721 : i32 to vector<16xi32>
      %add3A_723 = arith.addi %get3A_185, %add3A_722 : vector<16xi32>
      %gather3A_724 = tpu.vector_load_idx %arg23[%add3A_168, %add3A_723] : memref<128x128xf32, #tpu.memory_space<vmem>>[vector<16xi32>, vector<16xi32>], vector<16xf32>,
      %mul3A_725 = arith.mulf %gather3A_716, %gather3A_720 : vector<16xf32>
      %add3A_726 = arith.addf %add3A_704, %mul3A_725 : vector<16xf32>
      %mul3A_727 = arith.mulf %gather3A_716, %gather3A_724 : vector<16xf32>
      %add3A_728 = arith.addf %add3A_706, %mul3A_727 : vector<16xf32>
      %mul3A_729 = arith.mulf %gather3A_716, %gather3A_716 : vector<16xf32>
      %add3A_730 = arith.addf %add3A_708, %mul3A_729 : vector<16xf32>
      %mul3A_731 = arith.mulf %gather3A_720, %gather3A_720 : vector<16xf32>
      %add3A_732 = arith.addf %add3A_710, %mul3A_731 : vector<16xf32>
      %mul3A_733 = arith.mulf %gather3A_724, %gather3A_724 : vector<16xf32>
      %add3A_734 = arith.addf %add3A_712, %mul3A_733 : vector<16xf32>
      %add3A_735 = arith.constant 25 : i32
      %add3A_736 = vector.broadcast %add3A_735 : i32 to vector<16xi32>
      %add3A_737 = arith.addi %get3A_173, %add3A_736 : vector<16xi32>
      %gather3A_738 = tpu.vector_load_idx %arg19[%add3A_168, %add3A_737] : memref<128x128xf32, #tpu.memory_space<vmem>>[vector<16xi32>, vector<16xi32>], vector<16xf32>,
      %add3A_739 = arith.constant 25 : i32
      %add3A_740 = vector.broadcast %add3A_739 : i32 to vector<16xi32>
      %add3A_741 = arith.addi %get3A_179, %add3A_740 : vector<16xi32>
      %gather3A_742 = tpu.vector_load_idx %arg21[%add3A_168, %add3A_741] : memref<128x128xf32, #tpu.memory_space<vmem>>[vector<16xi32>, vector<16xi32>], vector<16xf32>,
      %add3A_743 = arith.constant 25 : i32
      %add3A_744 = vector.broadcast %add3A_743 : i32 to vector<16xi32>
      %add3A_745 = arith.addi %get3A_185, %add3A_744 : vector<16xi32>
      %gather3A_746 = tpu.vector_load_idx %arg23[%add3A_168, %add3A_745] : memref<128x128xf32, #tpu.memory_space<vmem>>[vector<16xi32>, vector<16xi32>], vector<16xf32>,
      %mul3A_747 = arith.mulf %gather3A_738, %gather3A_742 : vector<16xf32>
      %add3A_748 = arith.addf %add3A_726, %mul3A_747 : vector<16xf32>
      %mul3A_749 = arith.mulf %gather3A_738, %gather3A_746 : vector<16xf32>
      %add3A_750 = arith.addf %add3A_728, %mul3A_749 : vector<16xf32>
      %mul3A_751 = arith.mulf %gather3A_738, %gather3A_738 : vector<16xf32>
      %add3A_752 = arith.addf %add3A_730, %mul3A_751 : vector<16xf32>
      %mul3A_753 = arith.mulf %gather3A_742, %gather3A_742 : vector<16xf32>
      %add3A_754 = arith.addf %add3A_732, %mul3A_753 : vector<16xf32>
      %mul3A_755 = arith.mulf %gather3A_746, %gather3A_746 : vector<16xf32>
      %add3A_756 = arith.addf %add3A_734, %mul3A_755 : vector<16xf32>
      %add3A_757 = arith.constant 26 : i32
      %add3A_758 = vector.broadcast %add3A_757 : i32 to vector<16xi32>
      %add3A_759 = arith.addi %get3A_173, %add3A_758 : vector<16xi32>
      %gather3A_760 = tpu.vector_load_idx %arg19[%add3A_168, %add3A_759] : memref<128x128xf32, #tpu.memory_space<vmem>>[vector<16xi32>, vector<16xi32>], vector<16xf32>,
      %add3A_761 = arith.constant 26 : i32
      %add3A_762 = vector.broadcast %add3A_761 : i32 to vector<16xi32>
      %add3A_763 = arith.addi %get3A_179, %add3A_762 : vector<16xi32>
      %gather3A_764 = tpu.vector_load_idx %arg21[%add3A_168, %add3A_763] : memref<128x128xf32, #tpu.memory_space<vmem>>[vector<16xi32>, vector<16xi32>], vector<16xf32>,
      %add3A_765 = arith.constant 26 : i32
      %add3A_766 = vector.broadcast %add3A_765 : i32 to vector<16xi32>
      %add3A_767 = arith.addi %get3A_185, %add3A_766 : vector<16xi32>
      %gather3A_768 = tpu.vector_load_idx %arg23[%add3A_168, %add3A_767] : memref<128x128xf32, #tpu.memory_space<vmem>>[vector<16xi32>, vector<16xi32>], vector<16xf32>,
      %mul3A_769 = arith.mulf %gather3A_760, %gather3A_764 : vector<16xf32>
      %add3A_770 = arith.addf %add3A_748, %mul3A_769 : vector<16xf32>
      %mul3A_771 = arith.mulf %gather3A_760, %gather3A_768 : vector<16xf32>
      %add3A_772 = arith.addf %add3A_750, %mul3A_771 : vector<16xf32>
      %mul3A_773 = arith.mulf %gather3A_760, %gather3A_760 : vector<16xf32>
      %add3A_774 = arith.addf %add3A_752, %mul3A_773 : vector<16xf32>
      %mul3A_775 = arith.mulf %gather3A_764, %gather3A_764 : vector<16xf32>
      %add3A_776 = arith.addf %add3A_754, %mul3A_775 : vector<16xf32>
      %mul3A_777 = arith.mulf %gather3A_768, %gather3A_768 : vector<16xf32>
      %add3A_778 = arith.addf %add3A_756, %mul3A_777 : vector<16xf32>
      %add3A_779 = arith.constant 27 : i32
      %add3A_780 = vector.broadcast %add3A_779 : i32 to vector<16xi32>
      %add3A_781 = arith.addi %get3A_173, %add3A_780 : vector<16xi32>
      %gather3A_782 = tpu.vector_load_idx %arg19[%add3A_168, %add3A_781] : memref<128x128xf32, #tpu.memory_space<vmem>>[vector<16xi32>, vector<16xi32>], vector<16xf32>,
      %add3A_783 = arith.constant 27 : i32
      %add3A_784 = vector.broadcast %add3A_783 : i32 to vector<16xi32>
      %add3A_785 = arith.addi %get3A_179, %add3A_784 : vector<16xi32>
      %gather3A_786 = tpu.vector_load_idx %arg21[%add3A_168, %add3A_785] : memref<128x128xf32, #tpu.memory_space<vmem>>[vector<16xi32>, vector<16xi32>], vector<16xf32>,
      %add3A_787 = arith.constant 27 : i32
      %add3A_788 = vector.broadcast %add3A_787 : i32 to vector<16xi32>
      %add3A_789 = arith.addi %get3A_185, %add3A_788 : vector<16xi32>
      %gather3A_790 = tpu.vector_load_idx %arg23[%add3A_168, %add3A_789] : memref<128x128xf32, #tpu.memory_space<vmem>>[vector<16xi32>, vector<16xi32>], vector<16xf32>,
      %mul3A_791 = arith.mulf %gather3A_782, %gather3A_786 : vector<16xf32>
      %add3A_792 = arith.addf %add3A_770, %mul3A_791 : vector<16xf32>
      %mul3A_793 = arith.mulf %gather3A_782, %gather3A_790 : vector<16xf32>
      %add3A_794 = arith.addf %add3A_772, %mul3A_793 : vector<16xf32>
      %mul3A_795 = arith.mulf %gather3A_782, %gather3A_782 : vector<16xf32>
      %add3A_796 = arith.addf %add3A_774, %mul3A_795 : vector<16xf32>
      %mul3A_797 = arith.mulf %gather3A_786, %gather3A_786 : vector<16xf32>
      %add3A_798 = arith.addf %add3A_776, %mul3A_797 : vector<16xf32>
      %mul3A_799 = arith.mulf %gather3A_790, %gather3A_790 : vector<16xf32>
      %add3A_800 = arith.addf %add3A_778, %mul3A_799 : vector<16xf32>
      %add3A_801 = arith.constant 28 : i32
      %add3A_802 = vector.broadcast %add3A_801 : i32 to vector<16xi32>
      %add3A_803 = arith.addi %get3A_173, %add3A_802 : vector<16xi32>
      %gather3A_804 = tpu.vector_load_idx %arg19[%add3A_168, %add3A_803] : memref<128x128xf32, #tpu.memory_space<vmem>>[vector<16xi32>, vector<16xi32>], vector<16xf32>,
      %add3A_805 = arith.constant 28 : i32
      %add3A_806 = vector.broadcast %add3A_805 : i32 to vector<16xi32>
      %add3A_807 = arith.addi %get3A_179, %add3A_806 : vector<16xi32>
      %gather3A_808 = tpu.vector_load_idx %arg21[%add3A_168, %add3A_807] : memref<128x128xf32, #tpu.memory_space<vmem>>[vector<16xi32>, vector<16xi32>], vector<16xf32>,
      %add3A_809 = arith.constant 28 : i32
      %add3A_810 = vector.broadcast %add3A_809 : i32 to vector<16xi32>
      %add3A_811 = arith.addi %get3A_185, %add3A_810 : vector<16xi32>
      %gather3A_812 = tpu.vector_load_idx %arg23[%add3A_168, %add3A_811] : memref<128x128xf32, #tpu.memory_space<vmem>>[vector<16xi32>, vector<16xi32>], vector<16xf32>,
      %mul3A_813 = arith.mulf %gather3A_804, %gather3A_808 : vector<16xf32>
      %add3A_814 = arith.addf %add3A_792, %mul3A_813 : vector<16xf32>
      %mul3A_815 = arith.mulf %gather3A_804, %gather3A_812 : vector<16xf32>
      %add3A_816 = arith.addf %add3A_794, %mul3A_815 : vector<16xf32>
      %mul3A_817 = arith.mulf %gather3A_804, %gather3A_804 : vector<16xf32>
      %add3A_818 = arith.addf %add3A_796, %mul3A_817 : vector<16xf32>
      %mul3A_819 = arith.mulf %gather3A_808, %gather3A_808 : vector<16xf32>
      %add3A_820 = arith.addf %add3A_798, %mul3A_819 : vector<16xf32>
      %mul3A_821 = arith.mulf %gather3A_812, %gather3A_812 : vector<16xf32>
      %add3A_822 = arith.addf %add3A_800, %mul3A_821 : vector<16xf32>
      %add3A_823 = arith.constant 29 : i32
      %add3A_824 = vector.broadcast %add3A_823 : i32 to vector<16xi32>
      %add3A_825 = arith.addi %get3A_173, %add3A_824 : vector<16xi32>
      %gather3A_826 = tpu.vector_load_idx %arg19[%add3A_168, %add3A_825] : memref<128x128xf32, #tpu.memory_space<vmem>>[vector<16xi32>, vector<16xi32>], vector<16xf32>,
      %add3A_827 = arith.constant 29 : i32
      %add3A_828 = vector.broadcast %add3A_827 : i32 to vector<16xi32>
      %add3A_829 = arith.addi %get3A_179, %add3A_828 : vector<16xi32>
      %gather3A_830 = tpu.vector_load_idx %arg21[%add3A_168, %add3A_829] : memref<128x128xf32, #tpu.memory_space<vmem>>[vector<16xi32>, vector<16xi32>], vector<16xf32>,
      %add3A_831 = arith.constant 29 : i32
      %add3A_832 = vector.broadcast %add3A_831 : i32 to vector<16xi32>
      %add3A_833 = arith.addi %get3A_185, %add3A_832 : vector<16xi32>
      %gather3A_834 = tpu.vector_load_idx %arg23[%add3A_168, %add3A_833] : memref<128x128xf32, #tpu.memory_space<vmem>>[vector<16xi32>, vector<16xi32>], vector<16xf32>,
      %mul3A_835 = arith.mulf %gather3A_826, %gather3A_830 : vector<16xf32>
      %add3A_836 = arith.addf %add3A_814, %mul3A_835 : vector<16xf32>
      %mul3A_837 = arith.mulf %gather3A_826, %gather3A_834 : vector<16xf32>
      %add3A_838 = arith.addf %add3A_816, %mul3A_837 : vector<16xf32>
      %mul3A_839 = arith.mulf %gather3A_826, %gather3A_826 : vector<16xf32>
      %add3A_840 = arith.addf %add3A_818, %mul3A_839 : vector<16xf32>
      %mul3A_841 = arith.mulf %gather3A_830, %gather3A_830 : vector<16xf32>
      %add3A_842 = arith.addf %add3A_820, %mul3A_841 : vector<16xf32>
      %mul3A_843 = arith.mulf %gather3A_834, %gather3A_834 : vector<16xf32>
      %add3A_844 = arith.addf %add3A_822, %mul3A_843 : vector<16xf32>
      %add3A_845 = arith.constant 30 : i32
      %add3A_846 = vector.broadcast %add3A_845 : i32 to vector<16xi32>
      %add3A_847 = arith.addi %get3A_173, %add3A_846 : vector<16xi32>
      %gather3A_848 = tpu.vector_load_idx %arg19[%add3A_168, %add3A_847] : memref<128x128xf32, #tpu.memory_space<vmem>>[vector<16xi32>, vector<16xi32>], vector<16xf32>,
      %add3A_849 = arith.constant 30 : i32
      %add3A_850 = vector.broadcast %add3A_849 : i32 to vector<16xi32>
      %add3A_851 = arith.addi %get3A_179, %add3A_850 : vector<16xi32>
      %gather3A_852 = tpu.vector_load_idx %arg21[%add3A_168, %add3A_851] : memref<128x128xf32, #tpu.memory_space<vmem>>[vector<16xi32>, vector<16xi32>], vector<16xf32>,
      %add3A_853 = arith.constant 30 : i32
      %add3A_854 = vector.broadcast %add3A_853 : i32 to vector<16xi32>
      %add3A_855 = arith.addi %get3A_185, %add3A_854 : vector<16xi32>
      %gather3A_856 = tpu.vector_load_idx %arg23[%add3A_168, %add3A_855] : memref<128x128xf32, #tpu.memory_space<vmem>>[vector<16xi32>, vector<16xi32>], vector<16xf32>,
      %mul3A_857 = arith.mulf %gather3A_848, %gather3A_852 : vector<16xf32>
      %add3A_858 = arith.addf %add3A_836, %mul3A_857 : vector<16xf32>
      %mul3A_859 = arith.mulf %gather3A_848, %gather3A_856 : vector<16xf32>
      %add3A_860 = arith.addf %add3A_838, %mul3A_859 : vector<16xf32>
      %mul3A_861 = arith.mulf %gather3A_848, %gather3A_848 : vector<16xf32>
      %add3A_862 = arith.addf %add3A_840, %mul3A_861 : vector<16xf32>
      %mul3A_863 = arith.mulf %gather3A_852, %gather3A_852 : vector<16xf32>
      %add3A_864 = arith.addf %add3A_842, %mul3A_863 : vector<16xf32>
      %mul3A_865 = arith.mulf %gather3A_856, %gather3A_856 : vector<16xf32>
      %add3A_866 = arith.addf %add3A_844, %mul3A_865 : vector<16xf32>
      %add3A_867 = arith.constant 31 : i32
      %add3A_868 = vector.broadcast %add3A_867 : i32 to vector<16xi32>
      %add3A_869 = arith.addi %get3A_173, %add3A_868 : vector<16xi32>
      %gather3A_870 = tpu.vector_load_idx %arg19[%add3A_168, %add3A_869] : memref<128x128xf32, #tpu.memory_space<vmem>>[vector<16xi32>, vector<16xi32>], vector<16xf32>,
      %add3A_871 = arith.constant 31 : i32
      %add3A_872 = vector.broadcast %add3A_871 : i32 to vector<16xi32>
      %add3A_873 = arith.addi %get3A_179, %add3A_872 : vector<16xi32>
      %gather3A_874 = tpu.vector_load_idx %arg21[%add3A_168, %add3A_873] : memref<128x128xf32, #tpu.memory_space<vmem>>[vector<16xi32>, vector<16xi32>], vector<16xf32>,
      %add3A_875 = arith.constant 31 : i32
      %add3A_876 = vector.broadcast %add3A_875 : i32 to vector<16xi32>
      %add3A_877 = arith.addi %get3A_185, %add3A_876 : vector<16xi32>
      %gather3A_878 = tpu.vector_load_idx %arg23[%add3A_168, %add3A_877] : memref<128x128xf32, #tpu.memory_space<vmem>>[vector<16xi32>, vector<16xi32>], vector<16xf32>,
      %mul3A_879 = arith.mulf %gather3A_870, %gather3A_874 : vector<16xf32>
      %add3A_880 = arith.addf %add3A_858, %mul3A_879 : vector<16xf32>
      %mul3A_881 = arith.mulf %gather3A_870, %gather3A_878 : vector<16xf32>
      %add3A_882 = arith.addf %add3A_860, %mul3A_881 : vector<16xf32>
      %mul3A_883 = arith.mulf %gather3A_870, %gather3A_870 : vector<16xf32>
      %add3A_884 = arith.addf %add3A_862, %mul3A_883 : vector<16xf32>
      %mul3A_885 = arith.mulf %gather3A_874, %gather3A_874 : vector<16xf32>
      %add3A_886 = arith.addf %add3A_864, %mul3A_885 : vector<16xf32>
      %mul3A_887 = arith.mulf %gather3A_878, %gather3A_878 : vector<16xf32>
      %add3A_888 = arith.addf %add3A_866, %mul3A_887 : vector<16xf32>
      %sub3A = arith.subf %add3A_880, %add3A_882 : vector<16xf32>
      %mul3A_889 = arith.constant 16 : i32
      %mul3A_890 = arith.muli %scan3A_161, %mul3A_889 : i32
      %add3A_891 = arith.constant 384 : i32
      %add3A_892 = arith.addi %add3A_891, %mul3A_890 : i32
      %swap3A_893 = arith.index_cast %add3A_892 : i32 to index
      %swap3A_894 = tpu.vector_load %arg24[%swap3A_893] {strides = array<i32>} : memref<512xf32, #tpu.memory_space<vmem>>, vector<16xf32>,
      tpu.vector_store %arg24[%swap3A_893], %sub3A {strides = array<i32>} : memref<512xf32, #tpu.memory_space<vmem>>, vector<16xf32>,
      scf.yield %add3A_884, %add3A_886, %add3A_888 : vector<16xf32>, vector<16xf32>, vector<16xf32>
    }
    %scan3A_151 = arith.constant 8 : i32
    %swap3A = arith.constant 0 : index
    %swap3A_152 = tpu.vector_load %arg25[%swap3A] {strides = array<i32>} : memref<48xf32, #tpu.memory_space<vmem>>, vector<16xf32>,
    tpu.vector_store %arg25[%swap3A], %scan3A_150#0 {strides = array<i32>} : memref<48xf32, #tpu.memory_space<vmem>>, vector<16xf32>,
    %swap3A_153 = arith.constant 16 : index
    %swap3A_154 = tpu.vector_load %arg25[%swap3A_153] {strides = array<i32>} : memref<48xf32, #tpu.memory_space<vmem>>, vector<16xf32>,
    tpu.vector_store %arg25[%swap3A_153], %scan3A_150#1 {strides = array<i32>} : memref<48xf32, #tpu.memory_space<vmem>>, vector<16xf32>,
    %swap3A_155 = arith.constant 32 : index
    %swap3A_156 = tpu.vector_load %arg25[%swap3A_155] {strides = array<i32>} : memref<48xf32, #tpu.memory_space<vmem>>, vector<16xf32>,
    tpu.vector_store %arg25[%swap3A_155], %scan3A_150#2 {strides = array<i32>} : memref<48xf32, #tpu.memory_space<vmem>>, vector<16xf32>,
    "tpu.region"() ({
      %run_scoped3A = tpu.sem_alloc : memref<!tpu.dma_semaphore, #tpu.memory_space<semaphore_mem>>
      %dma_start3A_161 = tpu.memref_slice %arg7[%mul3A_2] : memref<16384xf32, #tpu.memory_space<hbm>> -> memref<512xf32, #tpu.memory_space<hbm>>
      %dma_start3A_162 = tpu.memref_slice %arg7[%mul3A_2] : memref<16384xf32, #tpu.memory_space<hbm>> -> memref<512xf32, #tpu.memory_space<hbm>>
      tpu.enqueue_dma source(%arg24 : memref<512xf32, #tpu.memory_space<vmem>>) target(%dma_start3A_162 : memref<512xf32, #tpu.memory_space<hbm>>) target_semaphore(%run_scoped3A : memref<!tpu.dma_semaphore, #tpu.memory_space<semaphore_mem>>)
      %dma_wait3A_163 = tpu.memref_slice %arg7[%mul3A_2] : memref<16384xf32, #tpu.memory_space<hbm>> -> memref<512xf32, #tpu.memory_space<hbm>>
      %dma_wait3A_164 = tpu.memref_slice %arg7[%mul3A_2] : memref<16384xf32, #tpu.memory_space<hbm>> -> memref<512xf32, #tpu.memory_space<hbm>>
      tpu.wait_dma2 semaphore(%run_scoped3A : memref<!tpu.dma_semaphore, #tpu.memory_space<semaphore_mem>>) src(%arg24 : memref<512xf32, #tpu.memory_space<vmem>>) dst(%dma_wait3A_164 : memref<512xf32, #tpu.memory_space<hbm>>)
      tpu.yield
    }) : () -> ()
    %mul3A_157 = arith.constant 3 : i32
    %mul3A_158 = arith.muli %add3A, %mul3A_157 : i32
    %mul3A_159 = arith.constant 16 : i32
    %mul3A_160 = arith.muli %mul3A_158, %mul3A_159 : i32
    "tpu.region"() ({
      %run_scoped3A = tpu.sem_alloc : memref<!tpu.dma_semaphore, #tpu.memory_space<semaphore_mem>>
      %dma_start3A_161 = tpu.memref_slice %arg8[%mul3A_160] : memref<1536xf32, #tpu.memory_space<hbm>> -> memref<48xf32, #tpu.memory_space<hbm>>
      %dma_start3A_162 = tpu.memref_slice %arg8[%mul3A_160] : memref<1536xf32, #tpu.memory_space<hbm>> -> memref<48xf32, #tpu.memory_space<hbm>>
      tpu.enqueue_dma source(%arg25 : memref<48xf32, #tpu.memory_space<vmem>>) target(%dma_start3A_162 : memref<48xf32, #tpu.memory_space<hbm>>) target_semaphore(%run_scoped3A : memref<!tpu.dma_semaphore, #tpu.memory_space<semaphore_mem>>)
      %dma_wait3A_163 = tpu.memref_slice %arg8[%mul3A_160] : memref<1536xf32, #tpu.memory_space<hbm>> -> memref<48xf32, #tpu.memory_space<hbm>>
      %dma_wait3A_164 = tpu.memref_slice %arg8[%mul3A_160] : memref<1536xf32, #tpu.memory_space<hbm>> -> memref<48xf32, #tpu.memory_space<hbm>>
      tpu.wait_dma2 semaphore(%run_scoped3A : memref<!tpu.dma_semaphore, #tpu.memory_space<semaphore_mem>>) src(%arg25 : memref<48xf32, #tpu.memory_space<vmem>>) dst(%dma_wait3A_164 : memref<48xf32, #tpu.memory_space<hbm>>)
      tpu.yield
    }) : () -> ()
    return
  }
}

module attributes {stable_mosaic.version = 14 : i64} {
  func.func @_tc_body(%arg0: memref<128x128xf32, #tpu.memory_space<vmem>>, %arg1: memref<1536xf32, #tpu.memory_space<vmem>>, %arg2: memref<1x1xf32, #tpu.memory_space<smem>>) attributes {dimension_semantics = [], scalar_prefetch = 0 : i64, scratch_operands = 0 : i64, tpu.core_type = #tpu.core_type<tc>} {
    %get3A = arith.constant 0 : index
    %get3A_0 = arith.constant 0 : index
    %get3A_1 = vector.load %arg0[%get3A, %get3A_0] : memref<128x128xf32, #tpu.memory_space<vmem>>, vector<128x128xf32>
    %neg3A = arith.constant 0.000000e+00 : f32
    %neg3A_2 = vector.broadcast %neg3A : f32 to vector<128x128xf32>
    %neg3A_3 = arith.subf %neg3A_2, %get3A_1 : vector<128x128xf32>
    %max3A = arith.constant 0.000000e+00 : f32
    %max3A_4 = vector.broadcast %max3A : f32 to vector<128x128xf32>
    %max3A_5 = arith.maximumf %neg3A_3, %max3A_4 : vector<128x128xf32>
    %abs3A = math.absf %get3A_1 : vector<128x128xf32>
    %neg3A_6 = arith.constant 0.000000e+00 : f32
    %neg3A_7 = vector.broadcast %neg3A_6 : f32 to vector<128x128xf32>
    %neg3A_8 = arith.subf %neg3A_7, %abs3A : vector<128x128xf32>
    %exp3A = math.exp %neg3A_8 : vector<128x128xf32>
    %log1p3A = math.log1p %exp3A : vector<128x128xf32>
    %add3A = arith.addf %max3A_5, %log1p3A : vector<128x128xf32>
    %get3A_9 = arith.constant 0 : index
    %get3A_10 = vector.load %arg1[%get3A_9] : memref<1536xf32, #tpu.memory_space<vmem>>, vector<1536xf32>
    %reduce_sum3A = vector.shape_cast %get3A_10 : vector<1536xf32> to vector<1x1536xf32>
    %reduce_sum3A_11 = arith.constant dense<0.000000e+00> : vector<1xf32>
    %reduce_sum3A_12 = vector.multi_reduction <add>, %reduce_sum3A, %reduce_sum3A_11 [1] : vector<1x1536xf32> to vector<1xf32>
    %reduce_sum3A_13 = vector.shape_cast %reduce_sum3A_12 : vector<1xf32> to vector<1x1xf32>
    %reduce_sum3A_14 = vector.extract %reduce_sum3A_13[0, 0] : f32 from vector<1x1xf32>
    %mul3A = arith.constant 9.99999974E-5 : f32
    %mul3A_15 = arith.mulf %mul3A, %reduce_sum3A_14 : f32
    %div3A = arith.constant 5.242880e+05 : f32
    %div3A_16 = arith.divf %mul3A_15, %div3A : f32
    %reduce_sum3A_17 = vector.shape_cast %add3A : vector<128x128xf32> to vector<1x128x128xf32>
    %reduce_sum3A_18 = arith.constant dense<0.000000e+00> : vector<1xf32>
    %reduce_sum3A_19 = vector.multi_reduction <add>, %reduce_sum3A_17, %reduce_sum3A_18 [1, 2] : vector<1x128x128xf32> to vector<1xf32>
    %reduce_sum3A_20 = vector.shape_cast %reduce_sum3A_19 : vector<1xf32> to vector<1x1x1xf32>
    %reduce_sum3A_21 = vector.extract %reduce_sum3A_20[0, 0, 0] : f32 from vector<1x1x1xf32>
    %div3A_22 = arith.constant 1.638400e+04 : f32
    %div3A_23 = arith.divf %reduce_sum3A_21, %div3A_22 : f32
    %add3A_24 = arith.addf %div3A_23, %div3A_16 : f32
    %swap3A = arith.constant 0 : index
    %swap3A_25 = arith.constant 0 : index
    %swap3A_26 = memref.load %arg2[%swap3A, %swap3A_25] : memref<1x1xf32, #tpu.memory_space<smem>>
    memref.store %add3A_24, %arg2[%swap3A, %swap3A_25] : memref<1x1xf32, #tpu.memory_space<smem>>
    return
  }
}

</mosaic_0001>

<sc_bundles>
// kernel: kernel.4.cloned.1.call-start
scs
__scs_entry_jumppad:
0x0: {  	(pc) =	sbr.rel $0x88, $3  }
0x1: {  	(tag) =	ssettag $0x0;
	lr =	simm.s32 $0x1  }
0x2: {  	[smem:$0x3F9C] =	sst lr;
	_ =	strace $0xD0000000  }
0x3: {  	_ = 	snop  }
0x4: {  	_ = 	snop  }
0x5: {  	_ = 	snop  }
0x6: {  	_ = 	snop  }
0x7: {  	_ = 	snop  }
__scs_overlays_trampoline_lowered:
0x8: {  	[smem:$0x3FAB] =	sst s0  }
0x9: {  	[smem:$0x3FAC] =	sst s1  }
0xa: {  	[smem:$0x3FAD] =	sst s2  }
0xb: {  	[smem:$0x3FAE] =	sst s3  }
0xc: {  	[smem:$0x3FAF] =	sst s4  }
0xd: {  	[smem:$0x3FB0] =	sst s5  }
0xe: {  	[smem:$0x3FB1] =	sst s6  }
0xf: {  	[smem:$0x3FB2] =	sst s7  }
0x10: {  	[smem:$0x3FB3] =	sst s8  }
0x11: {  	[smem:$0x3FB4] =	sst s9;
	s0 =	simm.s32 @!p0 $0x0  }
0x12: {  	s1 =	sld [smem:$0x3F9A];
	s0 =	simm.s32 @p0 $0x1  }
0x13: {  	[smem:$0x3FB5] =	sst s0;
	s0 =	simm.s32 @!p1 $0x0  }
0x14: {  	s2 =	sld [smem:$0x3F99];
	s0 =	simm.s32 @p1 $0x1  }
0x15: {  	[smem:$0x3FB6] =	sst s0;
	s0 =	simm.s32 @!p2 $0x0  }
0x16: {  	s3 =	sld [smem:$0x3FDB];
	s0 =	simm.s32 @p2 $0x1  }
0x17: {  	s4 =	simm.s32 $0x1BF5;
	[smem:$0x3FB8] =	sst s0  }
0x18: {  	s0 =	sld [smem:$0x3F9B];
	_ =	swait.ge [sflag:s4], $0x0  }
0x19: {  	s7 =	sld [smem:$0x3F9C]  }
0x1a: {  	s8 =	sadd.s32 $0xFFFFE003, lr  }
0x1b: {  	s9 =	sadd.s32 $0xFFFFFEF7, lr;
	s5 =	simm.s32 $0xFFFFFFFF;
	p2 =	slt.u32 s8, $0xFFFFF086  }
0x1c: {  	p1 =	slt.u32 s9, $0xF7A;
	s5 =	simm.s32 @!p2 $0x0  }
0x1d: {  	s5 =	simm.s32 @p1 $0x1;
	p0 =	seq.s32 s7, s2  }
0x1e: {  	s7 =	smul.u32 @!p0 $0xF7A, s2;
	p2 =	seq.s32 @!p0 s5, $0x0  }
0x1f: {  	s9 =	smul.u32 $0xF7A, s1;
	s8 =	simm.s32 @!p0 $0x1BF5;
	p2 =	por !p2, p0  }
0x20: {  	[sflag:s8] =	ssyncset.s32 @!p0 $0xFFFFF086;
	s6 =	sadd.s32 @!p0 s3, s7;
	s7 =	simm.s32 @!p0 $0x108  }
0x21: {  	s3 =	sadd.s32 s3, s9;
	s6 =	sadd.s32 @!p0 $0x88, s6;
	s7 =	simm.s32 @p2 $0x1082  }
0x22: {  	[simem:s7], [sflag:s8] =	dma.local @!p0 [hbm:s6], $0xF7A  }
0x23: {  	s9 =	sor.u32 $0xD0000000, s2;
	s6 =	simm.s32 $0x108;
	_ =	swait.ge @!p0 [sflag:s8], $0x0  }
0x24: {  	s3 =	sadd.s32 $0x88, s3;
	s6 =	simm.s32 @!p1 $0x1082;
	[sflag:s4] =	ssyncset.s32 $0xFFFFF086  }
0x25: {  	[simem:s6], [sflag:s4] =	dma.local [hbm:s3], $0xF7A  }
0x26: {  	[smem:$0x3F9C] =	sst s1;
	(tag) =	ssettag s2;
	_ =	strace s9  }
0x27: {  	s1 =	sld [smem:$0x3FAC]  }
0x28: {  	s2 =	sld [smem:$0x3FAD]  }
0x29: {  	s4 =	sld [smem:$0x3FAF]  }
0x2a: {  	p0 =	seq.s32 s5, $0x0;
	s5 =	sld [smem:$0x3FB0]  }
0x2b: {  	s6 =	sld [smem:$0x3FB1]  }
0x2c: {  	s7 =	sld [smem:$0x3FB2]  }
0x2d: {  	s3 =	simm.s32 $0x108;
	s8 =	sld [smem:$0x3FB3]  }
0x2e: {  	s3 =	simm.s32 @!p0 $0x1082;
	s9 =	sld [smem:$0x3FB4]  }
0x2f: {  	lr =	sadd.s32 s0, s3;
	s0 =	sld [smem:$0x3FAB]  }
0x30: {  	s3 =	sld [smem:$0x3FAE]  }
0x31: {  	[smem:$0x3FB7] =	sst s10  }
0x32: {  	s10 =	sld [smem:$0x3FB5];
	_ =	sdelay $0x3  }
0x33: {  	p0 =	seq.s32 s10, $0x1;
	s10 =	sld [smem:$0x3FB7];
	_ =	sdelay $0x3  }
0x34: {  	[smem:$0x3FB7] =	sst s10  }
0x35: {  	s10 =	sld [smem:$0x3FB6];
	_ =	sdelay $0x3  }
0x36: {  	p1 =	seq.s32 s10, $0x1;
	s10 =	sld [smem:$0x3FB7];
	_ =	sdelay $0x3  }
0x37: {  	[smem:$0x3FB7] =	sst s10  }
0x38: {  	s10 =	sld [smem:$0x3FB8]  }
0x39: {  	_ = 	snop;
	(pc) =	sbr.ind lr, $3  }
0x3a: {  	_ = 	snop  }
0x3b: {  	_ = 	snop  }
0x3c: {  	p2 =	seq.s32 s10, $0x1;
	s10 =	sld [smem:$0x3FB7]  }
0x3d: {  	_ =	shalt  }
0x3e: {  	_ =	shalt  }
0x3f: {  	_ =	shalt  }
0x40: {  	_ =	shalt  }
0x41: {  	_ =	shalt  }
0x42: {  	_ =	shalt  }
0x43: {  	_ =	shalt  }
0x44: {  	_ =	shalt  }
0x45: {  	_ =	shalt  }
0x46: {  	_ =	shalt  }
0x47: {  	_ =	shalt  }
0x48: {  	_ =	shalt  }
0x49: {  	_ =	shalt  }
0x4a: {  	_ =	shalt  }
0x4b: {  	_ =	shalt  }
0x4c: {  	_ =	shalt  }
0x4d: {  	_ =	shalt  }
0x4e: {  	_ =	shalt  }
0x4f: {  	_ =	shalt  }
0x50: {  	_ =	shalt  }
0x51: {  	_ =	shalt  }
0x52: {  	_ =	shalt  }
0x53: {  	_ =	shalt  }
0x54: {  	_ =	shalt  }
0x55: {  	_ =	shalt  }
0x56: {  	_ =	shalt  }
0x57: {  	_ =	shalt  }
0x58: {  	_ =	shalt  }
0x59: {  	_ =	shalt  }
0x5a: {  	_ =	shalt  }
0x5b: {  	_ =	shalt  }
0x5c: {  	_ =	shalt  }
0x5d: {  	_ =	shalt  }
0x5e: {  	_ =	shalt  }
0x5f: {  	_ =	shalt  }
0x60: {  	_ =	shalt  }
0x61: {  	_ =	shalt  }
0x62: {  	_ =	shalt  }
0x63: {  	_ =	shalt  }
0x64: {  	_ =	shalt  }
0x65: {  	_ =	shalt  }
0x66: {  	_ =	shalt  }
0x67: {  	_ =	shalt  }
0x68: {  	_ =	shalt  }
0x69: {  	_ =	shalt  }
0x6a: {  	_ =	shalt  }
0x6b: {  	_ =	shalt  }
0x6c: {  	_ =	shalt  }
0x6d: {  	_ =	shalt  }
0x6e: {  	_ =	shalt  }
0x6f: {  	_ =	shalt  }
0x70: {  	_ =	shalt  }
0x71: {  	_ =	shalt  }
0x72: {  	_ =	shalt  }
0x73: {  	_ =	shalt  }
0x74: {  	_ =	shalt  }
0x75: {  	_ =	shalt  }
0x76: {  	_ =	shalt  }
0x77: {  	_ =	shalt  }
0x78: {  	_ =	shalt  }
0x79: {  	_ =	shalt  }
0x7a: {  	_ =	shalt  }
0x7b: {  	_ =	shalt  }
0x7c: {  	_ =	shalt  }
0x7d: {  	_ =	shalt  }
0x7e: {  	_ =	shalt  }
0x7f: {  	_ =	shalt  }
0x80: {  	_ =	shalt  }
0x81: {  	_ =	shalt  }
0x82: {  	_ =	shalt  }
0x83: {  	_ =	shalt  }
0x84: {  	_ =	shalt  }
0x85: {  	_ =	shalt  }
0x86: {  	_ =	shalt  }
0x87: {  	_ =	shalt  }
.Lfunc_end0:
.L_simem_size_0:
called_computation_lowered:
.L_overlay_start_0:
0x88: {  	s2 =	sld [smem:$0x3FD9]  }
0x89: {  	s3 =	sld [smem:$0x3FFE];
	_ =	sdelay $0x1  }
0x8a: {  	s1 =	srdreg.scid  }
0x8b: {  	s0 =	sand.u32 $0x1, s1  }
0x8c: {  	s17 =	sshll.u32 s0, $0xA;
	s2 =	sadd.s32 s3, s2  }
0x8d: {  	s2 =	sadd.s32 s2, s17  }
0x8e: {  	[smem:$0x3FC3] =	sst s2  }
0x8f: {  	_ = 	snop  }
0x90: {  	s2 =	sld [smem:$0x3FC9]  }
0x91: {  	s18 =	sld [smem:$0x3FC8]  }
0x92: {  	s4 =	sld [smem:$0x3FC7];
	(tm) =	ssettm $0x1  }
0x93: {  	s5 =	sld [smem:$0x3FFB];
	_ =	sdelay $0x3  }
0x94: {  	_ =	strace s5  }
0x95: {  	s5 =	sld [smem:$0x3FFC];
	_ =	sdelay $0x3  }
0x96: {  	_ =	strace s5  }
0x97: {  	s5 =	sld [smem:$0x3FFD];
	_ =	sdelay $0x3  }
0x98: {  	_ =	strace s5  }
0x99: {  	_ =	strace $0x8FFFFFFF  }
0x9a: {  	s19 =	sld [smem:$0x3FDB];
	_ =	sdelay $0x1  }
0x9b: {  	s6 =	simm.s32 $_scs_section_size  }
0x9c: {  	s7 =	simm.s32 $_size__tile_overlayer_lowered;
	s8 =	simm.s32 $_tile_overlayer_lowered  }
0x9d: {  	s22 =	simm.s32 $0x1BFF;
	s21 =	sshll.u32 s8, $0x1;
	s5 =	sadd.s32 s6, s19  }
0x9e: {  	s9 =	simm.s32 $0x0;
	s20 =	sshll.u32 s7, $0x1;
	s7 =	sadd.s32 s21, s5  }
0x9f: {  	[timem:s9], [sflag:s22] =	dma.local [hbm:s7], s20  }
0xa0: {  	_ =	swait.ge [sflag:s22], s20  }
0xa1: {  	s6 =	ssub.s32 $0x0, s20;
	[sflag:s22] =	ssyncset.done $0x0  }
0xa2: {  	[sflag:s22] =	ssyncadd.s32 s6;
	_ =	sdelay $0x1  }
0xa3: {  	s23 =	simm.s32 $0x1B8B  }
0xa4: {  	_ =	swait.ge [sflag:s23], $0x1  }
0xa5: {  	[sflag:s23] =	ssyncset.done $0x0  }
0xa6: {  	s25 =	simm.s32 $0x1B8E;
	s24 =	sld [smem:$0x3FFE];
	[sflag:s23] =	ssyncadd.s32 $0xFFFFFFFF  }
0xa7: {  	s26 =	simm.s32 $execute0_lowered;
	[smem:$0x3FD2] =	sst s25  }
0xa8: {  	s7 =	sshll.u32 s26, $0x1;
	_ =	strace $0x80000046;
	[dreg:$0x1] =	wrdreg $0xFFFFFFFF  }
0xa9: {  	s28 =	simm.s32 $_size_execute0_lowered;
	s5 =	sadd.s32 s5, s7;
	[dreg:$0x0] =	wrdreg $0x0  }
0xaa: {  	s7 =	sshll.u32 s28, $0x1;
	[dreg:$0x2] =	wrdreg s5  }
0xab: {  	[dreg:$0x3] =	wrdreg s7  }
0xac: {  	[dreg:$0x4] =	wrdreg $0xC0  }
0xad: {  	_ =	task [dreg:s9], $0x5FFFF  }
0xae: {  	[dreg:$0x1] =	wrdreg $0xFFFFFFFF  }
0xaf: {  	[dreg:$0x0] =	wrdreg $0x60  }
0xb0: {  	[dreg:$0x2] =	wrdreg s2  }
0xb1: {  	[dreg:$0x3] =	wrdreg s18  }
0xb2: {  	[dreg:$0x4] =	wrdreg s4  }
0xb3: {  	[dreg:$0x5] =	wrdreg s24  }
0xb4: {  	[dreg:$0x6] =	wrdreg $0x9  }
0xb5: {  	_ =	task.clear_ibuf [dreg:s9], $0x7FFFF;
	_ =	strace $0x90000046  }
0xb6: {  	s29 =	simm.s32 $0x9;
	_ =	strace $0x80000048  }
0xb7: {  	_ =	swait.ge [sflag:s29], $0x1  }
0xb8: {  	[sflag:s29] =	ssyncadd.s32 $0xFFFFFFFF  }
0xb9: {  	_ =	strace $0x90000048  }
0xba: {  	_ =	sfence  }
0xbb: {  	s30 =	sld [smem:$0x0];
	_ =	sdelay $0x2  }
0xbc: {  	s31 =	sshll.u32 s1, $0xD;
	s1 =	sshrl.u32 s1, $0x2  }
0xbd: {  	s3 =	sand.u32 $0x4000, s31;
	s1 =	sadd.s32 s1, s30  }
0xbe: {  	s0 =	sor.u32 s3, s0;
	s1 =	sshll.u32 s1, $0x11  }
0xbf: {  	s0 =	sor.u32 s1, s0  }
0xc0: {  	s0 =	sadd.s32 $0x8F2B, s0  }
0xc1: {  	[sflag:s0] =	ssyncadd.remote.s32 $0x1  }
0xc2: {  	_ =	sfence.sel $0xFFFF  }
0xc3: {  	[dreg:$0x0] =	wrdreg $0xFFFFFFFF;
	(pc) =	sbr.abs _section_cstart, $3  }
0xc4: {  	[dreg:$0x1] =	wrdreg $0xFFFFFFFF  }
0xc5: {  	_ =	task.clear_ibuf [dreg:s9], $0x2FFFF;
	_ =	strace $0x9FFFFFFF  }
0xc6: {  	(tm) =	ssettm $0x7FFFFFFF  }
0xc7: {  	_ =	shalt  }
tec
execute0_lowered:
.L_overlay_start_1:
0x0: {  	(tag) =	ssettag $0x1  }
0x1: {  	s0 =	rddreg [dreg:$0x0]  }
0x2: {  	s1 =	rddreg [dreg:$0x1]  }
0x3: {  	s7 =	rddreg [dreg:$0x2]  }
0x4: {  	s5 =	rddreg [dreg:$0x3];
	s3 =	srdreg.scid  }
0x5: {  	s4 =	stileid.u32;
	s2 =	simm.s32 $0x0;
	s14 =	simm.s32 $0x80  }
0x6: {  	s16 =	simm.s32 $0x1200;
	s18 =	simm.s32 $0x9200;
	s20 =	simm.s32 $0x11200  }
0x7: {  	s21 =	simm.s32 $0x1;
	s23 =	simm.s32 $0x5200;
	s25 =	simm.s32 $0xD200  }
0x8: {  	s28 =	simm.s32 $0x15200;
	s30 =	simm.s32 $0x900;
	s31 =	simm.s32 $0xB00  }
0x9: {  	s12 =	simm.s32 $0xB80;
	s13 =	simm.s32 $0x19200;
	s15 =	simm.s32 $0x19400  }
0xa: {  	s17 =	simm.s32 $0x0;
	s6 =	sand.u32 $0x1, s3;
	s26 =	sshll.u32 s4, $0x1  }
0xb: {  	[smem:$0x7FF] =	sst s2;
	s3 =	sadd.s32 $0xF43000, s5;
	s4 =	sadd.s32 $0x1313A00, s5  }
0xc: {  	s8 =	sor.u32 s6, s26;
	_ =	strace $0x80000047;
	s6 =	ssub.s32 $0x2, s6  }
0xd: {  	s9 =	smul.u32 $0x6, s8;
	s8 =	sshll.u32 s8, $0x6;
	s29 =	sshrl.u32 s6, $0x1  }
0xe: {  	s10 =	sadd.s32 s8, s5;
	s11 =	ssub.s32 s6, s29;
	s6 =	sadd.s32 s1, s8  }
0xf: {  	s7 =	sadd.s32 s7, s8;
	s1 =	simm.s32 $0x980;
	s9 =	sadd.s32 s9, s5  }
0x10: {  	v0 =	vlaneseq.u32;
	s5 =	sadd.s32 s0, s8;
	s8 =	sadd.s32 $0xC00, s10;
	s10 =	smax.u32 s11, $0x1  }
0x11: {  	v0 =	vmul.u32 $0x80, v0;
	s11 =	simm.s32 $0x2;
	s0 =	simm.s32 $0x780;
	s9 =	sadd.s32 $0x1400, s9  }
.LBB2_1:
0x12: {  	[tilespmem:s2], [sflag:$0x2] =	stream.linear.gather [hbm4b:s5+s2], $0x200, $0x38;
	[tilespmem:$0x19480] =	vst v63  }
0x13: {  	_ =	swait.ge [sflag:s11], $0x200  }
0x14: {  	[sflag:s11] =	ssyncset.done $0x0  }
0x15: {  	s19 =	simm.s32 $0x200;
	[sflag:s11] =	ssyncadd.s32 $0xFFFFFE00  }
0x16: {  	[tilespmem:s19], [sflag:$0x2] =	stream.linear.gather [hbm4b:s6+s2], $0x200, $0x38;
	[tilespmem:$0x19480] =	vst v63  }
0x17: {  	_ =	swait.ge [sflag:s11], $0x200  }
0x18: {  	[sflag:s11] =	ssyncset.done $0x0  }
0x19: {  	s29 =	simm.s32 $0x400;
	[sflag:s11] =	ssyncadd.s32 $0xFFFFFE00  }
0x1a: {  	[tilespmem:s29], [sflag:$0x2] =	stream.linear.gather [hbm4b:s7+s2], $0x200, $0x38;
	[tilespmem:$0x19480] =	vst v63  }
0x1b: {  	_ =	swait.ge [sflag:s11], $0x200  }
0x1c: {  	[sflag:s11] =	ssyncset.done $0x0  }
0x1d: {  	s22 =	simm.s32 $0x0;
	[sflag:s11] =	ssyncadd.s32 $0xFFFFFE00  }
0x1e: {  	v1 =	vld [tilespmem:s22+$0x400]  }
0x1f: {  	v4 =	vld [tilespmem:s22+$0x0]  }
0x20: {  	v5 =	vld [tilespmem:s22+$0x200];
	_ =	sdelay $0x2  }
0x21: {  	s19 =	simm.s32 $0x10;
	v2 =	vshrl.u32 v1, $0x2;
	v1 =	vshll.u32 v1, $0x5  }
0x22: {  	v3 =	vld [tilespmem:s19+$0x400];
	v6 =	vshll.u32 v4, $0x5;
	[tilespmem:s22+$0xA00] =	vst v2;
	v2 =	vand.u32 $0x60, v1  }
0x23: {  	v7 =	vshll.u32 v5, $0x5;
	v6 =	vand.u32 $0x60, v6;
	v1 =	vld [tilespmem:s19+$0x0];
	[tilespmem:s22+$0x1000] =	vst v2  }
0x24: {  	v2 =	vld [tilespmem:s19+$0x200];
	[tilespmem:s22+$0xC00] =	vst v6;
	v6 =	vand.u32 $0x60, v7  }
0x25: {  	v7 =	vshrl.u32 v4, $0x2;
	[tilespmem:s22+$0xE00] =	vst v6  }
0x26: {  	s24 =	simm.s32 $0x80;
	v4 =	vshrl.u32 v5, $0x2;
	[tilespmem:s22+$0x600] =	vst v7  }
.LBB2_2:
0x27: {  	s26 =	sshra.s32 s24, $0x2;
	p0 =	sne.s32 s24, $0x7C0;
	s24 =	sadd.s32 $0x40, s24;
	v5 =	vshrl.u32 v3, $0x2;
	v6 =	vshll.u32 v3, $0x5;
	[tilespmem:s22+$0x800] =	vst v4  }
.Ltmp0:
0x28: {  	s22 =	smov.u32 s19;
	v3 =	vld [tilespmem:s26+$0x400];
	v7 =	vshrl.u32 v1, $0x2;
	[tilespmem:s19+$0xA00] =	vst v5;
	v5 =	vshll.u32 v1, $0x5;
	v6 =	vand.u32 $0x60, v6;
	s19 =	smov.u32 s26;
	(pc) =	sbr.rel @p0 .LBB2_2-.Ltmp0, $4  }
0x29: {  	v1 =	vld [tilespmem:s19+$0x0];
	v4 =	vshrl.u32 v2, $0x2;
	v5 =	vand.u32 $0x60, v5;
	v8 =	vshll.u32 v2, $0x5;
	[tilespmem:s22+$0x1000] =	vst v6  }
0x2a: {  	v2 =	vld [tilespmem:s19+$0x200];
	[tilespmem:s22+$0xC00] =	vst v5;
	v5 =	vand.u32 $0x60, v8  }
0x2b: {  	[tilespmem:s22+$0xE00] =	vst v5  }
0x2c: {  	[tilespmem:s22+$0x600] =	vst v7  }
0x2d: {  	v5 =	vshrl.u32 v3, $0x2;
	v3 =	vshll.u32 v3, $0x5;
	[tilespmem:s22+$0x800] =	vst v4  }
0x2e: {  	[tilespmem:s19+$0xA00] =	vst v5;
	v3 =	vand.u32 $0x60, v3  }
0x2f: {  	v4 =	vshll.u32 v1, $0x5;
	v1 =	vshrl.u32 v1, $0x2;
	[tilespmem:s19+$0x1000] =	vst v3  }
0x30: {  	v4 =	vand.u32 $0x60, v4;
	[tilespmem:s19+$0x600] =	vst v1  }
0x31: {  	v5 =	vshll.u32 v2, $0x5;
	v2 =	vshrl.u32 v2, $0x2;
	[tilespmem:s19+$0xC00] =	vst v4  }
0x32: {  	v3 =	vand.u32 $0x60, v5;
	[tilespmem:s19+$0x800] =	vst v2  }
0x33: {  	s22 =	simm.s32 $0x600;
	[tilespmem:s19+$0xE00] =	vst v3  }
0x34: {  	[tilespmem:s16], [sflag:$0x1] =	stream.indirect.gather [hbm4b:s3+s14], $0x80, s22, s14, $0xb8;
	[tilespmem:$0x19480] =	vst v63  }
0x35: {  	s24 =	simm.s32 $0x800  }
0x36: {  	[tilespmem:s18], [sflag:$0x1] =	stream.indirect.gather [hbm4b:s4+s14], $0x80, s24, s14, $0xb8;
	[tilespmem:$0x19480] =	vst v63  }
0x37: {  	s26 =	simm.s32 $0xA00  }
0x38: {  	[tilespmem:s20], [sflag:$0x1] =	stream.indirect.gather [hbm4b:s4+s14], $0x80, s26, s14, $0xb8;
	[tilespmem:$0x19480] =	vst v63  }
0x39: {  	_ =	swait.ge [sflag:s21], $0x4000  }
0x3a: {  	[sflag:s21] =	ssyncset.done $0x0  }
0x3b: {  	[sflag:s21] =	ssyncadd.s32 $0xFFFFC000  }
0x3c: {  	_ =	swait.ge [sflag:s21], $0x4000  }
0x3d: {  	[sflag:s21] =	ssyncset.done $0x0  }
0x3e: {  	[sflag:s21] =	ssyncadd.s32 $0xFFFFC000  }
0x3f: {  	_ =	swait.ge [sflag:s21], $0x4000  }
0x40: {  	[sflag:s21] =	ssyncset.done $0x0  }
0x41: {  	s22 =	simm.s32 $0x680;
	[sflag:s21] =	ssyncadd.s32 $0xFFFFC000  }
0x42: {  	[tilespmem:s23], [sflag:$0x1] =	stream.indirect.gather [hbm4b:s3+s14], $0x80, s22, s14, $0xb8;
	[tilespmem:$0x19480] =	vst v63  }
0x43: {  	s24 =	simm.s32 $0x880  }
0x44: {  	[tilespmem:s25], [sflag:$0x1] =	stream.indirect.gather [hbm4b:s4+s14], $0x80, s24, s14, $0xb8;
	[tilespmem:$0x19480] =	vst v63  }
0x45: {  	s29 =	simm.s32 $0x19200;
	s19 =	simm.s32 $0x0;
	s26 =	simm.s32 $0xA80  }
0x46: {  	[tilespmem:s28], [sflag:$0x1] =	stream.indirect.gather [hbm4b:s4+s14], $0x80, s26, s14, $0xb8;
	[tilespmem:$0x19480] =	vst v63  }
0x47: {  	v6 =	vimm.f32 $0.0e+00;
	v7 =	vimm.f32 $0.0e+00;
	v5 =	vimm.f32 $0.0e+00;
	s22 =	simm.s32 $0xC00;
	s24 =	simm.s32 $0xE00;
	s26 =	simm.s32 $0x1000  }
.LBB2_4:
0x48: {  	v4 =	vld [tilespmem:s22+$0x0]  }
0x49: {  	v2 =	vld [tilespmem:s24+$0x0];
	_ =	sdelay $0x1  }
0x4a: {  	v1 =	vmov s19  }
0x4b: {  	v1 =	vshll.u32 v1, $0x7  }
0x4c: {  	v1 =	vor.u32 v0, v1;
	v3 =	vand.u32 $0xFFFFFF80, v4  }
0x4d: {  	v8 =	vand.u32 $0x7F, v4;
	v9 =	vand.u32 $0xFFFFFF80, v2;
	v35 =	vadd.s32 $0x1, v4  }
0x4e: {  	v14 =	vadd.s32 $0x1, v2;
	v39 =	vadd.s32 $0x2, v4;
	v17 =	vadd.s32 $0x2, v2  }
0x4f: {  	v44 =	vadd.s32 $0x3, v4;
	v20 =	vadd.s32 $0x3, v2;
	v62 =	vadd.s32 $0x4, v4  }
0x50: {  	v24 =	vadd.s32 $0x4, v2;
	v30 =	vadd.s32 $0x5, v4;
	v32 =	vadd.s32 $0x5, v2  }
0x51: {  	v3 =	vadd.s32 v1, v3;
	v9 =	vadd.s32 v1, v9;
	v13 =	vand.u32 $0xFFFFFF80, v35  }
0x52: {  	v15 =	vand.u32 $0xFFFFFF80, v14;
	v14 =	vand.u32 $0x7F, v14;
	v40 =	vand.u32 $0xFFFFFF80, v39  }
0x53: {  	v18 =	vand.u32 $0xFFFFFF80, v17;
	v17 =	vand.u32 $0x7F, v17;
	v45 =	vand.u32 $0xFFFFFF80, v44  }
0x54: {  	v21 =	vand.u32 $0xFFFFFF80, v20;
	v8 =	vor.u32 v8, v3;
	v3 =	vand.u32 $0x7F, v2  }
0x55: {  	v46 =	vand.u32 $0x7F, v20;
	v23 =	vand.u32 $0xFFFFFF80, v62;
	v9 =	vor.u32 v3, v9;
	v3 =	vld [tilespmem:s26+$0x0]  }
0x56: {  	v25 =	vand.u32 $0xFFFFFF80, v24;
	v31 =	vand.u32 $0xFFFFFF80, v30;
	v33 =	vand.u32 $0xFFFFFF80, v32  }
0x57: {  	v13 =	vadd.s32 v1, v13;
	v15 =	vadd.s32 v1, v15;
	v18 =	vadd.s32 v1, v18  }
0x58: {  	v47 =	vadd.s32 v1, v21;
	v36 =	vor.u32 v14, v15;
	v15 =	vadd.s32 v1, v40  }
0x59: {  	v41 =	vor.u32 v17, v18;
	v18 =	vadd.s32 v1, v45;
	v40 =	vadd.s32 $0x6, v2  }
0x5a: {  	v10 =	vand.u32 $0xFFFFFF80, v3;
	v11 =	vand.u32 $0x7F, v3;
	v16 =	vadd.s32 $0x1, v3  }
0x5b: {  	v19 =	vadd.s32 $0x2, v3;
	v48 =	vadd.s32 $0x3, v3;
	v26 =	vadd.s32 $0x4, v3  }
0x5c: {  	v34 =	vadd.s32 $0x5, v3;
	v10 =	vadd.s32 v1, v10;
	v37 =	vand.u32 $0xFFFFFF80, v16  }
0x5d: {  	v38 =	vand.u32 $0x7F, v16;
	v16 =	vand.u32 $0x7F, v39;
	v42 =	vand.u32 $0xFFFFFF80, v19  }
0x5e: {  	v8 =	vld.idx.msk [tilespmem:v8+s16+$0x0], $0xffff;
	v43 =	vand.u32 $0x7F, v19;
	v19 =	vand.u32 $0x7F, v44;
	v10 =	vor.u32 v11, v10  }
0x5f: {  	v9 =	vld.idx.msk [tilespmem:v9+s18+$0x0], $0xffff;
	v22 =	vand.u32 $0xFFFFFF80, v48;
	v20 =	vand.u32 $0x7F, v48;
	v15 =	vor.u32 v16, v15  }
0x60: {  	v28 =	vand.u32 $0xFFFFFF80, v26;
	v29 =	vand.u32 $0x7F, v26;
	v18 =	vor.u32 v19, v18  }
0x61: {  	v11 =	vand.u32 $0x7F, v35;
	v14 =	vadd.s32 v1, v37;
	v19 =	vor.u32 v46, v47;
	v16 =	vld.idx.msk [tilespmem:v41+s18+$0x0], $0xffff  }
0x62: {  	v17 =	vadd.s32 v1, v42;
	v22 =	vadd.s32 v1, v22;
	v11 =	vor.u32 v11, v13;
	v13 =	vld.idx.msk [tilespmem:v36+s18+$0x0], $0xffff  }
0x63: {  	v37 =	vand.u32 $0x7F, v34;
	v41 =	vand.u32 $0xFFFFFF80, v40;
	v20 =	vor.u32 v20, v22;
	v10 =	vld.idx.msk [tilespmem:v10+s20+$0x0], $0xffff  }
0x64: {  	v14 =	vor.u32 v38, v14;
	v17 =	vor.u32 v43, v17;
	v12 =	vmul.f32 v9, v8;
	v15 =	vld.idx.msk [tilespmem:v15+s16+$0x0], $0xffff  }
0x65: {  	v36 =	vand.u32 $0xFFFFFF80, v34;
	v38 =	vadd.s32 $0x6, v4;
	v9 =	vmul.f32 v9, v9;
	v50 =	vld.idx.msk [tilespmem:v18+s16+$0x0], $0xffff  }
0x66: {  	v22 =	vand.u32 $0x7F, v40;
	v39 =	vand.u32 $0xFFFFFF80, v38;
	v12 =	vadd.f32 $0.0e+00, v12;
	v52 =	vld.idx.msk [tilespmem:v19+s18+$0x0], $0xffff  }
0x67: {  	v7 =	vadd.f32 v9, v7;
	v59 =	vmul.f32 v16, v16;
	v19 =	vand.u32 $0x7F, v32;
	v11 =	vld.idx.msk [tilespmem:v11+s16+$0x0], $0xffff  }
0x68: {  	v53 =	vmul.f32 v13, v13;
	v57 =	vld.idx.msk [tilespmem:v20+s20+$0x0], $0xffff;
	v20 =	vadd.s32 v1, v33;
	v33 =	vadd.s32 $0x8, v3  }
0x69: {  	v14 =	vld.idx.msk [tilespmem:v14+s20+$0x0], $0xffff;
	v35 =	vor.u32 v19, v20;
	v19 =	vadd.s32 v1, v36;
	v20 =	vadd.s32 v1, v39  }
0x6a: {  	v17 =	vld.idx.msk [tilespmem:v17+s20+$0x0], $0xffff;
	v34 =	vand.u32 $0xFFFFFF80, v33;
	v39 =	vadd.s32 $0x9, v2;
	v49 =	vmul.f32 v10, v8  }
0x6b: {  	v7 =	vadd.f32 v53, v7;
	v8 =	vmul.f32 v8, v8;
	v10 =	vmul.f32 v10, v10  }
0x6c: {  	v19 =	vor.u32 v37, v19;
	v55 =	vmul.f32 v16, v15;
	v58 =	vmul.f32 v15, v15  }
0x6d: {  	v40 =	vand.u32 $0xFFFFFF80, v39;
	v61 =	vmul.f32 v52, v50;
	v9 =	vmul.f32 v50, v50  }
0x6e: {  	v7 =	vadd.f32 v59, v7;
	v44 =	vmul.f32 v52, v52;
	v51 =	vmul.f32 v14, v11  }
0x6f: {  	v16 =	vadd.s32 v1, v25;
	v54 =	vmul.f32 v14, v14;
	v56 =	vmul.f32 v17, v15  }
0x70: {  	v25 =	vadd.s32 $0x7, v3;
	v60 =	vmul.f32 v17, v17;
	v63 =	vmul.f32 v57, v50  }
0x71: {  	v14 =	vadd.s32 v1, v23;
	v15 =	vand.u32 $0x7F, v24;
	v17 =	vand.u32 $0x7F, v30  }
0x72: {  	v23 =	vadd.s32 $0x6, v3;
	v47 =	vmul.f32 v57, v57;
	v26 =	vand.u32 $0xFFFFFF80, v25  }
0x73: {  	v18 =	vand.u32 $0x7F, v25;
	v21 =	vadd.f32 $0.0e+00, v49;
	v5 =	vadd.f32 v8, v5  }
0x74: {  	v8 =	vmul.f32 v13, v11;
	v6 =	vadd.f32 v10, v6;
	v11 =	vmul.f32 v11, v11  }
0x75: {  	v27 =	vor.u32 v15, v16;
	v15 =	vadd.s32 v1, v28;
	v16 =	vadd.s32 v1, v31  }
0x76: {  	v24 =	vand.u32 $0xFFFFFF80, v23;
	v42 =	vand.u32 $0x7F, v23;
	v7 =	vadd.f32 v44, v7  }
0x77: {  	v23 =	vadd.s32 $0x7, v2;
	v31 =	vadd.s32 $0x8, v2;
	v15 =	vor.u32 v29, v15  }
0x78: {  	v16 =	vor.u32 v17, v16;
	v17 =	vld.idx.msk [tilespmem:v35+s18+$0x0], $0xffff;
	v43 =	vadd.s32 v1, v24;
	v24 =	vand.u32 $0xFFFFFF80, v23  }
0x79: {  	v45 =	vld.idx.msk [tilespmem:v19+s20+$0x0], $0xffff;
	v19 =	vadd.s32 v1, v26;
	v32 =	vand.u32 $0xFFFFFF80, v31;
	v35 =	vadd.s32 $0x9, v4  }
0x7a: {  	v26 =	vadd.s32 $0xA, v2;
	v8 =	vadd.f32 v8, v12;
	v10 =	vadd.f32 v51, v21  }
0x7b: {  	v5 =	vadd.f32 v11, v5;
	v6 =	vadd.f32 v54, v6;
	v11 =	vand.u32 $0x7F, v62  }
0x7c: {  	v21 =	vand.u32 $0x7F, v38;
	v46 =	vor.u32 v42, v43;
	v62 =	vadd.s32 $0x7, v4  }
0x7d: {  	v28 =	vor.u32 v18, v19;
	v19 =	vadd.s32 v1, v32;
	v37 =	vand.u32 $0xFFFFFF80, v35  }
0x7e: {  	v38 =	vand.u32 $0x7F, v35;
	v11 =	vor.u32 v11, v14;
	v20 =	vor.u32 v21, v20  }
0x7f: {  	v21 =	vadd.s32 v1, v41;
	v8 =	vadd.f32 v55, v8;
	v10 =	vadd.f32 v56, v10  }
0x80: {  	v41 =	vadd.s32 $0x9, v3;
	v5 =	vadd.f32 v58, v5;
	v6 =	vadd.f32 v60, v6  }
0x81: {  	v21 =	vor.u32 v22, v21;
	v22 =	vand.u32 $0xFFFFFF80, v62;
	v25 =	vand.u32 $0xFFFFFF80, v41  }
0x82: {  	v42 =	vand.u32 $0x7F, v41;
	v14 =	vld.idx.msk [tilespmem:v27+s18+$0x0], $0xffff;
	v27 =	vadd.s32 $0x8, v4;
	v8 =	vadd.f32 v61, v8  }
0x83: {  	v43 =	vadd.s32 v1, v25;
	v10 =	vadd.f32 v63, v10;
	v5 =	vadd.f32 v9, v5  }
0x84: {  	v15 =	vld.idx.msk [tilespmem:v15+s20+$0x0], $0xffff;
	v6 =	vadd.f32 v47, v6;
	v58 =	vmul.f32 v17, v17;
	v60 =	vmul.f32 v45, v45  }
0x85: {  	v16 =	vld.idx.msk [tilespmem:v16+s16+$0x0], $0xffff;
	v29 =	vand.u32 $0xFFFFFF80, v27;
	v30 =	vand.u32 $0x7F, v27;
	v27 =	vand.u32 $0xFFFFFF80, v26  }
0x86: {  	v56 =	vld.idx.msk [tilespmem:v46+s20+$0x0], $0xffff;
	v18 =	vadd.s32 v1, v29;
	v46 =	vor.u32 v42, v43;
	v42 =	vadd.s32 $0xC, v2  }
0x87: {  	v51 =	vld.idx.msk [tilespmem:v20+s16+$0x0], $0xffff;
	v18 =	vor.u32 v30, v18;
	v20 =	vand.u32 $0x7F, v31;
	v30 =	vadd.s32 $0xB, v4  }
0x88: {  	v43 =	vand.u32 $0xFFFFFF80, v42;
	v53 =	vld.idx.msk [tilespmem:v21+s18+$0x0], $0xffff;
	v21 =	vand.u32 $0x7F, v33;
	v19 =	vor.u32 v20, v19  }
0x89: {  	v32 =	vand.u32 $0xFFFFFF80, v30;
	v50 =	vmul.f32 v14, v14;
	v52 =	vmul.f32 v15, v15  }
0x8a: {  	v11 =	vld.idx.msk [tilespmem:v11+s16+$0x0], $0xffff;
	v33 =	vand.u32 $0x7F, v30;
	v54 =	vmul.f32 v17, v16;
	v55 =	vmul.f32 v45, v16  }
0x8b: {  	v57 =	vmul.f32 v16, v16;
	v16 =	vadd.s32 v1, v22;
	v17 =	vand.u32 $0x7F, v23  }
0x8c: {  	v22 =	vadd.s32 v1, v34;
	v23 =	vand.u32 $0x7F, v39;
	v34 =	vadd.s32 $0xB, v2  }
0x8d: {  	v7 =	vadd.f32 v50, v7;
	v36 =	vor.u32 v21, v22;
	v21 =	vadd.s32 v1, v37  }
0x8e: {  	v22 =	vadd.s32 v1, v40;
	v47 =	vmul.f32 v56, v56;
	v35 =	vand.u32 $0xFFFFFF80, v34  }
0x8f: {  	v20 =	vand.u32 $0x7F, v34;
	v34 =	vadd.s32 $0xD, v3;
	v48 =	vmul.f32 v14, v11  }
0x90: {  	v49 =	vmul.f32 v15, v11;
	v11 =	vmul.f32 v11, v11;
	v6 =	vadd.f32 v52, v6  }
0x91: {  	v63 =	vmul.f32 v56, v51;
	v13 =	vmul.f32 v51, v51;
	v21 =	vor.u32 v38, v21  }
0x92: {  	v22 =	vor.u32 v23, v22;
	v38 =	vadd.s32 $0xC, v4;
	v23 =	vand.u32 $0x7F, v42  }
0x93: {  	v42 =	vadd.s32 $0xE, v3;
	v7 =	vadd.f32 v58, v7;
	v61 =	vmul.f32 v53, v51  }
0x94: {  	v44 =	vmul.f32 v53, v53;
	v40 =	vand.u32 $0xFFFFFF80, v38;
	v41 =	vand.u32 $0x7F, v38  }
0x95: {  	v18 =	vld.idx.msk [tilespmem:v18+s16+$0x0], $0xffff;
	v8 =	vadd.f32 v48, v8;
	v5 =	vadd.f32 v11, v5;
	v11 =	vand.u32 $0x7F, v62  }
0x96: {  	v10 =	vadd.f32 v49, v10;
	v6 =	vadd.f32 v60, v6;
	v11 =	vor.u32 v11, v16  }
0x97: {  	v56 =	vld.idx.msk [tilespmem:v46+s20+$0x0], $0xffff;
	v16 =	vadd.s32 v1, v24;
	v7 =	vadd.f32 v44, v7;
	v8 =	vadd.f32 v54, v8  }
0x98: {  	v45 =	vld.idx.msk [tilespmem:v19+s18+$0x0], $0xffff;
	v44 =	vadd.s32 $0xC, v3;
	v59 =	vadd.f32 v55, v10;
	v5 =	vadd.f32 v57, v5  }
0x99: {  	v16 =	vor.u32 v17, v16;
	v17 =	vld.idx.msk [tilespmem:v28+s20+$0x0], $0xffff;
	v6 =	vadd.f32 v47, v6;
	v28 =	vadd.s32 $0xA, v3  }
0x9a: {  	v48 =	vld.idx.msk [tilespmem:v36+s20+$0x0], $0xffff;
	v36 =	vadd.s32 $0xB, v3;
	v46 =	vand.u32 $0x7F, v44;
	v58 =	vmul.f32 v18, v18  }
0x9b: {  	v52 =	vld.idx.msk [tilespmem:v21+s16+$0x0], $0xffff;
	v29 =	vand.u32 $0xFFFFFF80, v28;
	v37 =	vand.u32 $0xFFFFFF80, v36;
	v21 =	vand.u32 $0x7F, v36  }
0x9c: {  	v36 =	vadd.s32 $0xE, v4;
	v8 =	vadd.f32 v61, v8;
	v9 =	vadd.f32 v63, v59  }
0x9d: {  	v5 =	vadd.f32 v13, v5;
	v55 =	vmul.f32 v45, v18;
	v59 =	vmul.f32 v45, v45  }
0x9e: {  	v54 =	vld.idx.msk [tilespmem:v22+s18+$0x0], $0xffff;
	v61 =	vadd.s32 $0xA, v4;
	v19 =	vadd.s32 v1, v29;
	v22 =	vadd.s32 v1, v37  }
0x9f: {  	v45 =	vand.u32 $0xFFFFFF80, v44;
	v13 =	vmul.f32 v56, v56;
	v38 =	vand.u32 $0xFFFFFF80, v36  }
0xa0: {  	v44 =	vand.u32 $0x7F, v42;
	v25 =	vand.u32 $0xFFFFFF80, v61;
	v10 =	vand.u32 $0x7F, v61  }
0xa1: {  	v39 =	vor.u32 v21, v22;
	v21 =	vadd.s32 v1, v40;
	v22 =	vadd.s32 v1, v43  }
0xa2: {  	v47 =	vadd.s32 v1, v45;
	v40 =	vadd.s32 $0xE, v2;
	v43 =	vand.u32 $0xFFFFFF80, v42  }
0xa3: {  	v42 =	vadd.s32 $0x12, v4;
	v14 =	vadd.s32 v1, v25;
	v21 =	vor.u32 v41, v21  }
0xa4: {  	v22 =	vor.u32 v23, v22;
	v41 =	vand.u32 $0xFFFFFF80, v40;
	v45 =	vadd.s32 v1, v43  }
0xa5: {  	v25 =	vadd.s32 $0xF, v3;
	v53 =	vmul.f32 v17, v17;
	v57 =	vmul.f32 v48, v18  }
0xa6: {  	v60 =	vmul.f32 v48, v48;
	v10 =	vor.u32 v10, v14;
	v14 =	vadd.s32 v1, v27  }
0xa7: {  	v18 =	vand.u32 $0x7F, v28;
	v28 =	vadd.s32 $0xD, v4;
	v27 =	vadd.s32 $0x10, v4  }
0xa8: {  	v11 =	vld.idx.msk [tilespmem:v11+s16+$0x0], $0xffff;
	v62 =	vmul.f32 v54, v52;
	v63 =	vmul.f32 v56, v52;
	v31 =	vor.u32 v18, v19  }
0xa9: {  	v16 =	vld.idx.msk [tilespmem:v16+s18+$0x0], $0xffff;
	v18 =	vadd.s32 v1, v32;
	v19 =	vadd.s32 v1, v35;
	v48 =	vmul.f32 v52, v52  }
0xaa: {  	v32 =	vadd.s32 $0xD, v2;
	v35 =	vand.u32 $0xFFFFFF80, v34;
	v6 =	vadd.f32 v53, v6  }
0xab: {  	v18 =	vor.u32 v33, v18;
	v19 =	vor.u32 v20, v19;
	v33 =	vand.u32 $0xFFFFFF80, v32  }
0xac: {  	v20 =	vand.u32 $0x7F, v34;
	v34 =	vadd.s32 $0x11, v4;
	v52 =	vld.idx.msk [tilespmem:v39+s20+$0x0], $0xffff;
	v39 =	vand.u32 $0x7F, v36  }
0xad: {  	v36 =	vand.u32 $0xFFFFFF80, v34;
	v50 =	vmul.f32 v17, v11;
	v6 =	vadd.f32 v60, v6  }
0xae: {  	v17 =	vand.u32 $0x7F, v26;
	v26 =	vand.u32 $0xFFFFFF80, v25;
	v49 =	vmul.f32 v16, v11  }
0xaf: {  	v11 =	vmul.f32 v11, v11;
	v51 =	vmul.f32 v16, v16;
	v14 =	vor.u32 v17, v14  }
0xb0: {  	v9 =	vadd.f32 v50, v9;
	v50 =	vor.u32 v46, v47;
	v6 =	vadd.f32 v13, v6  }
0xb1: {  	v17 =	vld.idx.msk [tilespmem:v31+s20+$0x0], $0xffff;
	v31 =	vand.u32 $0xFFFFFF80, v28;
	v47 =	vor.u32 v44, v45;
	v44 =	vand.u32 $0xFFFFFF80, v42  }
0xb2: {  	v45 =	vand.u32 $0x7F, v42;
	v42 =	vadd.s32 $0x15, v4;
	v8 =	vadd.f32 v49, v8  }
0xb3: {  	v10 =	vld.idx.msk [tilespmem:v10+s16+$0x0], $0xffff;
	v5 =	vadd.f32 v11, v5;
	v7 =	vadd.f32 v51, v7;
	v51 =	vmul.f32 v54, v54  }
0xb4: {  	v49 =	vld.idx.msk [tilespmem:v19+s18+$0x0], $0xffff;
	v19 =	vand.u32 $0x7F, v32;
	v32 =	vadd.s32 $0x10, v3;
	v9 =	vadd.f32 v57, v9  }
0xb5: {  	v57 =	vld.idx.msk [tilespmem:v22+s18+$0x0], $0xffff;
	v22 =	vand.u32 $0x7F, v40;
	v40 =	vadd.s32 $0x11, v3;
	v8 =	vadd.f32 v55, v8  }
0xb6: {  	v5 =	vadd.f32 v58, v5;
	v7 =	vadd.f32 v59, v7;
	v55 =	vld.idx.msk [tilespmem:v21+s16+$0x0], $0xffff;
	v21 =	vadd.s32 v1, v35  }
0xb7: {  	v18 =	vld.idx.msk [tilespmem:v18+s16+$0x0], $0xffff;
	v9 =	vadd.f32 v63, v9;
	v63 =	vmul.f32 v52, v52;
	v37 =	vor.u32 v20, v21  }
0xb8: {  	v20 =	vadd.s32 v1, v38;
	v21 =	vadd.s32 v1, v41;
	v38 =	vadd.s32 $0x11, v2  }
0xb9: {  	v41 =	vand.u32 $0xFFFFFF80, v40;
	v8 =	vadd.f32 v62, v8;
	v5 =	vadd.f32 v48, v5  }
0xba: {  	v54 =	vmul.f32 v17, v10;
	v7 =	vadd.f32 v51, v7;
	v58 =	vmul.f32 v17, v17  }
0xbb: {  	v20 =	vor.u32 v39, v20;
	v21 =	vor.u32 v22, v21;
	v51 =	vadd.s32 $0xF, v2  }
0xbc: {  	v14 =	vld.idx.msk [tilespmem:v14+s18+$0x0], $0xffff;
	v39 =	vand.u32 $0xFFFFFF80, v38;
	v59 =	vmul.f32 v49, v18;
	v61 =	vmul.f32 v52, v18  }
0xbd: {  	v22 =	vadd.s32 v1, v41;
	v18 =	vmul.f32 v18, v18;
	v62 =	vmul.f32 v49, v49  }
0xbe: {  	v49 =	vadd.s32 $0xF, v4;
	v52 =	vand.u32 $0xFFFFFF80, v51;
	v9 =	vadd.f32 v54, v9  }
0xbf: {  	v60 =	vld.idx.msk [tilespmem:v50+s20+$0x0], $0xffff;
	v6 =	vadd.f32 v58, v6;
	v50 =	vand.u32 $0xFFFFFF80, v49;
	v13 =	vmul.f32 v57, v57  }
0xc0: {  	v16 =	vand.u32 $0x7F, v49;
	v29 =	vmul.f32 v57, v55;
	v12 =	vmul.f32 v55, v55  }
0xc1: {  	v54 =	vadd.s32 v1, v52;
	v53 =	vmul.f32 v14, v10;
	v10 =	vmul.f32 v10, v10  }
0xc2: {  	v56 =	vmul.f32 v14, v14;
	v9 =	vadd.f32 v61, v9;
	v14 =	vand.u32 $0x7F, v28  }
0xc3: {  	v6 =	vadd.f32 v63, v6;
	v48 =	vld.idx.msk [tilespmem:v37+s20+$0x0], $0xffff;
	v37 =	vand.u32 $0x7F, v34;
	v34 =	vadd.s32 $0x14, v4  }
0xc4: {  	v30 =	vmul.f32 v60, v55;
	v17 =	vmul.f32 v60, v60;
	v8 =	vadd.f32 v53, v8  }
0xc5: {  	v20 =	vld.idx.msk [tilespmem:v20+s16+$0x0], $0xffff;
	v5 =	vadd.f32 v10, v5;
	v7 =	vadd.f32 v56, v7;
	v53 =	vand.u32 $0x7F, v51  }
0xc6: {  	v21 =	vld.idx.msk [tilespmem:v21+s18+$0x0], $0xffff;
	v9 =	vadd.f32 v30, v9;
	v6 =	vadd.f32 v17, v6;
	v30 =	vadd.s32 $0x10, v2  }
0xc7: {  	v11 =	vld.idx.msk [tilespmem:v47+s20+$0x0], $0xffff;
	v8 =	vadd.f32 v59, v8;
	v5 =	vadd.f32 v18, v5;
	v18 =	vadd.s32 v1, v31  }
0xc8: {  	v7 =	vadd.f32 v62, v7;
	v31 =	vand.u32 $0xFFFFFF80, v30;
	v17 =	vand.u32 $0x7F, v30  }
0xc9: {  	v30 =	vadd.s32 $0x13, v2;
	v14 =	vor.u32 v14, v18;
	v18 =	vadd.s32 v1, v33  }
0xca: {  	v58 =	vmul.f32 v48, v48;
	v33 =	vand.u32 $0xFFFFFF80, v32;
	v18 =	vor.u32 v19, v18  }
0xcb: {  	v8 =	vadd.f32 v29, v8;
	v5 =	vadd.f32 v12, v5;
	v59 =	vmul.f32 v21, v20  }
0xcc: {  	v7 =	vadd.f32 v13, v7;
	v61 =	vmul.f32 v11, v20;
	v62 =	vmul.f32 v20, v20  }
0xcd: {  	v24 =	vmul.f32 v21, v21;
	v11 =	vmul.f32 v11, v11;
	v12 =	vadd.s32 v1, v26  }
0xce: {  	v29 =	vand.u32 $0xFFFFFF80, v27;
	v13 =	vand.u32 $0x7F, v27;
	v19 =	vadd.s32 v1, v33  }
0xcf: {  	v20 =	vand.u32 $0x7F, v38;
	v21 =	vand.u32 $0x7F, v40;
	v27 =	vadd.s32 $0x13, v4  }
0xd0: {  	v38 =	vadd.s32 $0x14, v2;
	v40 =	vadd.s32 $0x14, v3;
	v6 =	vadd.f32 v58, v6  }
0xd1: {  	v15 =	vadd.s32 v1, v29;
	v43 =	vor.u32 v21, v22;
	v21 =	vadd.s32 v1, v44;
	v14 =	vld.idx.msk [tilespmem:v14+s16+$0x0], $0xffff  }
0xd2: {  	v29 =	vand.u32 $0xFFFFFF80, v27;
	v41 =	vand.u32 $0xFFFFFF80, v40;
	v44 =	vand.u32 $0xFFFFFF80, v42;
	v46 =	vld.idx.msk [tilespmem:v18+s18+$0x0], $0xffff  }
0xd3: {  	v13 =	vor.u32 v13, v15;
	v15 =	vadd.s32 v1, v31;
	v21 =	vor.u32 v45, v21  }
0xd4: {  	v31 =	vand.u32 $0xFFFFFF80, v30;
	v45 =	vand.u32 $0x7F, v42;
	v18 =	vadd.s32 v1, v50  }
0xd5: {  	v15 =	vor.u32 v17, v15;
	v16 =	vor.u32 v16, v18;
	v18 =	vor.u32 v53, v54  }
0xd6: {  	v6 =	vadd.f32 v11, v6;
	v56 =	vmul.f32 v48, v14;
	v57 =	vmul.f32 v14, v14  }
0xd7: {  	v48 =	vadd.s32 $0x12, v3;
	v55 =	vmul.f32 v46, v14;
	v10 =	vmul.f32 v46, v46  }
0xd8: {  	v46 =	vadd.s32 $0x12, v2;
	v49 =	vand.u32 $0xFFFFFF80, v48;
	v50 =	vand.u32 $0x7F, v48  }
0xd9: {  	v58 =	vld.idx.msk [tilespmem:v21+s16+$0x0], $0xffff;
	v48 =	vadd.s32 $0x15, v3;
	v9 =	vadd.f32 v56, v9;
	v5 =	vadd.f32 v57, v5  }
0xda: {  	v63 =	vld.idx.msk [tilespmem:v18+s18+$0x0], $0xffff;
	v18 =	vand.u32 $0x7F, v32;
	v47 =	vand.u32 $0xFFFFFF80, v46;
	v23 =	vand.u32 $0x7F, v46  }
0xdb: {  	v51 =	vadd.s32 v1, v49;
	v32 =	vadd.s32 $0x13, v3;
	v46 =	vadd.s32 $0x15, v2  }
0xdc: {  	v13 =	vld.idx.msk [tilespmem:v13+s16+$0x0], $0xffff;
	v49 =	vand.u32 $0xFFFFFF80, v48;
	v8 =	vadd.f32 v55, v8;
	v7 =	vadd.f32 v10, v7  }
0xdd: {  	v15 =	vld.idx.msk [tilespmem:v15+s18+$0x0], $0xffff;
	v10 =	vand.u32 $0x7F, v25;
	v35 =	vor.u32 v18, v19;
	v18 =	vadd.s32 v1, v36  }
0xde: {  	v19 =	vadd.s32 v1, v39;
	v22 =	vadd.s32 v1, v47;
	v14 =	vmul.f32 v58, v58  }
0xdf: {  	v33 =	vand.u32 $0xFFFFFF80, v32;
	v36 =	vand.u32 $0xFFFFFF80, v34;
	v39 =	vand.u32 $0xFFFFFF80, v38  }
0xe0: {  	v60 =	vld.idx.msk [tilespmem:v16+s16+$0x0], $0xffff;
	v47 =	vand.u32 $0xFFFFFF80, v46;
	v9 =	vadd.f32 v61, v9;
	v10 =	vor.u32 v10, v12  }
0xe1: {  	v55 =	vld.idx.msk [tilespmem:v43+s20+$0x0], $0xffff;
	v5 =	vadd.f32 v62, v5;
	v18 =	vor.u32 v37, v18;
	v19 =	vor.u32 v20, v19  }
0xe2: {  	v22 =	vor.u32 v23, v22;
	v23 =	vor.u32 v50, v51;
	v56 =	vmul.f32 v15, v13  }
0xe3: {  	v61 =	vmul.f32 v15, v15;
	v15 =	vand.u32 $0x7F, v32;
	v16 =	vadd.s32 v1, v33  }
0xe4: {  	v37 =	vand.u32 $0x7F, v34;
	v8 =	vadd.f32 v59, v8;
	v59 =	vmul.f32 v13, v13;
	v17 =	vld.idx.msk [tilespmem:v35+s20+$0x0], $0xffff  }
0xe5: {  	v50 =	vadd.s32 $0x16, v4;
	v28 =	vmul.f32 v63, v60;
	v53 =	vmul.f32 v60, v60;
	v10 =	vld.idx.msk [tilespmem:v10+s20+$0x0], $0xffff  }
0xe6: {  	v7 =	vadd.f32 v24, v7;
	v54 =	vmul.f32 v63, v63;
	v24 =	vmul.f32 v55, v55;
	v18 =	vld.idx.msk [tilespmem:v18+s16+$0x0], $0xffff  }
0xe7: {  	v35 =	vor.u32 v15, v16;
	v15 =	vadd.s32 v1, v36;
	v19 =	vld.idx.msk [tilespmem:v19+s18+$0x0], $0xffff;
	v8 =	vadd.f32 v28, v8  }
0xe8: {  	v16 =	vadd.s32 v1, v39;
	v5 =	vadd.f32 v53, v5;
	v7 =	vadd.f32 v54, v7  }
0xe9: {  	v63 =	vld.idx.msk [tilespmem:v23+s20+$0x0], $0xffff;
	v15 =	vor.u32 v37, v15;
	v53 =	vand.u32 $0x7F, v50;
	v54 =	vadd.s32 $0x16, v2  }
0xea: {  	v8 =	vadd.f32 v56, v8;
	v5 =	vadd.f32 v59, v5;
	v57 =	vmul.f32 v17, v13  }
0xeb: {  	v7 =	vadd.f32 v61, v7;
	v62 =	vmul.f32 v17, v17;
	v52 =	vmul.f32 v10, v60  }
0xec: {  	v56 =	vadd.s32 $0x16, v3;
	v10 =	vmul.f32 v10, v10;
	v20 =	vmul.f32 v19, v18  }
0xed: {  	v13 =	vadd.s32 v1, v29;
	v60 =	vld.idx.msk [tilespmem:v22+s18+$0x0], $0xffff;
	v21 =	vmul.f32 v55, v18;
	v22 =	vmul.f32 v18, v18  }
0xee: {  	v17 =	vand.u32 $0x7F, v38;
	v23 =	vmul.f32 v19, v19;
	v26 =	vmul.f32 v63, v58  }
0xef: {  	v28 =	vmul.f32 v63, v63;
	v18 =	vand.u32 $0x7F, v40;
	v19 =	vadd.s32 v1, v41  }
0xf0: {  	v16 =	vor.u32 v17, v16;
	v55 =	vand.u32 $0xFFFFFF80, v54;
	v41 =	vadd.s32 $0x17, v4  }
0xf1: {  	v43 =	vor.u32 v18, v19;
	v18 =	vadd.s32 v1, v44;
	v9 =	vadd.f32 v52, v9  }
0xf2: {  	v19 =	vadd.s32 v1, v47;
	v6 =	vadd.f32 v10, v6;
	v8 =	vadd.f32 v20, v8  }
0xf3: {  	v44 =	vadd.s32 $0x17, v2;
	v5 =	vadd.f32 v22, v5;
	v7 =	vadd.f32 v23, v7  }
0xf4: {  	v10 =	vand.u32 $0x7F, v27;
	v18 =	vor.u32 v45, v18;
	v20 =	vand.u32 $0x7F, v46  }
0xf5: {  	v22 =	vadd.s32 v1, v49;
	v52 =	vand.u32 $0xFFFFFF80, v50;
	v23 =	vand.u32 $0x7F, v54  }
0xf6: {  	v45 =	vand.u32 $0xFFFFFF80, v44;
	v46 =	vadd.s32 $0x17, v3;
	v50 =	vadd.s32 $0x18, v4  }
0xf7: {  	v15 =	vld.idx.msk [tilespmem:v15+s16+$0x0], $0xffff;
	v54 =	vadd.s32 $0x18, v3;
	v10 =	vor.u32 v10, v13;
	v13 =	vadd.s32 v1, v31  }
0xf8: {  	v19 =	vor.u32 v20, v19;
	v49 =	vand.u32 $0x7F, v46;
	v9 =	vadd.f32 v57, v9  }
0xf9: {  	v6 =	vadd.f32 v62, v6;
	v5 =	vadd.f32 v14, v5;
	v14 =	vand.u32 $0x7F, v30  }
0xfa: {  	v57 =	vand.u32 $0xFFFFFF80, v56;
	v25 =	vmul.f32 v60, v58;
	v11 =	vmul.f32 v60, v60  }
0xfb: {  	v13 =	vor.u32 v14, v13;
	v58 =	vand.u32 $0x7F, v56;
	v59 =	vadd.s32 v1, v57  }
0xfc: {  	v29 =	vmul.f32 v15, v15;
	v56 =	vand.u32 $0xFFFFFF80, v54;
	v57 =	vand.u32 $0x7F, v54  }
0xfd: {  	v14 =	vld.idx.msk [tilespmem:v35+s20+$0x0], $0xffff;
	v54 =	vadd.s32 $0x1B, v4;
	v9 =	vadd.f32 v21, v9;
	v6 =	vadd.f32 v24, v6  }
0xfe: {  	v21 =	vand.u32 $0x7F, v48;
	v17 =	vld.idx.msk [tilespmem:v43+s20+$0x0], $0xffff;
	v43 =	vand.u32 $0xFFFFFF80, v41;
	v48 =	vand.u32 $0xFFFFFF80, v46  }
0xff: {  	v16 =	vld.idx.msk [tilespmem:v16+s18+$0x0], $0xffff;
	v8 =	vadd.f32 v25, v8;
	v51 =	vor.u32 v21, v22;
	v21 =	vadd.s32 v1, v52  }
0x100: {  	v22 =	vadd.s32 v1, v55;
	v7 =	vadd.f32 v11, v7;
	v11 =	vand.u32 $0x7F, v41  }
0x101: {  	v18 =	vld.idx.msk [tilespmem:v18+s16+$0x0], $0xffff;
	v52 =	vadd.s32 $0x18, v2;
	v9 =	vadd.f32 v26, v9;
	v21 =	vor.u32 v53, v21  }
0x102: {  	v10 =	vld.idx.msk [tilespmem:v10+s16+$0x0], $0xffff;
	v22 =	vor.u32 v23, v22;
	v23 =	vor.u32 v58, v59;
	v6 =	vadd.f32 v28, v6  }
0x103: {  	v19 =	vld.idx.msk [tilespmem:v19+s18+$0x0], $0xffff;
	v53 =	vand.u32 $0xFFFFFF80, v52;
	v58 =	vadd.s32 $0x19, v4;
	v63 =	vmul.f32 v14, v14  }
0x104: {  	v59 =	vand.u32 $0xFFFFFF80, v58;
	v13 =	vld.idx.msk [tilespmem:v13+s18+$0x0], $0xffff;
	v25 =	vmul.f32 v16, v15;
	v30 =	vmul.f32 v16, v16  }
0x105: {  	v16 =	vand.u32 $0x7F, v50;
	v27 =	vmul.f32 v17, v15;
	v32 =	vmul.f32 v17, v17  }
0x106: {  	v15 =	vadd.s32 v1, v45;
	v17 =	vand.u32 $0x7F, v52;
	v24 =	vld.idx.msk [tilespmem:v51+s20+$0x0], $0xffff;
	v6 =	vadd.f32 v63, v6  }
0x107: {  	v35 =	vmul.f32 v18, v18;
	v51 =	vand.u32 $0xFFFFFF80, v50;
	v61 =	vmul.f32 v14, v10;
	v26 =	vld.idx.msk [tilespmem:v21+s16+$0x0], $0xffff  }
0x108: {  	v28 =	vld.idx.msk [tilespmem:v22+s18+$0x0], $0xffff;
	v33 =	vmul.f32 v19, v18;
	v36 =	vmul.f32 v19, v19;
	v19 =	vand.u32 $0x7F, v58  }
0x109: {  	v31 =	vld.idx.msk [tilespmem:v23+s20+$0x0], $0xffff;
	v58 =	vadd.s32 $0x1B, v3;
	v60 =	vmul.f32 v13, v10;
	v10 =	vmul.f32 v10, v10  }
0x10a: {  	v6 =	vadd.f32 v32, v6;
	v62 =	vmul.f32 v13, v13;
	v9 =	vadd.f32 v61, v9  }
0x10b: {  	v13 =	vadd.s32 v1, v43;
	v8 =	vadd.f32 v60, v8;
	v5 =	vadd.f32 v10, v5  }
0x10c: {  	v11 =	vor.u32 v11, v13;
	v7 =	vadd.f32 v62, v7;
	v9 =	vadd.f32 v27, v9  }
0x10d: {  	v34 =	vmul.f32 v24, v18;
	v14 =	vmul.f32 v24, v24;
	v18 =	vadd.s32 v1, v53  }
0x10e: {  	v60 =	vadd.s32 $0x19, v2;
	v37 =	vmul.f32 v28, v26;
	v38 =	vmul.f32 v31, v26  }
0x10f: {  	v62 =	vadd.s32 $0x19, v3;
	v39 =	vmul.f32 v26, v26;
	v40 =	vmul.f32 v28, v28  }
0x110: {  	v42 =	vmul.f32 v31, v31;
	v55 =	vor.u32 v17, v18;
	v17 =	vadd.s32 v1, v56  }
0x111: {  	v18 =	vadd.s32 v1, v59;
	v61 =	vand.u32 $0xFFFFFF80, v60;
	v20 =	vand.u32 $0x7F, v60  }
0x112: {  	v27 =	vand.u32 $0xFFFFFF80, v62;
	v28 =	vand.u32 $0x7F, v62;
	v31 =	vadd.s32 $0x1A, v2  }
0x113: {  	v56 =	vadd.s32 $0x1B, v2;
	v59 =	vand.u32 $0xFFFFFF80, v58;
	v60 =	vadd.s32 $0x1C, v4  }
0x114: {  	v62 =	vadd.s32 $0x1C, v2;
	v8 =	vadd.f32 v25, v8;
	v5 =	vadd.f32 v29, v5  }
0x115: {  	v26 =	vadd.s32 $0x1D, v4;
	v7 =	vadd.f32 v30, v7;
	v9 =	vadd.f32 v34, v9  }
0x116: {  	v6 =	vadd.f32 v14, v6;
	v14 =	vand.u32 $0x7F, v44;
	v17 =	vor.u32 v57, v17  }
0x117: {  	v21 =	vadd.s32 v1, v61;
	v18 =	vor.u32 v19, v18;
	v29 =	vadd.s32 $0x1A, v4  }
0x118: {  	v32 =	vand.u32 $0xFFFFFF80, v31;
	v23 =	vand.u32 $0x7F, v31;
	v57 =	vand.u32 $0xFFFFFF80, v56  }
0x119: {  	v61 =	vand.u32 $0xFFFFFF80, v60;
	v47 =	vor.u32 v14, v15;
	v14 =	vadd.s32 v1, v48  }
0x11a: {  	v15 =	vadd.s32 v1, v51;
	v63 =	vor.u32 v20, v21;
	v20 =	vadd.s32 v1, v27  }
0x11b: {  	v30 =	vand.u32 $0xFFFFFF80, v29;
	v22 =	vand.u32 $0x7F, v29;
	v24 =	vadd.s32 v1, v32  }
0x11c: {  	v27 =	vand.u32 $0xFFFFFF80, v26;
	v8 =	vadd.f32 v33, v8;
	v5 =	vadd.f32 v35, v5  }
0x11d: {  	v32 =	vadd.s32 $0x1D, v3;
	v7 =	vadd.f32 v36, v7;
	v9 =	vadd.f32 v38, v9  }
0x11e: {  	v14 =	vor.u32 v49, v14;
	v15 =	vor.u32 v16, v15;
	v11 =	vld.idx.msk [tilespmem:v11+s16+$0x0], $0xffff;
	v20 =	vor.u32 v28, v20  }
0x11f: {  	v21 =	vadd.s32 v1, v30;
	v33 =	vadd.s32 $0x1A, v3;
	v34 =	vor.u32 v23, v24;
	v16 =	vld.idx.msk [tilespmem:v55+s18+$0x0], $0xffff  }
0x120: {  	v6 =	vadd.f32 v42, v6;
	v24 =	vadd.s32 $0x1C, v3;
	v19 =	vadd.s32 v1, v27;
	v17 =	vld.idx.msk [tilespmem:v17+s20+$0x0], $0xffff  }
0x121: {  	v28 =	vadd.s32 $0x1D, v2;
	v21 =	vor.u32 v22, v21;
	v35 =	vand.u32 $0xFFFFFF80, v33;
	v18 =	vld.idx.msk [tilespmem:v18+s16+$0x0], $0xffff  }
0x122: {  	v25 =	vand.u32 $0x7F, v33;
	v22 =	vand.u32 $0xFFFFFF80, v62;
	v30 =	vand.u32 $0xFFFFFF80, v28;
	v13 =	vld.idx.msk [tilespmem:v47+s18+$0x0], $0xffff  }
0x123: {  	v31 =	vand.u32 $0x7F, v28;
	v33 =	vand.u32 $0xFFFFFF80, v32;
	v5 =	vadd.f32 v39, v5;
	v39 =	vld.idx.msk [tilespmem:v63+s18+$0x0], $0xffff  }
0x124: {  	v8 =	vadd.f32 v37, v8;
	v23 =	vadd.s32 v1, v35;
	v7 =	vadd.f32 v40, v7;
	v14 =	vld.idx.msk [tilespmem:v14+s20+$0x0], $0xffff  }
0x125: {  	v55 =	vand.u32 $0xFFFFFF80, v54;
	v37 =	vor.u32 v25, v23;
	v15 =	vld.idx.msk [tilespmem:v15+s16+$0x0], $0xffff;
	v45 =	vmul.f32 v16, v16  }
0x126: {  	v23 =	vand.u32 $0x7F, v62;
	v46 =	vmul.f32 v17, v17;
	v49 =	vmul.f32 v18, v18  }
0x127: {  	v25 =	vand.u32 $0xFFFFFF80, v24;
	v40 =	vld.idx.msk [tilespmem:v20+s20+$0x0], $0xffff;
	v36 =	vmul.f32 v13, v11;
	v13 =	vmul.f32 v13, v13  }
0x128: {  	v44 =	vld.idx.msk [tilespmem:v34+s18+$0x0], $0xffff;
	v34 =	vadd.s32 $0x1E, v4;
	v47 =	vmul.f32 v39, v18;
	v12 =	vmul.f32 v39, v39  }
0x129: {  	v20 =	vand.u32 $0x7F, v32;
	v38 =	vmul.f32 v14, v11;
	v11 =	vmul.f32 v11, v11  }
0x12a: {  	v4 =	vadd.s32 $0x1F, v4;
	v21 =	vld.idx.msk [tilespmem:v21+s16+$0x0], $0xffff;
	v14 =	vmul.f32 v14, v14;
	v41 =	vmul.f32 v16, v15  }
0x12b: {  	v35 =	vand.u32 $0xFFFFFF80, v34;
	v42 =	vmul.f32 v17, v15;
	v43 =	vmul.f32 v15, v15  }
0x12c: {  	v48 =	vmul.f32 v40, v18;
	v50 =	vmul.f32 v40, v40;
	v15 =	vand.u32 $0x7F, v60  }
0x12d: {  	v16 =	vadd.s32 v1, v61;
	v17 =	vand.u32 $0x7F, v24;
	v18 =	vand.u32 $0x7F, v26  }
0x12e: {  	v40 =	vadd.s32 $0x1E, v3;
	v3 =	vadd.s32 $0x1F, v3;
	v8 =	vadd.f32 v36, v8  }
0x12f: {  	v7 =	vadd.f32 v13, v7;
	v51 =	vmul.f32 v44, v21;
	v53 =	vmul.f32 v21, v21  }
0x130: {  	v13 =	vand.u32 $0x7F, v56;
	v63 =	vor.u32 v15, v16;
	v15 =	vadd.s32 v1, v22  }
0x131: {  	v16 =	vadd.s32 v1, v25;
	v29 =	vor.u32 v18, v19;
	v18 =	vadd.s32 v1, v30  }
0x132: {  	v19 =	vadd.s32 v1, v33;
	v22 =	vadd.s32 v1, v35;
	v36 =	vadd.s32 $0x1E, v2  }
0x133: {  	v10 =	vld.idx.msk [tilespmem:v37+s20+$0x0], $0xffff;
	v2 =	vadd.s32 $0x1F, v2;
	v9 =	vadd.f32 v38, v9;
	v5 =	vadd.f32 v11, v5  }
0x134: {  	v6 =	vadd.f32 v14, v6;
	v14 =	vmul.f32 v44, v44;
	v11 =	vadd.s32 v1, v55  }
0x135: {  	v15 =	vor.u32 v23, v15;
	v16 =	vor.u32 v17, v16;
	v18 =	vor.u32 v31, v18  }
0x136: {  	v19 =	vor.u32 v20, v19;
	v38 =	vand.u32 $0xFFFFFF80, v36;
	v39 =	vand.u32 $0x7F, v36  }
0x137: {  	v23 =	vand.u32 $0x7F, v40;
	v8 =	vadd.f32 v41, v8;
	v7 =	vadd.f32 v45, v7  }
0x138: {  	v52 =	vmul.f32 v10, v21;
	v10 =	vmul.f32 v10, v10;
	v21 =	vand.u32 $0x7F, v34  }
0x139: {  	v41 =	vand.u32 $0xFFFFFF80, v40;
	v45 =	vand.u32 $0xFFFFFF80, v3;
	v9 =	vadd.f32 v42, v9  }
0x13a: {  	v3 =	vand.u32 $0x7F, v3;
	v5 =	vadd.f32 v43, v5;
	v7 =	vadd.f32 v12, v7  }
0x13b: {  	v6 =	vadd.f32 v46, v6;
	v37 =	vor.u32 v21, v22;
	v12 =	vand.u32 $0x7F, v54  }
0x13c: {  	v11 =	vor.u32 v12, v11;
	v12 =	vadd.s32 v1, v57;
	v17 =	vld.idx.msk [tilespmem:v29+s16+$0x0], $0xffff;
	v7 =	vadd.f32 v14, v7  }
0x13d: {  	v12 =	vor.u32 v13, v12;
	v14 =	vand.u32 $0x7F, v58;
	v13 =	vadd.s32 v1, v59;
	v15 =	vld.idx.msk [tilespmem:v15+s18+$0x0], $0xffff  }
0x13e: {  	v21 =	vadd.s32 v1, v38;
	v22 =	vadd.s32 v1, v41;
	v18 =	vld.idx.msk [tilespmem:v18+s18+$0x0], $0xffff;
	v13 =	vor.u32 v14, v13  }
0x13f: {  	v42 =	vand.u32 $0xFFFFFF80, v4;
	v4 =	vand.u32 $0x7F, v4;
	v43 =	vand.u32 $0xFFFFFF80, v2;
	v19 =	vld.idx.msk [tilespmem:v19+s20+$0x0], $0xffff  }
0x140: {  	v2 =	vand.u32 $0x7F, v2;
	v8 =	vadd.f32 v47, v8;
	v21 =	vor.u32 v39, v21;
	v14 =	vld.idx.msk [tilespmem:v63+s16+$0x0], $0xffff  }
0x141: {  	v24 =	vadd.s32 v1, v42;
	v22 =	vor.u32 v23, v22;
	v9 =	vadd.f32 v48, v9;
	v11 =	vld.idx.msk [tilespmem:v11+s16+$0x0], $0xffff  }
0x142: {  	v23 =	vadd.s32 v1, v43;
	v5 =	vadd.f32 v49, v5;
	v6 =	vadd.f32 v50, v6;
	v12 =	vld.idx.msk [tilespmem:v12+s18+$0x0], $0xffff  }
0x143: {  	v4 =	vor.u32 v4, v24;
	v2 =	vor.u32 v2, v23;
	v8 =	vadd.f32 v51, v8;
	v13 =	vld.idx.msk [tilespmem:v13+s20+$0x0], $0xffff  }
0x144: {  	v5 =	vadd.f32 v53, v5;
	v55 =	vmul.f32 v17, v17;
	v53 =	vmul.f32 v18, v17  }
0x145: {  	v16 =	vld.idx.msk [tilespmem:v16+s20+$0x0], $0xffff;
	v1 =	vadd.s32 v1, v45;
	v54 =	vmul.f32 v19, v17;
	v58 =	vmul.f32 v18, v18  }
0x146: {  	v9 =	vadd.f32 v52, v9;
	v61 =	vmul.f32 v19, v19;
	v50 =	vmul.f32 v15, v14  }
0x147: {  	v1 =	vor.u32 v3, v1;
	v47 =	vld.idx.msk [tilespmem:v37+s16+$0x0], $0xffff;
	v3 =	vmul.f32 v11, v11;
	v44 =	vmul.f32 v12, v11  }
0x148: {  	v6 =	vadd.f32 v10, v6;
	v49 =	vld.idx.msk [tilespmem:v21+s18+$0x0], $0xffff;
	v48 =	vmul.f32 v12, v12;
	v46 =	vmul.f32 v13, v11  }
0x149: {  	v51 =	vld.idx.msk [tilespmem:v22+s20+$0x0], $0xffff;
	v3 =	vadd.f32 v3, v5;
	v5 =	vmul.f32 v13, v13;
	v8 =	vadd.f32 v44, v8  }
0x14a: {  	v4 =	vld.idx.msk [tilespmem:v4+s16+$0x0], $0xffff;
	v52 =	vmul.f32 v16, v14;
	v7 =	vadd.f32 v48, v7;
	v9 =	vadd.f32 v46, v9  }
0x14b: {  	v2 =	vld.idx.msk [tilespmem:v2+s18+$0x0], $0xffff;
	v5 =	vadd.f32 v5, v6;
	v6 =	vadd.f32 v50, v8;
	v8 =	vmul.f32 v15, v15  }
0x14c: {  	v14 =	vmul.f32 v14, v14;
	v1 =	vld.idx.msk [tilespmem:v1+s20+$0x0], $0xffff;
	v10 =	vmul.f32 v47, v47  }
0x14d: {  	v9 =	vadd.f32 v52, v9;
	v7 =	vadd.f32 v8, v7;
	v8 =	vmul.f32 v16, v16  }
0x14e: {  	v56 =	vmul.f32 v49, v47;
	v3 =	vadd.f32 v14, v3;
	v6 =	vadd.f32 v53, v6  }
0x14f: {  	v57 =	vmul.f32 v51, v47;
	v5 =	vadd.f32 v8, v5;
	v8 =	vadd.f32 v54, v9  }
0x150: {  	v62 =	vmul.f32 v49, v49;
	v59 =	vmul.f32 v2, v4;
	v6 =	vadd.f32 v56, v6  }
0x151: {  	v60 =	vmul.f32 v1, v4;
	v3 =	vadd.f32 v55, v3;
	v8 =	vadd.f32 v57, v8  }
0x152: {  	p0 =	sne.s32 s19, $0x70;
	v63 =	vmul.f32 v51, v51;
	v7 =	vadd.f32 v58, v7;
	v6 =	vadd.f32 v59, v6  }
.Ltmp1:
0x153: {  	v2 =	vmul.f32 v2, v2;
	v5 =	vadd.f32 v61, v5;
	v8 =	vadd.f32 v60, v8;
	(pc) =	sbr.rel @p0 .LBB2_4-.Ltmp1, $4  }
0x154: {  	v4 =	vmul.f32 v4, v4;
	v3 =	vadd.f32 v10, v3;
	v7 =	vadd.f32 v62, v7  }
0x155: {  	v1 =	vmul.f32 v1, v1;
	v6 =	vsub.f32 v6, v8;
	v8 =	vadd.f32 v63, v5  }
0x156: {  	s22 =	sadd.s32 $0x10, s22;
	s24 =	sadd.s32 $0x10, s24;
	v7 =	vadd.f32 v2, v7  }
0x157: {  	s19 =	sadd.s32 $0x10, s19;
	s26 =	sadd.s32 $0x10, s26;
	v5 =	vadd.f32 v4, v3;
	[tilespmem:s29+$0x0] =	vst v6;
	v6 =	vadd.f32 v1, v8;
	s29 =	sadd.s32 $0x10, s29  }
0x158: {  	_ =	swait.ge [sflag:s21], $0x4000  }
0x159: {  	[sflag:s21] =	ssyncset.done $0x0  }
0x15a: {  	[sflag:s21] =	ssyncadd.s32 $0xFFFFC000  }
0x15b: {  	_ =	swait.ge [sflag:s21], $0x4000  }
0x15c: {  	[sflag:s21] =	ssyncset.done $0x0  }
0x15d: {  	[sflag:s21] =	ssyncadd.s32 $0xFFFFC000  }
0x15e: {  	_ =	swait.ge [sflag:s21], $0x4000  }
0x15f: {  	[sflag:s21] =	ssyncset.done $0x0  }
0x160: {  	s19 =	simm.s32 $0x700;
	[sflag:s21] =	ssyncadd.s32 $0xFFFFC000  }
0x161: {  	[tilespmem:s16], [sflag:$0x1] =	stream.indirect.gather [hbm4b:s3+s14], $0x80, s19, s14, $0xb8;
	[tilespmem:$0x19480] =	vst v63  }
0x162: {  	s22 =	simm.s32 $0xC80;
	s24 =	simm.s32 $0xE80  }
0x163: {  	[tilespmem:s18], [sflag:$0x1] =	stream.indirect.gather [hbm4b:s4+s14], $0x80, s30, s14, $0xb8;
	[tilespmem:$0x19480] =	vst v63  }
0x164: {  	s26 =	simm.s32 $0x1080;
	s29 =	simm.s32 $0x19280;
	s19 =	simm.s32 $0x0  }
0x165: {  	[tilespmem:s20], [sflag:$0x1] =	stream.indirect.gather [hbm4b:s4+s14], $0x80, s31, s14, $0xb8;
	[tilespmem:$0x19480] =	vst v63  }
.LBB2_6:
0x166: {  	v4 =	vld [tilespmem:s22+$0x0]  }
0x167: {  	v2 =	vld [tilespmem:s24+$0x0];
	_ =	sdelay $0x1  }
0x168: {  	v1 =	vmov s19  }
0x169: {  	v1 =	vshll.u32 v1, $0x7  }
0x16a: {  	v1 =	vor.u32 v0, v1;
	v3 =	vand.u32 $0xFFFFFF80, v4  }
0x16b: {  	v8 =	vand.u32 $0x7F, v4;
	v9 =	vand.u32 $0xFFFFFF80, v2;
	v35 =	vadd.s32 $0x1, v4  }
0x16c: {  	v14 =	vadd.s32 $0x1, v2;
	v39 =	vadd.s32 $0x2, v4;
	v17 =	vadd.s32 $0x2, v2  }
0x16d: {  	v44 =	vadd.s32 $0x3, v4;
	v20 =	vadd.s32 $0x3, v2;
	v62 =	vadd.s32 $0x4, v4  }
0x16e: {  	v24 =	vadd.s32 $0x4, v2;
	v30 =	vadd.s32 $0x5, v4;
	v32 =	vadd.s32 $0x5, v2  }
0x16f: {  	v3 =	vadd.s32 v1, v3;
	v9 =	vadd.s32 v1, v9;
	v13 =	vand.u32 $0xFFFFFF80, v35  }
0x170: {  	v15 =	vand.u32 $0xFFFFFF80, v14;
	v14 =	vand.u32 $0x7F, v14;
	v40 =	vand.u32 $0xFFFFFF80, v39  }
0x171: {  	v18 =	vand.u32 $0xFFFFFF80, v17;
	v17 =	vand.u32 $0x7F, v17;
	v45 =	vand.u32 $0xFFFFFF80, v44  }
0x172: {  	v21 =	vand.u32 $0xFFFFFF80, v20;
	v8 =	vor.u32 v8, v3;
	v3 =	vand.u32 $0x7F, v2  }
0x173: {  	v46 =	vand.u32 $0x7F, v20;
	v23 =	vand.u32 $0xFFFFFF80, v62;
	v9 =	vor.u32 v3, v9;
	v3 =	vld [tilespmem:s26+$0x0]  }
0x174: {  	v25 =	vand.u32 $0xFFFFFF80, v24;
	v31 =	vand.u32 $0xFFFFFF80, v30;
	v33 =	vand.u32 $0xFFFFFF80, v32  }
0x175: {  	v13 =	vadd.s32 v1, v13;
	v15 =	vadd.s32 v1, v15;
	v18 =	vadd.s32 v1, v18  }
0x176: {  	v47 =	vadd.s32 v1, v21;
	v36 =	vor.u32 v14, v15;
	v15 =	vadd.s32 v1, v40  }
0x177: {  	v41 =	vor.u32 v17, v18;
	v18 =	vadd.s32 v1, v45;
	v40 =	vadd.s32 $0x6, v2  }
0x178: {  	v10 =	vand.u32 $0xFFFFFF80, v3;
	v11 =	vand.u32 $0x7F, v3;
	v16 =	vadd.s32 $0x1, v3  }
0x179: {  	v19 =	vadd.s32 $0x2, v3;
	v48 =	vadd.s32 $0x3, v3;
	v26 =	vadd.s32 $0x4, v3  }
0x17a: {  	v34 =	vadd.s32 $0x5, v3;
	v10 =	vadd.s32 v1, v10;
	v37 =	vand.u32 $0xFFFFFF80, v16  }
0x17b: {  	v38 =	vand.u32 $0x7F, v16;
	v16 =	vand.u32 $0x7F, v39;
	v42 =	vand.u32 $0xFFFFFF80, v19  }
0x17c: {  	v8 =	vld.idx.msk [tilespmem:v8+s23+$0x0], $0xffff;
	v43 =	vand.u32 $0x7F, v19;
	v19 =	vand.u32 $0x7F, v44;
	v10 =	vor.u32 v11, v10  }
0x17d: {  	v9 =	vld.idx.msk [tilespmem:v9+s25+$0x0], $0xffff;
	v22 =	vand.u32 $0xFFFFFF80, v48;
	v20 =	vand.u32 $0x7F, v48;
	v15 =	vor.u32 v16, v15  }
0x17e: {  	v28 =	vand.u32 $0xFFFFFF80, v26;
	v29 =	vand.u32 $0x7F, v26;
	v18 =	vor.u32 v19, v18  }
0x17f: {  	v11 =	vand.u32 $0x7F, v35;
	v14 =	vadd.s32 v1, v37;
	v19 =	vor.u32 v46, v47;
	v16 =	vld.idx.msk [tilespmem:v41+s25+$0x0], $0xffff  }
0x180: {  	v17 =	vadd.s32 v1, v42;
	v22 =	vadd.s32 v1, v22;
	v11 =	vor.u32 v11, v13;
	v13 =	vld.idx.msk [tilespmem:v36+s25+$0x0], $0xffff  }
0x181: {  	v37 =	vand.u32 $0x7F, v34;
	v41 =	vand.u32 $0xFFFFFF80, v40;
	v20 =	vor.u32 v20, v22;
	v10 =	vld.idx.msk [tilespmem:v10+s28+$0x0], $0xffff  }
0x182: {  	v14 =	vor.u32 v38, v14;
	v17 =	vor.u32 v43, v17;
	v12 =	vmul.f32 v9, v8;
	v15 =	vld.idx.msk [tilespmem:v15+s23+$0x0], $0xffff  }
0x183: {  	v36 =	vand.u32 $0xFFFFFF80, v34;
	v38 =	vadd.s32 $0x6, v4;
	v9 =	vmul.f32 v9, v9;
	v50 =	vld.idx.msk [tilespmem:v18+s23+$0x0], $0xffff  }
0x184: {  	v22 =	vand.u32 $0x7F, v40;
	v39 =	vand.u32 $0xFFFFFF80, v38;
	v12 =	vadd.f32 $0.0e+00, v12;
	v52 =	vld.idx.msk [tilespmem:v19+s25+$0x0], $0xffff  }
0x185: {  	v7 =	vadd.f32 v9, v7;
	v59 =	vmul.f32 v16, v16;
	v19 =	vand.u32 $0x7F, v32;
	v11 =	vld.idx.msk [tilespmem:v11+s23+$0x0], $0xffff  }
0x186: {  	v53 =	vmul.f32 v13, v13;
	v57 =	vld.idx.msk [tilespmem:v20+s28+$0x0], $0xffff;
	v20 =	vadd.s32 v1, v33;
	v33 =	vadd.s32 $0x8, v3  }
0x187: {  	v14 =	vld.idx.msk [tilespmem:v14+s28+$0x0], $0xffff;
	v35 =	vor.u32 v19, v20;
	v19 =	vadd.s32 v1, v36;
	v20 =	vadd.s32 v1, v39  }
0x188: {  	v17 =	vld.idx.msk [tilespmem:v17+s28+$0x0], $0xffff;
	v34 =	vand.u32 $0xFFFFFF80, v33;
	v39 =	vadd.s32 $0x9, v2;
	v49 =	vmul.f32 v10, v8  }
0x189: {  	v7 =	vadd.f32 v53, v7;
	v8 =	vmul.f32 v8, v8;
	v10 =	vmul.f32 v10, v10  }
0x18a: {  	v19 =	vor.u32 v37, v19;
	v55 =	vmul.f32 v16, v15;
	v58 =	vmul.f32 v15, v15  }
0x18b: {  	v40 =	vand.u32 $0xFFFFFF80, v39;
	v61 =	vmul.f32 v52, v50;
	v9 =	vmul.f32 v50, v50  }
0x18c: {  	v7 =	vadd.f32 v59, v7;
	v44 =	vmul.f32 v52, v52;
	v51 =	vmul.f32 v14, v11  }
0x18d: {  	v16 =	vadd.s32 v1, v25;
	v54 =	vmul.f32 v14, v14;
	v56 =	vmul.f32 v17, v15  }
0x18e: {  	v25 =	vadd.s32 $0x7, v3;
	v60 =	vmul.f32 v17, v17;
	v63 =	vmul.f32 v57, v50  }
0x18f: {  	v14 =	vadd.s32 v1, v23;
	v15 =	vand.u32 $0x7F, v24;
	v17 =	vand.u32 $0x7F, v30  }
0x190: {  	v23 =	vadd.s32 $0x6, v3;
	v47 =	vmul.f32 v57, v57;
	v26 =	vand.u32 $0xFFFFFF80, v25  }
0x191: {  	v18 =	vand.u32 $0x7F, v25;
	v21 =	vadd.f32 $0.0e+00, v49;
	v5 =	vadd.f32 v8, v5  }
0x192: {  	v8 =	vmul.f32 v13, v11;
	v6 =	vadd.f32 v10, v6;
	v11 =	vmul.f32 v11, v11  }
0x193: {  	v27 =	vor.u32 v15, v16;
	v15 =	vadd.s32 v1, v28;
	v16 =	vadd.s32 v1, v31  }
0x194: {  	v24 =	vand.u32 $0xFFFFFF80, v23;
	v42 =	vand.u32 $0x7F, v23;
	v7 =	vadd.f32 v44, v7  }
0x195: {  	v23 =	vadd.s32 $0x7, v2;
	v31 =	vadd.s32 $0x8, v2;
	v15 =	vor.u32 v29, v15  }
0x196: {  	v16 =	vor.u32 v17, v16;
	v17 =	vld.idx.msk [tilespmem:v35+s25+$0x0], $0xffff;
	v43 =	vadd.s32 v1, v24;
	v24 =	vand.u32 $0xFFFFFF80, v23  }
0x197: {  	v45 =	vld.idx.msk [tilespmem:v19+s28+$0x0], $0xffff;
	v19 =	vadd.s32 v1, v26;
	v32 =	vand.u32 $0xFFFFFF80, v31;
	v35 =	vadd.s32 $0x9, v4  }
0x198: {  	v26 =	vadd.s32 $0xA, v2;
	v8 =	vadd.f32 v8, v12;
	v10 =	vadd.f32 v51, v21  }
0x199: {  	v5 =	vadd.f32 v11, v5;
	v6 =	vadd.f32 v54, v6;
	v11 =	vand.u32 $0x7F, v62  }
0x19a: {  	v21 =	vand.u32 $0x7F, v38;
	v46 =	vor.u32 v42, v43;
	v62 =	vadd.s32 $0x7, v4  }
0x19b: {  	v28 =	vor.u32 v18, v19;
	v19 =	vadd.s32 v1, v32;
	v37 =	vand.u32 $0xFFFFFF80, v35  }
0x19c: {  	v38 =	vand.u32 $0x7F, v35;
	v11 =	vor.u32 v11, v14;
	v20 =	vor.u32 v21, v20  }
0x19d: {  	v21 =	vadd.s32 v1, v41;
	v8 =	vadd.f32 v55, v8;
	v10 =	vadd.f32 v56, v10  }
0x19e: {  	v41 =	vadd.s32 $0x9, v3;
	v5 =	vadd.f32 v58, v5;
	v6 =	vadd.f32 v60, v6  }
0x19f: {  	v21 =	vor.u32 v22, v21;
	v22 =	vand.u32 $0xFFFFFF80, v62;
	v25 =	vand.u32 $0xFFFFFF80, v41  }
0x1a0: {  	v42 =	vand.u32 $0x7F, v41;
	v14 =	vld.idx.msk [tilespmem:v27+s25+$0x0], $0xffff;
	v27 =	vadd.s32 $0x8, v4;
	v8 =	vadd.f32 v61, v8  }
0x1a1: {  	v43 =	vadd.s32 v1, v25;
	v10 =	vadd.f32 v63, v10;
	v5 =	vadd.f32 v9, v5  }
0x1a2: {  	v15 =	vld.idx.msk [tilespmem:v15+s28+$0x0], $0xffff;
	v6 =	vadd.f32 v47, v6;
	v58 =	vmul.f32 v17, v17;
	v60 =	vmul.f32 v45, v45  }
0x1a3: {  	v16 =	vld.idx.msk [tilespmem:v16+s23+$0x0], $0xffff;
	v29 =	vand.u32 $0xFFFFFF80, v27;
	v30 =	vand.u32 $0x7F, v27;
	v27 =	vand.u32 $0xFFFFFF80, v26  }
0x1a4: {  	v56 =	vld.idx.msk [tilespmem:v46+s28+$0x0], $0xffff;
	v18 =	vadd.s32 v1, v29;
	v46 =	vor.u32 v42, v43;
	v42 =	vadd.s32 $0xC, v2  }
0x1a5: {  	v51 =	vld.idx.msk [tilespmem:v20+s23+$0x0], $0xffff;
	v18 =	vor.u32 v30, v18;
	v20 =	vand.u32 $0x7F, v31;
	v30 =	vadd.s32 $0xB, v4  }
0x1a6: {  	v43 =	vand.u32 $0xFFFFFF80, v42;
	v53 =	vld.idx.msk [tilespmem:v21+s25+$0x0], $0xffff;
	v21 =	vand.u32 $0x7F, v33;
	v19 =	vor.u32 v20, v19  }
0x1a7: {  	v32 =	vand.u32 $0xFFFFFF80, v30;
	v50 =	vmul.f32 v14, v14;
	v52 =	vmul.f32 v15, v15  }
0x1a8: {  	v11 =	vld.idx.msk [tilespmem:v11+s23+$0x0], $0xffff;
	v33 =	vand.u32 $0x7F, v30;
	v54 =	vmul.f32 v17, v16;
	v55 =	vmul.f32 v45, v16  }
0x1a9: {  	v57 =	vmul.f32 v16, v16;
	v16 =	vadd.s32 v1, v22;
	v17 =	vand.u32 $0x7F, v23  }
0x1aa: {  	v22 =	vadd.s32 v1, v34;
	v23 =	vand.u32 $0x7F, v39;
	v34 =	vadd.s32 $0xB, v2  }
0x1ab: {  	v7 =	vadd.f32 v50, v7;
	v36 =	vor.u32 v21, v22;
	v21 =	vadd.s32 v1, v37  }
0x1ac: {  	v22 =	vadd.s32 v1, v40;
	v47 =	vmul.f32 v56, v56;
	v35 =	vand.u32 $0xFFFFFF80, v34  }
0x1ad: {  	v20 =	vand.u32 $0x7F, v34;
	v34 =	vadd.s32 $0xD, v3;
	v48 =	vmul.f32 v14, v11  }
0x1ae: {  	v49 =	vmul.f32 v15, v11;
	v11 =	vmul.f32 v11, v11;
	v6 =	vadd.f32 v52, v6  }
0x1af: {  	v63 =	vmul.f32 v56, v51;
	v13 =	vmul.f32 v51, v51;
	v21 =	vor.u32 v38, v21  }
0x1b0: {  	v22 =	vor.u32 v23, v22;
	v38 =	vadd.s32 $0xC, v4;
	v23 =	vand.u32 $0x7F, v42  }
0x1b1: {  	v42 =	vadd.s32 $0xE, v3;
	v7 =	vadd.f32 v58, v7;
	v61 =	vmul.f32 v53, v51  }
0x1b2: {  	v44 =	vmul.f32 v53, v53;
	v40 =	vand.u32 $0xFFFFFF80, v38;
	v41 =	vand.u32 $0x7F, v38  }
0x1b3: {  	v18 =	vld.idx.msk [tilespmem:v18+s23+$0x0], $0xffff;
	v8 =	vadd.f32 v48, v8;
	v5 =	vadd.f32 v11, v5;
	v11 =	vand.u32 $0x7F, v62  }
0x1b4: {  	v10 =	vadd.f32 v49, v10;
	v6 =	vadd.f32 v60, v6;
	v11 =	vor.u32 v11, v16  }
0x1b5: {  	v56 =	vld.idx.msk [tilespmem:v46+s28+$0x0], $0xffff;
	v16 =	vadd.s32 v1, v24;
	v7 =	vadd.f32 v44, v7;
	v8 =	vadd.f32 v54, v8  }
0x1b6: {  	v45 =	vld.idx.msk [tilespmem:v19+s25+$0x0], $0xffff;
	v44 =	vadd.s32 $0xC, v3;
	v59 =	vadd.f32 v55, v10;
	v5 =	vadd.f32 v57, v5  }
0x1b7: {  	v16 =	vor.u32 v17, v16;
	v17 =	vld.idx.msk [tilespmem:v28+s28+$0x0], $0xffff;
	v6 =	vadd.f32 v47, v6;
	v28 =	vadd.s32 $0xA, v3  }
0x1b8: {  	v48 =	vld.idx.msk [tilespmem:v36+s28+$0x0], $0xffff;
	v36 =	vadd.s32 $0xB, v3;
	v46 =	vand.u32 $0x7F, v44;
	v58 =	vmul.f32 v18, v18  }
0x1b9: {  	v52 =	vld.idx.msk [tilespmem:v21+s23+$0x0], $0xffff;
	v29 =	vand.u32 $0xFFFFFF80, v28;
	v37 =	vand.u32 $0xFFFFFF80, v36;
	v21 =	vand.u32 $0x7F, v36  }
0x1ba: {  	v36 =	vadd.s32 $0xE, v4;
	v8 =	vadd.f32 v61, v8;
	v9 =	vadd.f32 v63, v59  }
0x1bb: {  	v5 =	vadd.f32 v13, v5;
	v55 =	vmul.f32 v45, v18;
	v59 =	vmul.f32 v45, v45  }
0x1bc: {  	v54 =	vld.idx.msk [tilespmem:v22+s25+$0x0], $0xffff;
	v61 =	vadd.s32 $0xA, v4;
	v19 =	vadd.s32 v1, v29;
	v22 =	vadd.s32 v1, v37  }
0x1bd: {  	v45 =	vand.u32 $0xFFFFFF80, v44;
	v13 =	vmul.f32 v56, v56;
	v38 =	vand.u32 $0xFFFFFF80, v36  }
0x1be: {  	v44 =	vand.u32 $0x7F, v42;
	v25 =	vand.u32 $0xFFFFFF80, v61;
	v10 =	vand.u32 $0x7F, v61  }
0x1bf: {  	v39 =	vor.u32 v21, v22;
	v21 =	vadd.s32 v1, v40;
	v22 =	vadd.s32 v1, v43  }
0x1c0: {  	v47 =	vadd.s32 v1, v45;
	v40 =	vadd.s32 $0xE, v2;
	v43 =	vand.u32 $0xFFFFFF80, v42  }
0x1c1: {  	v42 =	vadd.s32 $0x12, v4;
	v14 =	vadd.s32 v1, v25;
	v21 =	vor.u32 v41, v21  }
0x1c2: {  	v22 =	vor.u32 v23, v22;
	v41 =	vand.u32 $0xFFFFFF80, v40;
	v45 =	vadd.s32 v1, v43  }
0x1c3: {  	v25 =	vadd.s32 $0xF, v3;
	v53 =	vmul.f32 v17, v17;
	v57 =	vmul.f32 v48, v18  }
0x1c4: {  	v60 =	vmul.f32 v48, v48;
	v10 =	vor.u32 v10, v14;
	v14 =	vadd.s32 v1, v27  }
0x1c5: {  	v18 =	vand.u32 $0x7F, v28;
	v28 =	vadd.s32 $0xD, v4;
	v27 =	vadd.s32 $0x10, v4  }
0x1c6: {  	v11 =	vld.idx.msk [tilespmem:v11+s23+$0x0], $0xffff;
	v62 =	vmul.f32 v54, v52;
	v63 =	vmul.f32 v56, v52;
	v31 =	vor.u32 v18, v19  }
0x1c7: {  	v16 =	vld.idx.msk [tilespmem:v16+s25+$0x0], $0xffff;
	v18 =	vadd.s32 v1, v32;
	v19 =	vadd.s32 v1, v35;
	v48 =	vmul.f32 v52, v52  }
0x1c8: {  	v32 =	vadd.s32 $0xD, v2;
	v35 =	vand.u32 $0xFFFFFF80, v34;
	v6 =	vadd.f32 v53, v6  }
0x1c9: {  	v18 =	vor.u32 v33, v18;
	v19 =	vor.u32 v20, v19;
	v33 =	vand.u32 $0xFFFFFF80, v32  }
0x1ca: {  	v20 =	vand.u32 $0x7F, v34;
	v34 =	vadd.s32 $0x11, v4;
	v52 =	vld.idx.msk [tilespmem:v39+s28+$0x0], $0xffff;
	v39 =	vand.u32 $0x7F, v36  }
0x1cb: {  	v36 =	vand.u32 $0xFFFFFF80, v34;
	v50 =	vmul.f32 v17, v11;
	v6 =	vadd.f32 v60, v6  }
0x1cc: {  	v17 =	vand.u32 $0x7F, v26;
	v26 =	vand.u32 $0xFFFFFF80, v25;
	v49 =	vmul.f32 v16, v11  }
0x1cd: {  	v11 =	vmul.f32 v11, v11;
	v51 =	vmul.f32 v16, v16;
	v14 =	vor.u32 v17, v14  }
0x1ce: {  	v9 =	vadd.f32 v50, v9;
	v50 =	vor.u32 v46, v47;
	v6 =	vadd.f32 v13, v6  }
0x1cf: {  	v17 =	vld.idx.msk [tilespmem:v31+s28+$0x0], $0xffff;
	v31 =	vand.u32 $0xFFFFFF80, v28;
	v47 =	vor.u32 v44, v45;
	v44 =	vand.u32 $0xFFFFFF80, v42  }
0x1d0: {  	v45 =	vand.u32 $0x7F, v42;
	v42 =	vadd.s32 $0x15, v4;
	v8 =	vadd.f32 v49, v8  }
0x1d1: {  	v10 =	vld.idx.msk [tilespmem:v10+s23+$0x0], $0xffff;
	v5 =	vadd.f32 v11, v5;
	v7 =	vadd.f32 v51, v7;
	v51 =	vmul.f32 v54, v54  }
0x1d2: {  	v49 =	vld.idx.msk [tilespmem:v19+s25+$0x0], $0xffff;
	v19 =	vand.u32 $0x7F, v32;
	v32 =	vadd.s32 $0x10, v3;
	v9 =	vadd.f32 v57, v9  }
0x1d3: {  	v57 =	vld.idx.msk [tilespmem:v22+s25+$0x0], $0xffff;
	v22 =	vand.u32 $0x7F, v40;
	v40 =	vadd.s32 $0x11, v3;
	v8 =	vadd.f32 v55, v8  }
0x1d4: {  	v5 =	vadd.f32 v58, v5;
	v7 =	vadd.f32 v59, v7;
	v55 =	vld.idx.msk [tilespmem:v21+s23+$0x0], $0xffff;
	v21 =	vadd.s32 v1, v35  }
0x1d5: {  	v18 =	vld.idx.msk [tilespmem:v18+s23+$0x0], $0xffff;
	v9 =	vadd.f32 v63, v9;
	v63 =	vmul.f32 v52, v52;
	v37 =	vor.u32 v20, v21  }
0x1d6: {  	v20 =	vadd.s32 v1, v38;
	v21 =	vadd.s32 v1, v41;
	v38 =	vadd.s32 $0x11, v2  }
0x1d7: {  	v41 =	vand.u32 $0xFFFFFF80, v40;
	v8 =	vadd.f32 v62, v8;
	v5 =	vadd.f32 v48, v5  }
0x1d8: {  	v54 =	vmul.f32 v17, v10;
	v7 =	vadd.f32 v51, v7;
	v58 =	vmul.f32 v17, v17  }
0x1d9: {  	v20 =	vor.u32 v39, v20;
	v21 =	vor.u32 v22, v21;
	v51 =	vadd.s32 $0xF, v2  }
0x1da: {  	v14 =	vld.idx.msk [tilespmem:v14+s25+$0x0], $0xffff;
	v39 =	vand.u32 $0xFFFFFF80, v38;
	v59 =	vmul.f32 v49, v18;
	v61 =	vmul.f32 v52, v18  }
0x1db: {  	v22 =	vadd.s32 v1, v41;
	v18 =	vmul.f32 v18, v18;
	v62 =	vmul.f32 v49, v49  }
0x1dc: {  	v49 =	vadd.s32 $0xF, v4;
	v52 =	vand.u32 $0xFFFFFF80, v51;
	v9 =	vadd.f32 v54, v9  }
0x1dd: {  	v60 =	vld.idx.msk [tilespmem:v50+s28+$0x0], $0xffff;
	v6 =	vadd.f32 v58, v6;
	v50 =	vand.u32 $0xFFFFFF80, v49;
	v13 =	vmul.f32 v57, v57  }
0x1de: {  	v16 =	vand.u32 $0x7F, v49;
	v29 =	vmul.f32 v57, v55;
	v12 =	vmul.f32 v55, v55  }
0x1df: {  	v54 =	vadd.s32 v1, v52;
	v53 =	vmul.f32 v14, v10;
	v10 =	vmul.f32 v10, v10  }
0x1e0: {  	v56 =	vmul.f32 v14, v14;
	v9 =	vadd.f32 v61, v9;
	v14 =	vand.u32 $0x7F, v28  }
0x1e1: {  	v6 =	vadd.f32 v63, v6;
	v48 =	vld.idx.msk [tilespmem:v37+s28+$0x0], $0xffff;
	v37 =	vand.u32 $0x7F, v34;
	v34 =	vadd.s32 $0x14, v4  }
0x1e2: {  	v30 =	vmul.f32 v60, v55;
	v17 =	vmul.f32 v60, v60;
	v8 =	vadd.f32 v53, v8  }
0x1e3: {  	v20 =	vld.idx.msk [tilespmem:v20+s23+$0x0], $0xffff;
	v5 =	vadd.f32 v10, v5;
	v7 =	vadd.f32 v56, v7;
	v53 =	vand.u32 $0x7F, v51  }
0x1e4: {  	v21 =	vld.idx.msk [tilespmem:v21+s25+$0x0], $0xffff;
	v9 =	vadd.f32 v30, v9;
	v6 =	vadd.f32 v17, v6;
	v30 =	vadd.s32 $0x10, v2  }
0x1e5: {  	v11 =	vld.idx.msk [tilespmem:v47+s28+$0x0], $0xffff;
	v8 =	vadd.f32 v59, v8;
	v5 =	vadd.f32 v18, v5;
	v18 =	vadd.s32 v1, v31  }
0x1e6: {  	v7 =	vadd.f32 v62, v7;
	v31 =	vand.u32 $0xFFFFFF80, v30;
	v17 =	vand.u32 $0x7F, v30  }
0x1e7: {  	v30 =	vadd.s32 $0x13, v2;
	v14 =	vor.u32 v14, v18;
	v18 =	vadd.s32 v1, v33  }
0x1e8: {  	v58 =	vmul.f32 v48, v48;
	v33 =	vand.u32 $0xFFFFFF80, v32;
	v18 =	vor.u32 v19, v18  }
0x1e9: {  	v8 =	vadd.f32 v29, v8;
	v5 =	vadd.f32 v12, v5;
	v59 =	vmul.f32 v21, v20  }
0x1ea: {  	v7 =	vadd.f32 v13, v7;
	v61 =	vmul.f32 v11, v20;
	v62 =	vmul.f32 v20, v20  }
0x1eb: {  	v24 =	vmul.f32 v21, v21;
	v11 =	vmul.f32 v11, v11;
	v12 =	vadd.s32 v1, v26  }
0x1ec: {  	v29 =	vand.u32 $0xFFFFFF80, v27;
	v13 =	vand.u32 $0x7F, v27;
	v19 =	vadd.s32 v1, v33  }
0x1ed: {  	v20 =	vand.u32 $0x7F, v38;
	v21 =	vand.u32 $0x7F, v40;
	v27 =	vadd.s32 $0x13, v4  }
0x1ee: {  	v38 =	vadd.s32 $0x14, v2;
	v40 =	vadd.s32 $0x14, v3;
	v6 =	vadd.f32 v58, v6  }
0x1ef: {  	v15 =	vadd.s32 v1, v29;
	v43 =	vor.u32 v21, v22;
	v21 =	vadd.s32 v1, v44;
	v14 =	vld.idx.msk [tilespmem:v14+s23+$0x0], $0xffff  }
0x1f0: {  	v29 =	vand.u32 $0xFFFFFF80, v27;
	v41 =	vand.u32 $0xFFFFFF80, v40;
	v44 =	vand.u32 $0xFFFFFF80, v42;
	v46 =	vld.idx.msk [tilespmem:v18+s25+$0x0], $0xffff  }
0x1f1: {  	v13 =	vor.u32 v13, v15;
	v15 =	vadd.s32 v1, v31;
	v21 =	vor.u32 v45, v21  }
0x1f2: {  	v31 =	vand.u32 $0xFFFFFF80, v30;
	v45 =	vand.u32 $0x7F, v42;
	v18 =	vadd.s32 v1, v50  }
0x1f3: {  	v15 =	vor.u32 v17, v15;
	v16 =	vor.u32 v16, v18;
	v18 =	vor.u32 v53, v54  }
0x1f4: {  	v6 =	vadd.f32 v11, v6;
	v56 =	vmul.f32 v48, v14;
	v57 =	vmul.f32 v14, v14  }
0x1f5: {  	v48 =	vadd.s32 $0x12, v3;
	v55 =	vmul.f32 v46, v14;
	v10 =	vmul.f32 v46, v46  }
0x1f6: {  	v46 =	vadd.s32 $0x12, v2;
	v49 =	vand.u32 $0xFFFFFF80, v48;
	v50 =	vand.u32 $0x7F, v48  }
0x1f7: {  	v58 =	vld.idx.msk [tilespmem:v21+s23+$0x0], $0xffff;
	v48 =	vadd.s32 $0x15, v3;
	v9 =	vadd.f32 v56, v9;
	v5 =	vadd.f32 v57, v5  }
0x1f8: {  	v63 =	vld.idx.msk [tilespmem:v18+s25+$0x0], $0xffff;
	v18 =	vand.u32 $0x7F, v32;
	v47 =	vand.u32 $0xFFFFFF80, v46;
	v23 =	vand.u32 $0x7F, v46  }
0x1f9: {  	v51 =	vadd.s32 v1, v49;
	v32 =	vadd.s32 $0x13, v3;
	v46 =	vadd.s32 $0x15, v2  }
0x1fa: {  	v13 =	vld.idx.msk [tilespmem:v13+s23+$0x0], $0xffff;
	v49 =	vand.u32 $0xFFFFFF80, v48;
	v8 =	vadd.f32 v55, v8;
	v7 =	vadd.f32 v10, v7  }
0x1fb: {  	v15 =	vld.idx.msk [tilespmem:v15+s25+$0x0], $0xffff;
	v10 =	vand.u32 $0x7F, v25;
	v35 =	vor.u32 v18, v19;
	v18 =	vadd.s32 v1, v36  }
0x1fc: {  	v19 =	vadd.s32 v1, v39;
	v22 =	vadd.s32 v1, v47;
	v14 =	vmul.f32 v58, v58  }
0x1fd: {  	v33 =	vand.u32 $0xFFFFFF80, v32;
	v36 =	vand.u32 $0xFFFFFF80, v34;
	v39 =	vand.u32 $0xFFFFFF80, v38  }
0x1fe: {  	v60 =	vld.idx.msk [tilespmem:v16+s23+$0x0], $0xffff;
	v47 =	vand.u32 $0xFFFFFF80, v46;
	v9 =	vadd.f32 v61, v9;
	v10 =	vor.u32 v10, v12  }
0x1ff: {  	v55 =	vld.idx.msk [tilespmem:v43+s28+$0x0], $0xffff;
	v5 =	vadd.f32 v62, v5;
	v18 =	vor.u32 v37, v18;
	v19 =	vor.u32 v20, v19  }
0x200: {  	v22 =	vor.u32 v23, v22;
	v23 =	vor.u32 v50, v51;
	v56 =	vmul.f32 v15, v13  }
0x201: {  	v61 =	vmul.f32 v15, v15;
	v15 =	vand.u32 $0x7F, v32;
	v16 =	vadd.s32 v1, v33  }
0x202: {  	v37 =	vand.u32 $0x7F, v34;
	v8 =	vadd.f32 v59, v8;
	v59 =	vmul.f32 v13, v13;
	v17 =	vld.idx.msk [tilespmem:v35+s28+$0x0], $0xffff  }
0x203: {  	v50 =	vadd.s32 $0x16, v4;
	v28 =	vmul.f32 v63, v60;
	v53 =	vmul.f32 v60, v60;
	v10 =	vld.idx.msk [tilespmem:v10+s28+$0x0], $0xffff  }
0x204: {  	v7 =	vadd.f32 v24, v7;
	v54 =	vmul.f32 v63, v63;
	v24 =	vmul.f32 v55, v55;
	v18 =	vld.idx.msk [tilespmem:v18+s23+$0x0], $0xffff  }
0x205: {  	v35 =	vor.u32 v15, v16;
	v15 =	vadd.s32 v1, v36;
	v19 =	vld.idx.msk [tilespmem:v19+s25+$0x0], $0xffff;
	v8 =	vadd.f32 v28, v8  }
0x206: {  	v16 =	vadd.s32 v1, v39;
	v5 =	vadd.f32 v53, v5;
	v7 =	vadd.f32 v54, v7  }
0x207: {  	v63 =	vld.idx.msk [tilespmem:v23+s28+$0x0], $0xffff;
	v15 =	vor.u32 v37, v15;
	v53 =	vand.u32 $0x7F, v50;
	v54 =	vadd.s32 $0x16, v2  }
0x208: {  	v8 =	vadd.f32 v56, v8;
	v5 =	vadd.f32 v59, v5;
	v57 =	vmul.f32 v17, v13  }
0x209: {  	v7 =	vadd.f32 v61, v7;
	v62 =	vmul.f32 v17, v17;
	v52 =	vmul.f32 v10, v60  }
0x20a: {  	v56 =	vadd.s32 $0x16, v3;
	v10 =	vmul.f32 v10, v10;
	v20 =	vmul.f32 v19, v18  }
0x20b: {  	v13 =	vadd.s32 v1, v29;
	v60 =	vld.idx.msk [tilespmem:v22+s25+$0x0], $0xffff;
	v21 =	vmul.f32 v55, v18;
	v22 =	vmul.f32 v18, v18  }
0x20c: {  	v17 =	vand.u32 $0x7F, v38;
	v23 =	vmul.f32 v19, v19;
	v26 =	vmul.f32 v63, v58  }
0x20d: {  	v28 =	vmul.f32 v63, v63;
	v18 =	vand.u32 $0x7F, v40;
	v19 =	vadd.s32 v1, v41  }
0x20e: {  	v16 =	vor.u32 v17, v16;
	v55 =	vand.u32 $0xFFFFFF80, v54;
	v41 =	vadd.s32 $0x17, v4  }
0x20f: {  	v43 =	vor.u32 v18, v19;
	v18 =	vadd.s32 v1, v44;
	v9 =	vadd.f32 v52, v9  }
0x210: {  	v19 =	vadd.s32 v1, v47;
	v6 =	vadd.f32 v10, v6;
	v8 =	vadd.f32 v20, v8  }
0x211: {  	v44 =	vadd.s32 $0x17, v2;
	v5 =	vadd.f32 v22, v5;
	v7 =	vadd.f32 v23, v7  }
0x212: {  	v10 =	vand.u32 $0x7F, v27;
	v18 =	vor.u32 v45, v18;
	v20 =	vand.u32 $0x7F, v46  }
0x213: {  	v22 =	vadd.s32 v1, v49;
	v52 =	vand.u32 $0xFFFFFF80, v50;
	v23 =	vand.u32 $0x7F, v54  }
0x214: {  	v45 =	vand.u32 $0xFFFFFF80, v44;
	v46 =	vadd.s32 $0x17, v3;
	v50 =	vadd.s32 $0x18, v4  }
0x215: {  	v15 =	vld.idx.msk [tilespmem:v15+s23+$0x0], $0xffff;
	v54 =	vadd.s32 $0x18, v3;
	v10 =	vor.u32 v10, v13;
	v13 =	vadd.s32 v1, v31  }
0x216: {  	v19 =	vor.u32 v20, v19;
	v49 =	vand.u32 $0x7F, v46;
	v9 =	vadd.f32 v57, v9  }
0x217: {  	v6 =	vadd.f32 v62, v6;
	v5 =	vadd.f32 v14, v5;
	v14 =	vand.u32 $0x7F, v30  }
0x218: {  	v57 =	vand.u32 $0xFFFFFF80, v56;
	v25 =	vmul.f32 v60, v58;
	v11 =	vmul.f32 v60, v60  }
0x219: {  	v13 =	vor.u32 v14, v13;
	v58 =	vand.u32 $0x7F, v56;
	v59 =	vadd.s32 v1, v57  }
0x21a: {  	v29 =	vmul.f32 v15, v15;
	v56 =	vand.u32 $0xFFFFFF80, v54;
	v57 =	vand.u32 $0x7F, v54  }
0x21b: {  	v14 =	vld.idx.msk [tilespmem:v35+s28+$0x0], $0xffff;
	v54 =	vadd.s32 $0x1B, v4;
	v9 =	vadd.f32 v21, v9;
	v6 =	vadd.f32 v24, v6  }
0x21c: {  	v21 =	vand.u32 $0x7F, v48;
	v17 =	vld.idx.msk [tilespmem:v43+s28+$0x0], $0xffff;
	v43 =	vand.u32 $0xFFFFFF80, v41;
	v48 =	vand.u32 $0xFFFFFF80, v46  }
0x21d: {  	v16 =	vld.idx.msk [tilespmem:v16+s25+$0x0], $0xffff;
	v8 =	vadd.f32 v25, v8;
	v51 =	vor.u32 v21, v22;
	v21 =	vadd.s32 v1, v52  }
0x21e: {  	v22 =	vadd.s32 v1, v55;
	v7 =	vadd.f32 v11, v7;
	v11 =	vand.u32 $0x7F, v41  }
0x21f: {  	v18 =	vld.idx.msk [tilespmem:v18+s23+$0x0], $0xffff;
	v52 =	vadd.s32 $0x18, v2;
	v9 =	vadd.f32 v26, v9;
	v21 =	vor.u32 v53, v21  }
0x220: {  	v10 =	vld.idx.msk [tilespmem:v10+s23+$0x0], $0xffff;
	v22 =	vor.u32 v23, v22;
	v23 =	vor.u32 v58, v59;
	v6 =	vadd.f32 v28, v6  }
0x221: {  	v19 =	vld.idx.msk [tilespmem:v19+s25+$0x0], $0xffff;
	v53 =	vand.u32 $0xFFFFFF80, v52;
	v58 =	vadd.s32 $0x19, v4;
	v63 =	vmul.f32 v14, v14  }
0x222: {  	v59 =	vand.u32 $0xFFFFFF80, v58;
	v13 =	vld.idx.msk [tilespmem:v13+s25+$0x0], $0xffff;
	v25 =	vmul.f32 v16, v15;
	v30 =	vmul.f32 v16, v16  }
0x223: {  	v16 =	vand.u32 $0x7F, v50;
	v27 =	vmul.f32 v17, v15;
	v32 =	vmul.f32 v17, v17  }
0x224: {  	v15 =	vadd.s32 v1, v45;
	v17 =	vand.u32 $0x7F, v52;
	v24 =	vld.idx.msk [tilespmem:v51+s28+$0x0], $0xffff;
	v6 =	vadd.f32 v63, v6  }
0x225: {  	v35 =	vmul.f32 v18, v18;
	v51 =	vand.u32 $0xFFFFFF80, v50;
	v61 =	vmul.f32 v14, v10;
	v26 =	vld.idx.msk [tilespmem:v21+s23+$0x0], $0xffff  }
0x226: {  	v28 =	vld.idx.msk [tilespmem:v22+s25+$0x0], $0xffff;
	v33 =	vmul.f32 v19, v18;
	v36 =	vmul.f32 v19, v19;
	v19 =	vand.u32 $0x7F, v58  }
0x227: {  	v31 =	vld.idx.msk [tilespmem:v23+s28+$0x0], $0xffff;
	v58 =	vadd.s32 $0x1B, v3;
	v60 =	vmul.f32 v13, v10;
	v10 =	vmul.f32 v10, v10  }
0x228: {  	v6 =	vadd.f32 v32, v6;
	v62 =	vmul.f32 v13, v13;
	v9 =	vadd.f32 v61, v9  }
0x229: {  	v13 =	vadd.s32 v1, v43;
	v8 =	vadd.f32 v60, v8;
	v5 =	vadd.f32 v10, v5  }
0x22a: {  	v11 =	vor.u32 v11, v13;
	v7 =	vadd.f32 v62, v7;
	v9 =	vadd.f32 v27, v9  }
0x22b: {  	v34 =	vmul.f32 v24, v18;
	v14 =	vmul.f32 v24, v24;
	v18 =	vadd.s32 v1, v53  }
0x22c: {  	v60 =	vadd.s32 $0x19, v2;
	v37 =	vmul.f32 v28, v26;
	v38 =	vmul.f32 v31, v26  }
0x22d: {  	v62 =	vadd.s32 $0x19, v3;
	v39 =	vmul.f32 v26, v26;
	v40 =	vmul.f32 v28, v28  }
0x22e: {  	v42 =	vmul.f32 v31, v31;
	v55 =	vor.u32 v17, v18;
	v17 =	vadd.s32 v1, v56  }
0x22f: {  	v18 =	vadd.s32 v1, v59;
	v61 =	vand.u32 $0xFFFFFF80, v60;
	v20 =	vand.u32 $0x7F, v60  }
0x230: {  	v27 =	vand.u32 $0xFFFFFF80, v62;
	v28 =	vand.u32 $0x7F, v62;
	v31 =	vadd.s32 $0x1A, v2  }
0x231: {  	v56 =	vadd.s32 $0x1B, v2;
	v59 =	vand.u32 $0xFFFFFF80, v58;
	v60 =	vadd.s32 $0x1C, v4  }
0x232: {  	v62 =	vadd.s32 $0x1C, v2;
	v8 =	vadd.f32 v25, v8;
	v5 =	vadd.f32 v29, v5  }
0x233: {  	v26 =	vadd.s32 $0x1D, v4;
	v7 =	vadd.f32 v30, v7;
	v9 =	vadd.f32 v34, v9  }
0x234: {  	v6 =	vadd.f32 v14, v6;
	v14 =	vand.u32 $0x7F, v44;
	v17 =	vor.u32 v57, v17  }
0x235: {  	v21 =	vadd.s32 v1, v61;
	v18 =	vor.u32 v19, v18;
	v29 =	vadd.s32 $0x1A, v4  }
0x236: {  	v32 =	vand.u32 $0xFFFFFF80, v31;
	v23 =	vand.u32 $0x7F, v31;
	v57 =	vand.u32 $0xFFFFFF80, v56  }
0x237: {  	v61 =	vand.u32 $0xFFFFFF80, v60;
	v47 =	vor.u32 v14, v15;
	v14 =	vadd.s32 v1, v48  }
0x238: {  	v15 =	vadd.s32 v1, v51;
	v63 =	vor.u32 v20, v21;
	v20 =	vadd.s32 v1, v27  }
0x239: {  	v30 =	vand.u32 $0xFFFFFF80, v29;
	v22 =	vand.u32 $0x7F, v29;
	v24 =	vadd.s32 v1, v32  }
0x23a: {  	v27 =	vand.u32 $0xFFFFFF80, v26;
	v8 =	vadd.f32 v33, v8;
	v5 =	vadd.f32 v35, v5  }
0x23b: {  	v32 =	vadd.s32 $0x1D, v3;
	v7 =	vadd.f32 v36, v7;
	v9 =	vadd.f32 v38, v9  }
0x23c: {  	v14 =	vor.u32 v49, v14;
	v15 =	vor.u32 v16, v15;
	v11 =	vld.idx.msk [tilespmem:v11+s23+$0x0], $0xffff;
	v20 =	vor.u32 v28, v20  }
0x23d: {  	v21 =	vadd.s32 v1, v30;
	v33 =	vadd.s32 $0x1A, v3;
	v34 =	vor.u32 v23, v24;
	v16 =	vld.idx.msk [tilespmem:v55+s25+$0x0], $0xffff  }
0x23e: {  	v6 =	vadd.f32 v42, v6;
	v24 =	vadd.s32 $0x1C, v3;
	v19 =	vadd.s32 v1, v27;
	v17 =	vld.idx.msk [tilespmem:v17+s28+$0x0], $0xffff  }
0x23f: {  	v28 =	vadd.s32 $0x1D, v2;
	v21 =	vor.u32 v22, v21;
	v35 =	vand.u32 $0xFFFFFF80, v33;
	v18 =	vld.idx.msk [tilespmem:v18+s23+$0x0], $0xffff  }
0x240: {  	v25 =	vand.u32 $0x7F, v33;
	v22 =	vand.u32 $0xFFFFFF80, v62;
	v30 =	vand.u32 $0xFFFFFF80, v28;
	v13 =	vld.idx.msk [tilespmem:v47+s25+$0x0], $0xffff  }
0x241: {  	v31 =	vand.u32 $0x7F, v28;
	v33 =	vand.u32 $0xFFFFFF80, v32;
	v5 =	vadd.f32 v39, v5;
	v39 =	vld.idx.msk [tilespmem:v63+s25+$0x0], $0xffff  }
0x242: {  	v8 =	vadd.f32 v37, v8;
	v23 =	vadd.s32 v1, v35;
	v7 =	vadd.f32 v40, v7;
	v14 =	vld.idx.msk [tilespmem:v14+s28+$0x0], $0xffff  }
0x243: {  	v55 =	vand.u32 $0xFFFFFF80, v54;
	v37 =	vor.u32 v25, v23;
	v15 =	vld.idx.msk [tilespmem:v15+s23+$0x0], $0xffff;
	v45 =	vmul.f32 v16, v16  }
0x244: {  	v23 =	vand.u32 $0x7F, v62;
	v46 =	vmul.f32 v17, v17;
	v49 =	vmul.f32 v18, v18  }
0x245: {  	v25 =	vand.u32 $0xFFFFFF80, v24;
	v40 =	vld.idx.msk [tilespmem:v20+s28+$0x0], $0xffff;
	v36 =	vmul.f32 v13, v11;
	v13 =	vmul.f32 v13, v13  }
0x246: {  	v44 =	vld.idx.msk [tilespmem:v34+s25+$0x0], $0xffff;
	v34 =	vadd.s32 $0x1E, v4;
	v47 =	vmul.f32 v39, v18;
	v12 =	vmul.f32 v39, v39  }
0x247: {  	v20 =	vand.u32 $0x7F, v32;
	v38 =	vmul.f32 v14, v11;
	v11 =	vmul.f32 v11, v11  }
0x248: {  	v4 =	vadd.s32 $0x1F, v4;
	v21 =	vld.idx.msk [tilespmem:v21+s23+$0x0], $0xffff;
	v14 =	vmul.f32 v14, v14;
	v41 =	vmul.f32 v16, v15  }
0x249: {  	v35 =	vand.u32 $0xFFFFFF80, v34;
	v42 =	vmul.f32 v17, v15;
	v43 =	vmul.f32 v15, v15  }
0x24a: {  	v48 =	vmul.f32 v40, v18;
	v50 =	vmul.f32 v40, v40;
	v15 =	vand.u32 $0x7F, v60  }
0x24b: {  	v16 =	vadd.s32 v1, v61;
	v17 =	vand.u32 $0x7F, v24;
	v18 =	vand.u32 $0x7F, v26  }
0x24c: {  	v40 =	vadd.s32 $0x1E, v3;
	v3 =	vadd.s32 $0x1F, v3;
	v8 =	vadd.f32 v36, v8  }
0x24d: {  	v7 =	vadd.f32 v13, v7;
	v51 =	vmul.f32 v44, v21;
	v53 =	vmul.f32 v21, v21  }
0x24e: {  	v13 =	vand.u32 $0x7F, v56;
	v63 =	vor.u32 v15, v16;
	v15 =	vadd.s32 v1, v22  }
0x24f: {  	v16 =	vadd.s32 v1, v25;
	v29 =	vor.u32 v18, v19;
	v18 =	vadd.s32 v1, v30  }
0x250: {  	v19 =	vadd.s32 v1, v33;
	v22 =	vadd.s32 v1, v35;
	v36 =	vadd.s32 $0x1E, v2  }
0x251: {  	v10 =	vld.idx.msk [tilespmem:v37+s28+$0x0], $0xffff;
	v2 =	vadd.s32 $0x1F, v2;
	v9 =	vadd.f32 v38, v9;
	v5 =	vadd.f32 v11, v5  }
0x252: {  	v6 =	vadd.f32 v14, v6;
	v14 =	vmul.f32 v44, v44;
	v11 =	vadd.s32 v1, v55  }
0x253: {  	v15 =	vor.u32 v23, v15;
	v16 =	vor.u32 v17, v16;
	v18 =	vor.u32 v31, v18  }
0x254: {  	v19 =	vor.u32 v20, v19;
	v38 =	vand.u32 $0xFFFFFF80, v36;
	v39 =	vand.u32 $0x7F, v36  }
0x255: {  	v23 =	vand.u32 $0x7F, v40;
	v8 =	vadd.f32 v41, v8;
	v7 =	vadd.f32 v45, v7  }
0x256: {  	v52 =	vmul.f32 v10, v21;
	v10 =	vmul.f32 v10, v10;
	v21 =	vand.u32 $0x7F, v34  }
0x257: {  	v41 =	vand.u32 $0xFFFFFF80, v40;
	v45 =	vand.u32 $0xFFFFFF80, v3;
	v9 =	vadd.f32 v42, v9  }
0x258: {  	v3 =	vand.u32 $0x7F, v3;
	v5 =	vadd.f32 v43, v5;
	v7 =	vadd.f32 v12, v7  }
0x259: {  	v6 =	vadd.f32 v46, v6;
	v37 =	vor.u32 v21, v22;
	v12 =	vand.u32 $0x7F, v54  }
0x25a: {  	v11 =	vor.u32 v12, v11;
	v12 =	vadd.s32 v1, v57;
	v17 =	vld.idx.msk [tilespmem:v29+s23+$0x0], $0xffff;
	v7 =	vadd.f32 v14, v7  }
0x25b: {  	v12 =	vor.u32 v13, v12;
	v14 =	vand.u32 $0x7F, v58;
	v13 =	vadd.s32 v1, v59;
	v15 =	vld.idx.msk [tilespmem:v15+s25+$0x0], $0xffff  }
0x25c: {  	v21 =	vadd.s32 v1, v38;
	v22 =	vadd.s32 v1, v41;
	v18 =	vld.idx.msk [tilespmem:v18+s25+$0x0], $0xffff;
	v13 =	vor.u32 v14, v13  }
0x25d: {  	v42 =	vand.u32 $0xFFFFFF80, v4;
	v4 =	vand.u32 $0x7F, v4;
	v43 =	vand.u32 $0xFFFFFF80, v2;
	v19 =	vld.idx.msk [tilespmem:v19+s28+$0x0], $0xffff  }
0x25e: {  	v2 =	vand.u32 $0x7F, v2;
	v8 =	vadd.f32 v47, v8;
	v21 =	vor.u32 v39, v21;
	v14 =	vld.idx.msk [tilespmem:v63+s23+$0x0], $0xffff  }
0x25f: {  	v24 =	vadd.s32 v1, v42;
	v22 =	vor.u32 v23, v22;
	v9 =	vadd.f32 v48, v9;
	v11 =	vld.idx.msk [tilespmem:v11+s23+$0x0], $0xffff  }
0x260: {  	v23 =	vadd.s32 v1, v43;
	v5 =	vadd.f32 v49, v5;
	v6 =	vadd.f32 v50, v6;
	v12 =	vld.idx.msk [tilespmem:v12+s25+$0x0], $0xffff  }
0x261: {  	v4 =	vor.u32 v4, v24;
	v2 =	vor.u32 v2, v23;
	v8 =	vadd.f32 v51, v8;
	v13 =	vld.idx.msk [tilespmem:v13+s28+$0x0], $0xffff  }
0x262: {  	v5 =	vadd.f32 v53, v5;
	v55 =	vmul.f32 v17, v17;
	v53 =	vmul.f32 v18, v17  }
0x263: {  	v16 =	vld.idx.msk [tilespmem:v16+s28+$0x0], $0xffff;
	v1 =	vadd.s32 v1, v45;
	v54 =	vmul.f32 v19, v17;
	v58 =	vmul.f32 v18, v18  }
0x264: {  	v9 =	vadd.f32 v52, v9;
	v61 =	vmul.f32 v19, v19;
	v50 =	vmul.f32 v15, v14  }
0x265: {  	v1 =	vor.u32 v3, v1;
	v47 =	vld.idx.msk [tilespmem:v37+s23+$0x0], $0xffff;
	v3 =	vmul.f32 v11, v11;
	v44 =	vmul.f32 v12, v11  }
0x266: {  	v6 =	vadd.f32 v10, v6;
	v49 =	vld.idx.msk [tilespmem:v21+s25+$0x0], $0xffff;
	v48 =	vmul.f32 v12, v12;
	v46 =	vmul.f32 v13, v11  }
0x267: {  	v51 =	vld.idx.msk [tilespmem:v22+s28+$0x0], $0xffff;
	v3 =	vadd.f32 v3, v5;
	v5 =	vmul.f32 v13, v13;
	v8 =	vadd.f32 v44, v8  }
0x268: {  	v4 =	vld.idx.msk [tilespmem:v4+s23+$0x0], $0xffff;
	v52 =	vmul.f32 v16, v14;
	v7 =	vadd.f32 v48, v7;
	v9 =	vadd.f32 v46, v9  }
0x269: {  	v2 =	vld.idx.msk [tilespmem:v2+s25+$0x0], $0xffff;
	v5 =	vadd.f32 v5, v6;
	v6 =	vadd.f32 v50, v8;
	v8 =	vmul.f32 v15, v15  }
0x26a: {  	v14 =	vmul.f32 v14, v14;
	v1 =	vld.idx.msk [tilespmem:v1+s28+$0x0], $0xffff;
	v10 =	vmul.f32 v47, v47  }
0x26b: {  	v9 =	vadd.f32 v52, v9;
	v7 =	vadd.f32 v8, v7;
	v8 =	vmul.f32 v16, v16  }
0x26c: {  	v56 =	vmul.f32 v49, v47;
	v3 =	vadd.f32 v14, v3;
	v6 =	vadd.f32 v53, v6  }
0x26d: {  	v57 =	vmul.f32 v51, v47;
	v5 =	vadd.f32 v8, v5;
	v8 =	vadd.f32 v54, v9  }
0x26e: {  	v62 =	vmul.f32 v49, v49;
	v59 =	vmul.f32 v2, v4;
	v6 =	vadd.f32 v56, v6  }
0x26f: {  	v60 =	vmul.f32 v1, v4;
	v3 =	vadd.f32 v55, v3;
	v8 =	vadd.f32 v57, v8  }
0x270: {  	p0 =	sne.s32 s19, $0x70;
	v63 =	vmul.f32 v51, v51;
	v7 =	vadd.f32 v58, v7;
	v6 =	vadd.f32 v59, v6  }
.Ltmp2:
0x271: {  	v2 =	vmul.f32 v2, v2;
	v5 =	vadd.f32 v61, v5;
	v8 =	vadd.f32 v60, v8;
	(pc) =	sbr.rel @p0 .LBB2_6-.Ltmp2, $4  }
0x272: {  	v4 =	vmul.f32 v4, v4;
	v3 =	vadd.f32 v10, v3;
	v7 =	vadd.f32 v62, v7  }
0x273: {  	v1 =	vmul.f32 v1, v1;
	v6 =	vsub.f32 v6, v8;
	v8 =	vadd.f32 v63, v5  }
0x274: {  	s22 =	sadd.s32 $0x10, s22;
	s24 =	sadd.s32 $0x10, s24;
	v7 =	vadd.f32 v2, v7  }
0x275: {  	s19 =	sadd.s32 $0x10, s19;
	s26 =	sadd.s32 $0x10, s26;
	v5 =	vadd.f32 v4, v3;
	[tilespmem:s29+$0x0] =	vst v6;
	v6 =	vadd.f32 v1, v8;
	s29 =	sadd.s32 $0x10, s29  }
0x276: {  	_ =	swait.ge [sflag:s21], $0x4000  }
0x277: {  	[sflag:s21] =	ssyncset.done $0x0  }
0x278: {  	[sflag:s21] =	ssyncadd.s32 $0xFFFFC000  }
0x279: {  	_ =	swait.ge [sflag:s21], $0x4000  }
0x27a: {  	[sflag:s21] =	ssyncset.done $0x0  }
0x27b: {  	[sflag:s21] =	ssyncadd.s32 $0xFFFFC000  }
0x27c: {  	_ =	swait.ge [sflag:s21], $0x4000  }
0x27d: {  	[sflag:s21] =	ssyncset.done $0x0  }
0x27e: {  	[sflag:s21] =	ssyncadd.s32 $0xFFFFC000  }
0x27f: {  	[tilespmem:s23], [sflag:$0x1] =	stream.indirect.gather [hbm4b:s3+s14], $0x80, s0, s14, $0xb8;
	[tilespmem:$0x19480] =	vst v63  }
0x280: {  	s19 =	simm.s32 $0x0;
	s22 =	simm.s32 $0xD00  }
0x281: {  	[tilespmem:s25], [sflag:$0x1] =	stream.indirect.gather [hbm4b:s4+s14], $0x80, s1, s14, $0xb8;
	[tilespmem:$0x19480] =	vst v63  }
0x282: {  	s24 =	simm.s32 $0xF00;
	s26 =	simm.s32 $0x1100;
	s29 =	simm.s32 $0x19300  }
0x283: {  	[tilespmem:s28], [sflag:$0x1] =	stream.indirect.gather [hbm4b:s4+s14], $0x80, s12, s14, $0xb8;
	[tilespmem:$0x19480] =	vst v63  }
.LBB2_8:
0x284: {  	v4 =	vld [tilespmem:s22+$0x0]  }
0x285: {  	v2 =	vld [tilespmem:s24+$0x0];
	_ =	sdelay $0x1  }
0x286: {  	v1 =	vmov s19  }
0x287: {  	v1 =	vshll.u32 v1, $0x7  }
0x288: {  	v1 =	vor.u32 v0, v1;
	v3 =	vand.u32 $0xFFFFFF80, v4  }
0x289: {  	v8 =	vand.u32 $0x7F, v4;
	v9 =	vand.u32 $0xFFFFFF80, v2;
	v35 =	vadd.s32 $0x1, v4  }
0x28a: {  	v14 =	vadd.s32 $0x1, v2;
	v39 =	vadd.s32 $0x2, v4;
	v17 =	vadd.s32 $0x2, v2  }
0x28b: {  	v44 =	vadd.s32 $0x3, v4;
	v20 =	vadd.s32 $0x3, v2;
	v62 =	vadd.s32 $0x4, v4  }
0x28c: {  	v24 =	vadd.s32 $0x4, v2;
	v30 =	vadd.s32 $0x5, v4;
	v32 =	vadd.s32 $0x5, v2  }
0x28d: {  	v3 =	vadd.s32 v1, v3;
	v9 =	vadd.s32 v1, v9;
	v13 =	vand.u32 $0xFFFFFF80, v35  }
0x28e: {  	v15 =	vand.u32 $0xFFFFFF80, v14;
	v14 =	vand.u32 $0x7F, v14;
	v40 =	vand.u32 $0xFFFFFF80, v39  }
0x28f: {  	v18 =	vand.u32 $0xFFFFFF80, v17;
	v17 =	vand.u32 $0x7F, v17;
	v45 =	vand.u32 $0xFFFFFF80, v44  }
0x290: {  	v21 =	vand.u32 $0xFFFFFF80, v20;
	v8 =	vor.u32 v8, v3;
	v3 =	vand.u32 $0x7F, v2  }
0x291: {  	v46 =	vand.u32 $0x7F, v20;
	v23 =	vand.u32 $0xFFFFFF80, v62;
	v9 =	vor.u32 v3, v9;
	v3 =	vld [tilespmem:s26+$0x0]  }
0x292: {  	v25 =	vand.u32 $0xFFFFFF80, v24;
	v31 =	vand.u32 $0xFFFFFF80, v30;
	v33 =	vand.u32 $0xFFFFFF80, v32  }
0x293: {  	v13 =	vadd.s32 v1, v13;
	v15 =	vadd.s32 v1, v15;
	v18 =	vadd.s32 v1, v18  }
0x294: {  	v47 =	vadd.s32 v1, v21;
	v36 =	vor.u32 v14, v15;
	v15 =	vadd.s32 v1, v40  }
0x295: {  	v41 =	vor.u32 v17, v18;
	v18 =	vadd.s32 v1, v45;
	v40 =	vadd.s32 $0x6, v2  }
0x296: {  	v10 =	vand.u32 $0xFFFFFF80, v3;
	v11 =	vand.u32 $0x7F, v3;
	v16 =	vadd.s32 $0x1, v3  }
0x297: {  	v19 =	vadd.s32 $0x2, v3;
	v48 =	vadd.s32 $0x3, v3;
	v26 =	vadd.s32 $0x4, v3  }
0x298: {  	v34 =	vadd.s32 $0x5, v3;
	v10 =	vadd.s32 v1, v10;
	v37 =	vand.u32 $0xFFFFFF80, v16  }
0x299: {  	v38 =	vand.u32 $0x7F, v16;
	v16 =	vand.u32 $0x7F, v39;
	v42 =	vand.u32 $0xFFFFFF80, v19  }
0x29a: {  	v8 =	vld.idx.msk [tilespmem:v8+s16+$0x0], $0xffff;
	v43 =	vand.u32 $0x7F, v19;
	v19 =	vand.u32 $0x7F, v44;
	v10 =	vor.u32 v11, v10  }
0x29b: {  	v9 =	vld.idx.msk [tilespmem:v9+s18+$0x0], $0xffff;
	v22 =	vand.u32 $0xFFFFFF80, v48;
	v20 =	vand.u32 $0x7F, v48;
	v15 =	vor.u32 v16, v15  }
0x29c: {  	v28 =	vand.u32 $0xFFFFFF80, v26;
	v29 =	vand.u32 $0x7F, v26;
	v18 =	vor.u32 v19, v18  }
0x29d: {  	v11 =	vand.u32 $0x7F, v35;
	v14 =	vadd.s32 v1, v37;
	v19 =	vor.u32 v46, v47;
	v16 =	vld.idx.msk [tilespmem:v41+s18+$0x0], $0xffff  }
0x29e: {  	v17 =	vadd.s32 v1, v42;
	v22 =	vadd.s32 v1, v22;
	v11 =	vor.u32 v11, v13;
	v13 =	vld.idx.msk [tilespmem:v36+s18+$0x0], $0xffff  }
0x29f: {  	v37 =	vand.u32 $0x7F, v34;
	v41 =	vand.u32 $0xFFFFFF80, v40;
	v20 =	vor.u32 v20, v22;
	v10 =	vld.idx.msk [tilespmem:v10+s20+$0x0], $0xffff  }
0x2a0: {  	v14 =	vor.u32 v38, v14;
	v17 =	vor.u32 v43, v17;
	v12 =	vmul.f32 v9, v8;
	v15 =	vld.idx.msk [tilespmem:v15+s16+$0x0], $0xffff  }
0x2a1: {  	v36 =	vand.u32 $0xFFFFFF80, v34;
	v38 =	vadd.s32 $0x6, v4;
	v9 =	vmul.f32 v9, v9;
	v50 =	vld.idx.msk [tilespmem:v18+s16+$0x0], $0xffff  }
0x2a2: {  	v22 =	vand.u32 $0x7F, v40;
	v39 =	vand.u32 $0xFFFFFF80, v38;
	v12 =	vadd.f32 $0.0e+00, v12;
	v52 =	vld.idx.msk [tilespmem:v19+s18+$0x0], $0xffff  }
0x2a3: {  	v7 =	vadd.f32 v9, v7;
	v59 =	vmul.f32 v16, v16;
	v19 =	vand.u32 $0x7F, v32;
	v11 =	vld.idx.msk [tilespmem:v11+s16+$0x0], $0xffff  }
0x2a4: {  	v53 =	vmul.f32 v13, v13;
	v57 =	vld.idx.msk [tilespmem:v20+s20+$0x0], $0xffff;
	v20 =	vadd.s32 v1, v33;
	v33 =	vadd.s32 $0x8, v3  }
0x2a5: {  	v14 =	vld.idx.msk [tilespmem:v14+s20+$0x0], $0xffff;
	v35 =	vor.u32 v19, v20;
	v19 =	vadd.s32 v1, v36;
	v20 =	vadd.s32 v1, v39  }
0x2a6: {  	v17 =	vld.idx.msk [tilespmem:v17+s20+$0x0], $0xffff;
	v34 =	vand.u32 $0xFFFFFF80, v33;
	v39 =	vadd.s32 $0x9, v2;
	v49 =	vmul.f32 v10, v8  }
0x2a7: {  	v7 =	vadd.f32 v53, v7;
	v8 =	vmul.f32 v8, v8;
	v10 =	vmul.f32 v10, v10  }
0x2a8: {  	v19 =	vor.u32 v37, v19;
	v55 =	vmul.f32 v16, v15;
	v58 =	vmul.f32 v15, v15  }
0x2a9: {  	v40 =	vand.u32 $0xFFFFFF80, v39;
	v61 =	vmul.f32 v52, v50;
	v9 =	vmul.f32 v50, v50  }
0x2aa: {  	v7 =	vadd.f32 v59, v7;
	v44 =	vmul.f32 v52, v52;
	v51 =	vmul.f32 v14, v11  }
0x2ab: {  	v16 =	vadd.s32 v1, v25;
	v54 =	vmul.f32 v14, v14;
	v56 =	vmul.f32 v17, v15  }
0x2ac: {  	v25 =	vadd.s32 $0x7, v3;
	v60 =	vmul.f32 v17, v17;
	v63 =	vmul.f32 v57, v50  }
0x2ad: {  	v14 =	vadd.s32 v1, v23;
	v15 =	vand.u32 $0x7F, v24;
	v17 =	vand.u32 $0x7F, v30  }
0x2ae: {  	v23 =	vadd.s32 $0x6, v3;
	v47 =	vmul.f32 v57, v57;
	v26 =	vand.u32 $0xFFFFFF80, v25  }
0x2af: {  	v18 =	vand.u32 $0x7F, v25;
	v21 =	vadd.f32 $0.0e+00, v49;
	v5 =	vadd.f32 v8, v5  }
0x2b0: {  	v8 =	vmul.f32 v13, v11;
	v6 =	vadd.f32 v10, v6;
	v11 =	vmul.f32 v11, v11  }
0x2b1: {  	v27 =	vor.u32 v15, v16;
	v15 =	vadd.s32 v1, v28;
	v16 =	vadd.s32 v1, v31  }
0x2b2: {  	v24 =	vand.u32 $0xFFFFFF80, v23;
	v42 =	vand.u32 $0x7F, v23;
	v7 =	vadd.f32 v44, v7  }
0x2b3: {  	v23 =	vadd.s32 $0x7, v2;
	v31 =	vadd.s32 $0x8, v2;
	v15 =	vor.u32 v29, v15  }
0x2b4: {  	v16 =	vor.u32 v17, v16;
	v17 =	vld.idx.msk [tilespmem:v35+s18+$0x0], $0xffff;
	v43 =	vadd.s32 v1, v24;
	v24 =	vand.u32 $0xFFFFFF80, v23  }
0x2b5: {  	v45 =	vld.idx.msk [tilespmem:v19+s20+$0x0], $0xffff;
	v19 =	vadd.s32 v1, v26;
	v32 =	vand.u32 $0xFFFFFF80, v31;
	v35 =	vadd.s32 $0x9, v4  }
0x2b6: {  	v26 =	vadd.s32 $0xA, v2;
	v8 =	vadd.f32 v8, v12;
	v10 =	vadd.f32 v51, v21  }
0x2b7: {  	v5 =	vadd.f32 v11, v5;
	v6 =	vadd.f32 v54, v6;
	v11 =	vand.u32 $0x7F, v62  }
0x2b8: {  	v21 =	vand.u32 $0x7F, v38;
	v46 =	vor.u32 v42, v43;
	v62 =	vadd.s32 $0x7, v4  }
0x2b9: {  	v28 =	vor.u32 v18, v19;
	v19 =	vadd.s32 v1, v32;
	v37 =	vand.u32 $0xFFFFFF80, v35  }
0x2ba: {  	v38 =	vand.u32 $0x7F, v35;
	v11 =	vor.u32 v11, v14;
	v20 =	vor.u32 v21, v20  }
0x2bb: {  	v21 =	vadd.s32 v1, v41;
	v8 =	vadd.f32 v55, v8;
	v10 =	vadd.f32 v56, v10  }
0x2bc: {  	v41 =	vadd.s32 $0x9, v3;
	v5 =	vadd.f32 v58, v5;
	v6 =	vadd.f32 v60, v6  }
0x2bd: {  	v21 =	vor.u32 v22, v21;
	v22 =	vand.u32 $0xFFFFFF80, v62;
	v25 =	vand.u32 $0xFFFFFF80, v41  }
0x2be: {  	v42 =	vand.u32 $0x7F, v41;
	v14 =	vld.idx.msk [tilespmem:v27+s18+$0x0], $0xffff;
	v27 =	vadd.s32 $0x8, v4;
	v8 =	vadd.f32 v61, v8  }
0x2bf: {  	v43 =	vadd.s32 v1, v25;
	v10 =	vadd.f32 v63, v10;
	v5 =	vadd.f32 v9, v5  }
0x2c0: {  	v15 =	vld.idx.msk [tilespmem:v15+s20+$0x0], $0xffff;
	v6 =	vadd.f32 v47, v6;
	v58 =	vmul.f32 v17, v17;
	v60 =	vmul.f32 v45, v45  }
0x2c1: {  	v16 =	vld.idx.msk [tilespmem:v16+s16+$0x0], $0xffff;
	v29 =	vand.u32 $0xFFFFFF80, v27;
	v30 =	vand.u32 $0x7F, v27;
	v27 =	vand.u32 $0xFFFFFF80, v26  }
0x2c2: {  	v56 =	vld.idx.msk [tilespmem:v46+s20+$0x0], $0xffff;
	v18 =	vadd.s32 v1, v29;
	v46 =	vor.u32 v42, v43;
	v42 =	vadd.s32 $0xC, v2  }
0x2c3: {  	v51 =	vld.idx.msk [tilespmem:v20+s16+$0x0], $0xffff;
	v18 =	vor.u32 v30, v18;
	v20 =	vand.u32 $0x7F, v31;
	v30 =	vadd.s32 $0xB, v4  }
0x2c4: {  	v43 =	vand.u32 $0xFFFFFF80, v42;
	v53 =	vld.idx.msk [tilespmem:v21+s18+$0x0], $0xffff;
	v21 =	vand.u32 $0x7F, v33;
	v19 =	vor.u32 v20, v19  }
0x2c5: {  	v32 =	vand.u32 $0xFFFFFF80, v30;
	v50 =	vmul.f32 v14, v14;
	v52 =	vmul.f32 v15, v15  }
0x2c6: {  	v11 =	vld.idx.msk [tilespmem:v11+s16+$0x0], $0xffff;
	v33 =	vand.u32 $0x7F, v30;
	v54 =	vmul.f32 v17, v16;
	v55 =	vmul.f32 v45, v16  }
0x2c7: {  	v57 =	vmul.f32 v16, v16;
	v16 =	vadd.s32 v1, v22;
	v17 =	vand.u32 $0x7F, v23  }
0x2c8: {  	v22 =	vadd.s32 v1, v34;
	v23 =	vand.u32 $0x7F, v39;
	v34 =	vadd.s32 $0xB, v2  }
0x2c9: {  	v7 =	vadd.f32 v50, v7;
	v36 =	vor.u32 v21, v22;
	v21 =	vadd.s32 v1, v37  }
0x2ca: {  	v22 =	vadd.s32 v1, v40;
	v47 =	vmul.f32 v56, v56;
	v35 =	vand.u32 $0xFFFFFF80, v34  }
0x2cb: {  	v20 =	vand.u32 $0x7F, v34;
	v34 =	vadd.s32 $0xD, v3;
	v48 =	vmul.f32 v14, v11  }
0x2cc: {  	v49 =	vmul.f32 v15, v11;
	v11 =	vmul.f32 v11, v11;
	v6 =	vadd.f32 v52, v6  }
0x2cd: {  	v63 =	vmul.f32 v56, v51;
	v13 =	vmul.f32 v51, v51;
	v21 =	vor.u32 v38, v21  }
0x2ce: {  	v22 =	vor.u32 v23, v22;
	v38 =	vadd.s32 $0xC, v4;
	v23 =	vand.u32 $0x7F, v42  }
0x2cf: {  	v42 =	vadd.s32 $0xE, v3;
	v7 =	vadd.f32 v58, v7;
	v61 =	vmul.f32 v53, v51  }
0x2d0: {  	v44 =	vmul.f32 v53, v53;
	v40 =	vand.u32 $0xFFFFFF80, v38;
	v41 =	vand.u32 $0x7F, v38  }
0x2d1: {  	v18 =	vld.idx.msk [tilespmem:v18+s16+$0x0], $0xffff;
	v8 =	vadd.f32 v48, v8;
	v5 =	vadd.f32 v11, v5;
	v11 =	vand.u32 $0x7F, v62  }
0x2d2: {  	v10 =	vadd.f32 v49, v10;
	v6 =	vadd.f32 v60, v6;
	v11 =	vor.u32 v11, v16  }
0x2d3: {  	v56 =	vld.idx.msk [tilespmem:v46+s20+$0x0], $0xffff;
	v16 =	vadd.s32 v1, v24;
	v7 =	vadd.f32 v44, v7;
	v8 =	vadd.f32 v54, v8  }
0x2d4: {  	v45 =	vld.idx.msk [tilespmem:v19+s18+$0x0], $0xffff;
	v44 =	vadd.s32 $0xC, v3;
	v59 =	vadd.f32 v55, v10;
	v5 =	vadd.f32 v57, v5  }
0x2d5: {  	v16 =	vor.u32 v17, v16;
	v17 =	vld.idx.msk [tilespmem:v28+s20+$0x0], $0xffff;
	v6 =	vadd.f32 v47, v6;
	v28 =	vadd.s32 $0xA, v3  }
0x2d6: {  	v48 =	vld.idx.msk [tilespmem:v36+s20+$0x0], $0xffff;
	v36 =	vadd.s32 $0xB, v3;
	v46 =	vand.u32 $0x7F, v44;
	v58 =	vmul.f32 v18, v18  }
0x2d7: {  	v52 =	vld.idx.msk [tilespmem:v21+s16+$0x0], $0xffff;
	v29 =	vand.u32 $0xFFFFFF80, v28;
	v37 =	vand.u32 $0xFFFFFF80, v36;
	v21 =	vand.u32 $0x7F, v36  }
0x2d8: {  	v36 =	vadd.s32 $0xE, v4;
	v8 =	vadd.f32 v61, v8;
	v9 =	vadd.f32 v63, v59  }
0x2d9: {  	v5 =	vadd.f32 v13, v5;
	v55 =	vmul.f32 v45, v18;
	v59 =	vmul.f32 v45, v45  }
0x2da: {  	v54 =	vld.idx.msk [tilespmem:v22+s18+$0x0], $0xffff;
	v61 =	vadd.s32 $0xA, v4;
	v19 =	vadd.s32 v1, v29;
	v22 =	vadd.s32 v1, v37  }
0x2db: {  	v45 =	vand.u32 $0xFFFFFF80, v44;
	v13 =	vmul.f32 v56, v56;
	v38 =	vand.u32 $0xFFFFFF80, v36  }
0x2dc: {  	v44 =	vand.u32 $0x7F, v42;
	v25 =	vand.u32 $0xFFFFFF80, v61;
	v10 =	vand.u32 $0x7F, v61  }
0x2dd: {  	v39 =	vor.u32 v21, v22;
	v21 =	vadd.s32 v1, v40;
	v22 =	vadd.s32 v1, v43  }
0x2de: {  	v47 =	vadd.s32 v1, v45;
	v40 =	vadd.s32 $0xE, v2;
	v43 =	vand.u32 $0xFFFFFF80, v42  }
0x2df: {  	v42 =	vadd.s32 $0x12, v4;
	v14 =	vadd.s32 v1, v25;
	v21 =	vor.u32 v41, v21  }
0x2e0: {  	v22 =	vor.u32 v23, v22;
	v41 =	vand.u32 $0xFFFFFF80, v40;
	v45 =	vadd.s32 v1, v43  }
0x2e1: {  	v25 =	vadd.s32 $0xF, v3;
	v53 =	vmul.f32 v17, v17;
	v57 =	vmul.f32 v48, v18  }
0x2e2: {  	v60 =	vmul.f32 v48, v48;
	v10 =	vor.u32 v10, v14;
	v14 =	vadd.s32 v1, v27  }
0x2e3: {  	v18 =	vand.u32 $0x7F, v28;
	v28 =	vadd.s32 $0xD, v4;
	v27 =	vadd.s32 $0x10, v4  }
0x2e4: {  	v11 =	vld.idx.msk [tilespmem:v11+s16+$0x0], $0xffff;
	v62 =	vmul.f32 v54, v52;
	v63 =	vmul.f32 v56, v52;
	v31 =	vor.u32 v18, v19  }
0x2e5: {  	v16 =	vld.idx.msk [tilespmem:v16+s18+$0x0], $0xffff;
	v18 =	vadd.s32 v1, v32;
	v19 =	vadd.s32 v1, v35;
	v48 =	vmul.f32 v52, v52  }
0x2e6: {  	v32 =	vadd.s32 $0xD, v2;
	v35 =	vand.u32 $0xFFFFFF80, v34;
	v6 =	vadd.f32 v53, v6  }
0x2e7: {  	v18 =	vor.u32 v33, v18;
	v19 =	vor.u32 v20, v19;
	v33 =	vand.u32 $0xFFFFFF80, v32  }
0x2e8: {  	v20 =	vand.u32 $0x7F, v34;
	v34 =	vadd.s32 $0x11, v4;
	v52 =	vld.idx.msk [tilespmem:v39+s20+$0x0], $0xffff;
	v39 =	vand.u32 $0x7F, v36  }
0x2e9: {  	v36 =	vand.u32 $0xFFFFFF80, v34;
	v50 =	vmul.f32 v17, v11;
	v6 =	vadd.f32 v60, v6  }
0x2ea: {  	v17 =	vand.u32 $0x7F, v26;
	v26 =	vand.u32 $0xFFFFFF80, v25;
	v49 =	vmul.f32 v16, v11  }
0x2eb: {  	v11 =	vmul.f32 v11, v11;
	v51 =	vmul.f32 v16, v16;
	v14 =	vor.u32 v17, v14  }
0x2ec: {  	v9 =	vadd.f32 v50, v9;
	v50 =	vor.u32 v46, v47;
	v6 =	vadd.f32 v13, v6  }
0x2ed: {  	v17 =	vld.idx.msk [tilespmem:v31+s20+$0x0], $0xffff;
	v31 =	vand.u32 $0xFFFFFF80, v28;
	v47 =	vor.u32 v44, v45;
	v44 =	vand.u32 $0xFFFFFF80, v42  }
0x2ee: {  	v45 =	vand.u32 $0x7F, v42;
	v42 =	vadd.s32 $0x15, v4;
	v8 =	vadd.f32 v49, v8  }
0x2ef: {  	v10 =	vld.idx.msk [tilespmem:v10+s16+$0x0], $0xffff;
	v5 =	vadd.f32 v11, v5;
	v7 =	vadd.f32 v51, v7;
	v51 =	vmul.f32 v54, v54  }
0x2f0: {  	v49 =	vld.idx.msk [tilespmem:v19+s18+$0x0], $0xffff;
	v19 =	vand.u32 $0x7F, v32;
	v32 =	vadd.s32 $0x10, v3;
	v9 =	vadd.f32 v57, v9  }
0x2f1: {  	v57 =	vld.idx.msk [tilespmem:v22+s18+$0x0], $0xffff;
	v22 =	vand.u32 $0x7F, v40;
	v40 =	vadd.s32 $0x11, v3;
	v8 =	vadd.f32 v55, v8  }
0x2f2: {  	v5 =	vadd.f32 v58, v5;
	v7 =	vadd.f32 v59, v7;
	v55 =	vld.idx.msk [tilespmem:v21+s16+$0x0], $0xffff;
	v21 =	vadd.s32 v1, v35  }
0x2f3: {  	v18 =	vld.idx.msk [tilespmem:v18+s16+$0x0], $0xffff;
	v9 =	vadd.f32 v63, v9;
	v63 =	vmul.f32 v52, v52;
	v37 =	vor.u32 v20, v21  }
0x2f4: {  	v20 =	vadd.s32 v1, v38;
	v21 =	vadd.s32 v1, v41;
	v38 =	vadd.s32 $0x11, v2  }
0x2f5: {  	v41 =	vand.u32 $0xFFFFFF80, v40;
	v8 =	vadd.f32 v62, v8;
	v5 =	vadd.f32 v48, v5  }
0x2f6: {  	v54 =	vmul.f32 v17, v10;
	v7 =	vadd.f32 v51, v7;
	v58 =	vmul.f32 v17, v17  }
0x2f7: {  	v20 =	vor.u32 v39, v20;
	v21 =	vor.u32 v22, v21;
	v51 =	vadd.s32 $0xF, v2  }
0x2f8: {  	v14 =	vld.idx.msk [tilespmem:v14+s18+$0x0], $0xffff;
	v39 =	vand.u32 $0xFFFFFF80, v38;
	v59 =	vmul.f32 v49, v18;
	v61 =	vmul.f32 v52, v18  }
0x2f9: {  	v22 =	vadd.s32 v1, v41;
	v18 =	vmul.f32 v18, v18;
	v62 =	vmul.f32 v49, v49  }
0x2fa: {  	v49 =	vadd.s32 $0xF, v4;
	v52 =	vand.u32 $0xFFFFFF80, v51;
	v9 =	vadd.f32 v54, v9  }
0x2fb: {  	v60 =	vld.idx.msk [tilespmem:v50+s20+$0x0], $0xffff;
	v6 =	vadd.f32 v58, v6;
	v50 =	vand.u32 $0xFFFFFF80, v49;
	v13 =	vmul.f32 v57, v57  }
0x2fc: {  	v16 =	vand.u32 $0x7F, v49;
	v29 =	vmul.f32 v57, v55;
	v12 =	vmul.f32 v55, v55  }
0x2fd: {  	v54 =	vadd.s32 v1, v52;
	v53 =	vmul.f32 v14, v10;
	v10 =	vmul.f32 v10, v10  }
0x2fe: {  	v56 =	vmul.f32 v14, v14;
	v9 =	vadd.f32 v61, v9;
	v14 =	vand.u32 $0x7F, v28  }
0x2ff: {  	v6 =	vadd.f32 v63, v6;
	v48 =	vld.idx.msk [tilespmem:v37+s20+$0x0], $0xffff;
	v37 =	vand.u32 $0x7F, v34;
	v34 =	vadd.s32 $0x14, v4  }
0x300: {  	v30 =	vmul.f32 v60, v55;
	v17 =	vmul.f32 v60, v60;
	v8 =	vadd.f32 v53, v8  }
0x301: {  	v20 =	vld.idx.msk [tilespmem:v20+s16+$0x0], $0xffff;
	v5 =	vadd.f32 v10, v5;
	v7 =	vadd.f32 v56, v7;
	v53 =	vand.u32 $0x7F, v51  }
0x302: {  	v21 =	vld.idx.msk [tilespmem:v21+s18+$0x0], $0xffff;
	v9 =	vadd.f32 v30, v9;
	v6 =	vadd.f32 v17, v6;
	v30 =	vadd.s32 $0x10, v2  }
0x303: {  	v11 =	vld.idx.msk [tilespmem:v47+s20+$0x0], $0xffff;
	v8 =	vadd.f32 v59, v8;
	v5 =	vadd.f32 v18, v5;
	v18 =	vadd.s32 v1, v31  }
0x304: {  	v7 =	vadd.f32 v62, v7;
	v31 =	vand.u32 $0xFFFFFF80, v30;
	v17 =	vand.u32 $0x7F, v30  }
0x305: {  	v30 =	vadd.s32 $0x13, v2;
	v14 =	vor.u32 v14, v18;
	v18 =	vadd.s32 v1, v33  }
0x306: {  	v58 =	vmul.f32 v48, v48;
	v33 =	vand.u32 $0xFFFFFF80, v32;
	v18 =	vor.u32 v19, v18  }
0x307: {  	v8 =	vadd.f32 v29, v8;
	v5 =	vadd.f32 v12, v5;
	v59 =	vmul.f32 v21, v20  }
0x308: {  	v7 =	vadd.f32 v13, v7;
	v61 =	vmul.f32 v11, v20;
	v62 =	vmul.f32 v20, v20  }
0x309: {  	v24 =	vmul.f32 v21, v21;
	v11 =	vmul.f32 v11, v11;
	v12 =	vadd.s32 v1, v26  }
0x30a: {  	v29 =	vand.u32 $0xFFFFFF80, v27;
	v13 =	vand.u32 $0x7F, v27;
	v19 =	vadd.s32 v1, v33  }
0x30b: {  	v20 =	vand.u32 $0x7F, v38;
	v21 =	vand.u32 $0x7F, v40;
	v27 =	vadd.s32 $0x13, v4  }
0x30c: {  	v38 =	vadd.s32 $0x14, v2;
	v40 =	vadd.s32 $0x14, v3;
	v6 =	vadd.f32 v58, v6  }
0x30d: {  	v15 =	vadd.s32 v1, v29;
	v43 =	vor.u32 v21, v22;
	v21 =	vadd.s32 v1, v44;
	v14 =	vld.idx.msk [tilespmem:v14+s16+$0x0], $0xffff  }
0x30e: {  	v29 =	vand.u32 $0xFFFFFF80, v27;
	v41 =	vand.u32 $0xFFFFFF80, v40;
	v44 =	vand.u32 $0xFFFFFF80, v42;
	v46 =	vld.idx.msk [tilespmem:v18+s18+$0x0], $0xffff  }
0x30f: {  	v13 =	vor.u32 v13, v15;
	v15 =	vadd.s32 v1, v31;
	v21 =	vor.u32 v45, v21  }
0x310: {  	v31 =	vand.u32 $0xFFFFFF80, v30;
	v45 =	vand.u32 $0x7F, v42;
	v18 =	vadd.s32 v1, v50  }
0x311: {  	v15 =	vor.u32 v17, v15;
	v16 =	vor.u32 v16, v18;
	v18 =	vor.u32 v53, v54  }
0x312: {  	v6 =	vadd.f32 v11, v6;
	v56 =	vmul.f32 v48, v14;
	v57 =	vmul.f32 v14, v14  }
0x313: {  	v48 =	vadd.s32 $0x12, v3;
	v55 =	vmul.f32 v46, v14;
	v10 =	vmul.f32 v46, v46  }
0x314: {  	v46 =	vadd.s32 $0x12, v2;
	v49 =	vand.u32 $0xFFFFFF80, v48;
	v50 =	vand.u32 $0x7F, v48  }
0x315: {  	v58 =	vld.idx.msk [tilespmem:v21+s16+$0x0], $0xffff;
	v48 =	vadd.s32 $0x15, v3;
	v9 =	vadd.f32 v56, v9;
	v5 =	vadd.f32 v57, v5  }
0x316: {  	v63 =	vld.idx.msk [tilespmem:v18+s18+$0x0], $0xffff;
	v18 =	vand.u32 $0x7F, v32;
	v47 =	vand.u32 $0xFFFFFF80, v46;
	v23 =	vand.u32 $0x7F, v46  }
0x317: {  	v51 =	vadd.s32 v1, v49;
	v32 =	vadd.s32 $0x13, v3;
	v46 =	vadd.s32 $0x15, v2  }
0x318: {  	v13 =	vld.idx.msk [tilespmem:v13+s16+$0x0], $0xffff;
	v49 =	vand.u32 $0xFFFFFF80, v48;
	v8 =	vadd.f32 v55, v8;
	v7 =	vadd.f32 v10, v7  }
0x319: {  	v15 =	vld.idx.msk [tilespmem:v15+s18+$0x0], $0xffff;
	v10 =	vand.u32 $0x7F, v25;
	v35 =	vor.u32 v18, v19;
	v18 =	vadd.s32 v1, v36  }
0x31a: {  	v19 =	vadd.s32 v1, v39;
	v22 =	vadd.s32 v1, v47;
	v14 =	vmul.f32 v58, v58  }
0x31b: {  	v33 =	vand.u32 $0xFFFFFF80, v32;
	v36 =	vand.u32 $0xFFFFFF80, v34;
	v39 =	vand.u32 $0xFFFFFF80, v38  }
0x31c: {  	v60 =	vld.idx.msk [tilespmem:v16+s16+$0x0], $0xffff;
	v47 =	vand.u32 $0xFFFFFF80, v46;
	v9 =	vadd.f32 v61, v9;
	v10 =	vor.u32 v10, v12  }
0x31d: {  	v55 =	vld.idx.msk [tilespmem:v43+s20+$0x0], $0xffff;
	v5 =	vadd.f32 v62, v5;
	v18 =	vor.u32 v37, v18;
	v19 =	vor.u32 v20, v19  }
0x31e: {  	v22 =	vor.u32 v23, v22;
	v23 =	vor.u32 v50, v51;
	v56 =	vmul.f32 v15, v13  }
0x31f: {  	v61 =	vmul.f32 v15, v15;
	v15 =	vand.u32 $0x7F, v32;
	v16 =	vadd.s32 v1, v33  }
0x320: {  	v37 =	vand.u32 $0x7F, v34;
	v8 =	vadd.f32 v59, v8;
	v59 =	vmul.f32 v13, v13;
	v17 =	vld.idx.msk [tilespmem:v35+s20+$0x0], $0xffff  }
0x321: {  	v50 =	vadd.s32 $0x16, v4;
	v28 =	vmul.f32 v63, v60;
	v53 =	vmul.f32 v60, v60;
	v10 =	vld.idx.msk [tilespmem:v10+s20+$0x0], $0xffff  }
0x322: {  	v7 =	vadd.f32 v24, v7;
	v54 =	vmul.f32 v63, v63;
	v24 =	vmul.f32 v55, v55;
	v18 =	vld.idx.msk [tilespmem:v18+s16+$0x0], $0xffff  }
0x323: {  	v35 =	vor.u32 v15, v16;
	v15 =	vadd.s32 v1, v36;
	v19 =	vld.idx.msk [tilespmem:v19+s18+$0x0], $0xffff;
	v8 =	vadd.f32 v28, v8  }
0x324: {  	v16 =	vadd.s32 v1, v39;
	v5 =	vadd.f32 v53, v5;
	v7 =	vadd.f32 v54, v7  }
0x325: {  	v63 =	vld.idx.msk [tilespmem:v23+s20+$0x0], $0xffff;
	v15 =	vor.u32 v37, v15;
	v53 =	vand.u32 $0x7F, v50;
	v54 =	vadd.s32 $0x16, v2  }
0x326: {  	v8 =	vadd.f32 v56, v8;
	v5 =	vadd.f32 v59, v5;
	v57 =	vmul.f32 v17, v13  }
0x327: {  	v7 =	vadd.f32 v61, v7;
	v62 =	vmul.f32 v17, v17;
	v52 =	vmul.f32 v10, v60  }
0x328: {  	v56 =	vadd.s32 $0x16, v3;
	v10 =	vmul.f32 v10, v10;
	v20 =	vmul.f32 v19, v18  }
0x329: {  	v13 =	vadd.s32 v1, v29;
	v60 =	vld.idx.msk [tilespmem:v22+s18+$0x0], $0xffff;
	v21 =	vmul.f32 v55, v18;
	v22 =	vmul.f32 v18, v18  }
0x32a: {  	v17 =	vand.u32 $0x7F, v38;
	v23 =	vmul.f32 v19, v19;
	v26 =	vmul.f32 v63, v58  }
0x32b: {  	v28 =	vmul.f32 v63, v63;
	v18 =	vand.u32 $0x7F, v40;
	v19 =	vadd.s32 v1, v41  }
0x32c: {  	v16 =	vor.u32 v17, v16;
	v55 =	vand.u32 $0xFFFFFF80, v54;
	v41 =	vadd.s32 $0x17, v4  }
0x32d: {  	v43 =	vor.u32 v18, v19;
	v18 =	vadd.s32 v1, v44;
	v9 =	vadd.f32 v52, v9  }
0x32e: {  	v19 =	vadd.s32 v1, v47;
	v6 =	vadd.f32 v10, v6;
	v8 =	vadd.f32 v20, v8  }
0x32f: {  	v44 =	vadd.s32 $0x17, v2;
	v5 =	vadd.f32 v22, v5;
	v7 =	vadd.f32 v23, v7  }
0x330: {  	v10 =	vand.u32 $0x7F, v27;
	v18 =	vor.u32 v45, v18;
	v20 =	vand.u32 $0x7F, v46  }
0x331: {  	v22 =	vadd.s32 v1, v49;
	v52 =	vand.u32 $0xFFFFFF80, v50;
	v23 =	vand.u32 $0x7F, v54  }
0x332: {  	v45 =	vand.u32 $0xFFFFFF80, v44;
	v46 =	vadd.s32 $0x17, v3;
	v50 =	vadd.s32 $0x18, v4  }
0x333: {  	v15 =	vld.idx.msk [tilespmem:v15+s16+$0x0], $0xffff;
	v54 =	vadd.s32 $0x18, v3;
	v10 =	vor.u32 v10, v13;
	v13 =	vadd.s32 v1, v31  }
0x334: {  	v19 =	vor.u32 v20, v19;
	v49 =	vand.u32 $0x7F, v46;
	v9 =	vadd.f32 v57, v9  }
0x335: {  	v6 =	vadd.f32 v62, v6;
	v5 =	vadd.f32 v14, v5;
	v14 =	vand.u32 $0x7F, v30  }
0x336: {  	v57 =	vand.u32 $0xFFFFFF80, v56;
	v25 =	vmul.f32 v60, v58;
	v11 =	vmul.f32 v60, v60  }
0x337: {  	v13 =	vor.u32 v14, v13;
	v58 =	vand.u32 $0x7F, v56;
	v59 =	vadd.s32 v1, v57  }
0x338: {  	v29 =	vmul.f32 v15, v15;
	v56 =	vand.u32 $0xFFFFFF80, v54;
	v57 =	vand.u32 $0x7F, v54  }
0x339: {  	v14 =	vld.idx.msk [tilespmem:v35+s20+$0x0], $0xffff;
	v54 =	vadd.s32 $0x1B, v4;
	v9 =	vadd.f32 v21, v9;
	v6 =	vadd.f32 v24, v6  }
0x33a: {  	v21 =	vand.u32 $0x7F, v48;
	v17 =	vld.idx.msk [tilespmem:v43+s20+$0x0], $0xffff;
	v43 =	vand.u32 $0xFFFFFF80, v41;
	v48 =	vand.u32 $0xFFFFFF80, v46  }
0x33b: {  	v16 =	vld.idx.msk [tilespmem:v16+s18+$0x0], $0xffff;
	v8 =	vadd.f32 v25, v8;
	v51 =	vor.u32 v21, v22;
	v21 =	vadd.s32 v1, v52  }
0x33c: {  	v22 =	vadd.s32 v1, v55;
	v7 =	vadd.f32 v11, v7;
	v11 =	vand.u32 $0x7F, v41  }
0x33d: {  	v18 =	vld.idx.msk [tilespmem:v18+s16+$0x0], $0xffff;
	v52 =	vadd.s32 $0x18, v2;
	v9 =	vadd.f32 v26, v9;
	v21 =	vor.u32 v53, v21  }
0x33e: {  	v10 =	vld.idx.msk [tilespmem:v10+s16+$0x0], $0xffff;
	v22 =	vor.u32 v23, v22;
	v23 =	vor.u32 v58, v59;
	v6 =	vadd.f32 v28, v6  }
0x33f: {  	v19 =	vld.idx.msk [tilespmem:v19+s18+$0x0], $0xffff;
	v53 =	vand.u32 $0xFFFFFF80, v52;
	v58 =	vadd.s32 $0x19, v4;
	v63 =	vmul.f32 v14, v14  }
0x340: {  	v59 =	vand.u32 $0xFFFFFF80, v58;
	v13 =	vld.idx.msk [tilespmem:v13+s18+$0x0], $0xffff;
	v25 =	vmul.f32 v16, v15;
	v30 =	vmul.f32 v16, v16  }
0x341: {  	v16 =	vand.u32 $0x7F, v50;
	v27 =	vmul.f32 v17, v15;
	v32 =	vmul.f32 v17, v17  }
0x342: {  	v15 =	vadd.s32 v1, v45;
	v17 =	vand.u32 $0x7F, v52;
	v24 =	vld.idx.msk [tilespmem:v51+s20+$0x0], $0xffff;
	v6 =	vadd.f32 v63, v6  }
0x343: {  	v35 =	vmul.f32 v18, v18;
	v51 =	vand.u32 $0xFFFFFF80, v50;
	v61 =	vmul.f32 v14, v10;
	v26 =	vld.idx.msk [tilespmem:v21+s16+$0x0], $0xffff  }
0x344: {  	v28 =	vld.idx.msk [tilespmem:v22+s18+$0x0], $0xffff;
	v33 =	vmul.f32 v19, v18;
	v36 =	vmul.f32 v19, v19;
	v19 =	vand.u32 $0x7F, v58  }
0x345: {  	v31 =	vld.idx.msk [tilespmem:v23+s20+$0x0], $0xffff;
	v58 =	vadd.s32 $0x1B, v3;
	v60 =	vmul.f32 v13, v10;
	v10 =	vmul.f32 v10, v10  }
0x346: {  	v6 =	vadd.f32 v32, v6;
	v62 =	vmul.f32 v13, v13;
	v9 =	vadd.f32 v61, v9  }
0x347: {  	v13 =	vadd.s32 v1, v43;
	v8 =	vadd.f32 v60, v8;
	v5 =	vadd.f32 v10, v5  }
0x348: {  	v11 =	vor.u32 v11, v13;
	v7 =	vadd.f32 v62, v7;
	v9 =	vadd.f32 v27, v9  }
0x349: {  	v34 =	vmul.f32 v24, v18;
	v14 =	vmul.f32 v24, v24;
	v18 =	vadd.s32 v1, v53  }
0x34a: {  	v60 =	vadd.s32 $0x19, v2;
	v37 =	vmul.f32 v28, v26;
	v38 =	vmul.f32 v31, v26  }
0x34b: {  	v62 =	vadd.s32 $0x19, v3;
	v39 =	vmul.f32 v26, v26;
	v40 =	vmul.f32 v28, v28  }
0x34c: {  	v42 =	vmul.f32 v31, v31;
	v55 =	vor.u32 v17, v18;
	v17 =	vadd.s32 v1, v56  }
0x34d: {  	v18 =	vadd.s32 v1, v59;
	v61 =	vand.u32 $0xFFFFFF80, v60;
	v20 =	vand.u32 $0x7F, v60  }
0x34e: {  	v27 =	vand.u32 $0xFFFFFF80, v62;
	v28 =	vand.u32 $0x7F, v62;
	v31 =	vadd.s32 $0x1A, v2  }
0x34f: {  	v56 =	vadd.s32 $0x1B, v2;
	v59 =	vand.u32 $0xFFFFFF80, v58;
	v60 =	vadd.s32 $0x1C, v4  }
0x350: {  	v62 =	vadd.s32 $0x1C, v2;
	v8 =	vadd.f32 v25, v8;
	v5 =	vadd.f32 v29, v5  }
0x351: {  	v26 =	vadd.s32 $0x1D, v4;
	v7 =	vadd.f32 v30, v7;
	v9 =	vadd.f32 v34, v9  }
0x352: {  	v6 =	vadd.f32 v14, v6;
	v14 =	vand.u32 $0x7F, v44;
	v17 =	vor.u32 v57, v17  }
0x353: {  	v21 =	vadd.s32 v1, v61;
	v18 =	vor.u32 v19, v18;
	v29 =	vadd.s32 $0x1A, v4  }
0x354: {  	v32 =	vand.u32 $0xFFFFFF80, v31;
	v23 =	vand.u32 $0x7F, v31;
	v57 =	vand.u32 $0xFFFFFF80, v56  }
0x355: {  	v61 =	vand.u32 $0xFFFFFF80, v60;
	v47 =	vor.u32 v14, v15;
	v14 =	vadd.s32 v1, v48  }
0x356: {  	v15 =	vadd.s32 v1, v51;
	v63 =	vor.u32 v20, v21;
	v20 =	vadd.s32 v1, v27  }
0x357: {  	v30 =	vand.u32 $0xFFFFFF80, v29;
	v22 =	vand.u32 $0x7F, v29;
	v24 =	vadd.s32 v1, v32  }
0x358: {  	v27 =	vand.u32 $0xFFFFFF80, v26;
	v8 =	vadd.f32 v33, v8;
	v5 =	vadd.f32 v35, v5  }
0x359: {  	v32 =	vadd.s32 $0x1D, v3;
	v7 =	vadd.f32 v36, v7;
	v9 =	vadd.f32 v38, v9  }
0x35a: {  	v14 =	vor.u32 v49, v14;
	v15 =	vor.u32 v16, v15;
	v11 =	vld.idx.msk [tilespmem:v11+s16+$0x0], $0xffff;
	v20 =	vor.u32 v28, v20  }
0x35b: {  	v21 =	vadd.s32 v1, v30;
	v33 =	vadd.s32 $0x1A, v3;
	v34 =	vor.u32 v23, v24;
	v16 =	vld.idx.msk [tilespmem:v55+s18+$0x0], $0xffff  }
0x35c: {  	v6 =	vadd.f32 v42, v6;
	v24 =	vadd.s32 $0x1C, v3;
	v19 =	vadd.s32 v1, v27;
	v17 =	vld.idx.msk [tilespmem:v17+s20+$0x0], $0xffff  }
0x35d: {  	v28 =	vadd.s32 $0x1D, v2;
	v21 =	vor.u32 v22, v21;
	v35 =	vand.u32 $0xFFFFFF80, v33;
	v18 =	vld.idx.msk [tilespmem:v18+s16+$0x0], $0xffff  }
0x35e: {  	v25 =	vand.u32 $0x7F, v33;
	v22 =	vand.u32 $0xFFFFFF80, v62;
	v30 =	vand.u32 $0xFFFFFF80, v28;
	v13 =	vld.idx.msk [tilespmem:v47+s18+$0x0], $0xffff  }
0x35f: {  	v31 =	vand.u32 $0x7F, v28;
	v33 =	vand.u32 $0xFFFFFF80, v32;
	v5 =	vadd.f32 v39, v5;
	v39 =	vld.idx.msk [tilespmem:v63+s18+$0x0], $0xffff  }
0x360: {  	v8 =	vadd.f32 v37, v8;
	v23 =	vadd.s32 v1, v35;
	v7 =	vadd.f32 v40, v7;
	v14 =	vld.idx.msk [tilespmem:v14+s20+$0x0], $0xffff  }
0x361: {  	v55 =	vand.u32 $0xFFFFFF80, v54;
	v37 =	vor.u32 v25, v23;
	v15 =	vld.idx.msk [tilespmem:v15+s16+$0x0], $0xffff;
	v45 =	vmul.f32 v16, v16  }
0x362: {  	v23 =	vand.u32 $0x7F, v62;
	v46 =	vmul.f32 v17, v17;
	v49 =	vmul.f32 v18, v18  }
0x363: {  	v25 =	vand.u32 $0xFFFFFF80, v24;
	v40 =	vld.idx.msk [tilespmem:v20+s20+$0x0], $0xffff;
	v36 =	vmul.f32 v13, v11;
	v13 =	vmul.f32 v13, v13  }
0x364: {  	v44 =	vld.idx.msk [tilespmem:v34+s18+$0x0], $0xffff;
	v34 =	vadd.s32 $0x1E, v4;
	v47 =	vmul.f32 v39, v18;
	v12 =	vmul.f32 v39, v39  }
0x365: {  	v20 =	vand.u32 $0x7F, v32;
	v38 =	vmul.f32 v14, v11;
	v11 =	vmul.f32 v11, v11  }
0x366: {  	v4 =	vadd.s32 $0x1F, v4;
	v21 =	vld.idx.msk [tilespmem:v21+s16+$0x0], $0xffff;
	v14 =	vmul.f32 v14, v14;
	v41 =	vmul.f32 v16, v15  }
0x367: {  	v35 =	vand.u32 $0xFFFFFF80, v34;
	v42 =	vmul.f32 v17, v15;
	v43 =	vmul.f32 v15, v15  }
0x368: {  	v48 =	vmul.f32 v40, v18;
	v50 =	vmul.f32 v40, v40;
	v15 =	vand.u32 $0x7F, v60  }
0x369: {  	v16 =	vadd.s32 v1, v61;
	v17 =	vand.u32 $0x7F, v24;
	v18 =	vand.u32 $0x7F, v26  }
0x36a: {  	v40 =	vadd.s32 $0x1E, v3;
	v3 =	vadd.s32 $0x1F, v3;
	v8 =	vadd.f32 v36, v8  }
0x36b: {  	v7 =	vadd.f32 v13, v7;
	v51 =	vmul.f32 v44, v21;
	v53 =	vmul.f32 v21, v21  }
0x36c: {  	v13 =	vand.u32 $0x7F, v56;
	v63 =	vor.u32 v15, v16;
	v15 =	vadd.s32 v1, v22  }
0x36d: {  	v16 =	vadd.s32 v1, v25;
	v29 =	vor.u32 v18, v19;
	v18 =	vadd.s32 v1, v30  }
0x36e: {  	v19 =	vadd.s32 v1, v33;
	v22 =	vadd.s32 v1, v35;
	v36 =	vadd.s32 $0x1E, v2  }
0x36f: {  	v10 =	vld.idx.msk [tilespmem:v37+s20+$0x0], $0xffff;
	v2 =	vadd.s32 $0x1F, v2;
	v9 =	vadd.f32 v38, v9;
	v5 =	vadd.f32 v11, v5  }
0x370: {  	v6 =	vadd.f32 v14, v6;
	v14 =	vmul.f32 v44, v44;
	v11 =	vadd.s32 v1, v55  }
0x371: {  	v15 =	vor.u32 v23, v15;
	v16 =	vor.u32 v17, v16;
	v18 =	vor.u32 v31, v18  }
0x372: {  	v19 =	vor.u32 v20, v19;
	v38 =	vand.u32 $0xFFFFFF80, v36;
	v39 =	vand.u32 $0x7F, v36  }
0x373: {  	v23 =	vand.u32 $0x7F, v40;
	v8 =	vadd.f32 v41, v8;
	v7 =	vadd.f32 v45, v7  }
0x374: {  	v52 =	vmul.f32 v10, v21;
	v10 =	vmul.f32 v10, v10;
	v21 =	vand.u32 $0x7F, v34  }
0x375: {  	v41 =	vand.u32 $0xFFFFFF80, v40;
	v45 =	vand.u32 $0xFFFFFF80, v3;
	v9 =	vadd.f32 v42, v9  }
0x376: {  	v3 =	vand.u32 $0x7F, v3;
	v5 =	vadd.f32 v43, v5;
	v7 =	vadd.f32 v12, v7  }
0x377: {  	v6 =	vadd.f32 v46, v6;
	v37 =	vor.u32 v21, v22;
	v12 =	vand.u32 $0x7F, v54  }
0x378: {  	v11 =	vor.u32 v12, v11;
	v12 =	vadd.s32 v1, v57;
	v17 =	vld.idx.msk [tilespmem:v29+s16+$0x0], $0xffff;
	v7 =	vadd.f32 v14, v7  }
0x379: {  	v12 =	vor.u32 v13, v12;
	v14 =	vand.u32 $0x7F, v58;
	v13 =	vadd.s32 v1, v59;
	v15 =	vld.idx.msk [tilespmem:v15+s18+$0x0], $0xffff  }
0x37a: {  	v21 =	vadd.s32 v1, v38;
	v22 =	vadd.s32 v1, v41;
	v18 =	vld.idx.msk [tilespmem:v18+s18+$0x0], $0xffff;
	v13 =	vor.u32 v14, v13  }
0x37b: {  	v42 =	vand.u32 $0xFFFFFF80, v4;
	v4 =	vand.u32 $0x7F, v4;
	v43 =	vand.u32 $0xFFFFFF80, v2;
	v19 =	vld.idx.msk [tilespmem:v19+s20+$0x0], $0xffff  }
0x37c: {  	v2 =	vand.u32 $0x7F, v2;
	v8 =	vadd.f32 v47, v8;
	v21 =	vor.u32 v39, v21;
	v14 =	vld.idx.msk [tilespmem:v63+s16+$0x0], $0xffff  }
0x37d: {  	v24 =	vadd.s32 v1, v42;
	v22 =	vor.u32 v23, v22;
	v9 =	vadd.f32 v48, v9;
	v11 =	vld.idx.msk [tilespmem:v11+s16+$0x0], $0xffff  }
0x37e: {  	v23 =	vadd.s32 v1, v43;
	v5 =	vadd.f32 v49, v5;
	v6 =	vadd.f32 v50, v6;
	v12 =	vld.idx.msk [tilespmem:v12+s18+$0x0], $0xffff  }
0x37f: {  	v4 =	vor.u32 v4, v24;
	v2 =	vor.u32 v2, v23;
	v8 =	vadd.f32 v51, v8;
	v13 =	vld.idx.msk [tilespmem:v13+s20+$0x0], $0xffff  }
0x380: {  	v5 =	vadd.f32 v53, v5;
	v55 =	vmul.f32 v17, v17;
	v53 =	vmul.f32 v18, v17  }
0x381: {  	v16 =	vld.idx.msk [tilespmem:v16+s20+$0x0], $0xffff;
	v1 =	vadd.s32 v1, v45;
	v54 =	vmul.f32 v19, v17;
	v58 =	vmul.f32 v18, v18  }
0x382: {  	v9 =	vadd.f32 v52, v9;
	v61 =	vmul.f32 v19, v19;
	v50 =	vmul.f32 v15, v14  }
0x383: {  	v1 =	vor.u32 v3, v1;
	v47 =	vld.idx.msk [tilespmem:v37+s16+$0x0], $0xffff;
	v3 =	vmul.f32 v11, v11;
	v44 =	vmul.f32 v12, v11  }
0x384: {  	v6 =	vadd.f32 v10, v6;
	v49 =	vld.idx.msk [tilespmem:v21+s18+$0x0], $0xffff;
	v48 =	vmul.f32 v12, v12;
	v46 =	vmul.f32 v13, v11  }
0x385: {  	v51 =	vld.idx.msk [tilespmem:v22+s20+$0x0], $0xffff;
	v3 =	vadd.f32 v3, v5;
	v5 =	vmul.f32 v13, v13;
	v8 =	vadd.f32 v44, v8  }
0x386: {  	v4 =	vld.idx.msk [tilespmem:v4+s16+$0x0], $0xffff;
	v52 =	vmul.f32 v16, v14;
	v7 =	vadd.f32 v48, v7;
	v9 =	vadd.f32 v46, v9  }
0x387: {  	v2 =	vld.idx.msk [tilespmem:v2+s18+$0x0], $0xffff;
	v5 =	vadd.f32 v5, v6;
	v6 =	vadd.f32 v50, v8;
	v8 =	vmul.f32 v15, v15  }
0x388: {  	v14 =	vmul.f32 v14, v14;
	v1 =	vld.idx.msk [tilespmem:v1+s20+$0x0], $0xffff;
	v10 =	vmul.f32 v47, v47  }
0x389: {  	v9 =	vadd.f32 v52, v9;
	v7 =	vadd.f32 v8, v7;
	v8 =	vmul.f32 v16, v16  }
0x38a: {  	v56 =	vmul.f32 v49, v47;
	v3 =	vadd.f32 v14, v3;
	v6 =	vadd.f32 v53, v6  }
0x38b: {  	v57 =	vmul.f32 v51, v47;
	v5 =	vadd.f32 v8, v5;
	v8 =	vadd.f32 v54, v9  }
0x38c: {  	v62 =	vmul.f32 v49, v49;
	v59 =	vmul.f32 v2, v4;
	v6 =	vadd.f32 v56, v6  }
0x38d: {  	v60 =	vmul.f32 v1, v4;
	v3 =	vadd.f32 v55, v3;
	v8 =	vadd.f32 v57, v8  }
0x38e: {  	p0 =	sne.s32 s19, $0x70;
	v63 =	vmul.f32 v51, v51;
	v7 =	vadd.f32 v58, v7;
	v6 =	vadd.f32 v59, v6  }
.Ltmp3:
0x38f: {  	v2 =	vmul.f32 v2, v2;
	v5 =	vadd.f32 v61, v5;
	v8 =	vadd.f32 v60, v8;
	(pc) =	sbr.rel @p0 .LBB2_8-.Ltmp3, $4  }
0x390: {  	v4 =	vmul.f32 v4, v4;
	v3 =	vadd.f32 v10, v3;
	v7 =	vadd.f32 v62, v7  }
0x391: {  	v1 =	vmul.f32 v1, v1;
	v6 =	vsub.f32 v6, v8;
	v8 =	vadd.f32 v63, v5  }
0x392: {  	s22 =	sadd.s32 $0x10, s22;
	s24 =	sadd.s32 $0x10, s24;
	v7 =	vadd.f32 v2, v7  }
0x393: {  	s19 =	sadd.s32 $0x10, s19;
	s26 =	sadd.s32 $0x10, s26;
	v5 =	vadd.f32 v4, v3;
	[tilespmem:s29+$0x0] =	vst v6;
	v6 =	vadd.f32 v1, v8;
	s29 =	sadd.s32 $0x10, s29  }
0x394: {  	_ =	swait.ge [sflag:s21], $0x4000  }
0x395: {  	[sflag:s21] =	ssyncset.done $0x0  }
0x396: {  	[sflag:s21] =	ssyncadd.s32 $0xFFFFC000  }
0x397: {  	_ =	swait.ge [sflag:s21], $0x4000  }
0x398: {  	[sflag:s21] =	ssyncset.done $0x0  }
0x399: {  	[sflag:s21] =	ssyncadd.s32 $0xFFFFC000  }
0x39a: {  	s19 =	simm.s32 $0x0;
	_ =	swait.ge [sflag:s21], $0x4000  }
0x39b: {  	s22 =	simm.s32 $0xD80;
	s24 =	simm.s32 $0xF80;
	[sflag:s21] =	ssyncset.done $0x0  }
0x39c: {  	s26 =	simm.s32 $0x1180;
	s29 =	simm.s32 $0x19380;
	[sflag:s21] =	ssyncadd.s32 $0xFFFFC000  }
.LBB2_10:
0x39d: {  	v4 =	vld [tilespmem:s22+$0x0]  }
0x39e: {  	v2 =	vld [tilespmem:s24+$0x0];
	_ =	sdelay $0x1  }
0x39f: {  	v1 =	vmov s19  }
0x3a0: {  	v1 =	vshll.u32 v1, $0x7  }
0x3a1: {  	v1 =	vor.u32 v0, v1;
	v3 =	vand.u32 $0xFFFFFF80, v4  }
0x3a2: {  	v8 =	vand.u32 $0x7F, v4;
	v9 =	vand.u32 $0xFFFFFF80, v2;
	v35 =	vadd.s32 $0x1, v4  }
0x3a3: {  	v14 =	vadd.s32 $0x1, v2;
	v39 =	vadd.s32 $0x2, v4;
	v17 =	vadd.s32 $0x2, v2  }
0x3a4: {  	v44 =	vadd.s32 $0x3, v4;
	v20 =	vadd.s32 $0x3, v2;
	v62 =	vadd.s32 $0x4, v4  }
0x3a5: {  	v24 =	vadd.s32 $0x4, v2;
	v30 =	vadd.s32 $0x5, v4;
	v32 =	vadd.s32 $0x5, v2  }
0x3a6: {  	v3 =	vadd.s32 v1, v3;
	v9 =	vadd.s32 v1, v9;
	v13 =	vand.u32 $0xFFFFFF80, v35  }
0x3a7: {  	v15 =	vand.u32 $0xFFFFFF80, v14;
	v14 =	vand.u32 $0x7F, v14;
	v40 =	vand.u32 $0xFFFFFF80, v39  }
0x3a8: {  	v18 =	vand.u32 $0xFFFFFF80, v17;
	v17 =	vand.u32 $0x7F, v17;
	v45 =	vand.u32 $0xFFFFFF80, v44  }
0x3a9: {  	v21 =	vand.u32 $0xFFFFFF80, v20;
	v8 =	vor.u32 v8, v3;
	v3 =	vand.u32 $0x7F, v2  }
0x3aa: {  	v46 =	vand.u32 $0x7F, v20;
	v23 =	vand.u32 $0xFFFFFF80, v62;
	v9 =	vor.u32 v3, v9;
	v3 =	vld [tilespmem:s26+$0x0]  }
0x3ab: {  	v25 =	vand.u32 $0xFFFFFF80, v24;
	v31 =	vand.u32 $0xFFFFFF80, v30;
	v33 =	vand.u32 $0xFFFFFF80, v32  }
0x3ac: {  	v13 =	vadd.s32 v1, v13;
	v15 =	vadd.s32 v1, v15;
	v18 =	vadd.s32 v1, v18  }
0x3ad: {  	v47 =	vadd.s32 v1, v21;
	v36 =	vor.u32 v14, v15;
	v15 =	vadd.s32 v1, v40  }
0x3ae: {  	v41 =	vor.u32 v17, v18;
	v18 =	vadd.s32 v1, v45;
	v40 =	vadd.s32 $0x6, v2  }
0x3af: {  	v10 =	vand.u32 $0xFFFFFF80, v3;
	v11 =	vand.u32 $0x7F, v3;
	v16 =	vadd.s32 $0x1, v3  }
0x3b0: {  	v19 =	vadd.s32 $0x2, v3;
	v48 =	vadd.s32 $0x3, v3;
	v26 =	vadd.s32 $0x4, v3  }
0x3b1: {  	v34 =	vadd.s32 $0x5, v3;
	v10 =	vadd.s32 v1, v10;
	v37 =	vand.u32 $0xFFFFFF80, v16  }
0x3b2: {  	v38 =	vand.u32 $0x7F, v16;
	v16 =	vand.u32 $0x7F, v39;
	v42 =	vand.u32 $0xFFFFFF80, v19  }
0x3b3: {  	v8 =	vld.idx.msk [tilespmem:v8+s23+$0x0], $0xffff;
	v43 =	vand.u32 $0x7F, v19;
	v19 =	vand.u32 $0x7F, v44;
	v10 =	vor.u32 v11, v10  }
0x3b4: {  	v9 =	vld.idx.msk [tilespmem:v9+s25+$0x0], $0xffff;
	v22 =	vand.u32 $0xFFFFFF80, v48;
	v20 =	vand.u32 $0x7F, v48;
	v15 =	vor.u32 v16, v15  }
0x3b5: {  	v28 =	vand.u32 $0xFFFFFF80, v26;
	v29 =	vand.u32 $0x7F, v26;
	v18 =	vor.u32 v19, v18  }
0x3b6: {  	v11 =	vand.u32 $0x7F, v35;
	v14 =	vadd.s32 v1, v37;
	v19 =	vor.u32 v46, v47;
	v16 =	vld.idx.msk [tilespmem:v41+s25+$0x0], $0xffff  }
0x3b7: {  	v17 =	vadd.s32 v1, v42;
	v22 =	vadd.s32 v1, v22;
	v11 =	vor.u32 v11, v13;
	v13 =	vld.idx.msk [tilespmem:v36+s25+$0x0], $0xffff  }
0x3b8: {  	v37 =	vand.u32 $0x7F, v34;
	v41 =	vand.u32 $0xFFFFFF80, v40;
	v20 =	vor.u32 v20, v22;
	v10 =	vld.idx.msk [tilespmem:v10+s28+$0x0], $0xffff  }
0x3b9: {  	v14 =	vor.u32 v38, v14;
	v17 =	vor.u32 v43, v17;
	v12 =	vmul.f32 v9, v8;
	v15 =	vld.idx.msk [tilespmem:v15+s23+$0x0], $0xffff  }
0x3ba: {  	v36 =	vand.u32 $0xFFFFFF80, v34;
	v38 =	vadd.s32 $0x6, v4;
	v9 =	vmul.f32 v9, v9;
	v50 =	vld.idx.msk [tilespmem:v18+s23+$0x0], $0xffff  }
0x3bb: {  	v22 =	vand.u32 $0x7F, v40;
	v39 =	vand.u32 $0xFFFFFF80, v38;
	v12 =	vadd.f32 $0.0e+00, v12;
	v52 =	vld.idx.msk [tilespmem:v19+s25+$0x0], $0xffff  }
0x3bc: {  	v7 =	vadd.f32 v9, v7;
	v59 =	vmul.f32 v16, v16;
	v19 =	vand.u32 $0x7F, v32;
	v11 =	vld.idx.msk [tilespmem:v11+s23+$0x0], $0xffff  }
0x3bd: {  	v53 =	vmul.f32 v13, v13;
	v57 =	vld.idx.msk [tilespmem:v20+s28+$0x0], $0xffff;
	v20 =	vadd.s32 v1, v33;
	v33 =	vadd.s32 $0x8, v3  }
0x3be: {  	v14 =	vld.idx.msk [tilespmem:v14+s28+$0x0], $0xffff;
	v35 =	vor.u32 v19, v20;
	v19 =	vadd.s32 v1, v36;
	v20 =	vadd.s32 v1, v39  }
0x3bf: {  	v17 =	vld.idx.msk [tilespmem:v17+s28+$0x0], $0xffff;
	v34 =	vand.u32 $0xFFFFFF80, v33;
	v39 =	vadd.s32 $0x9, v2;
	v49 =	vmul.f32 v10, v8  }
0x3c0: {  	v7 =	vadd.f32 v53, v7;
	v8 =	vmul.f32 v8, v8;
	v10 =	vmul.f32 v10, v10  }
0x3c1: {  	v19 =	vor.u32 v37, v19;
	v55 =	vmul.f32 v16, v15;
	v58 =	vmul.f32 v15, v15  }
0x3c2: {  	v40 =	vand.u32 $0xFFFFFF80, v39;
	v61 =	vmul.f32 v52, v50;
	v9 =	vmul.f32 v50, v50  }
0x3c3: {  	v7 =	vadd.f32 v59, v7;
	v44 =	vmul.f32 v52, v52;
	v51 =	vmul.f32 v14, v11  }
0x3c4: {  	v16 =	vadd.s32 v1, v25;
	v54 =	vmul.f32 v14, v14;
	v56 =	vmul.f32 v17, v15  }
0x3c5: {  	v25 =	vadd.s32 $0x7, v3;
	v60 =	vmul.f32 v17, v17;
	v63 =	vmul.f32 v57, v50  }
0x3c6: {  	v14 =	vadd.s32 v1, v23;
	v15 =	vand.u32 $0x7F, v24;
	v17 =	vand.u32 $0x7F, v30  }
0x3c7: {  	v23 =	vadd.s32 $0x6, v3;
	v47 =	vmul.f32 v57, v57;
	v26 =	vand.u32 $0xFFFFFF80, v25  }
0x3c8: {  	v18 =	vand.u32 $0x7F, v25;
	v21 =	vadd.f32 $0.0e+00, v49;
	v5 =	vadd.f32 v8, v5  }
0x3c9: {  	v8 =	vmul.f32 v13, v11;
	v6 =	vadd.f32 v10, v6;
	v11 =	vmul.f32 v11, v11  }
0x3ca: {  	v27 =	vor.u32 v15, v16;
	v15 =	vadd.s32 v1, v28;
	v16 =	vadd.s32 v1, v31  }
0x3cb: {  	v24 =	vand.u32 $0xFFFFFF80, v23;
	v42 =	vand.u32 $0x7F, v23;
	v7 =	vadd.f32 v44, v7  }
0x3cc: {  	v23 =	vadd.s32 $0x7, v2;
	v31 =	vadd.s32 $0x8, v2;
	v15 =	vor.u32 v29, v15  }
0x3cd: {  	v16 =	vor.u32 v17, v16;
	v17 =	vld.idx.msk [tilespmem:v35+s25+$0x0], $0xffff;
	v43 =	vadd.s32 v1, v24;
	v24 =	vand.u32 $0xFFFFFF80, v23  }
0x3ce: {  	v45 =	vld.idx.msk [tilespmem:v19+s28+$0x0], $0xffff;
	v19 =	vadd.s32 v1, v26;
	v32 =	vand.u32 $0xFFFFFF80, v31;
	v35 =	vadd.s32 $0x9, v4  }
0x3cf: {  	v26 =	vadd.s32 $0xA, v2;
	v8 =	vadd.f32 v8, v12;
	v10 =	vadd.f32 v51, v21  }
0x3d0: {  	v5 =	vadd.f32 v11, v5;
	v6 =	vadd.f32 v54, v6;
	v11 =	vand.u32 $0x7F, v62  }
0x3d1: {  	v21 =	vand.u32 $0x7F, v38;
	v46 =	vor.u32 v42, v43;
	v62 =	vadd.s32 $0x7, v4  }
0x3d2: {  	v28 =	vor.u32 v18, v19;
	v19 =	vadd.s32 v1, v32;
	v37 =	vand.u32 $0xFFFFFF80, v35  }
0x3d3: {  	v38 =	vand.u32 $0x7F, v35;
	v11 =	vor.u32 v11, v14;
	v20 =	vor.u32 v21, v20  }
0x3d4: {  	v21 =	vadd.s32 v1, v41;
	v8 =	vadd.f32 v55, v8;
	v10 =	vadd.f32 v56, v10  }
0x3d5: {  	v41 =	vadd.s32 $0x9, v3;
	v5 =	vadd.f32 v58, v5;
	v6 =	vadd.f32 v60, v6  }
0x3d6: {  	v21 =	vor.u32 v22, v21;
	v22 =	vand.u32 $0xFFFFFF80, v62;
	v25 =	vand.u32 $0xFFFFFF80, v41  }
0x3d7: {  	v42 =	vand.u32 $0x7F, v41;
	v14 =	vld.idx.msk [tilespmem:v27+s25+$0x0], $0xffff;
	v27 =	vadd.s32 $0x8, v4;
	v8 =	vadd.f32 v61, v8  }
0x3d8: {  	v43 =	vadd.s32 v1, v25;
	v10 =	vadd.f32 v63, v10;
	v5 =	vadd.f32 v9, v5  }
0x3d9: {  	v15 =	vld.idx.msk [tilespmem:v15+s28+$0x0], $0xffff;
	v6 =	vadd.f32 v47, v6;
	v58 =	vmul.f32 v17, v17;
	v60 =	vmul.f32 v45, v45  }
0x3da: {  	v16 =	vld.idx.msk [tilespmem:v16+s23+$0x0], $0xffff;
	v29 =	vand.u32 $0xFFFFFF80, v27;
	v30 =	vand.u32 $0x7F, v27;
	v27 =	vand.u32 $0xFFFFFF80, v26  }
0x3db: {  	v56 =	vld.idx.msk [tilespmem:v46+s28+$0x0], $0xffff;
	v18 =	vadd.s32 v1, v29;
	v46 =	vor.u32 v42, v43;
	v42 =	vadd.s32 $0xC, v2  }
0x3dc: {  	v51 =	vld.idx.msk [tilespmem:v20+s23+$0x0], $0xffff;
	v18 =	vor.u32 v30, v18;
	v20 =	vand.u32 $0x7F, v31;
	v30 =	vadd.s32 $0xB, v4  }
0x3dd: {  	v43 =	vand.u32 $0xFFFFFF80, v42;
	v53 =	vld.idx.msk [tilespmem:v21+s25+$0x0], $0xffff;
	v21 =	vand.u32 $0x7F, v33;
	v19 =	vor.u32 v20, v19  }
0x3de: {  	v32 =	vand.u32 $0xFFFFFF80, v30;
	v50 =	vmul.f32 v14, v14;
	v52 =	vmul.f32 v15, v15  }
0x3df: {  	v11 =	vld.idx.msk [tilespmem:v11+s23+$0x0], $0xffff;
	v33 =	vand.u32 $0x7F, v30;
	v54 =	vmul.f32 v17, v16;
	v55 =	vmul.f32 v45, v16  }
0x3e0: {  	v57 =	vmul.f32 v16, v16;
	v16 =	vadd.s32 v1, v22;
	v17 =	vand.u32 $0x7F, v23  }
0x3e1: {  	v22 =	vadd.s32 v1, v34;
	v23 =	vand.u32 $0x7F, v39;
	v34 =	vadd.s32 $0xB, v2  }
0x3e2: {  	v7 =	vadd.f32 v50, v7;
	v36 =	vor.u32 v21, v22;
	v21 =	vadd.s32 v1, v37  }
0x3e3: {  	v22 =	vadd.s32 v1, v40;
	v47 =	vmul.f32 v56, v56;
	v35 =	vand.u32 $0xFFFFFF80, v34  }
0x3e4: {  	v20 =	vand.u32 $0x7F, v34;
	v34 =	vadd.s32 $0xD, v3;
	v48 =	vmul.f32 v14, v11  }
0x3e5: {  	v49 =	vmul.f32 v15, v11;
	v11 =	vmul.f32 v11, v11;
	v6 =	vadd.f32 v52, v6  }
0x3e6: {  	v63 =	vmul.f32 v56, v51;
	v13 =	vmul.f32 v51, v51;
	v21 =	vor.u32 v38, v21  }
0x3e7: {  	v22 =	vor.u32 v23, v22;
	v38 =	vadd.s32 $0xC, v4;
	v23 =	vand.u32 $0x7F, v42  }
0x3e8: {  	v42 =	vadd.s32 $0xE, v3;
	v7 =	vadd.f32 v58, v7;
	v61 =	vmul.f32 v53, v51  }
0x3e9: {  	v44 =	vmul.f32 v53, v53;
	v40 =	vand.u32 $0xFFFFFF80, v38;
	v41 =	vand.u32 $0x7F, v38  }
0x3ea: {  	v18 =	vld.idx.msk [tilespmem:v18+s23+$0x0], $0xffff;
	v8 =	vadd.f32 v48, v8;
	v5 =	vadd.f32 v11, v5;
	v11 =	vand.u32 $0x7F, v62  }
0x3eb: {  	v10 =	vadd.f32 v49, v10;
	v6 =	vadd.f32 v60, v6;
	v11 =	vor.u32 v11, v16  }
0x3ec: {  	v56 =	vld.idx.msk [tilespmem:v46+s28+$0x0], $0xffff;
	v16 =	vadd.s32 v1, v24;
	v7 =	vadd.f32 v44, v7;
	v8 =	vadd.f32 v54, v8  }
0x3ed: {  	v45 =	vld.idx.msk [tilespmem:v19+s25+$0x0], $0xffff;
	v44 =	vadd.s32 $0xC, v3;
	v59 =	vadd.f32 v55, v10;
	v5 =	vadd.f32 v57, v5  }
0x3ee: {  	v16 =	vor.u32 v17, v16;
	v17 =	vld.idx.msk [tilespmem:v28+s28+$0x0], $0xffff;
	v6 =	vadd.f32 v47, v6;
	v28 =	vadd.s32 $0xA, v3  }
0x3ef: {  	v48 =	vld.idx.msk [tilespmem:v36+s28+$0x0], $0xffff;
	v36 =	vadd.s32 $0xB, v3;
	v46 =	vand.u32 $0x7F, v44;
	v58 =	vmul.f32 v18, v18  }
0x3f0: {  	v52 =	vld.idx.msk [tilespmem:v21+s23+$0x0], $0xffff;
	v29 =	vand.u32 $0xFFFFFF80, v28;
	v37 =	vand.u32 $0xFFFFFF80, v36;
	v21 =	vand.u32 $0x7F, v36  }
0x3f1: {  	v36 =	vadd.s32 $0xE, v4;
	v8 =	vadd.f32 v61, v8;
	v9 =	vadd.f32 v63, v59  }
0x3f2: {  	v5 =	vadd.f32 v13, v5;
	v55 =	vmul.f32 v45, v18;
	v59 =	vmul.f32 v45, v45  }
0x3f3: {  	v54 =	vld.idx.msk [tilespmem:v22+s25+$0x0], $0xffff;
	v61 =	vadd.s32 $0xA, v4;
	v19 =	vadd.s32 v1, v29;
	v22 =	vadd.s32 v1, v37  }
0x3f4: {  	v45 =	vand.u32 $0xFFFFFF80, v44;
	v13 =	vmul.f32 v56, v56;
	v38 =	vand.u32 $0xFFFFFF80, v36  }
0x3f5: {  	v44 =	vand.u32 $0x7F, v42;
	v25 =	vand.u32 $0xFFFFFF80, v61;
	v10 =	vand.u32 $0x7F, v61  }
0x3f6: {  	v39 =	vor.u32 v21, v22;
	v21 =	vadd.s32 v1, v40;
	v22 =	vadd.s32 v1, v43  }
0x3f7: {  	v47 =	vadd.s32 v1, v45;
	v40 =	vadd.s32 $0xE, v2;
	v43 =	vand.u32 $0xFFFFFF80, v42  }
0x3f8: {  	v42 =	vadd.s32 $0x12, v4;
	v14 =	vadd.s32 v1, v25;
	v21 =	vor.u32 v41, v21  }
0x3f9: {  	v22 =	vor.u32 v23, v22;
	v41 =	vand.u32 $0xFFFFFF80, v40;
	v45 =	vadd.s32 v1, v43  }
0x3fa: {  	v25 =	vadd.s32 $0xF, v3;
	v53 =	vmul.f32 v17, v17;
	v57 =	vmul.f32 v48, v18  }
0x3fb: {  	v60 =	vmul.f32 v48, v48;
	v10 =	vor.u32 v10, v14;
	v14 =	vadd.s32 v1, v27  }
0x3fc: {  	v18 =	vand.u32 $0x7F, v28;
	v28 =	vadd.s32 $0xD, v4;
	v27 =	vadd.s32 $0x10, v4  }
0x3fd: {  	v11 =	vld.idx.msk [tilespmem:v11+s23+$0x0], $0xffff;
	v62 =	vmul.f32 v54, v52;
	v63 =	vmul.f32 v56, v52;
	v31 =	vor.u32 v18, v19  }
0x3fe: {  	v16 =	vld.idx.msk [tilespmem:v16+s25+$0x0], $0xffff;
	v18 =	vadd.s32 v1, v32;
	v19 =	vadd.s32 v1, v35;
	v48 =	vmul.f32 v52, v52  }
0x3ff: {  	v32 =	vadd.s32 $0xD, v2;
	v35 =	vand.u32 $0xFFFFFF80, v34;
	v6 =	vadd.f32 v53, v6  }
0x400: {  	v18 =	vor.u32 v33, v18;
	v19 =	vor.u32 v20, v19;
	v33 =	vand.u32 $0xFFFFFF80, v32  }
0x401: {  	v20 =	vand.u32 $0x7F, v34;
	v34 =	vadd.s32 $0x11, v4;
	v52 =	vld.idx.msk [tilespmem:v39+s28+$0x0], $0xffff;
	v39 =	vand.u32 $0x7F, v36  }
0x402: {  	v36 =	vand.u32 $0xFFFFFF80, v34;
	v50 =	vmul.f32 v17, v11;
	v6 =	vadd.f32 v60, v6  }
0x403: {  	v17 =	vand.u32 $0x7F, v26;
	v26 =	vand.u32 $0xFFFFFF80, v25;
	v49 =	vmul.f32 v16, v11  }
0x404: {  	v11 =	vmul.f32 v11, v11;
	v51 =	vmul.f32 v16, v16;
	v14 =	vor.u32 v17, v14  }
0x405: {  	v9 =	vadd.f32 v50, v9;
	v50 =	vor.u32 v46, v47;
	v6 =	vadd.f32 v13, v6  }
0x406: {  	v17 =	vld.idx.msk [tilespmem:v31+s28+$0x0], $0xffff;
	v31 =	vand.u32 $0xFFFFFF80, v28;
	v47 =	vor.u32 v44, v45;
	v44 =	vand.u32 $0xFFFFFF80, v42  }
0x407: {  	v45 =	vand.u32 $0x7F, v42;
	v42 =	vadd.s32 $0x15, v4;
	v8 =	vadd.f32 v49, v8  }
0x408: {  	v10 =	vld.idx.msk [tilespmem:v10+s23+$0x0], $0xffff;
	v5 =	vadd.f32 v11, v5;
	v7 =	vadd.f32 v51, v7;
	v51 =	vmul.f32 v54, v54  }
0x409: {  	v49 =	vld.idx.msk [tilespmem:v19+s25+$0x0], $0xffff;
	v19 =	vand.u32 $0x7F, v32;
	v32 =	vadd.s32 $0x10, v3;
	v9 =	vadd.f32 v57, v9  }
0x40a: {  	v57 =	vld.idx.msk [tilespmem:v22+s25+$0x0], $0xffff;
	v22 =	vand.u32 $0x7F, v40;
	v40 =	vadd.s32 $0x11, v3;
	v8 =	vadd.f32 v55, v8  }
0x40b: {  	v5 =	vadd.f32 v58, v5;
	v7 =	vadd.f32 v59, v7;
	v55 =	vld.idx.msk [tilespmem:v21+s23+$0x0], $0xffff;
	v21 =	vadd.s32 v1, v35  }
0x40c: {  	v18 =	vld.idx.msk [tilespmem:v18+s23+$0x0], $0xffff;
	v9 =	vadd.f32 v63, v9;
	v63 =	vmul.f32 v52, v52;
	v37 =	vor.u32 v20, v21  }
0x40d: {  	v20 =	vadd.s32 v1, v38;
	v21 =	vadd.s32 v1, v41;
	v38 =	vadd.s32 $0x11, v2  }
0x40e: {  	v41 =	vand.u32 $0xFFFFFF80, v40;
	v8 =	vadd.f32 v62, v8;
	v5 =	vadd.f32 v48, v5  }
0x40f: {  	v54 =	vmul.f32 v17, v10;
	v7 =	vadd.f32 v51, v7;
	v58 =	vmul.f32 v17, v17  }
0x410: {  	v20 =	vor.u32 v39, v20;
	v21 =	vor.u32 v22, v21;
	v51 =	vadd.s32 $0xF, v2  }
0x411: {  	v14 =	vld.idx.msk [tilespmem:v14+s25+$0x0], $0xffff;
	v39 =	vand.u32 $0xFFFFFF80, v38;
	v59 =	vmul.f32 v49, v18;
	v61 =	vmul.f32 v52, v18  }
0x412: {  	v22 =	vadd.s32 v1, v41;
	v18 =	vmul.f32 v18, v18;
	v62 =	vmul.f32 v49, v49  }
0x413: {  	v49 =	vadd.s32 $0xF, v4;
	v52 =	vand.u32 $0xFFFFFF80, v51;
	v9 =	vadd.f32 v54, v9  }
0x414: {  	v60 =	vld.idx.msk [tilespmem:v50+s28+$0x0], $0xffff;
	v6 =	vadd.f32 v58, v6;
	v50 =	vand.u32 $0xFFFFFF80, v49;
	v13 =	vmul.f32 v57, v57  }
0x415: {  	v16 =	vand.u32 $0x7F, v49;
	v29 =	vmul.f32 v57, v55;
	v12 =	vmul.f32 v55, v55  }
0x416: {  	v54 =	vadd.s32 v1, v52;
	v53 =	vmul.f32 v14, v10;
	v10 =	vmul.f32 v10, v10  }
0x417: {  	v56 =	vmul.f32 v14, v14;
	v9 =	vadd.f32 v61, v9;
	v14 =	vand.u32 $0x7F, v28  }
0x418: {  	v6 =	vadd.f32 v63, v6;
	v48 =	vld.idx.msk [tilespmem:v37+s28+$0x0], $0xffff;
	v37 =	vand.u32 $0x7F, v34;
	v34 =	vadd.s32 $0x14, v4  }
0x419: {  	v30 =	vmul.f32 v60, v55;
	v17 =	vmul.f32 v60, v60;
	v8 =	vadd.f32 v53, v8  }
0x41a: {  	v20 =	vld.idx.msk [tilespmem:v20+s23+$0x0], $0xffff;
	v5 =	vadd.f32 v10, v5;
	v7 =	vadd.f32 v56, v7;
	v53 =	vand.u32 $0x7F, v51  }
0x41b: {  	v21 =	vld.idx.msk [tilespmem:v21+s25+$0x0], $0xffff;
	v9 =	vadd.f32 v30, v9;
	v6 =	vadd.f32 v17, v6;
	v30 =	vadd.s32 $0x10, v2  }
0x41c: {  	v11 =	vld.idx.msk [tilespmem:v47+s28+$0x0], $0xffff;
	v8 =	vadd.f32 v59, v8;
	v5 =	vadd.f32 v18, v5;
	v18 =	vadd.s32 v1, v31  }
0x41d: {  	v7 =	vadd.f32 v62, v7;
	v31 =	vand.u32 $0xFFFFFF80, v30;
	v17 =	vand.u32 $0x7F, v30  }
0x41e: {  	v30 =	vadd.s32 $0x13, v2;
	v14 =	vor.u32 v14, v18;
	v18 =	vadd.s32 v1, v33  }
0x41f: {  	v58 =	vmul.f32 v48, v48;
	v33 =	vand.u32 $0xFFFFFF80, v32;
	v18 =	vor.u32 v19, v18  }
0x420: {  	v8 =	vadd.f32 v29, v8;
	v5 =	vadd.f32 v12, v5;
	v59 =	vmul.f32 v21, v20  }
0x421: {  	v7 =	vadd.f32 v13, v7;
	v61 =	vmul.f32 v11, v20;
	v62 =	vmul.f32 v20, v20  }
0x422: {  	v24 =	vmul.f32 v21, v21;
	v11 =	vmul.f32 v11, v11;
	v12 =	vadd.s32 v1, v26  }
0x423: {  	v29 =	vand.u32 $0xFFFFFF80, v27;
	v13 =	vand.u32 $0x7F, v27;
	v19 =	vadd.s32 v1, v33  }
0x424: {  	v20 =	vand.u32 $0x7F, v38;
	v21 =	vand.u32 $0x7F, v40;
	v27 =	vadd.s32 $0x13, v4  }
0x425: {  	v38 =	vadd.s32 $0x14, v2;
	v40 =	vadd.s32 $0x14, v3;
	v6 =	vadd.f32 v58, v6  }
0x426: {  	v15 =	vadd.s32 v1, v29;
	v43 =	vor.u32 v21, v22;
	v21 =	vadd.s32 v1, v44;
	v14 =	vld.idx.msk [tilespmem:v14+s23+$0x0], $0xffff  }
0x427: {  	v29 =	vand.u32 $0xFFFFFF80, v27;
	v41 =	vand.u32 $0xFFFFFF80, v40;
	v44 =	vand.u32 $0xFFFFFF80, v42;
	v46 =	vld.idx.msk [tilespmem:v18+s25+$0x0], $0xffff  }
0x428: {  	v13 =	vor.u32 v13, v15;
	v15 =	vadd.s32 v1, v31;
	v21 =	vor.u32 v45, v21  }
0x429: {  	v31 =	vand.u32 $0xFFFFFF80, v30;
	v45 =	vand.u32 $0x7F, v42;
	v18 =	vadd.s32 v1, v50  }
0x42a: {  	v15 =	vor.u32 v17, v15;
	v16 =	vor.u32 v16, v18;
	v18 =	vor.u32 v53, v54  }
0x42b: {  	v6 =	vadd.f32 v11, v6;
	v56 =	vmul.f32 v48, v14;
	v57 =	vmul.f32 v14, v14  }
0x42c: {  	v48 =	vadd.s32 $0x12, v3;
	v55 =	vmul.f32 v46, v14;
	v10 =	vmul.f32 v46, v46  }
0x42d: {  	v46 =	vadd.s32 $0x12, v2;
	v49 =	vand.u32 $0xFFFFFF80, v48;
	v50 =	vand.u32 $0x7F, v48  }
0x42e: {  	v58 =	vld.idx.msk [tilespmem:v21+s23+$0x0], $0xffff;
	v48 =	vadd.s32 $0x15, v3;
	v9 =	vadd.f32 v56, v9;
	v5 =	vadd.f32 v57, v5  }
0x42f: {  	v63 =	vld.idx.msk [tilespmem:v18+s25+$0x0], $0xffff;
	v18 =	vand.u32 $0x7F, v32;
	v47 =	vand.u32 $0xFFFFFF80, v46;
	v23 =	vand.u32 $0x7F, v46  }
0x430: {  	v51 =	vadd.s32 v1, v49;
	v32 =	vadd.s32 $0x13, v3;
	v46 =	vadd.s32 $0x15, v2  }
0x431: {  	v13 =	vld.idx.msk [tilespmem:v13+s23+$0x0], $0xffff;
	v49 =	vand.u32 $0xFFFFFF80, v48;
	v8 =	vadd.f32 v55, v8;
	v7 =	vadd.f32 v10, v7  }
0x432: {  	v15 =	vld.idx.msk [tilespmem:v15+s25+$0x0], $0xffff;
	v10 =	vand.u32 $0x7F, v25;
	v35 =	vor.u32 v18, v19;
	v18 =	vadd.s32 v1, v36  }
0x433: {  	v19 =	vadd.s32 v1, v39;
	v22 =	vadd.s32 v1, v47;
	v14 =	vmul.f32 v58, v58  }
0x434: {  	v33 =	vand.u32 $0xFFFFFF80, v32;
	v36 =	vand.u32 $0xFFFFFF80, v34;
	v39 =	vand.u32 $0xFFFFFF80, v38  }
0x435: {  	v60 =	vld.idx.msk [tilespmem:v16+s23+$0x0], $0xffff;
	v47 =	vand.u32 $0xFFFFFF80, v46;
	v9 =	vadd.f32 v61, v9;
	v10 =	vor.u32 v10, v12  }
0x436: {  	v55 =	vld.idx.msk [tilespmem:v43+s28+$0x0], $0xffff;
	v5 =	vadd.f32 v62, v5;
	v18 =	vor.u32 v37, v18;
	v19 =	vor.u32 v20, v19  }
0x437: {  	v22 =	vor.u32 v23, v22;
	v23 =	vor.u32 v50, v51;
	v56 =	vmul.f32 v15, v13  }
0x438: {  	v61 =	vmul.f32 v15, v15;
	v15 =	vand.u32 $0x7F, v32;
	v16 =	vadd.s32 v1, v33  }
0x439: {  	v37 =	vand.u32 $0x7F, v34;
	v8 =	vadd.f32 v59, v8;
	v59 =	vmul.f32 v13, v13;
	v17 =	vld.idx.msk [tilespmem:v35+s28+$0x0], $0xffff  }
0x43a: {  	v50 =	vadd.s32 $0x16, v4;
	v28 =	vmul.f32 v63, v60;
	v53 =	vmul.f32 v60, v60;
	v10 =	vld.idx.msk [tilespmem:v10+s28+$0x0], $0xffff  }
0x43b: {  	v7 =	vadd.f32 v24, v7;
	v54 =	vmul.f32 v63, v63;
	v24 =	vmul.f32 v55, v55;
	v18 =	vld.idx.msk [tilespmem:v18+s23+$0x0], $0xffff  }
0x43c: {  	v35 =	vor.u32 v15, v16;
	v15 =	vadd.s32 v1, v36;
	v19 =	vld.idx.msk [tilespmem:v19+s25+$0x0], $0xffff;
	v8 =	vadd.f32 v28, v8  }
0x43d: {  	v16 =	vadd.s32 v1, v39;
	v5 =	vadd.f32 v53, v5;
	v7 =	vadd.f32 v54, v7  }
0x43e: {  	v63 =	vld.idx.msk [tilespmem:v23+s28+$0x0], $0xffff;
	v15 =	vor.u32 v37, v15;
	v53 =	vand.u32 $0x7F, v50;
	v54 =	vadd.s32 $0x16, v2  }
0x43f: {  	v8 =	vadd.f32 v56, v8;
	v5 =	vadd.f32 v59, v5;
	v57 =	vmul.f32 v17, v13  }
0x440: {  	v7 =	vadd.f32 v61, v7;
	v62 =	vmul.f32 v17, v17;
	v52 =	vmul.f32 v10, v60  }
0x441: {  	v56 =	vadd.s32 $0x16, v3;
	v10 =	vmul.f32 v10, v10;
	v20 =	vmul.f32 v19, v18  }
0x442: {  	v13 =	vadd.s32 v1, v29;
	v60 =	vld.idx.msk [tilespmem:v22+s25+$0x0], $0xffff;
	v21 =	vmul.f32 v55, v18;
	v22 =	vmul.f32 v18, v18  }
0x443: {  	v17 =	vand.u32 $0x7F, v38;
	v23 =	vmul.f32 v19, v19;
	v26 =	vmul.f32 v63, v58  }
0x444: {  	v28 =	vmul.f32 v63, v63;
	v18 =	vand.u32 $0x7F, v40;
	v19 =	vadd.s32 v1, v41  }
0x445: {  	v16 =	vor.u32 v17, v16;
	v55 =	vand.u32 $0xFFFFFF80, v54;
	v41 =	vadd.s32 $0x17, v4  }
0x446: {  	v43 =	vor.u32 v18, v19;
	v18 =	vadd.s32 v1, v44;
	v9 =	vadd.f32 v52, v9  }
0x447: {  	v19 =	vadd.s32 v1, v47;
	v6 =	vadd.f32 v10, v6;
	v8 =	vadd.f32 v20, v8  }
0x448: {  	v44 =	vadd.s32 $0x17, v2;
	v5 =	vadd.f32 v22, v5;
	v7 =	vadd.f32 v23, v7  }
0x449: {  	v10 =	vand.u32 $0x7F, v27;
	v18 =	vor.u32 v45, v18;
	v20 =	vand.u32 $0x7F, v46  }
0x44a: {  	v22 =	vadd.s32 v1, v49;
	v52 =	vand.u32 $0xFFFFFF80, v50;
	v23 =	vand.u32 $0x7F, v54  }
0x44b: {  	v45 =	vand.u32 $0xFFFFFF80, v44;
	v46 =	vadd.s32 $0x17, v3;
	v50 =	vadd.s32 $0x18, v4  }
0x44c: {  	v15 =	vld.idx.msk [tilespmem:v15+s23+$0x0], $0xffff;
	v54 =	vadd.s32 $0x18, v3;
	v10 =	vor.u32 v10, v13;
	v13 =	vadd.s32 v1, v31  }
0x44d: {  	v19 =	vor.u32 v20, v19;
	v49 =	vand.u32 $0x7F, v46;
	v9 =	vadd.f32 v57, v9  }
0x44e: {  	v6 =	vadd.f32 v62, v6;
	v5 =	vadd.f32 v14, v5;
	v14 =	vand.u32 $0x7F, v30  }
0x44f: {  	v57 =	vand.u32 $0xFFFFFF80, v56;
	v25 =	vmul.f32 v60, v58;
	v11 =	vmul.f32 v60, v60  }
0x450: {  	v13 =	vor.u32 v14, v13;
	v58 =	vand.u32 $0x7F, v56;
	v59 =	vadd.s32 v1, v57  }
0x451: {  	v29 =	vmul.f32 v15, v15;
	v56 =	vand.u32 $0xFFFFFF80, v54;
	v57 =	vand.u32 $0x7F, v54  }
0x452: {  	v14 =	vld.idx.msk [tilespmem:v35+s28+$0x0], $0xffff;
	v54 =	vadd.s32 $0x1B, v4;
	v9 =	vadd.f32 v21, v9;
	v6 =	vadd.f32 v24, v6  }
0x453: {  	v21 =	vand.u32 $0x7F, v48;
	v17 =	vld.idx.msk [tilespmem:v43+s28+$0x0], $0xffff;
	v43 =	vand.u32 $0xFFFFFF80, v41;
	v48 =	vand.u32 $0xFFFFFF80, v46  }
0x454: {  	v16 =	vld.idx.msk [tilespmem:v16+s25+$0x0], $0xffff;
	v8 =	vadd.f32 v25, v8;
	v51 =	vor.u32 v21, v22;
	v21 =	vadd.s32 v1, v52  }
0x455: {  	v22 =	vadd.s32 v1, v55;
	v7 =	vadd.f32 v11, v7;
	v11 =	vand.u32 $0x7F, v41  }
0x456: {  	v18 =	vld.idx.msk [tilespmem:v18+s23+$0x0], $0xffff;
	v52 =	vadd.s32 $0x18, v2;
	v9 =	vadd.f32 v26, v9;
	v21 =	vor.u32 v53, v21  }
0x457: {  	v10 =	vld.idx.msk [tilespmem:v10+s23+$0x0], $0xffff;
	v22 =	vor.u32 v23, v22;
	v23 =	vor.u32 v58, v59;
	v6 =	vadd.f32 v28, v6  }
0x458: {  	v19 =	vld.idx.msk [tilespmem:v19+s25+$0x0], $0xffff;
	v53 =	vand.u32 $0xFFFFFF80, v52;
	v58 =	vadd.s32 $0x19, v4;
	v63 =	vmul.f32 v14, v14  }
0x459: {  	v59 =	vand.u32 $0xFFFFFF80, v58;
	v13 =	vld.idx.msk [tilespmem:v13+s25+$0x0], $0xffff;
	v25 =	vmul.f32 v16, v15;
	v30 =	vmul.f32 v16, v16  }
0x45a: {  	v16 =	vand.u32 $0x7F, v50;
	v27 =	vmul.f32 v17, v15;
	v32 =	vmul.f32 v17, v17  }
0x45b: {  	v15 =	vadd.s32 v1, v45;
	v17 =	vand.u32 $0x7F, v52;
	v24 =	vld.idx.msk [tilespmem:v51+s28+$0x0], $0xffff;
	v6 =	vadd.f32 v63, v6  }
0x45c: {  	v35 =	vmul.f32 v18, v18;
	v51 =	vand.u32 $0xFFFFFF80, v50;
	v61 =	vmul.f32 v14, v10;
	v26 =	vld.idx.msk [tilespmem:v21+s23+$0x0], $0xffff  }
0x45d: {  	v28 =	vld.idx.msk [tilespmem:v22+s25+$0x0], $0xffff;
	v33 =	vmul.f32 v19, v18;
	v36 =	vmul.f32 v19, v19;
	v19 =	vand.u32 $0x7F, v58  }
0x45e: {  	v31 =	vld.idx.msk [tilespmem:v23+s28+$0x0], $0xffff;
	v58 =	vadd.s32 $0x1B, v3;
	v60 =	vmul.f32 v13, v10;
	v10 =	vmul.f32 v10, v10  }
0x45f: {  	v6 =	vadd.f32 v32, v6;
	v62 =	vmul.f32 v13, v13;
	v9 =	vadd.f32 v61, v9  }
0x460: {  	v13 =	vadd.s32 v1, v43;
	v8 =	vadd.f32 v60, v8;
	v5 =	vadd.f32 v10, v5  }
0x461: {  	v11 =	vor.u32 v11, v13;
	v7 =	vadd.f32 v62, v7;
	v9 =	vadd.f32 v27, v9  }
0x462: {  	v34 =	vmul.f32 v24, v18;
	v14 =	vmul.f32 v24, v24;
	v18 =	vadd.s32 v1, v53  }
0x463: {  	v60 =	vadd.s32 $0x19, v2;
	v37 =	vmul.f32 v28, v26;
	v38 =	vmul.f32 v31, v26  }
0x464: {  	v62 =	vadd.s32 $0x19, v3;
	v39 =	vmul.f32 v26, v26;
	v40 =	vmul.f32 v28, v28  }
0x465: {  	v42 =	vmul.f32 v31, v31;
	v55 =	vor.u32 v17, v18;
	v17 =	vadd.s32 v1, v56  }
0x466: {  	v18 =	vadd.s32 v1, v59;
	v61 =	vand.u32 $0xFFFFFF80, v60;
	v20 =	vand.u32 $0x7F, v60  }
0x467: {  	v27 =	vand.u32 $0xFFFFFF80, v62;
	v28 =	vand.u32 $0x7F, v62;
	v31 =	vadd.s32 $0x1A, v2  }
0x468: {  	v56 =	vadd.s32 $0x1B, v2;
	v59 =	vand.u32 $0xFFFFFF80, v58;
	v60 =	vadd.s32 $0x1C, v4  }
0x469: {  	v62 =	vadd.s32 $0x1C, v2;
	v8 =	vadd.f32 v25, v8;
	v5 =	vadd.f32 v29, v5  }
0x46a: {  	v26 =	vadd.s32 $0x1D, v4;
	v7 =	vadd.f32 v30, v7;
	v9 =	vadd.f32 v34, v9  }
0x46b: {  	v6 =	vadd.f32 v14, v6;
	v14 =	vand.u32 $0x7F, v44;
	v17 =	vor.u32 v57, v17  }
0x46c: {  	v21 =	vadd.s32 v1, v61;
	v18 =	vor.u32 v19, v18;
	v29 =	vadd.s32 $0x1A, v4  }
0x46d: {  	v32 =	vand.u32 $0xFFFFFF80, v31;
	v23 =	vand.u32 $0x7F, v31;
	v57 =	vand.u32 $0xFFFFFF80, v56  }
0x46e: {  	v61 =	vand.u32 $0xFFFFFF80, v60;
	v47 =	vor.u32 v14, v15;
	v14 =	vadd.s32 v1, v48  }
0x46f: {  	v15 =	vadd.s32 v1, v51;
	v63 =	vor.u32 v20, v21;
	v20 =	vadd.s32 v1, v27  }
0x470: {  	v30 =	vand.u32 $0xFFFFFF80, v29;
	v22 =	vand.u32 $0x7F, v29;
	v24 =	vadd.s32 v1, v32  }
0x471: {  	v27 =	vand.u32 $0xFFFFFF80, v26;
	v8 =	vadd.f32 v33, v8;
	v5 =	vadd.f32 v35, v5  }
0x472: {  	v32 =	vadd.s32 $0x1D, v3;
	v7 =	vadd.f32 v36, v7;
	v9 =	vadd.f32 v38, v9  }
0x473: {  	v14 =	vor.u32 v49, v14;
	v15 =	vor.u32 v16, v15;
	v11 =	vld.idx.msk [tilespmem:v11+s23+$0x0], $0xffff;
	v20 =	vor.u32 v28, v20  }
0x474: {  	v21 =	vadd.s32 v1, v30;
	v33 =	vadd.s32 $0x1A, v3;
	v34 =	vor.u32 v23, v24;
	v16 =	vld.idx.msk [tilespmem:v55+s25+$0x0], $0xffff  }
0x475: {  	v6 =	vadd.f32 v42, v6;
	v24 =	vadd.s32 $0x1C, v3;
	v19 =	vadd.s32 v1, v27;
	v17 =	vld.idx.msk [tilespmem:v17+s28+$0x0], $0xffff  }
0x476: {  	v28 =	vadd.s32 $0x1D, v2;
	v21 =	vor.u32 v22, v21;
	v35 =	vand.u32 $0xFFFFFF80, v33;
	v18 =	vld.idx.msk [tilespmem:v18+s23+$0x0], $0xffff  }
0x477: {  	v25 =	vand.u32 $0x7F, v33;
	v22 =	vand.u32 $0xFFFFFF80, v62;
	v30 =	vand.u32 $0xFFFFFF80, v28;
	v13 =	vld.idx.msk [tilespmem:v47+s25+$0x0], $0xffff  }
0x478: {  	v31 =	vand.u32 $0x7F, v28;
	v33 =	vand.u32 $0xFFFFFF80, v32;
	v5 =	vadd.f32 v39, v5;
	v39 =	vld.idx.msk [tilespmem:v63+s25+$0x0], $0xffff  }
0x479: {  	v8 =	vadd.f32 v37, v8;
	v23 =	vadd.s32 v1, v35;
	v7 =	vadd.f32 v40, v7;
	v14 =	vld.idx.msk [tilespmem:v14+s28+$0x0], $0xffff  }
0x47a: {  	v55 =	vand.u32 $0xFFFFFF80, v54;
	v37 =	vor.u32 v25, v23;
	v15 =	vld.idx.msk [tilespmem:v15+s23+$0x0], $0xffff;
	v45 =	vmul.f32 v16, v16  }
0x47b: {  	v23 =	vand.u32 $0x7F, v62;
	v46 =	vmul.f32 v17, v17;
	v49 =	vmul.f32 v18, v18  }
0x47c: {  	v25 =	vand.u32 $0xFFFFFF80, v24;
	v40 =	vld.idx.msk [tilespmem:v20+s28+$0x0], $0xffff;
	v36 =	vmul.f32 v13, v11;
	v13 =	vmul.f32 v13, v13  }
0x47d: {  	v44 =	vld.idx.msk [tilespmem:v34+s25+$0x0], $0xffff;
	v34 =	vadd.s32 $0x1E, v4;
	v47 =	vmul.f32 v39, v18;
	v12 =	vmul.f32 v39, v39  }
0x47e: {  	v20 =	vand.u32 $0x7F, v32;
	v38 =	vmul.f32 v14, v11;
	v11 =	vmul.f32 v11, v11  }
0x47f: {  	v4 =	vadd.s32 $0x1F, v4;
	v21 =	vld.idx.msk [tilespmem:v21+s23+$0x0], $0xffff;
	v14 =	vmul.f32 v14, v14;
	v41 =	vmul.f32 v16, v15  }
0x480: {  	v35 =	vand.u32 $0xFFFFFF80, v34;
	v42 =	vmul.f32 v17, v15;
	v43 =	vmul.f32 v15, v15  }
0x481: {  	v48 =	vmul.f32 v40, v18;
	v50 =	vmul.f32 v40, v40;
	v15 =	vand.u32 $0x7F, v60  }
0x482: {  	v16 =	vadd.s32 v1, v61;
	v17 =	vand.u32 $0x7F, v24;
	v18 =	vand.u32 $0x7F, v26  }
0x483: {  	v40 =	vadd.s32 $0x1E, v3;
	v3 =	vadd.s32 $0x1F, v3;
	v8 =	vadd.f32 v36, v8  }
0x484: {  	v7 =	vadd.f32 v13, v7;
	v51 =	vmul.f32 v44, v21;
	v53 =	vmul.f32 v21, v21  }
0x485: {  	v13 =	vand.u32 $0x7F, v56;
	v63 =	vor.u32 v15, v16;
	v15 =	vadd.s32 v1, v22  }
0x486: {  	v16 =	vadd.s32 v1, v25;
	v29 =	vor.u32 v18, v19;
	v18 =	vadd.s32 v1, v30  }
0x487: {  	v19 =	vadd.s32 v1, v33;
	v22 =	vadd.s32 v1, v35;
	v36 =	vadd.s32 $0x1E, v2  }
0x488: {  	v10 =	vld.idx.msk [tilespmem:v37+s28+$0x0], $0xffff;
	v2 =	vadd.s32 $0x1F, v2;
	v9 =	vadd.f32 v38, v9;
	v5 =	vadd.f32 v11, v5  }
0x489: {  	v6 =	vadd.f32 v14, v6;
	v14 =	vmul.f32 v44, v44;
	v11 =	vadd.s32 v1, v55  }
0x48a: {  	v15 =	vor.u32 v23, v15;
	v16 =	vor.u32 v17, v16;
	v18 =	vor.u32 v31, v18  }
0x48b: {  	v19 =	vor.u32 v20, v19;
	v38 =	vand.u32 $0xFFFFFF80, v36;
	v39 =	vand.u32 $0x7F, v36  }
0x48c: {  	v23 =	vand.u32 $0x7F, v40;
	v8 =	vadd.f32 v41, v8;
	v7 =	vadd.f32 v45, v7  }
0x48d: {  	v52 =	vmul.f32 v10, v21;
	v10 =	vmul.f32 v10, v10;
	v21 =	vand.u32 $0x7F, v34  }
0x48e: {  	v41 =	vand.u32 $0xFFFFFF80, v40;
	v45 =	vand.u32 $0xFFFFFF80, v3;
	v9 =	vadd.f32 v42, v9  }
0x48f: {  	v3 =	vand.u32 $0x7F, v3;
	v5 =	vadd.f32 v43, v5;
	v7 =	vadd.f32 v12, v7  }
0x490: {  	v6 =	vadd.f32 v46, v6;
	v37 =	vor.u32 v21, v22;
	v12 =	vand.u32 $0x7F, v54  }
0x491: {  	v11 =	vor.u32 v12, v11;
	v12 =	vadd.s32 v1, v57;
	v17 =	vld.idx.msk [tilespmem:v29+s23+$0x0], $0xffff;
	v7 =	vadd.f32 v14, v7  }
0x492: {  	v12 =	vor.u32 v13, v12;
	v14 =	vand.u32 $0x7F, v58;
	v13 =	vadd.s32 v1, v59;
	v15 =	vld.idx.msk [tilespmem:v15+s25+$0x0], $0xffff  }
0x493: {  	v21 =	vadd.s32 v1, v38;
	v22 =	vadd.s32 v1, v41;
	v18 =	vld.idx.msk [tilespmem:v18+s25+$0x0], $0xffff;
	v13 =	vor.u32 v14, v13  }
0x494: {  	v42 =	vand.u32 $0xFFFFFF80, v4;
	v4 =	vand.u32 $0x7F, v4;
	v43 =	vand.u32 $0xFFFFFF80, v2;
	v19 =	vld.idx.msk [tilespmem:v19+s28+$0x0], $0xffff  }
0x495: {  	v2 =	vand.u32 $0x7F, v2;
	v8 =	vadd.f32 v47, v8;
	v21 =	vor.u32 v39, v21;
	v14 =	vld.idx.msk [tilespmem:v63+s23+$0x0], $0xffff  }
0x496: {  	v24 =	vadd.s32 v1, v42;
	v22 =	vor.u32 v23, v22;
	v9 =	vadd.f32 v48, v9;
	v11 =	vld.idx.msk [tilespmem:v11+s23+$0x0], $0xffff  }
0x497: {  	v23 =	vadd.s32 v1, v43;
	v5 =	vadd.f32 v49, v5;
	v6 =	vadd.f32 v50, v6;
	v12 =	vld.idx.msk [tilespmem:v12+s25+$0x0], $0xffff  }
0x498: {  	v4 =	vor.u32 v4, v24;
	v2 =	vor.u32 v2, v23;
	v8 =	vadd.f32 v51, v8;
	v13 =	vld.idx.msk [tilespmem:v13+s28+$0x0], $0xffff  }
0x499: {  	v5 =	vadd.f32 v53, v5;
	v55 =	vmul.f32 v17, v17;
	v53 =	vmul.f32 v18, v17  }
0x49a: {  	v16 =	vld.idx.msk [tilespmem:v16+s28+$0x0], $0xffff;
	v1 =	vadd.s32 v1, v45;
	v54 =	vmul.f32 v19, v17;
	v58 =	vmul.f32 v18, v18  }
0x49b: {  	v9 =	vadd.f32 v52, v9;
	v61 =	vmul.f32 v19, v19;
	v50 =	vmul.f32 v15, v14  }
0x49c: {  	v1 =	vor.u32 v3, v1;
	v47 =	vld.idx.msk [tilespmem:v37+s23+$0x0], $0xffff;
	v3 =	vmul.f32 v11, v11;
	v44 =	vmul.f32 v12, v11  }
0x49d: {  	v6 =	vadd.f32 v10, v6;
	v49 =	vld.idx.msk [tilespmem:v21+s25+$0x0], $0xffff;
	v48 =	vmul.f32 v12, v12;
	v46 =	vmul.f32 v13, v11  }
0x49e: {  	v51 =	vld.idx.msk [tilespmem:v22+s28+$0x0], $0xffff;
	v3 =	vadd.f32 v3, v5;
	v5 =	vmul.f32 v13, v13;
	v8 =	vadd.f32 v44, v8  }
0x49f: {  	v4 =	vld.idx.msk [tilespmem:v4+s23+$0x0], $0xffff;
	v52 =	vmul.f32 v16, v14;
	v7 =	vadd.f32 v48, v7;
	v9 =	vadd.f32 v46, v9  }
0x4a0: {  	v2 =	vld.idx.msk [tilespmem:v2+s25+$0x0], $0xffff;
	v5 =	vadd.f32 v5, v6;
	v6 =	vadd.f32 v50, v8;
	v8 =	vmul.f32 v15, v15  }
0x4a1: {  	v14 =	vmul.f32 v14, v14;
	v1 =	vld.idx.msk [tilespmem:v1+s28+$0x0], $0xffff;
	v10 =	vmul.f32 v47, v47  }
0x4a2: {  	v9 =	vadd.f32 v52, v9;
	v7 =	vadd.f32 v8, v7;
	v8 =	vmul.f32 v16, v16  }
0x4a3: {  	v56 =	vmul.f32 v49, v47;
	v3 =	vadd.f32 v14, v3;
	v6 =	vadd.f32 v53, v6  }
0x4a4: {  	v57 =	vmul.f32 v51, v47;
	v5 =	vadd.f32 v8, v5;
	v8 =	vadd.f32 v54, v9  }
0x4a5: {  	v62 =	vmul.f32 v49, v49;
	v59 =	vmul.f32 v2, v4;
	v6 =	vadd.f32 v56, v6  }
0x4a6: {  	v60 =	vmul.f32 v1, v4;
	v3 =	vadd.f32 v55, v3;
	v8 =	vadd.f32 v57, v8  }
0x4a7: {  	p0 =	sne.s32 s19, $0x70;
	v63 =	vmul.f32 v51, v51;
	v7 =	vadd.f32 v58, v7;
	v6 =	vadd.f32 v59, v6  }
.Ltmp4:
0x4a8: {  	v2 =	vmul.f32 v2, v2;
	v5 =	vadd.f32 v61, v5;
	v8 =	vadd.f32 v60, v8;
	(pc) =	sbr.rel @p0 .LBB2_10-.Ltmp4, $4  }
0x4a9: {  	v4 =	vmul.f32 v4, v4;
	v3 =	vadd.f32 v10, v3;
	v7 =	vadd.f32 v62, v7  }
0x4aa: {  	v1 =	vmul.f32 v1, v1;
	v6 =	vsub.f32 v6, v8;
	v8 =	vadd.f32 v63, v5  }
0x4ab: {  	s22 =	sadd.s32 $0x10, s22;
	s24 =	sadd.s32 $0x10, s24;
	v7 =	vadd.f32 v2, v7  }
0x4ac: {  	s19 =	sadd.s32 $0x10, s19;
	s26 =	sadd.s32 $0x10, s26;
	v5 =	vadd.f32 v4, v3;
	[tilespmem:s29+$0x0] =	vst v6;
	v6 =	vadd.f32 v1, v8;
	s29 =	sadd.s32 $0x10, s29  }
0x4ad: {  	[tilespmem:$0x19410] =	vst v7  }
0x4ae: {  	[tilespmem:$0x19400] =	vst v5  }
0x4af: {  	[tilespmem:$0x19420] =	vst v6  }
0x4b0: {  	[hbm4b:s8+s2] =	stream.linear.scatter [tilespmem:s13], [sflag:$0x2], $0x200, $0x38;
	[tilespmem:$0x19480] =	vst v63  }
0x4b1: {  	s17 =	sadd.s32 $0x1, s17;
	_ =	swait.ge [sflag:s11], $0x200  }
0x4b2: {  	p0 =	sne.s32 s17, s10;
	[sflag:s11] =	ssyncset.done $0x0  }
.Ltmp5:
0x4b3: {  	[sflag:s11] =	ssyncadd.s32 $0xFFFFFE00;
	(pc) =	sbr.rel @p0 .LBB2_1-.Ltmp5, $4  }
0x4b4: {  	[hbm4b:s9+s2] =	stream.linear.scatter [tilespmem:s15], [sflag:$0x2], $0x30, $0x38;
	[tilespmem:$0x19480] =	vst v63  }
0x4b5: {  	_ =	swait.ge [sflag:s11], $0x30  }
0x4b6: {  	[sflag:s11] =	ssyncset.done $0x0  }
0x4b7: {  	[sflag:s11] =	ssyncadd.s32 $0xFFFFFFD0  }
0x4b8: {  	_ =	sfence.sel $0x180000  }
0x4b9: {  	[bflag:$0x0] =	sbarrier.arrive $0xFFFF  }
0x4ba: {  	_ =	strace $0x90000047  }
0x4bb: {  	s0 =	stileid.u32;
	[bflag:$0x2] =	sbarrier.arrive $0xFFFF  }
0x4bc: {  	p0 =	sne.s32 s0, $0x0;
	s0 =	rddreg [dreg:$0x4]  }
0x4bd: {  	s0 =	sadd.s32 @!p0 $0x100000, s0  }
0x4be: {  	[sflag:s0] =	ssyncadd.tile.s32 @!p0 $0x1;
	_ =	shalt  }
.Lfunc_end2:
_tile_overlayer_lowered:
.L_overlay_start_2:
0x4bf: {  	(tag) =	ssettag $0x2  }
0x4c0: {  	s0 =	rddreg [dreg:$0x0];
	s2 =	stileid.u32  }
0x4c1: {  	s1 =	rddreg [dreg:$0x1];
	p0 =	sne.s32 s2, $0x0  }
0x4c2: {  	s3 =	rddreg [dreg:$0x2];
	[bflag:$0x3] =	sbarrier.arrive $0xFFFF;
	s2 =	simm.s32 @!p0 $0x1C02  }
0x4c3: {  	[timem:s3], [sflag:s2] =	dma.local @!p0 [hbm:s0], s1  }
0x4c4: {  	s0 =	simm.s32 @!p0 $0x2  }
0x4c5: {  	_ =	swait.ge @!p0 [sflag:s0], s1  }
0x4c6: {  	s1 =	ssub.s32 @!p0 $0x0, s1;
	[sflag:s0] =	ssyncset.done @!p0 $0x0  }
0x4c7: {  	[sflag:s0] =	ssyncadd.s32 @!p0 s1  }
0x4c8: {  	[bflag:$0x3] =	sbarrier.arrive $0xFFFF  }
0x4c9: {  	_ =	shalt  }

</sc_bundles>
